<compile_context>
chip_gen: v7x
topology: tpu7x:2x2x1
jax: 0.10.2.dev20260603
libtpu: 0.0.44.dev20260713+nightly
codegen_flags: <defaults>
</compile_context>

<pallas_src>
import functools

import jax
import jax.numpy as jnp
from jax import lax
from jax.experimental import pallas as pl
from jax.experimental.pallas import tpu as pltpu
from jax.experimental.pallas import tpu_sc as plsc

_B, _N, _F, _C, _K = 2, 4096, 128, 32, 16
_PW = 16
_TW = 128

_TN1 = 128
_NB1 = _N // _TN1
_TN2 = 512
_NB2 = _N // _TN2

_TOTB = _K * _N
_NWORK = 32
_CHUNK = 128
_PERW = _TOTB // _NWORK
_NCH = _PERW // _CHUNK


def _proj_topk_body(feat_ref, posb_ref, post_ref, wenc_ref, benc_ref,
                    wkvq_ref, bkvq_ref, q_ref, tab_ref, idx_ref):
    feat = feat_ref[0]
    posb = posb_ref[0]
    post = post_ref[0]

    enc = jnp.dot(feat, wenc_ref[...], preferred_element_type=jnp.float32) + benc_ref[...]
    kvq = jnp.dot(enc, wkvq_ref[...], preferred_element_type=jnp.float32) + bkvq_ref[...]
    q_ref[0] = kvq[:, 2 * _C:]
    tab_ref[0] = jnp.concatenate(
        [kvq[:, :2 * _C], posb, jnp.zeros((_TN1, _TW - 2 * _C - 8), jnp.float32)], axis=1)

    sq_all = jnp.sum(post * post, axis=0, keepdims=True)
    sq_blk = jnp.sum(posb * posb, axis=1, keepdims=True)
    dot = jax.lax.dot_general(posb, post, (((1,), (0,)), ((), ())),
                              preferred_element_type=jnp.float32)
    d = sq_blk + sq_all - 2.0 * dot

    NG = 256
    GK = _N // NG
    inf = jnp.float32(jnp.inf)
    maskk = jnp.int32(-16)

    bias = jnp.int32(1 << 23)

    def pack(v, k):
        vi = lax.bitcast_convert_type(jnp.maximum(v, 0.0), jnp.int32)
        return lax.bitcast_convert_type(((vi & maskk) + bias) | k, jnp.float32)

    a1 = pack(d[:, 0:NG], 0)
    a2 = jnp.full((_TN1, NG), inf)
    a3 = jnp.full((_TN1, NG), inf)
    for k in range(1, GK):
        v = pack(d[:, k * NG:(k + 1) * NG], k)
        t1 = jnp.maximum(a1, v)
        a1 = jnp.minimum(a1, v)
        t2 = jnp.maximum(a2, t1)
        a2 = jnp.minimum(a2, t1)
        a3 = jnp.minimum(a3, t2)

    iota_f = lax.broadcasted_iota(jnp.int32, (_TN1, NG), 1).astype(jnp.float32)
    bigf = jnp.float32(1e9)
    for k in range(_K):
        m = jnp.min(a1, axis=1, keepdims=True)
        cand = jnp.where(a1 == m, iota_f, bigf)
        amc = jnp.min(cand, axis=1, keepdims=True)
        mi = lax.bitcast_convert_type(m, jnp.int32) & 15
        idx_ref[0, k, :] = (mi * NG + amc.astype(jnp.int32))[:, 0]
        hit = iota_f == amc
        a1 = jnp.where(hit, a2, a1)
        a2 = jnp.where(hit, a3, a2)
        a3 = jnp.where(hit, inf, a3)


def _proj_topk(b, feat, posb, post, wenc, benc, wkvq, bkvq):
    return pl.pallas_call(
        _proj_topk_body,
        grid=(_NB1,),
        in_specs=[
            pl.BlockSpec((1, _TN1, _F), lambda i: (b, i, 0)),
            pl.BlockSpec((1, _TN1, 8), lambda i: (b, i, 0)),
            pl.BlockSpec((1, 8, _N), lambda i: (b, 0, 0)),
            pl.BlockSpec((_F, _C), lambda i: (0, 0)),
            pl.BlockSpec((1, _C), lambda i: (0, 0)),
            pl.BlockSpec((_C, 3 * _C), lambda i: (0, 0)),
            pl.BlockSpec((1, 3 * _C), lambda i: (0, 0)),
        ],
        out_specs=[
            pl.BlockSpec((1, _TN1, _C), lambda i: (0, i, 0)),
            pl.BlockSpec((1, _TN1, _TW), lambda i: (0, i, 0)),
            pl.BlockSpec((1, _K, _TN1), lambda i: (0, 0, i)),
        ],
        out_shape=[
            jax.ShapeDtypeStruct((1, _N, _C), jnp.float32),
            jax.ShapeDtypeStruct((1, _N, _TW), jnp.float32),
            jax.ShapeDtypeStruct((1, _K, _N), jnp.int32),
        ],
    )(feat, posb, post, wenc, benc, wkvq, bkvq)


def _sc_gather_body(tab_hbm, idx_hbm, out_hbm, idx_v, rows_v,
                    gsem0, gsem1, osem0, osem1):
    wid = lax.axis_index("s") * 2 + lax.axis_index("c")
    base = wid * _PERW
    gsem = (gsem0, gsem1)
    osem = (osem0, osem1)
    pltpu.sync_copy(idx_hbm.at[pl.ds(base, _PERW)], idx_v)

    def body(g, carry):
        @pl.when(g > 0)
        def _():
            for t in range(2):
                pltpu.make_async_copy(
                    rows_v.at[t], out_hbm.at[pl.ds(base, _CHUNK)],
                    osem[t]).wait()
        cps = []
        for t in range(2):
            c = g * 2 + t
            cps.append(pltpu.async_copy(
                tab_hbm.at[idx_v.at[pl.ds(c * _CHUNK, _CHUNK)]],
                rows_v.at[t], gsem[t]))
        for t in range(2):
            c = g * 2 + t
            cps[t].wait()
            pltpu.async_copy(
                rows_v.at[t], out_hbm.at[pl.ds(base + c * _CHUNK, _CHUNK)],
                osem[t])
        return carry

    lax.fori_loop(0, _NCH // 2, body, 0)
    for t in range(2):
        pltpu.make_async_copy(
            rows_v.at[t], out_hbm.at[pl.ds(base, _CHUNK)], osem[t]).wait()


def _sc_gather(tabf, idxf):
    mesh = plsc.VectorSubcoreMesh(core_axis_name="c", subcore_axis_name="s")
    fn = functools.partial(
        pl.kernel,
        mesh=mesh,
        out_type=jax.ShapeDtypeStruct((_TOTB, _TW), jnp.float32),
        scratch_types=[
            pltpu.VMEM((_PERW,), jnp.int32),
            pltpu.VMEM((2, _CHUNK, _TW), jnp.float32),
            pltpu.SemaphoreType.DMA,
            pltpu.SemaphoreType.DMA,
            pltpu.SemaphoreType.DMA,
            pltpu.SemaphoreType.DMA,
        ],
    )(_sc_gather_body)
    return fn(tabf, idxf)


def _attn_body(g_ref, feat_ref, q_ref, posb_ref,
               wp1_ref, bp1_ref, wp2_ref, bp2_ref,
               wg1_ref, bg1_ref, wg2_ref, bg2_ref,
               wdec_ref, bdec_ref, out_ref):
    g = g_ref[...]
    kt = _K * _TN2
    kn = g[:, :, :_C].reshape(kt, _C)
    vn = g[:, :, _C:2 * _C]
    pn = g[:, :, 2 * _C:2 * _C + _PW].reshape(kt, _PW)

    posb = posb_ref[0]
    pos16 = jnp.concatenate(
        [posb, jnp.zeros((_TN2, _PW - 8), jnp.float32)], axis=1)
    rel = jnp.broadcast_to(pos16[None], (_K, _TN2, _PW)).reshape(kt, _PW) - pn

    h = jnp.maximum(
        jnp.dot(rel, wp1_ref[...], preferred_element_type=jnp.float32) + bp1_ref[...], 0.0)
    delta = jnp.dot(h, wp2_ref[...], preferred_element_type=jnp.float32) + bp2_ref[...]

    qb = q_ref[0]
    qq = jnp.broadcast_to(qb[None], (_K, _TN2, _C)).reshape(kt, _C)
    x = qq - kn + delta
    hg = jnp.maximum(
        jnp.dot(x, wg1_ref[...], preferred_element_type=jnp.float32) + bg1_ref[...], 0.0)
    gam = jnp.dot(hg, wg2_ref[...], preferred_element_type=jnp.float32) + bg2_ref[...]

    gam3 = gam.reshape(_K, _TN2, _C)
    del3 = delta.reshape(_K, _TN2, _C)
    m = gam3[0]
    for k in range(1, _K):
        m = jnp.maximum(m, gam3[k])
    s = jnp.zeros((_TN2, _C), jnp.float32)
    acc = jnp.zeros((_TN2, _C), jnp.float32)
    for k in range(_K):
        e = jnp.exp(gam3[k] - m)
        s = s + e
        acc = acc + e * (vn[k] + del3[k])
    agg = acc / s

    out_ref[0] = feat_ref[0] + (
        jnp.dot(agg, wdec_ref[...], preferred_element_type=jnp.float32) + bdec_ref[...])


def _attn(b, g3, feat, q, posb, wp1p, bp1, wp2, bp2, wg1, bg1, wg2, bg2,
          wdec, bdec):
    wspec = pl.BlockSpec((_C, _C), lambda i: (0, 0))
    bspec = pl.BlockSpec((1, _C), lambda i: (0, 0))
    return pl.pallas_call(
        _attn_body,
        grid=(_NB2,),
        in_specs=[
            pl.BlockSpec((_K, _TN2, _TW), lambda i: (0, i, 0)),
            pl.BlockSpec((1, _TN2, _F), lambda i: (b, i, 0)),
            pl.BlockSpec((1, _TN2, _C), lambda i: (0, i, 0)),
            pl.BlockSpec((1, _TN2, 8), lambda i: (b, i, 0)),
            pl.BlockSpec((_PW, _C), lambda i: (0, 0)),
            bspec, wspec, bspec, wspec, bspec, wspec, bspec,
            pl.BlockSpec((_C, _F), lambda i: (0, 0)),
            pl.BlockSpec((1, _F), lambda i: (0, 0)),
        ],
        out_specs=pl.BlockSpec((1, _TN2, _F), lambda i: (0, i, 0)),
        out_shape=jax.ShapeDtypeStruct((1, _N, _F), jnp.float32),
    )(g3, feat, q, posb, wp1p, bp1, wp2, bp2, wg1, bg1, wg2, bg2, wdec, bdec)


def kernel(features, positions, batch, W_enc, b_enc, W_q, b_q, W_k, b_k,
           W_v, b_v, W_p1, b_p1, W_p2, b_p2, W_g1, b_g1, W_g2, b_g2,
           W_dec, b_dec):
    posb = jnp.concatenate(
        [positions, jnp.zeros((_B, _N, 5), jnp.float32)], axis=2)
    post = jnp.transpose(posb, (0, 2, 1))
    wp1p = jnp.concatenate(
        [W_p1, jnp.zeros((_PW - 3, _C), jnp.float32)], axis=0)
    wkvq = jnp.concatenate([W_k, W_v, W_q], axis=1)
    bkvq = jnp.concatenate([b_k, b_v, b_q]).reshape(1, 3 * _C)

    outs = []
    for b in range(_B):
        q, tab, idx = _proj_topk(
            b, features, posb, post, W_enc, b_enc.reshape(1, _C), wkvq, bkvq)
        gat = _sc_gather(tab.reshape(_N, _TW), idx.reshape(_TOTB))
        g3 = gat.reshape(_K, _N, _TW)
        outs.append(_attn(
            b, g3, features, q, posb, wp1p,
            b_p1.reshape(1, _C), W_p2, b_p2.reshape(1, _C),
            W_g1, b_g1.reshape(1, _C), W_g2, b_g2.reshape(1, _C),
            W_dec, b_dec.reshape(1, _F)))
    out = jnp.concatenate(outs, axis=0)
    return out, positions, batch

# --- scband reference (transcript-rebuilt; emitter-appended) ---
"""Pipeline reference for scband-point-transformer-block-53420803228076 (READ-ONLY COPY).

The authoritative reference and input builder live on the scoring server;
editing this copy changes nothing except your own understanding.
"""

import jax, jax.numpy as jnp
import numpy as np

B, N, F, C, K = 2, 4096, 128, 32, 16

def setup_inputs(seed: int = 0) -> dict:
    key = jax.random.key(seed)
    ks = jax.random.split(key, 20)
    features = jax.random.normal(ks[0], (B, N, F), dtype=jnp.float32)
    positions = jax.random.uniform(ks[1], (B, N, 3), dtype=jnp.float32)
    batch = jnp.sort(jax.random.randint(ks[2], (B * N,), 0, B))
    def lin(k, fi, fo):
        return jax.random.normal(k, (fi, fo), dtype=jnp.float32) / np.sqrt(fi)
    return {
        'features': features, 'positions': positions, 'batch': batch,
        'W_enc': lin(ks[3], F, C), 'b_enc': jnp.zeros((C,), jnp.float32),
        'W_q': lin(ks[4], C, C), 'b_q': jnp.zeros((C,), jnp.float32),
        'W_k': lin(ks[5], C, C), 'b_k': jnp.zeros((C,), jnp.float32),
        'W_v': lin(ks[6], C, C), 'b_v': jnp.zeros((C,), jnp.float32),
        'W_p1': lin(ks[7], 3, C), 'b_p1': jnp.zeros((C,), jnp.float32),
        'W_p2': lin(ks[8], C, C), 'b_p2': jnp.zeros((C,), jnp.float32),
        'W_g1': lin(ks[9], C, C), 'b_g1': jnp.zeros((C,), jnp.float32),
        'W_g2': lin(ks[10], C, C), 'b_g2': jnp.zeros((C,), jnp.float32),
        'W_dec': lin(ks[11], C, F), 'b_dec': jnp.zeros((F,), jnp.float32),
    }

def reference(features, positions, batch, W_enc, b_enc, W_q, b_q, W_k, b_k, W_v, b_v, W_p1, b_p1, W_p2, b_p2, W_g1, b_g1, W_g2, b_g2, W_dec, b_dec):
    # linear_encoder
    enc = features @ W_enc + b_enc
    # PointTransformerLayer (Zhao et al. vector attention over kNN)
    q = enc @ W_q + b_q
    kf = enc @ W_k + b_k
    v = enc @ W_v + b_v
    sq = jnp.sum(positions * positions, axis=-1)
    dist2 = sq[:, :, None] + sq[:, None, :] - 2.0 * jnp.einsum('bnd,bmd->bnm', positions, positions)
    _, idx = jax.lax.top_k(jax.lax.stop_gradient(-dist2), K)  # [B, N, K] nearest neighbors (incl. self)
    gather = jax.vmap(lambda arr, i: arr[i])
    k_n = gather(kf, idx)          # [B, N, K, C]
    v_n = gather(v, idx)           # [B, N, K, C]
    p_n = gather(positions, idx)   # [B, N, K, 3]
    rel = positions[:, :, None, :] - p_n
    delta = jax.nn.relu(rel @ W_p1 + b_p1) @ W_p2 + b_p2
    gamma = jax.nn.relu((q[:, :, None, :] - k_n + delta) @ W_g1 + b_g1) @ W_g2 + b_g2
    attn = jax.nn.softmax(gamma, axis=2)
    agg = jnp.sum(attn * (v_n + delta), axis=2)  # [B, N, C]
    # linear_decoder + residual
    out = features + (agg @ W_dec + b_dec)
    return out, positions, batch

if __name__ == "__main__":
    import jax
    _d = setup_inputs()
    print(jax.jit(kernel)(*tuple(_d.values())))

</pallas_src>

<mosaic_0001>
#map = affine_map<(d0, d1) -> (0, 0)>
#map1 = affine_map<(d0, d1) -> (0)>
module attributes {stable_mosaic.version = 14 : i64} {
  func.func @_sc_gather_body(%arg0: i32, %arg1: i32, %arg2: memref<4096x128xf32, #tpu.memory_space<hbm>>, %arg3: memref<65536xi32, #tpu.memory_space<hbm>>, %arg4: memref<65536x128xf32, #tpu.memory_space<hbm>>, %arg5: memref<2048xi32, #tpu.memory_space<vmem>>, %arg6: memref<2x128x128xf32, #tpu.memory_space<vmem>>, %arg7: memref<!tpu.dma_semaphore, #tpu.memory_space<semaphore_mem>>, %arg8: memref<!tpu.dma_semaphore, #tpu.memory_space<semaphore_mem>>, %arg9: memref<!tpu.dma_semaphore, #tpu.memory_space<semaphore_mem>>, %arg10: memref<!tpu.dma_semaphore, #tpu.memory_space<semaphore_mem>>) attributes {dimension_semantics = [#tpu.dimension_semantics<core_parallel>, #tpu.dimension_semantics<subcore_parallel>], iteration_bounds = array<i64: 2, 16>, scalar_prefetch = 0 : i64, scratch_operands = 6 : i64, tpu.core_type = #tpu.core_type<sc_vector_subcore>, window_params = [{transform_indices = #map}, {transform_indices = #map1}, {transform_indices = #map}]} {
    %mul3A = arith.constant 2 : i32
    %mul3A_0 = arith.muli %arg1, %mul3A : i32
    %add3A = arith.addi %mul3A_0, %arg0 : i32
    %mul3A_1 = arith.constant 2048 : i32
    %mul3A_2 = arith.muli %add3A, %mul3A_1 : i32
    "tpu.region"() ({
      %run_scoped3A = tpu.sem_alloc : memref<!tpu.dma_semaphore, #tpu.memory_space<semaphore_mem>>
      %dma_start3A = tpu.memref_slice %arg3[%mul3A_2] : memref<65536xi32, #tpu.memory_space<hbm>> -> memref<2048xi32, #tpu.memory_space<hbm>>
      %dma_start3A_33 = tpu.memref_slice %arg3[%mul3A_2] : memref<65536xi32, #tpu.memory_space<hbm>> -> memref<2048xi32, #tpu.memory_space<hbm>>
      tpu.enqueue_dma source(%dma_start3A_33 : memref<2048xi32, #tpu.memory_space<hbm>>) target(%arg5 : memref<2048xi32, #tpu.memory_space<vmem>>) target_semaphore(%run_scoped3A : memref<!tpu.dma_semaphore, #tpu.memory_space<semaphore_mem>>)
      %dma_wait3A_34 = tpu.memref_slice %arg3[%mul3A_2] : memref<65536xi32, #tpu.memory_space<hbm>> -> memref<2048xi32, #tpu.memory_space<hbm>>
      %dma_wait3A_35 = tpu.memref_slice %arg3[%mul3A_2] : memref<65536xi32, #tpu.memory_space<hbm>> -> memref<2048xi32, #tpu.memory_space<hbm>>
      tpu.wait_dma2 semaphore(%run_scoped3A : memref<!tpu.dma_semaphore, #tpu.memory_space<semaphore_mem>>) src(%dma_wait3A_35 : memref<2048xi32, #tpu.memory_space<hbm>>) dst(%arg5 : memref<2048xi32, #tpu.memory_space<vmem>>)
      tpu.yield
    }) : () -> ()
    %scan3A = arith.constant 0 : i32
    %scan3A_3 = arith.constant 0 : i32
    %scan3A_4 = arith.constant 8 : i32
    %scan3A_5 = arith.addi %scan3A_3, %scan3A_4 : i32
    %scan3A_6 = arith.constant 1 : i32
    scf.for %scan3A_33 = %scan3A_3 to %scan3A_5 step %scan3A_6  : i32 {
      %gt3A = arith.constant 0 : i32
      %gt3A_34 = arith.cmpi sgt, %scan3A_33, %gt3A : i32
      %convert_element_type3A = arith.extui %gt3A_34 : i1 to i32
      %cond3A = arith.constant 0 : i32
      %cond3A_35 = arith.cmpi ne, %convert_element_type3A, %cond3A : i32
      scf.if %cond3A_35 {
        %dma_wait3A_123 = arith.constant 0 : i32
        %dma_wait3A_124 = arith.constant 0 : i32
        %dma_wait3A_125 = arith.constant 0 : i32
        %dma_wait3A_126 = tpu.memref_slice %arg6[%dma_wait3A_123, %dma_wait3A_124, %dma_wait3A_125] : memref<2x128x128xf32, #tpu.memory_space<vmem>> -> memref<1x128x128xf32, #tpu.memory_space<vmem>>
        %dma_wait3A_127 = tpu.memref_squeeze %dma_wait3A_126 : memref<1x128x128xf32, #tpu.memory_space<vmem>> -> memref<128x128xf32, #tpu.memory_space<vmem>>
        %dma_wait3A_128 = arith.constant 0 : i32
        %dma_wait3A_129 = tpu.memref_slice %arg4[%mul3A_2, %dma_wait3A_128] : memref<65536x128xf32, #tpu.memory_space<hbm>> -> memref<128x128xf32, #tpu.memory_space<hbm>>
        %dma_wait3A_130 = arith.constant 0 : i32
        %dma_wait3A_131 = tpu.memref_slice %arg4[%mul3A_2, %dma_wait3A_130] : memref<65536x128xf32, #tpu.memory_space<hbm>> -> memref<128x128xf32, #tpu.memory_space<hbm>>
        %dma_wait3A_132 = arith.constant 0 : i32
        %dma_wait3A_133 = arith.constant 0 : i32
        %dma_wait3A_134 = tpu.memref_slice %arg6[%dma_wait3A_123, %dma_wait3A_132, %dma_wait3A_133] : memref<2x128x128xf32, #tpu.memory_space<vmem>> -> memref<1x128x128xf32, #tpu.memory_space<vmem>>
        %dma_wait3A_135 = tpu.memref_squeeze %dma_wait3A_134 : memref<1x128x128xf32, #tpu.memory_space<vmem>> -> memref<128x128xf32, #tpu.memory_space<vmem>>
        tpu.wait_dma2 semaphore(%arg9 : memref<!tpu.dma_semaphore, #tpu.memory_space<semaphore_mem>>) src(%dma_wait3A_135 : memref<128x128xf32, #tpu.memory_space<vmem>>) dst(%dma_wait3A_131 : memref<128x128xf32, #tpu.memory_space<hbm>>)
        %dma_wait3A_136 = arith.constant 1 : i32
        %dma_wait3A_137 = arith.constant 0 : i32
        %dma_wait3A_138 = arith.constant 0 : i32
        %dma_wait3A_139 = tpu.memref_slice %arg6[%dma_wait3A_136, %dma_wait3A_137, %dma_wait3A_138] : memref<2x128x128xf32, #tpu.memory_space<vmem>> -> memref<1x128x128xf32, #tpu.memory_space<vmem>>
        %dma_wait3A_140 = tpu.memref_squeeze %dma_wait3A_139 : memref<1x128x128xf32, #tpu.memory_space<vmem>> -> memref<128x128xf32, #tpu.memory_space<vmem>>
        %dma_wait3A_141 = arith.constant 0 : i32
        %dma_wait3A_142 = tpu.memref_slice %arg4[%mul3A_2, %dma_wait3A_141] : memref<65536x128xf32, #tpu.memory_space<hbm>> -> memref<128x128xf32, #tpu.memory_space<hbm>>
        %dma_wait3A_143 = arith.constant 0 : i32
        %dma_wait3A_144 = tpu.memref_slice %arg4[%mul3A_2, %dma_wait3A_143] : memref<65536x128xf32, #tpu.memory_space<hbm>> -> memref<128x128xf32, #tpu.memory_space<hbm>>
        %dma_wait3A_145 = arith.constant 0 : i32
        %dma_wait3A_146 = arith.constant 0 : i32
        %dma_wait3A_147 = tpu.memref_slice %arg6[%dma_wait3A_136, %dma_wait3A_145, %dma_wait3A_146] : memref<2x128x128xf32, #tpu.memory_space<vmem>> -> memref<1x128x128xf32, #tpu.memory_space<vmem>>
        %dma_wait3A_148 = tpu.memref_squeeze %dma_wait3A_147 : memref<1x128x128xf32, #tpu.memory_space<vmem>> -> memref<128x128xf32, #tpu.memory_space<vmem>>
        tpu.wait_dma2 semaphore(%arg10 : memref<!tpu.dma_semaphore, #tpu.memory_space<semaphore_mem>>) src(%dma_wait3A_148 : memref<128x128xf32, #tpu.memory_space<vmem>>) dst(%dma_wait3A_144 : memref<128x128xf32, #tpu.memory_space<hbm>>)
      } else {
      }
      %mul3A_36 = arith.constant 2 : i32
      %mul3A_37 = arith.muli %scan3A_33, %mul3A_36 : i32
      %add3A_38 = arith.constant 0 : i32
      %add3A_39 = arith.addi %mul3A_37, %add3A_38 : i32
      %mul3A_40 = arith.constant 128 : i32
      %mul3A_41 = arith.muli %add3A_39, %mul3A_40 : i32
      %dma_start3A = arith.constant 0 : i32
      %dma_start3A_42 = arith.constant 0 : i32
      %dma_start3A_43 = arith.constant 0 : i32
      %dma_start3A_44 = tpu.memref_slice %arg6[%dma_start3A, %dma_start3A_42, %dma_start3A_43] : memref<2x128x128xf32, #tpu.memory_space<vmem>> -> memref<1x128x128xf32, #tpu.memory_space<vmem>>
      %dma_start3A_45 = tpu.memref_squeeze %dma_start3A_44 : memref<1x128x128xf32, #tpu.memory_space<vmem>> -> memref<128x128xf32, #tpu.memory_space<vmem>>
      %dma_start3A_46 = tpu.memref_slice %arg5[%mul3A_41] : memref<2048xi32, #tpu.memory_space<vmem>> -> memref<128xi32, #tpu.memory_space<vmem>>
      %dma_start3A_47 = arith.constant 0 : i32
      %dma_start3A_48 = arith.constant 0 : i32
      %dma_start3A_49 = tpu.memref_slice %arg2[%dma_start3A_47, %dma_start3A_48] : memref<4096x128xf32, #tpu.memory_space<hbm>> -> memref<4096x128xf32, #tpu.memory_space<hbm>>
      tpu.enqueue_indirect_dma source(%dma_start3A_49 : memref<4096x128xf32, #tpu.memory_space<hbm>>) target(%dma_start3A_45 : memref<128x128xf32, #tpu.memory_space<vmem>>) offsets(%dma_start3A_46 : memref<128xi32, #tpu.memory_space<vmem>>) semaphore(%arg7 : memref<!tpu.dma_semaphore, #tpu.memory_space<semaphore_mem>>)
      %mul3A_50 = arith.constant 2 : i32
      %mul3A_51 = arith.muli %scan3A_33, %mul3A_50 : i32
      %add3A_52 = arith.constant 1 : i32
      %add3A_53 = arith.addi %mul3A_51, %add3A_52 : i32
      %mul3A_54 = arith.constant 128 : i32
      %mul3A_55 = arith.muli %add3A_53, %mul3A_54 : i32
      %dma_start3A_56 = arith.constant 1 : i32
      %dma_start3A_57 = arith.constant 0 : i32
      %dma_start3A_58 = arith.constant 0 : i32
      %dma_start3A_59 = tpu.memref_slice %arg6[%dma_start3A_56, %dma_start3A_57, %dma_start3A_58] : memref<2x128x128xf32, #tpu.memory_space<vmem>> -> memref<1x128x128xf32, #tpu.memory_space<vmem>>
      %dma_start3A_60 = tpu.memref_squeeze %dma_start3A_59 : memref<1x128x128xf32, #tpu.memory_space<vmem>> -> memref<128x128xf32, #tpu.memory_space<vmem>>
      %dma_start3A_61 = tpu.memref_slice %arg5[%mul3A_55] : memref<2048xi32, #tpu.memory_space<vmem>> -> memref<128xi32, #tpu.memory_space<vmem>>
      %dma_start3A_62 = arith.constant 0 : i32
      %dma_start3A_63 = arith.constant 0 : i32
      %dma_start3A_64 = tpu.memref_slice %arg2[%dma_start3A_62, %dma_start3A_63] : memref<4096x128xf32, #tpu.memory_space<hbm>> -> memref<4096x128xf32, #tpu.memory_space<hbm>>
      tpu.enqueue_indirect_dma source(%dma_start3A_64 : memref<4096x128xf32, #tpu.memory_space<hbm>>) target(%dma_start3A_60 : memref<128x128xf32, #tpu.memory_space<vmem>>) offsets(%dma_start3A_61 : memref<128xi32, #tpu.memory_space<vmem>>) semaphore(%arg8 : memref<!tpu.dma_semaphore, #tpu.memory_space<semaphore_mem>>)
      %mul3A_65 = arith.constant 2 : i32
      %mul3A_66 = arith.muli %scan3A_33, %mul3A_65 : i32
      %add3A_67 = arith.constant 0 : i32
      %add3A_68 = arith.addi %mul3A_66, %add3A_67 : i32
      %dma_wait3A_69 = arith.constant 0 : i32
      %dma_wait3A_70 = arith.constant 0 : i32
      %dma_wait3A_71 = arith.constant 0 : i32
      %dma_wait3A_72 = tpu.memref_slice %arg6[%dma_wait3A_69, %dma_wait3A_70, %dma_wait3A_71] : memref<2x128x128xf32, #tpu.memory_space<vmem>> -> memref<1x128x128xf32, #tpu.memory_space<vmem>>
      %dma_wait3A_73 = tpu.memref_squeeze %dma_wait3A_72 : memref<1x128x128xf32, #tpu.memory_space<vmem>> -> memref<128x128xf32, #tpu.memory_space<vmem>>
      %dma_wait3A_74 = tpu.memref_slice %arg5[%mul3A_41] : memref<2048xi32, #tpu.memory_space<vmem>> -> memref<128xi32, #tpu.memory_space<vmem>>
      %dma_wait3A_75 = arith.constant 0 : i32
      %dma_wait3A_76 = arith.constant 0 : i32
      %dma_wait3A_77 = tpu.memref_slice %arg2[%dma_wait3A_75, %dma_wait3A_76] : memref<4096x128xf32, #tpu.memory_space<hbm>> -> memref<4096x128xf32, #tpu.memory_space<hbm>>
      tpu.wait_indirect_dma semaphore(%arg7 : memref<!tpu.dma_semaphore, #tpu.memory_space<semaphore_mem>>) src(%dma_wait3A_77 : memref<4096x128xf32, #tpu.memory_space<hbm>>) dst(%dma_wait3A_73 : memref<128x128xf32, #tpu.memory_space<vmem>>)
      %mul3A_78 = arith.constant 128 : i32
      %mul3A_79 = arith.muli %add3A_68, %mul3A_78 : i32
      %add3A_80 = arith.addi %mul3A_2, %mul3A_79 : i32
      %dma_start3A_81 = arith.constant 0 : i32
      %dma_start3A_82 = arith.constant 0 : i32
      %dma_start3A_83 = arith.constant 0 : i32
      %dma_start3A_84 = tpu.memref_slice %arg6[%dma_start3A_81, %dma_start3A_82, %dma_start3A_83] : memref<2x128x128xf32, #tpu.memory_space<vmem>> -> memref<1x128x128xf32, #tpu.memory_space<vmem>>
      %dma_start3A_85 = tpu.memref_squeeze %dma_start3A_84 : memref<1x128x128xf32, #tpu.memory_space<vmem>> -> memref<128x128xf32, #tpu.memory_space<vmem>>
      %dma_start3A_86 = arith.constant 0 : i32
      %dma_start3A_87 = tpu.memref_slice %arg4[%add3A_80, %dma_start3A_86] : memref<65536x128xf32, #tpu.memory_space<hbm>> -> memref<128x128xf32, #tpu.memory_space<hbm>>
      %dma_start3A_88 = arith.constant 0 : i32
      %dma_start3A_89 = tpu.memref_slice %arg4[%add3A_80, %dma_start3A_88] : memref<65536x128xf32, #tpu.memory_space<hbm>> -> memref<128x128xf32, #tpu.memory_space<hbm>>
      %dma_start3A_90 = arith.constant 0 : i32
      %dma_start3A_91 = arith.constant 0 : i32
      %dma_start3A_92 = tpu.memref_slice %arg6[%dma_start3A_81, %dma_start3A_90, %dma_start3A_91] : memref<2x128x128xf32, #tpu.memory_space<vmem>> -> memref<1x128x128xf32, #tpu.memory_space<vmem>>
      %dma_start3A_93 = tpu.memref_squeeze %dma_start3A_92 : memref<1x128x128xf32, #tpu.memory_space<vmem>> -> memref<128x128xf32, #tpu.memory_space<vmem>>
      tpu.enqueue_dma source(%dma_start3A_93 : memref<128x128xf32, #tpu.memory_space<vmem>>) target(%dma_start3A_89 : memref<128x128xf32, #tpu.memory_space<hbm>>) target_semaphore(%arg9 : memref<!tpu.dma_semaphore, #tpu.memory_space<semaphore_mem>>)
      %mul3A_94 = arith.constant 2 : i32
      %mul3A_95 = arith.muli %scan3A_33, %mul3A_94 : i32
      %add3A_96 = arith.constant 1 : i32
      %add3A_97 = arith.addi %mul3A_95, %add3A_96 : i32
      %dma_wait3A_98 = arith.constant 1 : i32
      %dma_wait3A_99 = arith.constant 0 : i32
      %dma_wait3A_100 = arith.constant 0 : i32
      %dma_wait3A_101 = tpu.memref_slice %arg6[%dma_wait3A_98, %dma_wait3A_99, %dma_wait3A_100] : memref<2x128x128xf32, #tpu.memory_space<vmem>> -> memref<1x128x128xf32, #tpu.memory_space<vmem>>
      %dma_wait3A_102 = tpu.memref_squeeze %dma_wait3A_101 : memref<1x128x128xf32, #tpu.memory_space<vmem>> -> memref<128x128xf32, #tpu.memory_space<vmem>>
      %dma_wait3A_103 = tpu.memref_slice %arg5[%mul3A_55] : memref<2048xi32, #tpu.memory_space<vmem>> -> memref<128xi32, #tpu.memory_space<vmem>>
      %dma_wait3A_104 = arith.constant 0 : i32
      %dma_wait3A_105 = arith.constant 0 : i32
      %dma_wait3A_106 = tpu.memref_slice %arg2[%dma_wait3A_104, %dma_wait3A_105] : memref<4096x128xf32, #tpu.memory_space<hbm>> -> memref<4096x128xf32, #tpu.memory_space<hbm>>
      tpu.wait_indirect_dma semaphore(%arg8 : memref<!tpu.dma_semaphore, #tpu.memory_space<semaphore_mem>>) src(%dma_wait3A_106 : memref<4096x128xf32, #tpu.memory_space<hbm>>) dst(%dma_wait3A_102 : memref<128x128xf32, #tpu.memory_space<vmem>>)
      %mul3A_107 = arith.constant 128 : i32
      %mul3A_108 = arith.muli %add3A_97, %mul3A_107 : i32
      %add3A_109 = arith.addi %mul3A_2, %mul3A_108 : i32
      %dma_start3A_110 = arith.constant 1 : i32
      %dma_start3A_111 = arith.constant 0 : i32
      %dma_start3A_112 = arith.constant 0 : i32
      %dma_start3A_113 = tpu.memref_slice %arg6[%dma_start3A_110, %dma_start3A_111, %dma_start3A_112] : memref<2x128x128xf32, #tpu.memory_space<vmem>> -> memref<1x128x128xf32, #tpu.memory_space<vmem>>
      %dma_start3A_114 = tpu.memref_squeeze %dma_start3A_113 : memref<1x128x128xf32, #tpu.memory_space<vmem>> -> memref<128x128xf32, #tpu.memory_space<vmem>>
      %dma_start3A_115 = arith.constant 0 : i32
      %dma_start3A_116 = tpu.memref_slice %arg4[%add3A_109, %dma_start3A_115] : memref<65536x128xf32, #tpu.memory_space<hbm>> -> memref<128x128xf32, #tpu.memory_space<hbm>>
      %dma_start3A_117 = arith.constant 0 : i32
      %dma_start3A_118 = tpu.memref_slice %arg4[%add3A_109, %dma_start3A_117] : memref<65536x128xf32, #tpu.memory_space<hbm>> -> memref<128x128xf32, #tpu.memory_space<hbm>>
      %dma_start3A_119 = arith.constant 0 : i32
      %dma_start3A_120 = arith.constant 0 : i32
      %dma_start3A_121 = tpu.memref_slice %arg6[%dma_start3A_110, %dma_start3A_119, %dma_start3A_120] : memref<2x128x128xf32, #tpu.memory_space<vmem>> -> memref<1x128x128xf32, #tpu.memory_space<vmem>>
      %dma_start3A_122 = tpu.memref_squeeze %dma_start3A_121 : memref<1x128x128xf32, #tpu.memory_space<vmem>> -> memref<128x128xf32, #tpu.memory_space<vmem>>
      tpu.enqueue_dma source(%dma_start3A_122 : memref<128x128xf32, #tpu.memory_space<vmem>>) target(%dma_start3A_118 : memref<128x128xf32, #tpu.memory_space<hbm>>) target_semaphore(%arg10 : memref<!tpu.dma_semaphore, #tpu.memory_space<semaphore_mem>>)
    }
    %scan3A_7 = arith.constant 8 : i32
    %dma_wait3A = arith.constant 0 : i32
    %dma_wait3A_8 = arith.constant 0 : i32
    %dma_wait3A_9 = arith.constant 0 : i32
    %dma_wait3A_10 = tpu.memref_slice %arg6[%dma_wait3A, %dma_wait3A_8, %dma_wait3A_9] : memref<2x128x128xf32, #tpu.memory_space<vmem>> -> memref<1x128x128xf32, #tpu.memory_space<vmem>>
    %dma_wait3A_11 = tpu.memref_squeeze %dma_wait3A_10 : memref<1x128x128xf32, #tpu.memory_space<vmem>> -> memref<128x128xf32, #tpu.memory_space<vmem>>
    %dma_wait3A_12 = arith.constant 0 : i32
    %dma_wait3A_13 = tpu.memref_slice %arg4[%mul3A_2, %dma_wait3A_12] : memref<65536x128xf32, #tpu.memory_space<hbm>> -> memref<128x128xf32, #tpu.memory_space<hbm>>
    %dma_wait3A_14 = arith.constant 0 : i32
    %dma_wait3A_15 = tpu.memref_slice %arg4[%mul3A_2, %dma_wait3A_14] : memref<65536x128xf32, #tpu.memory_space<hbm>> -> memref<128x128xf32, #tpu.memory_space<hbm>>
    %dma_wait3A_16 = arith.constant 0 : i32
    %dma_wait3A_17 = arith.constant 0 : i32
    %dma_wait3A_18 = tpu.memref_slice %arg6[%dma_wait3A, %dma_wait3A_16, %dma_wait3A_17] : memref<2x128x128xf32, #tpu.memory_space<vmem>> -> memref<1x128x128xf32, #tpu.memory_space<vmem>>
    %dma_wait3A_19 = tpu.memref_squeeze %dma_wait3A_18 : memref<1x128x128xf32, #tpu.memory_space<vmem>> -> memref<128x128xf32, #tpu.memory_space<vmem>>
    tpu.wait_dma2 semaphore(%arg9 : memref<!tpu.dma_semaphore, #tpu.memory_space<semaphore_mem>>) src(%dma_wait3A_19 : memref<128x128xf32, #tpu.memory_space<vmem>>) dst(%dma_wait3A_15 : memref<128x128xf32, #tpu.memory_space<hbm>>)
    %dma_wait3A_20 = arith.constant 1 : i32
    %dma_wait3A_21 = arith.constant 0 : i32
    %dma_wait3A_22 = arith.constant 0 : i32
    %dma_wait3A_23 = tpu.memref_slice %arg6[%dma_wait3A_20, %dma_wait3A_21, %dma_wait3A_22] : memref<2x128x128xf32, #tpu.memory_space<vmem>> -> memref<1x128x128xf32, #tpu.memory_space<vmem>>
    %dma_wait3A_24 = tpu.memref_squeeze %dma_wait3A_23 : memref<1x128x128xf32, #tpu.memory_space<vmem>> -> memref<128x128xf32, #tpu.memory_space<vmem>>
    %dma_wait3A_25 = arith.constant 0 : i32
    %dma_wait3A_26 = tpu.memref_slice %arg4[%mul3A_2, %dma_wait3A_25] : memref<65536x128xf32, #tpu.memory_space<hbm>> -> memref<128x128xf32, #tpu.memory_space<hbm>>
    %dma_wait3A_27 = arith.constant 0 : i32
    %dma_wait3A_28 = tpu.memref_slice %arg4[%mul3A_2, %dma_wait3A_27] : memref<65536x128xf32, #tpu.memory_space<hbm>> -> memref<128x128xf32, #tpu.memory_space<hbm>>
    %dma_wait3A_29 = arith.constant 0 : i32
    %dma_wait3A_30 = arith.constant 0 : i32
    %dma_wait3A_31 = tpu.memref_slice %arg6[%dma_wait3A_20, %dma_wait3A_29, %dma_wait3A_30] : memref<2x128x128xf32, #tpu.memory_space<vmem>> -> memref<1x128x128xf32, #tpu.memory_space<vmem>>
    %dma_wait3A_32 = tpu.memref_squeeze %dma_wait3A_31 : memref<1x128x128xf32, #tpu.memory_space<vmem>> -> memref<128x128xf32, #tpu.memory_space<vmem>>
    tpu.wait_dma2 semaphore(%arg10 : memref<!tpu.dma_semaphore, #tpu.memory_space<semaphore_mem>>) src(%dma_wait3A_32 : memref<128x128xf32, #tpu.memory_space<vmem>>) dst(%dma_wait3A_28 : memref<128x128xf32, #tpu.memory_space<hbm>>)
    return
  }
}

#map = affine_map<(d0, d1) -> (0, 0)>
#map1 = affine_map<(d0, d1) -> (0)>
module attributes {stable_mosaic.version = 14 : i64} {
  func.func @_sc_gather_body(%arg0: i32, %arg1: i32, %arg2: memref<4096x128xf32, #tpu.memory_space<hbm>>, %arg3: memref<65536xi32, #tpu.memory_space<hbm>>, %arg4: memref<65536x128xf32, #tpu.memory_space<hbm>>, %arg5: memref<2048xi32, #tpu.memory_space<vmem>>, %arg6: memref<2x128x128xf32, #tpu.memory_space<vmem>>, %arg7: memref<!tpu.dma_semaphore, #tpu.memory_space<semaphore_mem>>, %arg8: memref<!tpu.dma_semaphore, #tpu.memory_space<semaphore_mem>>, %arg9: memref<!tpu.dma_semaphore, #tpu.memory_space<semaphore_mem>>, %arg10: memref<!tpu.dma_semaphore, #tpu.memory_space<semaphore_mem>>) attributes {dimension_semantics = [#tpu.dimension_semantics<core_parallel>, #tpu.dimension_semantics<subcore_parallel>], iteration_bounds = array<i64: 2, 16>, scalar_prefetch = 0 : i64, scratch_operands = 6 : i64, tpu.core_type = #tpu.core_type<sc_vector_subcore>, window_params = [{transform_indices = #map}, {transform_indices = #map1}, {transform_indices = #map}]} {
    %mul3A = arith.constant 2 : i32
    %mul3A_0 = arith.muli %arg1, %mul3A : i32
    %add3A = arith.addi %mul3A_0, %arg0 : i32
    %mul3A_1 = arith.constant 2048 : i32
    %mul3A_2 = arith.muli %add3A, %mul3A_1 : i32
    "tpu.region"() ({
      %run_scoped3A = tpu.sem_alloc : memref<!tpu.dma_semaphore, #tpu.memory_space<semaphore_mem>>
      %dma_start3A = tpu.memref_slice %arg3[%mul3A_2] : memref<65536xi32, #tpu.memory_space<hbm>> -> memref<2048xi32, #tpu.memory_space<hbm>>
      %dma_start3A_33 = tpu.memref_slice %arg3[%mul3A_2] : memref<65536xi32, #tpu.memory_space<hbm>> -> memref<2048xi32, #tpu.memory_space<hbm>>
      tpu.enqueue_dma source(%dma_start3A_33 : memref<2048xi32, #tpu.memory_space<hbm>>) target(%arg5 : memref<2048xi32, #tpu.memory_space<vmem>>) target_semaphore(%run_scoped3A : memref<!tpu.dma_semaphore, #tpu.memory_space<semaphore_mem>>)
      %dma_wait3A_34 = tpu.memref_slice %arg3[%mul3A_2] : memref<65536xi32, #tpu.memory_space<hbm>> -> memref<2048xi32, #tpu.memory_space<hbm>>
      %dma_wait3A_35 = tpu.memref_slice %arg3[%mul3A_2] : memref<65536xi32, #tpu.memory_space<hbm>> -> memref<2048xi32, #tpu.memory_space<hbm>>
      tpu.wait_dma2 semaphore(%run_scoped3A : memref<!tpu.dma_semaphore, #tpu.memory_space<semaphore_mem>>) src(%dma_wait3A_35 : memref<2048xi32, #tpu.memory_space<hbm>>) dst(%arg5 : memref<2048xi32, #tpu.memory_space<vmem>>)
      tpu.yield
    }) : () -> ()
    %scan3A = arith.constant 0 : i32
    %scan3A_3 = arith.constant 0 : i32
    %scan3A_4 = arith.constant 8 : i32
    %scan3A_5 = arith.addi %scan3A_3, %scan3A_4 : i32
    %scan3A_6 = arith.constant 1 : i32
    scf.for %scan3A_33 = %scan3A_3 to %scan3A_5 step %scan3A_6  : i32 {
      %gt3A = arith.constant 0 : i32
      %gt3A_34 = arith.cmpi sgt, %scan3A_33, %gt3A : i32
      %convert_element_type3A = arith.extui %gt3A_34 : i1 to i32
      %cond3A = arith.constant 0 : i32
      %cond3A_35 = arith.cmpi ne, %convert_element_type3A, %cond3A : i32
      scf.if %cond3A_35 {
        %dma_wait3A_123 = arith.constant 0 : i32
        %dma_wait3A_124 = arith.constant 0 : i32
        %dma_wait3A_125 = arith.constant 0 : i32
        %dma_wait3A_126 = tpu.memref_slice %arg6[%dma_wait3A_123, %dma_wait3A_124, %dma_wait3A_125] : memref<2x128x128xf32, #tpu.memory_space<vmem>> -> memref<1x128x128xf32, #tpu.memory_space<vmem>>
        %dma_wait3A_127 = tpu.memref_squeeze %dma_wait3A_126 : memref<1x128x128xf32, #tpu.memory_space<vmem>> -> memref<128x128xf32, #tpu.memory_space<vmem>>
        %dma_wait3A_128 = arith.constant 0 : i32
        %dma_wait3A_129 = tpu.memref_slice %arg4[%mul3A_2, %dma_wait3A_128] : memref<65536x128xf32, #tpu.memory_space<hbm>> -> memref<128x128xf32, #tpu.memory_space<hbm>>
        %dma_wait3A_130 = arith.constant 0 : i32
        %dma_wait3A_131 = tpu.memref_slice %arg4[%mul3A_2, %dma_wait3A_130] : memref<65536x128xf32, #tpu.memory_space<hbm>> -> memref<128x128xf32, #tpu.memory_space<hbm>>
        %dma_wait3A_132 = arith.constant 0 : i32
        %dma_wait3A_133 = arith.constant 0 : i32
        %dma_wait3A_134 = tpu.memref_slice %arg6[%dma_wait3A_123, %dma_wait3A_132, %dma_wait3A_133] : memref<2x128x128xf32, #tpu.memory_space<vmem>> -> memref<1x128x128xf32, #tpu.memory_space<vmem>>
        %dma_wait3A_135 = tpu.memref_squeeze %dma_wait3A_134 : memref<1x128x128xf32, #tpu.memory_space<vmem>> -> memref<128x128xf32, #tpu.memory_space<vmem>>
        tpu.wait_dma2 semaphore(%arg9 : memref<!tpu.dma_semaphore, #tpu.memory_space<semaphore_mem>>) src(%dma_wait3A_135 : memref<128x128xf32, #tpu.memory_space<vmem>>) dst(%dma_wait3A_131 : memref<128x128xf32, #tpu.memory_space<hbm>>)
        %dma_wait3A_136 = arith.constant 1 : i32
        %dma_wait3A_137 = arith.constant 0 : i32
        %dma_wait3A_138 = arith.constant 0 : i32
        %dma_wait3A_139 = tpu.memref_slice %arg6[%dma_wait3A_136, %dma_wait3A_137, %dma_wait3A_138] : memref<2x128x128xf32, #tpu.memory_space<vmem>> -> memref<1x128x128xf32, #tpu.memory_space<vmem>>
        %dma_wait3A_140 = tpu.memref_squeeze %dma_wait3A_139 : memref<1x128x128xf32, #tpu.memory_space<vmem>> -> memref<128x128xf32, #tpu.memory_space<vmem>>
        %dma_wait3A_141 = arith.constant 0 : i32
        %dma_wait3A_142 = tpu.memref_slice %arg4[%mul3A_2, %dma_wait3A_141] : memref<65536x128xf32, #tpu.memory_space<hbm>> -> memref<128x128xf32, #tpu.memory_space<hbm>>
        %dma_wait3A_143 = arith.constant 0 : i32
        %dma_wait3A_144 = tpu.memref_slice %arg4[%mul3A_2, %dma_wait3A_143] : memref<65536x128xf32, #tpu.memory_space<hbm>> -> memref<128x128xf32, #tpu.memory_space<hbm>>
        %dma_wait3A_145 = arith.constant 0 : i32
        %dma_wait3A_146 = arith.constant 0 : i32
        %dma_wait3A_147 = tpu.memref_slice %arg6[%dma_wait3A_136, %dma_wait3A_145, %dma_wait3A_146] : memref<2x128x128xf32, #tpu.memory_space<vmem>> -> memref<1x128x128xf32, #tpu.memory_space<vmem>>
        %dma_wait3A_148 = tpu.memref_squeeze %dma_wait3A_147 : memref<1x128x128xf32, #tpu.memory_space<vmem>> -> memref<128x128xf32, #tpu.memory_space<vmem>>
        tpu.wait_dma2 semaphore(%arg10 : memref<!tpu.dma_semaphore, #tpu.memory_space<semaphore_mem>>) src(%dma_wait3A_148 : memref<128x128xf32, #tpu.memory_space<vmem>>) dst(%dma_wait3A_144 : memref<128x128xf32, #tpu.memory_space<hbm>>)
      } else {
      }
      %mul3A_36 = arith.constant 2 : i32
      %mul3A_37 = arith.muli %scan3A_33, %mul3A_36 : i32
      %add3A_38 = arith.constant 0 : i32
      %add3A_39 = arith.addi %mul3A_37, %add3A_38 : i32
      %mul3A_40 = arith.constant 128 : i32
      %mul3A_41 = arith.muli %add3A_39, %mul3A_40 : i32
      %dma_start3A = arith.constant 0 : i32
      %dma_start3A_42 = arith.constant 0 : i32
      %dma_start3A_43 = arith.constant 0 : i32
      %dma_start3A_44 = tpu.memref_slice %arg6[%dma_start3A, %dma_start3A_42, %dma_start3A_43] : memref<2x128x128xf32, #tpu.memory_space<vmem>> -> memref<1x128x128xf32, #tpu.memory_space<vmem>>
      %dma_start3A_45 = tpu.memref_squeeze %dma_start3A_44 : memref<1x128x128xf32, #tpu.memory_space<vmem>> -> memref<128x128xf32, #tpu.memory_space<vmem>>
      %dma_start3A_46 = tpu.memref_slice %arg5[%mul3A_41] : memref<2048xi32, #tpu.memory_space<vmem>> -> memref<128xi32, #tpu.memory_space<vmem>>
      %dma_start3A_47 = arith.constant 0 : i32
      %dma_start3A_48 = arith.constant 0 : i32
      %dma_start3A_49 = tpu.memref_slice %arg2[%dma_start3A_47, %dma_start3A_48] : memref<4096x128xf32, #tpu.memory_space<hbm>> -> memref<4096x128xf32, #tpu.memory_space<hbm>>
      tpu.enqueue_indirect_dma source(%dma_start3A_49 : memref<4096x128xf32, #tpu.memory_space<hbm>>) target(%dma_start3A_45 : memref<128x128xf32, #tpu.memory_space<vmem>>) offsets(%dma_start3A_46 : memref<128xi32, #tpu.memory_space<vmem>>) semaphore(%arg7 : memref<!tpu.dma_semaphore, #tpu.memory_space<semaphore_mem>>)
      %mul3A_50 = arith.constant 2 : i32
      %mul3A_51 = arith.muli %scan3A_33, %mul3A_50 : i32
      %add3A_52 = arith.constant 1 : i32
      %add3A_53 = arith.addi %mul3A_51, %add3A_52 : i32
      %mul3A_54 = arith.constant 128 : i32
      %mul3A_55 = arith.muli %add3A_53, %mul3A_54 : i32
      %dma_start3A_56 = arith.constant 1 : i32
      %dma_start3A_57 = arith.constant 0 : i32
      %dma_start3A_58 = arith.constant 0 : i32
      %dma_start3A_59 = tpu.memref_slice %arg6[%dma_start3A_56, %dma_start3A_57, %dma_start3A_58] : memref<2x128x128xf32, #tpu.memory_space<vmem>> -> memref<1x128x128xf32, #tpu.memory_space<vmem>>
      %dma_start3A_60 = tpu.memref_squeeze %dma_start3A_59 : memref<1x128x128xf32, #tpu.memory_space<vmem>> -> memref<128x128xf32, #tpu.memory_space<vmem>>
      %dma_start3A_61 = tpu.memref_slice %arg5[%mul3A_55] : memref<2048xi32, #tpu.memory_space<vmem>> -> memref<128xi32, #tpu.memory_space<vmem>>
      %dma_start3A_62 = arith.constant 0 : i32
      %dma_start3A_63 = arith.constant 0 : i32
      %dma_start3A_64 = tpu.memref_slice %arg2[%dma_start3A_62, %dma_start3A_63] : memref<4096x128xf32, #tpu.memory_space<hbm>> -> memref<4096x128xf32, #tpu.memory_space<hbm>>
      tpu.enqueue_indirect_dma source(%dma_start3A_64 : memref<4096x128xf32, #tpu.memory_space<hbm>>) target(%dma_start3A_60 : memref<128x128xf32, #tpu.memory_space<vmem>>) offsets(%dma_start3A_61 : memref<128xi32, #tpu.memory_space<vmem>>) semaphore(%arg8 : memref<!tpu.dma_semaphore, #tpu.memory_space<semaphore_mem>>)
      %mul3A_65 = arith.constant 2 : i32
      %mul3A_66 = arith.muli %scan3A_33, %mul3A_65 : i32
      %add3A_67 = arith.constant 0 : i32
      %add3A_68 = arith.addi %mul3A_66, %add3A_67 : i32
      %dma_wait3A_69 = arith.constant 0 : i32
      %dma_wait3A_70 = arith.constant 0 : i32
      %dma_wait3A_71 = arith.constant 0 : i32
      %dma_wait3A_72 = tpu.memref_slice %arg6[%dma_wait3A_69, %dma_wait3A_70, %dma_wait3A_71] : memref<2x128x128xf32, #tpu.memory_space<vmem>> -> memref<1x128x128xf32, #tpu.memory_space<vmem>>
      %dma_wait3A_73 = tpu.memref_squeeze %dma_wait3A_72 : memref<1x128x128xf32, #tpu.memory_space<vmem>> -> memref<128x128xf32, #tpu.memory_space<vmem>>
      %dma_wait3A_74 = tpu.memref_slice %arg5[%mul3A_41] : memref<2048xi32, #tpu.memory_space<vmem>> -> memref<128xi32, #tpu.memory_space<vmem>>
      %dma_wait3A_75 = arith.constant 0 : i32
      %dma_wait3A_76 = arith.constant 0 : i32
      %dma_wait3A_77 = tpu.memref_slice %arg2[%dma_wait3A_75, %dma_wait3A_76] : memref<4096x128xf32, #tpu.memory_space<hbm>> -> memref<4096x128xf32, #tpu.memory_space<hbm>>
      tpu.wait_indirect_dma semaphore(%arg7 : memref<!tpu.dma_semaphore, #tpu.memory_space<semaphore_mem>>) src(%dma_wait3A_77 : memref<4096x128xf32, #tpu.memory_space<hbm>>) dst(%dma_wait3A_73 : memref<128x128xf32, #tpu.memory_space<vmem>>)
      %mul3A_78 = arith.constant 128 : i32
      %mul3A_79 = arith.muli %add3A_68, %mul3A_78 : i32
      %add3A_80 = arith.addi %mul3A_2, %mul3A_79 : i32
      %dma_start3A_81 = arith.constant 0 : i32
      %dma_start3A_82 = arith.constant 0 : i32
      %dma_start3A_83 = arith.constant 0 : i32
      %dma_start3A_84 = tpu.memref_slice %arg6[%dma_start3A_81, %dma_start3A_82, %dma_start3A_83] : memref<2x128x128xf32, #tpu.memory_space<vmem>> -> memref<1x128x128xf32, #tpu.memory_space<vmem>>
      %dma_start3A_85 = tpu.memref_squeeze %dma_start3A_84 : memref<1x128x128xf32, #tpu.memory_space<vmem>> -> memref<128x128xf32, #tpu.memory_space<vmem>>
      %dma_start3A_86 = arith.constant 0 : i32
      %dma_start3A_87 = tpu.memref_slice %arg4[%add3A_80, %dma_start3A_86] : memref<65536x128xf32, #tpu.memory_space<hbm>> -> memref<128x128xf32, #tpu.memory_space<hbm>>
      %dma_start3A_88 = arith.constant 0 : i32
      %dma_start3A_89 = tpu.memref_slice %arg4[%add3A_80, %dma_start3A_88] : memref<65536x128xf32, #tpu.memory_space<hbm>> -> memref<128x128xf32, #tpu.memory_space<hbm>>
      %dma_start3A_90 = arith.constant 0 : i32
      %dma_start3A_91 = arith.constant 0 : i32
      %dma_start3A_92 = tpu.memref_slice %arg6[%dma_start3A_81, %dma_start3A_90, %dma_start3A_91] : memref<2x128x128xf32, #tpu.memory_space<vmem>> -> memref<1x128x128xf32, #tpu.memory_space<vmem>>
      %dma_start3A_93 = tpu.memref_squeeze %dma_start3A_92 : memref<1x128x128xf32, #tpu.memory_space<vmem>> -> memref<128x128xf32, #tpu.memory_space<vmem>>
      tpu.enqueue_dma source(%dma_start3A_93 : memref<128x128xf32, #tpu.memory_space<vmem>>) target(%dma_start3A_89 : memref<128x128xf32, #tpu.memory_space<hbm>>) target_semaphore(%arg9 : memref<!tpu.dma_semaphore, #tpu.memory_space<semaphore_mem>>)
      %mul3A_94 = arith.constant 2 : i32
      %mul3A_95 = arith.muli %scan3A_33, %mul3A_94 : i32
      %add3A_96 = arith.constant 1 : i32
      %add3A_97 = arith.addi %mul3A_95, %add3A_96 : i32
      %dma_wait3A_98 = arith.constant 1 : i32
      %dma_wait3A_99 = arith.constant 0 : i32
      %dma_wait3A_100 = arith.constant 0 : i32
      %dma_wait3A_101 = tpu.memref_slice %arg6[%dma_wait3A_98, %dma_wait3A_99, %dma_wait3A_100] : memref<2x128x128xf32, #tpu.memory_space<vmem>> -> memref<1x128x128xf32, #tpu.memory_space<vmem>>
      %dma_wait3A_102 = tpu.memref_squeeze %dma_wait3A_101 : memref<1x128x128xf32, #tpu.memory_space<vmem>> -> memref<128x128xf32, #tpu.memory_space<vmem>>
      %dma_wait3A_103 = tpu.memref_slice %arg5[%mul3A_55] : memref<2048xi32, #tpu.memory_space<vmem>> -> memref<128xi32, #tpu.memory_space<vmem>>
      %dma_wait3A_104 = arith.constant 0 : i32
      %dma_wait3A_105 = arith.constant 0 : i32
      %dma_wait3A_106 = tpu.memref_slice %arg2[%dma_wait3A_104, %dma_wait3A_105] : memref<4096x128xf32, #tpu.memory_space<hbm>> -> memref<4096x128xf32, #tpu.memory_space<hbm>>
      tpu.wait_indirect_dma semaphore(%arg8 : memref<!tpu.dma_semaphore, #tpu.memory_space<semaphore_mem>>) src(%dma_wait3A_106 : memref<4096x128xf32, #tpu.memory_space<hbm>>) dst(%dma_wait3A_102 : memref<128x128xf32, #tpu.memory_space<vmem>>)
      %mul3A_107 = arith.constant 128 : i32
      %mul3A_108 = arith.muli %add3A_97, %mul3A_107 : i32
      %add3A_109 = arith.addi %mul3A_2, %mul3A_108 : i32
      %dma_start3A_110 = arith.constant 1 : i32
      %dma_start3A_111 = arith.constant 0 : i32
      %dma_start3A_112 = arith.constant 0 : i32
      %dma_start3A_113 = tpu.memref_slice %arg6[%dma_start3A_110, %dma_start3A_111, %dma_start3A_112] : memref<2x128x128xf32, #tpu.memory_space<vmem>> -> memref<1x128x128xf32, #tpu.memory_space<vmem>>
      %dma_start3A_114 = tpu.memref_squeeze %dma_start3A_113 : memref<1x128x128xf32, #tpu.memory_space<vmem>> -> memref<128x128xf32, #tpu.memory_space<vmem>>
      %dma_start3A_115 = arith.constant 0 : i32
      %dma_start3A_116 = tpu.memref_slice %arg4[%add3A_109, %dma_start3A_115] : memref<65536x128xf32, #tpu.memory_space<hbm>> -> memref<128x128xf32, #tpu.memory_space<hbm>>
      %dma_start3A_117 = arith.constant 0 : i32
      %dma_start3A_118 = tpu.memref_slice %arg4[%add3A_109, %dma_start3A_117] : memref<65536x128xf32, #tpu.memory_space<hbm>> -> memref<128x128xf32, #tpu.memory_space<hbm>>
      %dma_start3A_119 = arith.constant 0 : i32
      %dma_start3A_120 = arith.constant 0 : i32
      %dma_start3A_121 = tpu.memref_slice %arg6[%dma_start3A_110, %dma_start3A_119, %dma_start3A_120] : memref<2x128x128xf32, #tpu.memory_space<vmem>> -> memref<1x128x128xf32, #tpu.memory_space<vmem>>
      %dma_start3A_122 = tpu.memref_squeeze %dma_start3A_121 : memref<1x128x128xf32, #tpu.memory_space<vmem>> -> memref<128x128xf32, #tpu.memory_space<vmem>>
      tpu.enqueue_dma source(%dma_start3A_122 : memref<128x128xf32, #tpu.memory_space<vmem>>) target(%dma_start3A_118 : memref<128x128xf32, #tpu.memory_space<hbm>>) target_semaphore(%arg10 : memref<!tpu.dma_semaphore, #tpu.memory_space<semaphore_mem>>)
    }
    %scan3A_7 = arith.constant 8 : i32
    %dma_wait3A = arith.constant 0 : i32
    %dma_wait3A_8 = arith.constant 0 : i32
    %dma_wait3A_9 = arith.constant 0 : i32
    %dma_wait3A_10 = tpu.memref_slice %arg6[%dma_wait3A, %dma_wait3A_8, %dma_wait3A_9] : memref<2x128x128xf32, #tpu.memory_space<vmem>> -> memref<1x128x128xf32, #tpu.memory_space<vmem>>
    %dma_wait3A_11 = tpu.memref_squeeze %dma_wait3A_10 : memref<1x128x128xf32, #tpu.memory_space<vmem>> -> memref<128x128xf32, #tpu.memory_space<vmem>>
    %dma_wait3A_12 = arith.constant 0 : i32
    %dma_wait3A_13 = tpu.memref_slice %arg4[%mul3A_2, %dma_wait3A_12] : memref<65536x128xf32, #tpu.memory_space<hbm>> -> memref<128x128xf32, #tpu.memory_space<hbm>>
    %dma_wait3A_14 = arith.constant 0 : i32
    %dma_wait3A_15 = tpu.memref_slice %arg4[%mul3A_2, %dma_wait3A_14] : memref<65536x128xf32, #tpu.memory_space<hbm>> -> memref<128x128xf32, #tpu.memory_space<hbm>>
    %dma_wait3A_16 = arith.constant 0 : i32
    %dma_wait3A_17 = arith.constant 0 : i32
    %dma_wait3A_18 = tpu.memref_slice %arg6[%dma_wait3A, %dma_wait3A_16, %dma_wait3A_17] : memref<2x128x128xf32, #tpu.memory_space<vmem>> -> memref<1x128x128xf32, #tpu.memory_space<vmem>>
    %dma_wait3A_19 = tpu.memref_squeeze %dma_wait3A_18 : memref<1x128x128xf32, #tpu.memory_space<vmem>> -> memref<128x128xf32, #tpu.memory_space<vmem>>
    tpu.wait_dma2 semaphore(%arg9 : memref<!tpu.dma_semaphore, #tpu.memory_space<semaphore_mem>>) src(%dma_wait3A_19 : memref<128x128xf32, #tpu.memory_space<vmem>>) dst(%dma_wait3A_15 : memref<128x128xf32, #tpu.memory_space<hbm>>)
    %dma_wait3A_20 = arith.constant 1 : i32
    %dma_wait3A_21 = arith.constant 0 : i32
    %dma_wait3A_22 = arith.constant 0 : i32
    %dma_wait3A_23 = tpu.memref_slice %arg6[%dma_wait3A_20, %dma_wait3A_21, %dma_wait3A_22] : memref<2x128x128xf32, #tpu.memory_space<vmem>> -> memref<1x128x128xf32, #tpu.memory_space<vmem>>
    %dma_wait3A_24 = tpu.memref_squeeze %dma_wait3A_23 : memref<1x128x128xf32, #tpu.memory_space<vmem>> -> memref<128x128xf32, #tpu.memory_space<vmem>>
    %dma_wait3A_25 = arith.constant 0 : i32
    %dma_wait3A_26 = tpu.memref_slice %arg4[%mul3A_2, %dma_wait3A_25] : memref<65536x128xf32, #tpu.memory_space<hbm>> -> memref<128x128xf32, #tpu.memory_space<hbm>>
    %dma_wait3A_27 = arith.constant 0 : i32
    %dma_wait3A_28 = tpu.memref_slice %arg4[%mul3A_2, %dma_wait3A_27] : memref<65536x128xf32, #tpu.memory_space<hbm>> -> memref<128x128xf32, #tpu.memory_space<hbm>>
    %dma_wait3A_29 = arith.constant 0 : i32
    %dma_wait3A_30 = arith.constant 0 : i32
    %dma_wait3A_31 = tpu.memref_slice %arg6[%dma_wait3A_20, %dma_wait3A_29, %dma_wait3A_30] : memref<2x128x128xf32, #tpu.memory_space<vmem>> -> memref<1x128x128xf32, #tpu.memory_space<vmem>>
    %dma_wait3A_32 = tpu.memref_squeeze %dma_wait3A_31 : memref<1x128x128xf32, #tpu.memory_space<vmem>> -> memref<128x128xf32, #tpu.memory_space<vmem>>
    tpu.wait_dma2 semaphore(%arg10 : memref<!tpu.dma_semaphore, #tpu.memory_space<semaphore_mem>>) src(%dma_wait3A_32 : memref<128x128xf32, #tpu.memory_space<vmem>>) dst(%dma_wait3A_28 : memref<128x128xf32, #tpu.memory_space<hbm>>)
    return
  }
}

module attributes {stable_mosaic.version = 14 : i64} {
  func.func @_proj_topk_body(%arg0: i32, %arg1: memref<1x128x128xf32, #tpu.memory_space<vmem>>, %arg2: memref<1x128x8xf32, #tpu.memory_space<vmem>>, %arg3: memref<1x8x4096xf32, #tpu.memory_space<vmem>>, %arg4: memref<128x32xf32, #tpu.memory_space<vmem>>, %arg5: memref<1x32xf32, #tpu.memory_space<vmem>>, %arg6: memref<32x96xf32, #tpu.memory_space<vmem>>, %arg7: memref<1x96xf32, #tpu.memory_space<vmem>>, %arg8: memref<1x128x32xf32, #tpu.memory_space<vmem>>, %arg9: memref<1x128x128xf32, #tpu.memory_space<vmem>>, %arg10: memref<1x16x128xi32, #tpu.memory_space<vmem>>) attributes {dimension_semantics = [#tpu.dimension_semantics<arbitrary>], iteration_bounds = array<i64: 32>, scalar_prefetch = 0 : i64, scratch_operands = 0 : i64, tpu.core_type = #tpu.core_type<tc>, window_params = [{transform_indices = @transform_0, window_bounds = array<i64: 1, 128, 128>}, {transform_indices = @transform_1, window_bounds = array<i64: 1, 128, 8>}, {transform_indices = @transform_2, window_bounds = array<i64: 1, 8, 4096>}, {pipeline_mode = #tpu.pipeline_mode<synchronous>, transform_indices = @transform_3, window_bounds = array<i64: 128, 32>}, {pipeline_mode = #tpu.pipeline_mode<synchronous>, transform_indices = @transform_4, window_bounds = array<i64: 1, 32>}, {pipeline_mode = #tpu.pipeline_mode<synchronous>, transform_indices = @transform_5, window_bounds = array<i64: 32, 96>}, {pipeline_mode = #tpu.pipeline_mode<synchronous>, transform_indices = @transform_6, window_bounds = array<i64: 1, 96>}, {transform_indices = @transform_7, window_bounds = array<i64: 1, 128, 32>}, {transform_indices = @transform_8, window_bounds = array<i64: 1, 128, 128>}, {transform_indices = @transform_9, window_bounds = array<i64: 1, 16, 128>}]} {
    %get3A = arith.constant 0 : index
    %get3A_0 = arith.constant 0 : index
    %get3A_1 = arith.constant 0 : index
    %get3A_2 = vector.load %arg1[%get3A, %get3A_0, %get3A_1] : memref<1x128x128xf32, #tpu.memory_space<vmem>>, vector<1x128x128xf32>
    %get3A_3 = vector.shape_cast %get3A_2 : vector<1x128x128xf32> to vector<128x128xf32>
    %get3A_4 = arith.constant 0 : index
    %get3A_5 = arith.constant 0 : index
    %get3A_6 = arith.constant 0 : index
    %get3A_7 = vector.load %arg2[%get3A_4, %get3A_5, %get3A_6] : memref<1x128x8xf32, #tpu.memory_space<vmem>>, vector<1x128x8xf32>
    %get3A_8 = vector.shape_cast %get3A_7 : vector<1x128x8xf32> to vector<128x8xf32>
    %get3A_9 = arith.constant 0 : index
    %get3A_10 = arith.constant 0 : index
    %get3A_11 = arith.constant 0 : index
    %get3A_12 = vector.load %arg3[%get3A_9, %get3A_10, %get3A_11] : memref<1x8x4096xf32, #tpu.memory_space<vmem>>, vector<1x8x4096xf32>
    %get3A_13 = vector.shape_cast %get3A_12 : vector<1x8x4096xf32> to vector<8x4096xf32>
    %get3A_14 = arith.constant 0 : index
    %get3A_15 = arith.constant 0 : index
    %get3A_16 = vector.load %arg4[%get3A_14, %get3A_15] : memref<128x32xf32, #tpu.memory_space<vmem>>, vector<128x32xf32>
    %dot_general3A = arith.constant dense<0.000000e+00> : vector<128x32xf32>
    %dot_general3A_17 = tpu.matmul %get3A_3, %get3A_16, %dot_general3A {dimension_numbers = #tpu.dot_dimension_numbers<[1], [0], [0], [1], [0, 0, 1, 1], [], []>, transpose_lhs_hint = false} : vector<128x128xf32>, vector<128x32xf32>, vector<128x32xf32> -> vector<128x32xf32>
    %get3A_18 = arith.constant 0 : index
    %get3A_19 = arith.constant 0 : index
    %get3A_20 = vector.load %arg5[%get3A_18, %get3A_19] : memref<1x32xf32, #tpu.memory_space<vmem>>, vector<1x32xf32>
    %add3A = vector.broadcast %get3A_20 : vector<1x32xf32> to vector<128x32xf32>
    %add3A_21 = arith.addf %dot_general3A_17, %add3A : vector<128x32xf32>
    %get3A_22 = arith.constant 0 : index
    %get3A_23 = arith.constant 0 : index
    %get3A_24 = vector.load %arg6[%get3A_22, %get3A_23] : memref<32x96xf32, #tpu.memory_space<vmem>>, vector<32x96xf32>
    %dot_general3A_25 = arith.constant dense<0.000000e+00> : vector<128x96xf32>
    %dot_general3A_26 = tpu.matmul %add3A_21, %get3A_24, %dot_general3A_25 {dimension_numbers = #tpu.dot_dimension_numbers<[1], [0], [0], [1], [0, 0, 1, 1], [], []>, transpose_lhs_hint = false} : vector<128x32xf32>, vector<32x96xf32>, vector<128x96xf32> -> vector<128x96xf32>
    %get3A_27 = arith.constant 0 : index
    %get3A_28 = arith.constant 0 : index
    %get3A_29 = vector.load %arg7[%get3A_27, %get3A_28] : memref<1x96xf32, #tpu.memory_space<vmem>>, vector<1x96xf32>
    %add3A_30 = vector.broadcast %get3A_29 : vector<1x96xf32> to vector<128x96xf32>
    %add3A_31 = arith.addf %dot_general3A_26, %add3A_30 : vector<128x96xf32>
    %slice3A = vector.extract_strided_slice %add3A_31 {offsets = [0, 64], sizes = [128, 32], strides = [1, 1]} : vector<128x96xf32> to vector<128x32xf32>
    %swap3A = arith.constant 0 : index
    %swap3A_32 = arith.constant 0 : index
    %swap3A_33 = arith.constant 0 : index
    %swap3A_34 = vector.load %arg8[%swap3A, %swap3A_32, %swap3A_33] : memref<1x128x32xf32, #tpu.memory_space<vmem>>, vector<1x128x32xf32>
    %swap3A_35 = vector.shape_cast %swap3A_34 : vector<1x128x32xf32> to vector<128x32xf32>
    %swap3A_36 = vector.shape_cast %slice3A : vector<128x32xf32> to vector<1x128x32xf32>
    tpu.vector_store %arg8[%swap3A, %swap3A_32, %swap3A_33], %swap3A_36 {strides = array<i32>} : memref<1x128x32xf32, #tpu.memory_space<vmem>>, vector<1x128x32xf32>,
    %slice3A_37 = vector.extract_strided_slice %add3A_31 {offsets = [0, 0], sizes = [128, 64], strides = [1, 1]} : vector<128x96xf32> to vector<128x64xf32>
    %broadcast_in_dim3A = arith.constant 0.000000e+00 : f32
    %broadcast_in_dim3A_38 = vector.broadcast %broadcast_in_dim3A : f32 to vector<128x56xf32>
    %concatenate3A = tpu.concatenate %slice3A_37, %get3A_8, %broadcast_in_dim3A_38 in 1 : vector<128x64xf32>, vector<128x8xf32>, vector<128x56xf32> -> vector<128x128xf32>
    %swap3A_39 = arith.constant 0 : index
    %swap3A_40 = arith.constant 0 : index
    %swap3A_41 = arith.constant 0 : index
    %swap3A_42 = vector.load %arg9[%swap3A_39, %swap3A_40, %swap3A_41] : memref<1x128x128xf32, #tpu.memory_space<vmem>>, vector<1x128x128xf32>
    %swap3A_43 = vector.shape_cast %swap3A_42 : vector<1x128x128xf32> to vector<128x128xf32>
    %swap3A_44 = vector.shape_cast %concatenate3A : vector<128x128xf32> to vector<1x128x128xf32>
    tpu.vector_store %arg9[%swap3A_39, %swap3A_40, %swap3A_41], %swap3A_44 {strides = array<i32>} : memref<1x128x128xf32, #tpu.memory_space<vmem>>, vector<1x128x128xf32>,
    %mul3A = arith.mulf %get3A_13, %get3A_13 : vector<8x4096xf32>
    %reduce_sum3A = arith.constant dense<0.000000e+00> : vector<4096xf32>
    %reduce_sum3A_45 = vector.multi_reduction <add>, %mul3A, %reduce_sum3A [0] : vector<8x4096xf32> to vector<4096xf32>
    %broadcast_in_dim3A_46 = vector.shape_cast %reduce_sum3A_45 : vector<4096xf32> to vector<1x4096xf32>
    %mul3A_47 = arith.mulf %get3A_8, %get3A_8 : vector<128x8xf32>
    %reduce_sum3A_48 = arith.constant dense<0.000000e+00> : vector<128xf32>
    %reduce_sum3A_49 = vector.multi_reduction <add>, %mul3A_47, %reduce_sum3A_48 [1] : vector<128x8xf32> to vector<128xf32>
    %broadcast_in_dim3A_50 = vector.shape_cast %reduce_sum3A_49 : vector<128xf32> to vector<128x1xf32>
    %dot_general3A_51 = arith.constant dense<0.000000e+00> : vector<128x4096xf32>
    %dot_general3A_52 = tpu.matmul %get3A_8, %get3A_13, %dot_general3A_51 {dimension_numbers = #tpu.dot_dimension_numbers<[1], [0], [0], [1], [0, 0, 1, 1], [], []>, transpose_lhs_hint = false} : vector<128x8xf32>, vector<8x4096xf32>, vector<128x4096xf32> -> vector<128x4096xf32>
    %add3A_53 = vector.broadcast %broadcast_in_dim3A_50 : vector<128x1xf32> to vector<128x4096xf32>
    %add3A_54 = vector.broadcast %broadcast_in_dim3A_46 : vector<1x4096xf32> to vector<128x4096xf32>
    %add3A_55 = arith.addf %add3A_53, %add3A_54 : vector<128x4096xf32>
    %mul3A_56 = arith.constant 2.000000e+00 : f32
    %mul3A_57 = vector.broadcast %mul3A_56 : f32 to vector<128x4096xf32>
    %mul3A_58 = arith.mulf %mul3A_57, %dot_general3A_52 : vector<128x4096xf32>
    %sub3A = arith.subf %add3A_55, %mul3A_58 : vector<128x4096xf32>
    %slice3A_59 = vector.extract_strided_slice %sub3A {offsets = [0, 0], sizes = [128, 256], strides = [1, 1]} : vector<128x4096xf32> to vector<128x256xf32>
    %max3A = arith.constant 0.000000e+00 : f32
    %max3A_60 = vector.broadcast %max3A : f32 to vector<128x256xf32>
    %max3A_61 = arith.maximumf %slice3A_59, %max3A_60 : vector<128x256xf32>
    %bitcast_convert_type3A = tpu.bitcast %max3A_61 : vector<128x256xf32> -> vector<128x256xi32>
    %and3A = arith.constant -16 : i32
    %and3A_62 = vector.broadcast %and3A : i32 to vector<128x256xi32>
    %and3A_63 = arith.andi %bitcast_convert_type3A, %and3A_62 : vector<128x256xi32>
    %add3A_64 = arith.constant 8388608 : i32
    %add3A_65 = vector.broadcast %add3A_64 : i32 to vector<128x256xi32>
    %add3A_66 = arith.addi %and3A_63, %add3A_65 : vector<128x256xi32>
    %or3A = arith.constant 0 : i32
    %or3A_67 = vector.broadcast %or3A : i32 to vector<128x256xi32>
    %or3A_68 = arith.ori %add3A_66, %or3A_67 : vector<128x256xi32>
    %bitcast_convert_type3A_69 = tpu.bitcast %or3A_68 : vector<128x256xi32> -> vector<128x256xf32>
    %broadcast_in_dim3A_70 = arith.constant 0x7F800000 : f32
    %broadcast_in_dim3A_71 = vector.broadcast %broadcast_in_dim3A_70 : f32 to vector<128x256xf32>
    %broadcast_in_dim3A_72 = arith.constant 0x7F800000 : f32
    %broadcast_in_dim3A_73 = vector.broadcast %broadcast_in_dim3A_72 : f32 to vector<128x256xf32>
    %slice3A_74 = vector.extract_strided_slice %sub3A {offsets = [0, 256], sizes = [128, 256], strides = [1, 1]} : vector<128x4096xf32> to vector<128x256xf32>
    %max3A_75 = arith.constant 0.000000e+00 : f32
    %max3A_76 = vector.broadcast %max3A_75 : f32 to vector<128x256xf32>
    %max3A_77 = arith.maximumf %slice3A_74, %max3A_76 : vector<128x256xf32>
    %bitcast_convert_type3A_78 = tpu.bitcast %max3A_77 : vector<128x256xf32> -> vector<128x256xi32>
    %and3A_79 = arith.constant -16 : i32
    %and3A_80 = vector.broadcast %and3A_79 : i32 to vector<128x256xi32>
    %and3A_81 = arith.andi %bitcast_convert_type3A_78, %and3A_80 : vector<128x256xi32>
    %add3A_82 = arith.constant 8388608 : i32
    %add3A_83 = vector.broadcast %add3A_82 : i32 to vector<128x256xi32>
    %add3A_84 = arith.addi %and3A_81, %add3A_83 : vector<128x256xi32>
    %or3A_85 = arith.constant 1 : i32
    %or3A_86 = vector.broadcast %or3A_85 : i32 to vector<128x256xi32>
    %or3A_87 = arith.ori %add3A_84, %or3A_86 : vector<128x256xi32>
    %bitcast_convert_type3A_88 = tpu.bitcast %or3A_87 : vector<128x256xi32> -> vector<128x256xf32>
    %max3A_89 = arith.maximumf %bitcast_convert_type3A_69, %bitcast_convert_type3A_88 : vector<128x256xf32>
    %min3A = arith.minimumf %bitcast_convert_type3A_69, %bitcast_convert_type3A_88 : vector<128x256xf32>
    %max3A_90 = arith.maximumf %broadcast_in_dim3A_71, %max3A_89 : vector<128x256xf32>
    %min3A_91 = arith.minimumf %broadcast_in_dim3A_71, %max3A_89 : vector<128x256xf32>
    %min3A_92 = arith.minimumf %broadcast_in_dim3A_73, %max3A_90 : vector<128x256xf32>
    %slice3A_93 = vector.extract_strided_slice %sub3A {offsets = [0, 512], sizes = [128, 256], strides = [1, 1]} : vector<128x4096xf32> to vector<128x256xf32>
    %max3A_94 = arith.constant 0.000000e+00 : f32
    %max3A_95 = vector.broadcast %max3A_94 : f32 to vector<128x256xf32>
    %max3A_96 = arith.maximumf %slice3A_93, %max3A_95 : vector<128x256xf32>
    %bitcast_convert_type3A_97 = tpu.bitcast %max3A_96 : vector<128x256xf32> -> vector<128x256xi32>
    %and3A_98 = arith.constant -16 : i32
    %and3A_99 = vector.broadcast %and3A_98 : i32 to vector<128x256xi32>
    %and3A_100 = arith.andi %bitcast_convert_type3A_97, %and3A_99 : vector<128x256xi32>
    %add3A_101 = arith.constant 8388608 : i32
    %add3A_102 = vector.broadcast %add3A_101 : i32 to vector<128x256xi32>
    %add3A_103 = arith.addi %and3A_100, %add3A_102 : vector<128x256xi32>
    %or3A_104 = arith.constant 2 : i32
    %or3A_105 = vector.broadcast %or3A_104 : i32 to vector<128x256xi32>
    %or3A_106 = arith.ori %add3A_103, %or3A_105 : vector<128x256xi32>
    %bitcast_convert_type3A_107 = tpu.bitcast %or3A_106 : vector<128x256xi32> -> vector<128x256xf32>
    %max3A_108 = arith.maximumf %min3A, %bitcast_convert_type3A_107 : vector<128x256xf32>
    %min3A_109 = arith.minimumf %min3A, %bitcast_convert_type3A_107 : vector<128x256xf32>
    %max3A_110 = arith.maximumf %min3A_91, %max3A_108 : vector<128x256xf32>
    %min3A_111 = arith.minimumf %min3A_91, %max3A_108 : vector<128x256xf32>
    %min3A_112 = arith.minimumf %min3A_92, %max3A_110 : vector<128x256xf32>
    %slice3A_113 = vector.extract_strided_slice %sub3A {offsets = [0, 768], sizes = [128, 256], strides = [1, 1]} : vector<128x4096xf32> to vector<128x256xf32>
    %max3A_114 = arith.constant 0.000000e+00 : f32
    %max3A_115 = vector.broadcast %max3A_114 : f32 to vector<128x256xf32>
    %max3A_116 = arith.maximumf %slice3A_113, %max3A_115 : vector<128x256xf32>
    %bitcast_convert_type3A_117 = tpu.bitcast %max3A_116 : vector<128x256xf32> -> vector<128x256xi32>
    %and3A_118 = arith.constant -16 : i32
    %and3A_119 = vector.broadcast %and3A_118 : i32 to vector<128x256xi32>
    %and3A_120 = arith.andi %bitcast_convert_type3A_117, %and3A_119 : vector<128x256xi32>
    %add3A_121 = arith.constant 8388608 : i32
    %add3A_122 = vector.broadcast %add3A_121 : i32 to vector<128x256xi32>
    %add3A_123 = arith.addi %and3A_120, %add3A_122 : vector<128x256xi32>
    %or3A_124 = arith.constant 3 : i32
    %or3A_125 = vector.broadcast %or3A_124 : i32 to vector<128x256xi32>
    %or3A_126 = arith.ori %add3A_123, %or3A_125 : vector<128x256xi32>
    %bitcast_convert_type3A_127 = tpu.bitcast %or3A_126 : vector<128x256xi32> -> vector<128x256xf32>
    %max3A_128 = arith.maximumf %min3A_109, %bitcast_convert_type3A_127 : vector<128x256xf32>
    %min3A_129 = arith.minimumf %min3A_109, %bitcast_convert_type3A_127 : vector<128x256xf32>
    %max3A_130 = arith.maximumf %min3A_111, %max3A_128 : vector<128x256xf32>
    %min3A_131 = arith.minimumf %min3A_111, %max3A_128 : vector<128x256xf32>
    %min3A_132 = arith.minimumf %min3A_112, %max3A_130 : vector<128x256xf32>
    %slice3A_133 = vector.extract_strided_slice %sub3A {offsets = [0, 1024], sizes = [128, 256], strides = [1, 1]} : vector<128x4096xf32> to vector<128x256xf32>
    %max3A_134 = arith.constant 0.000000e+00 : f32
    %max3A_135 = vector.broadcast %max3A_134 : f32 to vector<128x256xf32>
    %max3A_136 = arith.maximumf %slice3A_133, %max3A_135 : vector<128x256xf32>
    %bitcast_convert_type3A_137 = tpu.bitcast %max3A_136 : vector<128x256xf32> -> vector<128x256xi32>
    %and3A_138 = arith.constant -16 : i32
    %and3A_139 = vector.broadcast %and3A_138 : i32 to vector<128x256xi32>
    %and3A_140 = arith.andi %bitcast_convert_type3A_137, %and3A_139 : vector<128x256xi32>
    %add3A_141 = arith.constant 8388608 : i32
    %add3A_142 = vector.broadcast %add3A_141 : i32 to vector<128x256xi32>
    %add3A_143 = arith.addi %and3A_140, %add3A_142 : vector<128x256xi32>
    %or3A_144 = arith.constant 4 : i32
    %or3A_145 = vector.broadcast %or3A_144 : i32 to vector<128x256xi32>
    %or3A_146 = arith.ori %add3A_143, %or3A_145 : vector<128x256xi32>
    %bitcast_convert_type3A_147 = tpu.bitcast %or3A_146 : vector<128x256xi32> -> vector<128x256xf32>
    %max3A_148 = arith.maximumf %min3A_129, %bitcast_convert_type3A_147 : vector<128x256xf32>
    %min3A_149 = arith.minimumf %min3A_129, %bitcast_convert_type3A_147 : vector<128x256xf32>
    %max3A_150 = arith.maximumf %min3A_131, %max3A_148 : vector<128x256xf32>
    %min3A_151 = arith.minimumf %min3A_131, %max3A_148 : vector<128x256xf32>
    %min3A_152 = arith.minimumf %min3A_132, %max3A_150 : vector<128x256xf32>
    %slice3A_153 = vector.extract_strided_slice %sub3A {offsets = [0, 1280], sizes = [128, 256], strides = [1, 1]} : vector<128x4096xf32> to vector<128x256xf32>
    %max3A_154 = arith.constant 0.000000e+00 : f32
    %max3A_155 = vector.broadcast %max3A_154 : f32 to vector<128x256xf32>
    %max3A_156 = arith.maximumf %slice3A_153, %max3A_155 : vector<128x256xf32>
    %bitcast_convert_type3A_157 = tpu.bitcast %max3A_156 : vector<128x256xf32> -> vector<128x256xi32>
    %and3A_158 = arith.constant -16 : i32
    %and3A_159 = vector.broadcast %and3A_158 : i32 to vector<128x256xi32>
    %and3A_160 = arith.andi %bitcast_convert_type3A_157, %and3A_159 : vector<128x256xi32>
    %add3A_161 = arith.constant 8388608 : i32
    %add3A_162 = vector.broadcast %add3A_161 : i32 to vector<128x256xi32>
    %add3A_163 = arith.addi %and3A_160, %add3A_162 : vector<128x256xi32>
    %or3A_164 = arith.constant 5 : i32
    %or3A_165 = vector.broadcast %or3A_164 : i32 to vector<128x256xi32>
    %or3A_166 = arith.ori %add3A_163, %or3A_165 : vector<128x256xi32>
    %bitcast_convert_type3A_167 = tpu.bitcast %or3A_166 : vector<128x256xi32> -> vector<128x256xf32>
    %max3A_168 = arith.maximumf %min3A_149, %bitcast_convert_type3A_167 : vector<128x256xf32>
    %min3A_169 = arith.minimumf %min3A_149, %bitcast_convert_type3A_167 : vector<128x256xf32>
    %max3A_170 = arith.maximumf %min3A_151, %max3A_168 : vector<128x256xf32>
    %min3A_171 = arith.minimumf %min3A_151, %max3A_168 : vector<128x256xf32>
    %min3A_172 = arith.minimumf %min3A_152, %max3A_170 : vector<128x256xf32>
    %slice3A_173 = vector.extract_strided_slice %sub3A {offsets = [0, 1536], sizes = [128, 256], strides = [1, 1]} : vector<128x4096xf32> to vector<128x256xf32>
    %max3A_174 = arith.constant 0.000000e+00 : f32
    %max3A_175 = vector.broadcast %max3A_174 : f32 to vector<128x256xf32>
    %max3A_176 = arith.maximumf %slice3A_173, %max3A_175 : vector<128x256xf32>
    %bitcast_convert_type3A_177 = tpu.bitcast %max3A_176 : vector<128x256xf32> -> vector<128x256xi32>
    %and3A_178 = arith.constant -16 : i32
    %and3A_179 = vector.broadcast %and3A_178 : i32 to vector<128x256xi32>
    %and3A_180 = arith.andi %bitcast_convert_type3A_177, %and3A_179 : vector<128x256xi32>
    %add3A_181 = arith.constant 8388608 : i32
    %add3A_182 = vector.broadcast %add3A_181 : i32 to vector<128x256xi32>
    %add3A_183 = arith.addi %and3A_180, %add3A_182 : vector<128x256xi32>
    %or3A_184 = arith.constant 6 : i32
    %or3A_185 = vector.broadcast %or3A_184 : i32 to vector<128x256xi32>
    %or3A_186 = arith.ori %add3A_183, %or3A_185 : vector<128x256xi32>
    %bitcast_convert_type3A_187 = tpu.bitcast %or3A_186 : vector<128x256xi32> -> vector<128x256xf32>
    %max3A_188 = arith.maximumf %min3A_169, %bitcast_convert_type3A_187 : vector<128x256xf32>
    %min3A_189 = arith.minimumf %min3A_169, %bitcast_convert_type3A_187 : vector<128x256xf32>
    %max3A_190 = arith.maximumf %min3A_171, %max3A_188 : vector<128x256xf32>
    %min3A_191 = arith.minimumf %min3A_171, %max3A_188 : vector<128x256xf32>
    %min3A_192 = arith.minimumf %min3A_172, %max3A_190 : vector<128x256xf32>
    %slice3A_193 = vector.extract_strided_slice %sub3A {offsets = [0, 1792], sizes = [128, 256], strides = [1, 1]} : vector<128x4096xf32> to vector<128x256xf32>
    %max3A_194 = arith.constant 0.000000e+00 : f32
    %max3A_195 = vector.broadcast %max3A_194 : f32 to vector<128x256xf32>
    %max3A_196 = arith.maximumf %slice3A_193, %max3A_195 : vector<128x256xf32>
    %bitcast_convert_type3A_197 = tpu.bitcast %max3A_196 : vector<128x256xf32> -> vector<128x256xi32>
    %and3A_198 = arith.constant -16 : i32
    %and3A_199 = vector.broadcast %and3A_198 : i32 to vector<128x256xi32>
    %and3A_200 = arith.andi %bitcast_convert_type3A_197, %and3A_199 : vector<128x256xi32>
    %add3A_201 = arith.constant 8388608 : i32
    %add3A_202 = vector.broadcast %add3A_201 : i32 to vector<128x256xi32>
    %add3A_203 = arith.addi %and3A_200, %add3A_202 : vector<128x256xi32>
    %or3A_204 = arith.constant 7 : i32
    %or3A_205 = vector.broadcast %or3A_204 : i32 to vector<128x256xi32>
    %or3A_206 = arith.ori %add3A_203, %or3A_205 : vector<128x256xi32>
    %bitcast_convert_type3A_207 = tpu.bitcast %or3A_206 : vector<128x256xi32> -> vector<128x256xf32>
    %max3A_208 = arith.maximumf %min3A_189, %bitcast_convert_type3A_207 : vector<128x256xf32>
    %min3A_209 = arith.minimumf %min3A_189, %bitcast_convert_type3A_207 : vector<128x256xf32>
    %max3A_210 = arith.maximumf %min3A_191, %max3A_208 : vector<128x256xf32>
    %min3A_211 = arith.minimumf %min3A_191, %max3A_208 : vector<128x256xf32>
    %min3A_212 = arith.minimumf %min3A_192, %max3A_210 : vector<128x256xf32>
    %slice3A_213 = vector.extract_strided_slice %sub3A {offsets = [0, 2048], sizes = [128, 256], strides = [1, 1]} : vector<128x4096xf32> to vector<128x256xf32>
    %max3A_214 = arith.constant 0.000000e+00 : f32
    %max3A_215 = vector.broadcast %max3A_214 : f32 to vector<128x256xf32>
    %max3A_216 = arith.maximumf %slice3A_213, %max3A_215 : vector<128x256xf32>
    %bitcast_convert_type3A_217 = tpu.bitcast %max3A_216 : vector<128x256xf32> -> vector<128x256xi32>
    %and3A_218 = arith.constant -16 : i32
    %and3A_219 = vector.broadcast %and3A_218 : i32 to vector<128x256xi32>
    %and3A_220 = arith.andi %bitcast_convert_type3A_217, %and3A_219 : vector<128x256xi32>
    %add3A_221 = arith.constant 8388608 : i32
    %add3A_222 = vector.broadcast %add3A_221 : i32 to vector<128x256xi32>
    %add3A_223 = arith.addi %and3A_220, %add3A_222 : vector<128x256xi32>
    %or3A_224 = arith.constant 8 : i32
    %or3A_225 = vector.broadcast %or3A_224 : i32 to vector<128x256xi32>
    %or3A_226 = arith.ori %add3A_223, %or3A_225 : vector<128x256xi32>
    %bitcast_convert_type3A_227 = tpu.bitcast %or3A_226 : vector<128x256xi32> -> vector<128x256xf32>
    %max3A_228 = arith.maximumf %min3A_209, %bitcast_convert_type3A_227 : vector<128x256xf32>
    %min3A_229 = arith.minimumf %min3A_209, %bitcast_convert_type3A_227 : vector<128x256xf32>
    %max3A_230 = arith.maximumf %min3A_211, %max3A_228 : vector<128x256xf32>
    %min3A_231 = arith.minimumf %min3A_211, %max3A_228 : vector<128x256xf32>
    %min3A_232 = arith.minimumf %min3A_212, %max3A_230 : vector<128x256xf32>
    %slice3A_233 = vector.extract_strided_slice %sub3A {offsets = [0, 2304], sizes = [128, 256], strides = [1, 1]} : vector<128x4096xf32> to vector<128x256xf32>
    %max3A_234 = arith.constant 0.000000e+00 : f32
    %max3A_235 = vector.broadcast %max3A_234 : f32 to vector<128x256xf32>
    %max3A_236 = arith.maximumf %slice3A_233, %max3A_235 : vector<128x256xf32>
    %bitcast_convert_type3A_237 = tpu.bitcast %max3A_236 : vector<128x256xf32> -> vector<128x256xi32>
    %and3A_238 = arith.constant -16 : i32
    %and3A_239 = vector.broadcast %and3A_238 : i32 to vector<128x256xi32>
    %and3A_240 = arith.andi %bitcast_convert_type3A_237, %and3A_239 : vector<128x256xi32>
    %add3A_241 = arith.constant 8388608 : i32
    %add3A_242 = vector.broadcast %add3A_241 : i32 to vector<128x256xi32>
    %add3A_243 = arith.addi %and3A_240, %add3A_242 : vector<128x256xi32>
    %or3A_244 = arith.constant 9 : i32
    %or3A_245 = vector.broadcast %or3A_244 : i32 to vector<128x256xi32>
    %or3A_246 = arith.ori %add3A_243, %or3A_245 : vector<128x256xi32>
    %bitcast_convert_type3A_247 = tpu.bitcast %or3A_246 : vector<128x256xi32> -> vector<128x256xf32>
    %max3A_248 = arith.maximumf %min3A_229, %bitcast_convert_type3A_247 : vector<128x256xf32>
    %min3A_249 = arith.minimumf %min3A_229, %bitcast_convert_type3A_247 : vector<128x256xf32>
    %max3A_250 = arith.maximumf %min3A_231, %max3A_248 : vector<128x256xf32>
    %min3A_251 = arith.minimumf %min3A_231, %max3A_248 : vector<128x256xf32>
    %min3A_252 = arith.minimumf %min3A_232, %max3A_250 : vector<128x256xf32>
    %slice3A_253 = vector.extract_strided_slice %sub3A {offsets = [0, 2560], sizes = [128, 256], strides = [1, 1]} : vector<128x4096xf32> to vector<128x256xf32>
    %max3A_254 = arith.constant 0.000000e+00 : f32
    %max3A_255 = vector.broadcast %max3A_254 : f32 to vector<128x256xf32>
    %max3A_256 = arith.maximumf %slice3A_253, %max3A_255 : vector<128x256xf32>
    %bitcast_convert_type3A_257 = tpu.bitcast %max3A_256 : vector<128x256xf32> -> vector<128x256xi32>
    %and3A_258 = arith.constant -16 : i32
    %and3A_259 = vector.broadcast %and3A_258 : i32 to vector<128x256xi32>
    %and3A_260 = arith.andi %bitcast_convert_type3A_257, %and3A_259 : vector<128x256xi32>
    %add3A_261 = arith.constant 8388608 : i32
    %add3A_262 = vector.broadcast %add3A_261 : i32 to vector<128x256xi32>
    %add3A_263 = arith.addi %and3A_260, %add3A_262 : vector<128x256xi32>
    %or3A_264 = arith.constant 10 : i32
    %or3A_265 = vector.broadcast %or3A_264 : i32 to vector<128x256xi32>
    %or3A_266 = arith.ori %add3A_263, %or3A_265 : vector<128x256xi32>
    %bitcast_convert_type3A_267 = tpu.bitcast %or3A_266 : vector<128x256xi32> -> vector<128x256xf32>
    %max3A_268 = arith.maximumf %min3A_249, %bitcast_convert_type3A_267 : vector<128x256xf32>
    %min3A_269 = arith.minimumf %min3A_249, %bitcast_convert_type3A_267 : vector<128x256xf32>
    %max3A_270 = arith.maximumf %min3A_251, %max3A_268 : vector<128x256xf32>
    %min3A_271 = arith.minimumf %min3A_251, %max3A_268 : vector<128x256xf32>
    %min3A_272 = arith.minimumf %min3A_252, %max3A_270 : vector<128x256xf32>
    %slice3A_273 = vector.extract_strided_slice %sub3A {offsets = [0, 2816], sizes = [128, 256], strides = [1, 1]} : vector<128x4096xf32> to vector<128x256xf32>
    %max3A_274 = arith.constant 0.000000e+00 : f32
    %max3A_275 = vector.broadcast %max3A_274 : f32 to vector<128x256xf32>
    %max3A_276 = arith.maximumf %slice3A_273, %max3A_275 : vector<128x256xf32>
    %bitcast_convert_type3A_277 = tpu.bitcast %max3A_276 : vector<128x256xf32> -> vector<128x256xi32>
    %and3A_278 = arith.constant -16 : i32
    %and3A_279 = vector.broadcast %and3A_278 : i32 to vector<128x256xi32>
    %and3A_280 = arith.andi %bitcast_convert_type3A_277, %and3A_279 : vector<128x256xi32>
    %add3A_281 = arith.constant 8388608 : i32
    %add3A_282 = vector.broadcast %add3A_281 : i32 to vector<128x256xi32>
    %add3A_283 = arith.addi %and3A_280, %add3A_282 : vector<128x256xi32>
    %or3A_284 = arith.constant 11 : i32
    %or3A_285 = vector.broadcast %or3A_284 : i32 to vector<128x256xi32>
    %or3A_286 = arith.ori %add3A_283, %or3A_285 : vector<128x256xi32>
    %bitcast_convert_type3A_287 = tpu.bitcast %or3A_286 : vector<128x256xi32> -> vector<128x256xf32>
    %max3A_288 = arith.maximumf %min3A_269, %bitcast_convert_type3A_287 : vector<128x256xf32>
    %min3A_289 = arith.minimumf %min3A_269, %bitcast_convert_type3A_287 : vector<128x256xf32>
    %max3A_290 = arith.maximumf %min3A_271, %max3A_288 : vector<128x256xf32>
    %min3A_291 = arith.minimumf %min3A_271, %max3A_288 : vector<128x256xf32>
    %min3A_292 = arith.minimumf %min3A_272, %max3A_290 : vector<128x256xf32>
    %slice3A_293 = vector.extract_strided_slice %sub3A {offsets = [0, 3072], sizes = [128, 256], strides = [1, 1]} : vector<128x4096xf32> to vector<128x256xf32>
    %max3A_294 = arith.constant 0.000000e+00 : f32
    %max3A_295 = vector.broadcast %max3A_294 : f32 to vector<128x256xf32>
    %max3A_296 = arith.maximumf %slice3A_293, %max3A_295 : vector<128x256xf32>
    %bitcast_convert_type3A_297 = tpu.bitcast %max3A_296 : vector<128x256xf32> -> vector<128x256xi32>
    %and3A_298 = arith.constant -16 : i32
    %and3A_299 = vector.broadcast %and3A_298 : i32 to vector<128x256xi32>
    %and3A_300 = arith.andi %bitcast_convert_type3A_297, %and3A_299 : vector<128x256xi32>
    %add3A_301 = arith.constant 8388608 : i32
    %add3A_302 = vector.broadcast %add3A_301 : i32 to vector<128x256xi32>
    %add3A_303 = arith.addi %and3A_300, %add3A_302 : vector<128x256xi32>
    %or3A_304 = arith.constant 12 : i32
    %or3A_305 = vector.broadcast %or3A_304 : i32 to vector<128x256xi32>
    %or3A_306 = arith.ori %add3A_303, %or3A_305 : vector<128x256xi32>
    %bitcast_convert_type3A_307 = tpu.bitcast %or3A_306 : vector<128x256xi32> -> vector<128x256xf32>
    %max3A_308 = arith.maximumf %min3A_289, %bitcast_convert_type3A_307 : vector<128x256xf32>
    %min3A_309 = arith.minimumf %min3A_289, %bitcast_convert_type3A_307 : vector<128x256xf32>
    %max3A_310 = arith.maximumf %min3A_291, %max3A_308 : vector<128x256xf32>
    %min3A_311 = arith.minimumf %min3A_291, %max3A_308 : vector<128x256xf32>
    %min3A_312 = arith.minimumf %min3A_292, %max3A_310 : vector<128x256xf32>
    %slice3A_313 = vector.extract_strided_slice %sub3A {offsets = [0, 3328], sizes = [128, 256], strides = [1, 1]} : vector<128x4096xf32> to vector<128x256xf32>
    %max3A_314 = arith.constant 0.000000e+00 : f32
    %max3A_315 = vector.broadcast %max3A_314 : f32 to vector<128x256xf32>
    %max3A_316 = arith.maximumf %slice3A_313, %max3A_315 : vector<128x256xf32>
    %bitcast_convert_type3A_317 = tpu.bitcast %max3A_316 : vector<128x256xf32> -> vector<128x256xi32>
    %and3A_318 = arith.constant -16 : i32
    %and3A_319 = vector.broadcast %and3A_318 : i32 to vector<128x256xi32>
    %and3A_320 = arith.andi %bitcast_convert_type3A_317, %and3A_319 : vector<128x256xi32>
    %add3A_321 = arith.constant 8388608 : i32
    %add3A_322 = vector.broadcast %add3A_321 : i32 to vector<128x256xi32>
    %add3A_323 = arith.addi %and3A_320, %add3A_322 : vector<128x256xi32>
    %or3A_324 = arith.constant 13 : i32
    %or3A_325 = vector.broadcast %or3A_324 : i32 to vector<128x256xi32>
    %or3A_326 = arith.ori %add3A_323, %or3A_325 : vector<128x256xi32>
    %bitcast_convert_type3A_327 = tpu.bitcast %or3A_326 : vector<128x256xi32> -> vector<128x256xf32>
    %max3A_328 = arith.maximumf %min3A_309, %bitcast_convert_type3A_327 : vector<128x256xf32>
    %min3A_329 = arith.minimumf %min3A_309, %bitcast_convert_type3A_327 : vector<128x256xf32>
    %max3A_330 = arith.maximumf %min3A_311, %max3A_328 : vector<128x256xf32>
    %min3A_331 = arith.minimumf %min3A_311, %max3A_328 : vector<128x256xf32>
    %min3A_332 = arith.minimumf %min3A_312, %max3A_330 : vector<128x256xf32>
    %slice3A_333 = vector.extract_strided_slice %sub3A {offsets = [0, 3584], sizes = [128, 256], strides = [1, 1]} : vector<128x4096xf32> to vector<128x256xf32>
    %max3A_334 = arith.constant 0.000000e+00 : f32
    %max3A_335 = vector.broadcast %max3A_334 : f32 to vector<128x256xf32>
    %max3A_336 = arith.maximumf %slice3A_333, %max3A_335 : vector<128x256xf32>
    %bitcast_convert_type3A_337 = tpu.bitcast %max3A_336 : vector<128x256xf32> -> vector<128x256xi32>
    %and3A_338 = arith.constant -16 : i32
    %and3A_339 = vector.broadcast %and3A_338 : i32 to vector<128x256xi32>
    %and3A_340 = arith.andi %bitcast_convert_type3A_337, %and3A_339 : vector<128x256xi32>
    %add3A_341 = arith.constant 8388608 : i32
    %add3A_342 = vector.broadcast %add3A_341 : i32 to vector<128x256xi32>
    %add3A_343 = arith.addi %and3A_340, %add3A_342 : vector<128x256xi32>
    %or3A_344 = arith.constant 14 : i32
    %or3A_345 = vector.broadcast %or3A_344 : i32 to vector<128x256xi32>
    %or3A_346 = arith.ori %add3A_343, %or3A_345 : vector<128x256xi32>
    %bitcast_convert_type3A_347 = tpu.bitcast %or3A_346 : vector<128x256xi32> -> vector<128x256xf32>
    %max3A_348 = arith.maximumf %min3A_329, %bitcast_convert_type3A_347 : vector<128x256xf32>
    %min3A_349 = arith.minimumf %min3A_329, %bitcast_convert_type3A_347 : vector<128x256xf32>
    %max3A_350 = arith.maximumf %min3A_331, %max3A_348 : vector<128x256xf32>
    %min3A_351 = arith.minimumf %min3A_331, %max3A_348 : vector<128x256xf32>
    %min3A_352 = arith.minimumf %min3A_332, %max3A_350 : vector<128x256xf32>
    %slice3A_353 = vector.extract_strided_slice %sub3A {offsets = [0, 3840], sizes = [128, 256], strides = [1, 1]} : vector<128x4096xf32> to vector<128x256xf32>
    %max3A_354 = arith.constant 0.000000e+00 : f32
    %max3A_355 = vector.broadcast %max3A_354 : f32 to vector<128x256xf32>
    %max3A_356 = arith.maximumf %slice3A_353, %max3A_355 : vector<128x256xf32>
    %bitcast_convert_type3A_357 = tpu.bitcast %max3A_356 : vector<128x256xf32> -> vector<128x256xi32>
    %and3A_358 = arith.constant -16 : i32
    %and3A_359 = vector.broadcast %and3A_358 : i32 to vector<128x256xi32>
    %and3A_360 = arith.andi %bitcast_convert_type3A_357, %and3A_359 : vector<128x256xi32>
    %add3A_361 = arith.constant 8388608 : i32
    %add3A_362 = vector.broadcast %add3A_361 : i32 to vector<128x256xi32>
    %add3A_363 = arith.addi %and3A_360, %add3A_362 : vector<128x256xi32>
    %or3A_364 = arith.constant 15 : i32
    %or3A_365 = vector.broadcast %or3A_364 : i32 to vector<128x256xi32>
    %or3A_366 = arith.ori %add3A_363, %or3A_365 : vector<128x256xi32>
    %bitcast_convert_type3A_367 = tpu.bitcast %or3A_366 : vector<128x256xi32> -> vector<128x256xf32>
    %max3A_368 = arith.maximumf %min3A_349, %bitcast_convert_type3A_367 : vector<128x256xf32>
    %min3A_369 = arith.minimumf %min3A_349, %bitcast_convert_type3A_367 : vector<128x256xf32>
    %max3A_370 = arith.maximumf %min3A_351, %max3A_368 : vector<128x256xf32>
    %min3A_371 = arith.minimumf %min3A_351, %max3A_368 : vector<128x256xf32>
    %min3A_372 = arith.minimumf %min3A_352, %max3A_370 : vector<128x256xf32>
    %iota3A = tpu.iota {dimensions = array<i32: 1>} : vector<128x256xi32>
    %convert_element_type3A = arith.sitofp %iota3A : vector<128x256xi32> to vector<128x256xf32>
    %reduce_min3A = arith.constant dense<0x7F800000> : vector<128xf32>
    %reduce_min3A_373 = vector.multi_reduction <minimumf>, %min3A_369, %reduce_min3A [1] : vector<128x256xf32> to vector<128xf32>
    %broadcast_in_dim3A_374 = vector.shape_cast %reduce_min3A_373 : vector<128xf32> to vector<128x1xf32>
    %eq3A = vector.broadcast %broadcast_in_dim3A_374 : vector<128x1xf32> to vector<128x256xf32>
    %eq3A_375 = arith.cmpf oeq, %min3A_369, %eq3A : vector<128x256xf32>
    %jit3A = arith.constant 1.000000e+09 : f32
    %broadcast_in_dim3A_376 = vector.broadcast %jit3A : f32 to vector<128x256xf32>
    %select_n3A = arith.select %eq3A_375, %convert_element_type3A, %broadcast_in_dim3A_376 : vector<128x256xi1>, vector<128x256xf32>
    %reduce_min3A_377 = arith.constant dense<0x7F800000> : vector<128xf32>
    %reduce_min3A_378 = vector.multi_reduction <minimumf>, %select_n3A, %reduce_min3A_377 [1] : vector<128x256xf32> to vector<128xf32>
    %broadcast_in_dim3A_379 = vector.shape_cast %reduce_min3A_378 : vector<128xf32> to vector<128x1xf32>
    %bitcast_convert_type3A_380 = tpu.bitcast %broadcast_in_dim3A_374 : vector<128x1xf32> -> vector<128x1xi32>
    %and3A_381 = arith.constant 15 : i32
    %and3A_382 = vector.broadcast %and3A_381 : i32 to vector<128x1xi32>
    %and3A_383 = arith.andi %bitcast_convert_type3A_380, %and3A_382 : vector<128x1xi32>
    %mul3A_384 = arith.constant 256 : i32
    %mul3A_385 = vector.broadcast %mul3A_384 : i32 to vector<128x1xi32>
    %mul3A_386 = arith.muli %and3A_383, %mul3A_385 : vector<128x1xi32>
    %convert_element_type3A_387 = arith.fptosi %broadcast_in_dim3A_379 : vector<128x1xf32> to vector<128x1xi32>
    %add3A_388 = arith.addi %mul3A_386, %convert_element_type3A_387 : vector<128x1xi32>
    %squeeze3A = vector.shape_cast %add3A_388 : vector<128x1xi32> to vector<128xi32>
    %swap3A_389 = arith.constant 0 : index
    %swap3A_390 = arith.constant 0 : index
    %swap3A_391 = arith.constant 0 : index
    %swap3A_392 = vector.load %arg10[%swap3A_389, %swap3A_390, %swap3A_391] : memref<1x16x128xi32, #tpu.memory_space<vmem>>, vector<1x1x128xi32>
    %swap3A_393 = vector.shape_cast %swap3A_392 : vector<1x1x128xi32> to vector<128xi32>
    %swap3A_394 = vector.shape_cast %squeeze3A : vector<128xi32> to vector<1x1x128xi32>
    tpu.vector_store %arg10[%swap3A_389, %swap3A_390, %swap3A_391], %swap3A_394 {strides = array<i32>} : memref<1x16x128xi32, #tpu.memory_space<vmem>>, vector<1x1x128xi32>,
    %eq3A_395 = vector.broadcast %broadcast_in_dim3A_379 : vector<128x1xf32> to vector<128x256xf32>
    %eq3A_396 = arith.cmpf oeq, %convert_element_type3A, %eq3A_395 : vector<128x256xf32>
    %select_n3A_397 = arith.select %eq3A_396, %min3A_371, %min3A_369 : vector<128x256xi1>, vector<128x256xf32>
    %select_n3A_398 = arith.select %eq3A_396, %min3A_372, %min3A_371 : vector<128x256xi1>, vector<128x256xf32>
    %jit3A_399 = arith.constant 0x7F800000 : f32
    %broadcast_in_dim3A_400 = vector.broadcast %jit3A_399 : f32 to vector<128x256xf32>
    %select_n3A_401 = arith.select %eq3A_396, %broadcast_in_dim3A_400, %min3A_372 : vector<128x256xi1>, vector<128x256xf32>
    %reduce_min3A_402 = arith.constant dense<0x7F800000> : vector<128xf32>
    %reduce_min3A_403 = vector.multi_reduction <minimumf>, %select_n3A_397, %reduce_min3A_402 [1] : vector<128x256xf32> to vector<128xf32>
    %broadcast_in_dim3A_404 = vector.shape_cast %reduce_min3A_403 : vector<128xf32> to vector<128x1xf32>
    %eq3A_405 = vector.broadcast %broadcast_in_dim3A_404 : vector<128x1xf32> to vector<128x256xf32>
    %eq3A_406 = arith.cmpf oeq, %select_n3A_397, %eq3A_405 : vector<128x256xf32>
    %jit3A_407 = arith.constant 1.000000e+09 : f32
    %broadcast_in_dim3A_408 = vector.broadcast %jit3A_407 : f32 to vector<128x256xf32>
    %select_n3A_409 = arith.select %eq3A_406, %convert_element_type3A, %broadcast_in_dim3A_408 : vector<128x256xi1>, vector<128x256xf32>
    %reduce_min3A_410 = arith.constant dense<0x7F800000> : vector<128xf32>
    %reduce_min3A_411 = vector.multi_reduction <minimumf>, %select_n3A_409, %reduce_min3A_410 [1] : vector<128x256xf32> to vector<128xf32>
    %broadcast_in_dim3A_412 = vector.shape_cast %reduce_min3A_411 : vector<128xf32> to vector<128x1xf32>
    %bitcast_convert_type3A_413 = tpu.bitcast %broadcast_in_dim3A_404 : vector<128x1xf32> -> vector<128x1xi32>
    %and3A_414 = arith.constant 15 : i32
    %and3A_415 = vector.broadcast %and3A_414 : i32 to vector<128x1xi32>
    %and3A_416 = arith.andi %bitcast_convert_type3A_413, %and3A_415 : vector<128x1xi32>
    %mul3A_417 = arith.constant 256 : i32
    %mul3A_418 = vector.broadcast %mul3A_417 : i32 to vector<128x1xi32>
    %mul3A_419 = arith.muli %and3A_416, %mul3A_418 : vector<128x1xi32>
    %convert_element_type3A_420 = arith.fptosi %broadcast_in_dim3A_412 : vector<128x1xf32> to vector<128x1xi32>
    %add3A_421 = arith.addi %mul3A_419, %convert_element_type3A_420 : vector<128x1xi32>
    %squeeze3A_422 = vector.shape_cast %add3A_421 : vector<128x1xi32> to vector<128xi32>
    %swap3A_423 = arith.constant 0 : index
    %swap3A_424 = arith.constant 1 : index
    %swap3A_425 = arith.constant 0 : index
    %swap3A_426 = vector.load %arg10[%swap3A_423, %swap3A_424, %swap3A_425] : memref<1x16x128xi32, #tpu.memory_space<vmem>>, vector<1x1x128xi32>
    %swap3A_427 = vector.shape_cast %swap3A_426 : vector<1x1x128xi32> to vector<128xi32>
    %swap3A_428 = vector.shape_cast %squeeze3A_422 : vector<128xi32> to vector<1x1x128xi32>
    tpu.vector_store %arg10[%swap3A_423, %swap3A_424, %swap3A_425], %swap3A_428 {strides = array<i32>} : memref<1x16x128xi32, #tpu.memory_space<vmem>>, vector<1x1x128xi32>,
    %eq3A_429 = vector.broadcast %broadcast_in_dim3A_412 : vector<128x1xf32> to vector<128x256xf32>
    %eq3A_430 = arith.cmpf oeq, %convert_element_type3A, %eq3A_429 : vector<128x256xf32>
    %select_n3A_431 = arith.select %eq3A_430, %select_n3A_398, %select_n3A_397 : vector<128x256xi1>, vector<128x256xf32>
    %select_n3A_432 = arith.select %eq3A_430, %select_n3A_401, %select_n3A_398 : vector<128x256xi1>, vector<128x256xf32>
    %jit3A_433 = arith.constant 0x7F800000 : f32
    %broadcast_in_dim3A_434 = vector.broadcast %jit3A_433 : f32 to vector<128x256xf32>
    %select_n3A_435 = arith.select %eq3A_430, %broadcast_in_dim3A_434, %select_n3A_401 : vector<128x256xi1>, vector<128x256xf32>
    %reduce_min3A_436 = arith.constant dense<0x7F800000> : vector<128xf32>
    %reduce_min3A_437 = vector.multi_reduction <minimumf>, %select_n3A_431, %reduce_min3A_436 [1] : vector<128x256xf32> to vector<128xf32>
    %broadcast_in_dim3A_438 = vector.shape_cast %reduce_min3A_437 : vector<128xf32> to vector<128x1xf32>
    %eq3A_439 = vector.broadcast %broadcast_in_dim3A_438 : vector<128x1xf32> to vector<128x256xf32>
    %eq3A_440 = arith.cmpf oeq, %select_n3A_431, %eq3A_439 : vector<128x256xf32>
    %jit3A_441 = arith.constant 1.000000e+09 : f32
    %broadcast_in_dim3A_442 = vector.broadcast %jit3A_441 : f32 to vector<128x256xf32>
    %select_n3A_443 = arith.select %eq3A_440, %convert_element_type3A, %broadcast_in_dim3A_442 : vector<128x256xi1>, vector<128x256xf32>
    %reduce_min3A_444 = arith.constant dense<0x7F800000> : vector<128xf32>
    %reduce_min3A_445 = vector.multi_reduction <minimumf>, %select_n3A_443, %reduce_min3A_444 [1] : vector<128x256xf32> to vector<128xf32>
    %broadcast_in_dim3A_446 = vector.shape_cast %reduce_min3A_445 : vector<128xf32> to vector<128x1xf32>
    %bitcast_convert_type3A_447 = tpu.bitcast %broadcast_in_dim3A_438 : vector<128x1xf32> -> vector<128x1xi32>
    %and3A_448 = arith.constant 15 : i32
    %and3A_449 = vector.broadcast %and3A_448 : i32 to vector<128x1xi32>
    %and3A_450 = arith.andi %bitcast_convert_type3A_447, %and3A_449 : vector<128x1xi32>
    %mul3A_451 = arith.constant 256 : i32
    %mul3A_452 = vector.broadcast %mul3A_451 : i32 to vector<128x1xi32>
    %mul3A_453 = arith.muli %and3A_450, %mul3A_452 : vector<128x1xi32>
    %convert_element_type3A_454 = arith.fptosi %broadcast_in_dim3A_446 : vector<128x1xf32> to vector<128x1xi32>
    %add3A_455 = arith.addi %mul3A_453, %convert_element_type3A_454 : vector<128x1xi32>
    %squeeze3A_456 = vector.shape_cast %add3A_455 : vector<128x1xi32> to vector<128xi32>
    %swap3A_457 = arith.constant 0 : index
    %swap3A_458 = arith.constant 2 : index
    %swap3A_459 = arith.constant 0 : index
    %swap3A_460 = vector.load %arg10[%swap3A_457, %swap3A_458, %swap3A_459] : memref<1x16x128xi32, #tpu.memory_space<vmem>>, vector<1x1x128xi32>
    %swap3A_461 = vector.shape_cast %swap3A_460 : vector<1x1x128xi32> to vector<128xi32>
    %swap3A_462 = vector.shape_cast %squeeze3A_456 : vector<128xi32> to vector<1x1x128xi32>
    tpu.vector_store %arg10[%swap3A_457, %swap3A_458, %swap3A_459], %swap3A_462 {strides = array<i32>} : memref<1x16x128xi32, #tpu.memory_space<vmem>>, vector<1x1x128xi32>,
    %eq3A_463 = vector.broadcast %broadcast_in_dim3A_446 : vector<128x1xf32> to vector<128x256xf32>
    %eq3A_464 = arith.cmpf oeq, %convert_element_type3A, %eq3A_463 : vector<128x256xf32>
    %select_n3A_465 = arith.select %eq3A_464, %select_n3A_432, %select_n3A_431 : vector<128x256xi1>, vector<128x256xf32>
    %select_n3A_466 = arith.select %eq3A_464, %select_n3A_435, %select_n3A_432 : vector<128x256xi1>, vector<128x256xf32>
    %jit3A_467 = arith.constant 0x7F800000 : f32
    %broadcast_in_dim3A_468 = vector.broadcast %jit3A_467 : f32 to vector<128x256xf32>
    %select_n3A_469 = arith.select %eq3A_464, %broadcast_in_dim3A_468, %select_n3A_435 : vector<128x256xi1>, vector<128x256xf32>
    %reduce_min3A_470 = arith.constant dense<0x7F800000> : vector<128xf32>
    %reduce_min3A_471 = vector.multi_reduction <minimumf>, %select_n3A_465, %reduce_min3A_470 [1] : vector<128x256xf32> to vector<128xf32>
    %broadcast_in_dim3A_472 = vector.shape_cast %reduce_min3A_471 : vector<128xf32> to vector<128x1xf32>
    %eq3A_473 = vector.broadcast %broadcast_in_dim3A_472 : vector<128x1xf32> to vector<128x256xf32>
    %eq3A_474 = arith.cmpf oeq, %select_n3A_465, %eq3A_473 : vector<128x256xf32>
    %jit3A_475 = arith.constant 1.000000e+09 : f32
    %broadcast_in_dim3A_476 = vector.broadcast %jit3A_475 : f32 to vector<128x256xf32>
    %select_n3A_477 = arith.select %eq3A_474, %convert_element_type3A, %broadcast_in_dim3A_476 : vector<128x256xi1>, vector<128x256xf32>
    %reduce_min3A_478 = arith.constant dense<0x7F800000> : vector<128xf32>
    %reduce_min3A_479 = vector.multi_reduction <minimumf>, %select_n3A_477, %reduce_min3A_478 [1] : vector<128x256xf32> to vector<128xf32>
    %broadcast_in_dim3A_480 = vector.shape_cast %reduce_min3A_479 : vector<128xf32> to vector<128x1xf32>
    %bitcast_convert_type3A_481 = tpu.bitcast %broadcast_in_dim3A_472 : vector<128x1xf32> -> vector<128x1xi32>
    %and3A_482 = arith.constant 15 : i32
    %and3A_483 = vector.broadcast %and3A_482 : i32 to vector<128x1xi32>
    %and3A_484 = arith.andi %bitcast_convert_type3A_481, %and3A_483 : vector<128x1xi32>
    %mul3A_485 = arith.constant 256 : i32
    %mul3A_486 = vector.broadcast %mul3A_485 : i32 to vector<128x1xi32>
    %mul3A_487 = arith.muli %and3A_484, %mul3A_486 : vector<128x1xi32>
    %convert_element_type3A_488 = arith.fptosi %broadcast_in_dim3A_480 : vector<128x1xf32> to vector<128x1xi32>
    %add3A_489 = arith.addi %mul3A_487, %convert_element_type3A_488 : vector<128x1xi32>
    %squeeze3A_490 = vector.shape_cast %add3A_489 : vector<128x1xi32> to vector<128xi32>
    %swap3A_491 = arith.constant 0 : index
    %swap3A_492 = arith.constant 3 : index
    %swap3A_493 = arith.constant 0 : index
    %swap3A_494 = vector.load %arg10[%swap3A_491, %swap3A_492, %swap3A_493] : memref<1x16x128xi32, #tpu.memory_space<vmem>>, vector<1x1x128xi32>
    %swap3A_495 = vector.shape_cast %swap3A_494 : vector<1x1x128xi32> to vector<128xi32>
    %swap3A_496 = vector.shape_cast %squeeze3A_490 : vector<128xi32> to vector<1x1x128xi32>
    tpu.vector_store %arg10[%swap3A_491, %swap3A_492, %swap3A_493], %swap3A_496 {strides = array<i32>} : memref<1x16x128xi32, #tpu.memory_space<vmem>>, vector<1x1x128xi32>,
    %eq3A_497 = vector.broadcast %broadcast_in_dim3A_480 : vector<128x1xf32> to vector<128x256xf32>
    %eq3A_498 = arith.cmpf oeq, %convert_element_type3A, %eq3A_497 : vector<128x256xf32>
    %select_n3A_499 = arith.select %eq3A_498, %select_n3A_466, %select_n3A_465 : vector<128x256xi1>, vector<128x256xf32>
    %select_n3A_500 = arith.select %eq3A_498, %select_n3A_469, %select_n3A_466 : vector<128x256xi1>, vector<128x256xf32>
    %jit3A_501 = arith.constant 0x7F800000 : f32
    %broadcast_in_dim3A_502 = vector.broadcast %jit3A_501 : f32 to vector<128x256xf32>
    %select_n3A_503 = arith.select %eq3A_498, %broadcast_in_dim3A_502, %select_n3A_469 : vector<128x256xi1>, vector<128x256xf32>
    %reduce_min3A_504 = arith.constant dense<0x7F800000> : vector<128xf32>
    %reduce_min3A_505 = vector.multi_reduction <minimumf>, %select_n3A_499, %reduce_min3A_504 [1] : vector<128x256xf32> to vector<128xf32>
    %broadcast_in_dim3A_506 = vector.shape_cast %reduce_min3A_505 : vector<128xf32> to vector<128x1xf32>
    %eq3A_507 = vector.broadcast %broadcast_in_dim3A_506 : vector<128x1xf32> to vector<128x256xf32>
    %eq3A_508 = arith.cmpf oeq, %select_n3A_499, %eq3A_507 : vector<128x256xf32>
    %jit3A_509 = arith.constant 1.000000e+09 : f32
    %broadcast_in_dim3A_510 = vector.broadcast %jit3A_509 : f32 to vector<128x256xf32>
    %select_n3A_511 = arith.select %eq3A_508, %convert_element_type3A, %broadcast_in_dim3A_510 : vector<128x256xi1>, vector<128x256xf32>
    %reduce_min3A_512 = arith.constant dense<0x7F800000> : vector<128xf32>
    %reduce_min3A_513 = vector.multi_reduction <minimumf>, %select_n3A_511, %reduce_min3A_512 [1] : vector<128x256xf32> to vector<128xf32>
    %broadcast_in_dim3A_514 = vector.shape_cast %reduce_min3A_513 : vector<128xf32> to vector<128x1xf32>
    %bitcast_convert_type3A_515 = tpu.bitcast %broadcast_in_dim3A_506 : vector<128x1xf32> -> vector<128x1xi32>
    %and3A_516 = arith.constant 15 : i32
    %and3A_517 = vector.broadcast %and3A_516 : i32 to vector<128x1xi32>
    %and3A_518 = arith.andi %bitcast_convert_type3A_515, %and3A_517 : vector<128x1xi32>
    %mul3A_519 = arith.constant 256 : i32
    %mul3A_520 = vector.broadcast %mul3A_519 : i32 to vector<128x1xi32>
    %mul3A_521 = arith.muli %and3A_518, %mul3A_520 : vector<128x1xi32>
    %convert_element_type3A_522 = arith.fptosi %broadcast_in_dim3A_514 : vector<128x1xf32> to vector<128x1xi32>
    %add3A_523 = arith.addi %mul3A_521, %convert_element_type3A_522 : vector<128x1xi32>
    %squeeze3A_524 = vector.shape_cast %add3A_523 : vector<128x1xi32> to vector<128xi32>
    %swap3A_525 = arith.constant 0 : index
    %swap3A_526 = arith.constant 4 : index
    %swap3A_527 = arith.constant 0 : index
    %swap3A_528 = vector.load %arg10[%swap3A_525, %swap3A_526, %swap3A_527] : memref<1x16x128xi32, #tpu.memory_space<vmem>>, vector<1x1x128xi32>
    %swap3A_529 = vector.shape_cast %swap3A_528 : vector<1x1x128xi32> to vector<128xi32>
    %swap3A_530 = vector.shape_cast %squeeze3A_524 : vector<128xi32> to vector<1x1x128xi32>
    tpu.vector_store %arg10[%swap3A_525, %swap3A_526, %swap3A_527], %swap3A_530 {strides = array<i32>} : memref<1x16x128xi32, #tpu.memory_space<vmem>>, vector<1x1x128xi32>,
    %eq3A_531 = vector.broadcast %broadcast_in_dim3A_514 : vector<128x1xf32> to vector<128x256xf32>
    %eq3A_532 = arith.cmpf oeq, %convert_element_type3A, %eq3A_531 : vector<128x256xf32>
    %select_n3A_533 = arith.select %eq3A_532, %select_n3A_500, %select_n3A_499 : vector<128x256xi1>, vector<128x256xf32>
    %select_n3A_534 = arith.select %eq3A_532, %select_n3A_503, %select_n3A_500 : vector<128x256xi1>, vector<128x256xf32>
    %jit3A_535 = arith.constant 0x7F800000 : f32
    %broadcast_in_dim3A_536 = vector.broadcast %jit3A_535 : f32 to vector<128x256xf32>
    %select_n3A_537 = arith.select %eq3A_532, %broadcast_in_dim3A_536, %select_n3A_503 : vector<128x256xi1>, vector<128x256xf32>
    %reduce_min3A_538 = arith.constant dense<0x7F800000> : vector<128xf32>
    %reduce_min3A_539 = vector.multi_reduction <minimumf>, %select_n3A_533, %reduce_min3A_538 [1] : vector<128x256xf32> to vector<128xf32>
    %broadcast_in_dim3A_540 = vector.shape_cast %reduce_min3A_539 : vector<128xf32> to vector<128x1xf32>
    %eq3A_541 = vector.broadcast %broadcast_in_dim3A_540 : vector<128x1xf32> to vector<128x256xf32>
    %eq3A_542 = arith.cmpf oeq, %select_n3A_533, %eq3A_541 : vector<128x256xf32>
    %jit3A_543 = arith.constant 1.000000e+09 : f32
    %broadcast_in_dim3A_544 = vector.broadcast %jit3A_543 : f32 to vector<128x256xf32>
    %select_n3A_545 = arith.select %eq3A_542, %convert_element_type3A, %broadcast_in_dim3A_544 : vector<128x256xi1>, vector<128x256xf32>
    %reduce_min3A_546 = arith.constant dense<0x7F800000> : vector<128xf32>
    %reduce_min3A_547 = vector.multi_reduction <minimumf>, %select_n3A_545, %reduce_min3A_546 [1] : vector<128x256xf32> to vector<128xf32>
    %broadcast_in_dim3A_548 = vector.shape_cast %reduce_min3A_547 : vector<128xf32> to vector<128x1xf32>
    %bitcast_convert_type3A_549 = tpu.bitcast %broadcast_in_dim3A_540 : vector<128x1xf32> -> vector<128x1xi32>
    %and3A_550 = arith.constant 15 : i32
    %and3A_551 = vector.broadcast %and3A_550 : i32 to vector<128x1xi32>
    %and3A_552 = arith.andi %bitcast_convert_type3A_549, %and3A_551 : vector<128x1xi32>
    %mul3A_553 = arith.constant 256 : i32
    %mul3A_554 = vector.broadcast %mul3A_553 : i32 to vector<128x1xi32>
    %mul3A_555 = arith.muli %and3A_552, %mul3A_554 : vector<128x1xi32>
    %convert_element_type3A_556 = arith.fptosi %broadcast_in_dim3A_548 : vector<128x1xf32> to vector<128x1xi32>
    %add3A_557 = arith.addi %mul3A_555, %convert_element_type3A_556 : vector<128x1xi32>
    %squeeze3A_558 = vector.shape_cast %add3A_557 : vector<128x1xi32> to vector<128xi32>
    %swap3A_559 = arith.constant 0 : index
    %swap3A_560 = arith.constant 5 : index
    %swap3A_561 = arith.constant 0 : index
    %swap3A_562 = vector.load %arg10[%swap3A_559, %swap3A_560, %swap3A_561] : memref<1x16x128xi32, #tpu.memory_space<vmem>>, vector<1x1x128xi32>
    %swap3A_563 = vector.shape_cast %swap3A_562 : vector<1x1x128xi32> to vector<128xi32>
    %swap3A_564 = vector.shape_cast %squeeze3A_558 : vector<128xi32> to vector<1x1x128xi32>
    tpu.vector_store %arg10[%swap3A_559, %swap3A_560, %swap3A_561], %swap3A_564 {strides = array<i32>} : memref<1x16x128xi32, #tpu.memory_space<vmem>>, vector<1x1x128xi32>,
    %eq3A_565 = vector.broadcast %broadcast_in_dim3A_548 : vector<128x1xf32> to vector<128x256xf32>
    %eq3A_566 = arith.cmpf oeq, %convert_element_type3A, %eq3A_565 : vector<128x256xf32>
    %select_n3A_567 = arith.select %eq3A_566, %select_n3A_534, %select_n3A_533 : vector<128x256xi1>, vector<128x256xf32>
    %select_n3A_568 = arith.select %eq3A_566, %select_n3A_537, %select_n3A_534 : vector<128x256xi1>, vector<128x256xf32>
    %jit3A_569 = arith.constant 0x7F800000 : f32
    %broadcast_in_dim3A_570 = vector.broadcast %jit3A_569 : f32 to vector<128x256xf32>
    %select_n3A_571 = arith.select %eq3A_566, %broadcast_in_dim3A_570, %select_n3A_537 : vector<128x256xi1>, vector<128x256xf32>
    %reduce_min3A_572 = arith.constant dense<0x7F800000> : vector<128xf32>
    %reduce_min3A_573 = vector.multi_reduction <minimumf>, %select_n3A_567, %reduce_min3A_572 [1] : vector<128x256xf32> to vector<128xf32>
    %broadcast_in_dim3A_574 = vector.shape_cast %reduce_min3A_573 : vector<128xf32> to vector<128x1xf32>
    %eq3A_575 = vector.broadcast %broadcast_in_dim3A_574 : vector<128x1xf32> to vector<128x256xf32>
    %eq3A_576 = arith.cmpf oeq, %select_n3A_567, %eq3A_575 : vector<128x256xf32>
    %jit3A_577 = arith.constant 1.000000e+09 : f32
    %broadcast_in_dim3A_578 = vector.broadcast %jit3A_577 : f32 to vector<128x256xf32>
    %select_n3A_579 = arith.select %eq3A_576, %convert_element_type3A, %broadcast_in_dim3A_578 : vector<128x256xi1>, vector<128x256xf32>
    %reduce_min3A_580 = arith.constant dense<0x7F800000> : vector<128xf32>
    %reduce_min3A_581 = vector.multi_reduction <minimumf>, %select_n3A_579, %reduce_min3A_580 [1] : vector<128x256xf32> to vector<128xf32>
    %broadcast_in_dim3A_582 = vector.shape_cast %reduce_min3A_581 : vector<128xf32> to vector<128x1xf32>
    %bitcast_convert_type3A_583 = tpu.bitcast %broadcast_in_dim3A_574 : vector<128x1xf32> -> vector<128x1xi32>
    %and3A_584 = arith.constant 15 : i32
    %and3A_585 = vector.broadcast %and3A_584 : i32 to vector<128x1xi32>
    %and3A_586 = arith.andi %bitcast_convert_type3A_583, %and3A_585 : vector<128x1xi32>
    %mul3A_587 = arith.constant 256 : i32
    %mul3A_588 = vector.broadcast %mul3A_587 : i32 to vector<128x1xi32>
    %mul3A_589 = arith.muli %and3A_586, %mul3A_588 : vector<128x1xi32>
    %convert_element_type3A_590 = arith.fptosi %broadcast_in_dim3A_582 : vector<128x1xf32> to vector<128x1xi32>
    %add3A_591 = arith.addi %mul3A_589, %convert_element_type3A_590 : vector<128x1xi32>
    %squeeze3A_592 = vector.shape_cast %add3A_591 : vector<128x1xi32> to vector<128xi32>
    %swap3A_593 = arith.constant 0 : index
    %swap3A_594 = arith.constant 6 : index
    %swap3A_595 = arith.constant 0 : index
    %swap3A_596 = vector.load %arg10[%swap3A_593, %swap3A_594, %swap3A_595] : memref<1x16x128xi32, #tpu.memory_space<vmem>>, vector<1x1x128xi32>
    %swap3A_597 = vector.shape_cast %swap3A_596 : vector<1x1x128xi32> to vector<128xi32>
    %swap3A_598 = vector.shape_cast %squeeze3A_592 : vector<128xi32> to vector<1x1x128xi32>
    tpu.vector_store %arg10[%swap3A_593, %swap3A_594, %swap3A_595], %swap3A_598 {strides = array<i32>} : memref<1x16x128xi32, #tpu.memory_space<vmem>>, vector<1x1x128xi32>,
    %eq3A_599 = vector.broadcast %broadcast_in_dim3A_582 : vector<128x1xf32> to vector<128x256xf32>
    %eq3A_600 = arith.cmpf oeq, %convert_element_type3A, %eq3A_599 : vector<128x256xf32>
    %select_n3A_601 = arith.select %eq3A_600, %select_n3A_568, %select_n3A_567 : vector<128x256xi1>, vector<128x256xf32>
    %select_n3A_602 = arith.select %eq3A_600, %select_n3A_571, %select_n3A_568 : vector<128x256xi1>, vector<128x256xf32>
    %jit3A_603 = arith.constant 0x7F800000 : f32
    %broadcast_in_dim3A_604 = vector.broadcast %jit3A_603 : f32 to vector<128x256xf32>
    %select_n3A_605 = arith.select %eq3A_600, %broadcast_in_dim3A_604, %select_n3A_571 : vector<128x256xi1>, vector<128x256xf32>
    %reduce_min3A_606 = arith.constant dense<0x7F800000> : vector<128xf32>
    %reduce_min3A_607 = vector.multi_reduction <minimumf>, %select_n3A_601, %reduce_min3A_606 [1] : vector<128x256xf32> to vector<128xf32>
    %broadcast_in_dim3A_608 = vector.shape_cast %reduce_min3A_607 : vector<128xf32> to vector<128x1xf32>
    %eq3A_609 = vector.broadcast %broadcast_in_dim3A_608 : vector<128x1xf32> to vector<128x256xf32>
    %eq3A_610 = arith.cmpf oeq, %select_n3A_601, %eq3A_609 : vector<128x256xf32>
    %jit3A_611 = arith.constant 1.000000e+09 : f32
    %broadcast_in_dim3A_612 = vector.broadcast %jit3A_611 : f32 to vector<128x256xf32>
    %select_n3A_613 = arith.select %eq3A_610, %convert_element_type3A, %broadcast_in_dim3A_612 : vector<128x256xi1>, vector<128x256xf32>
    %reduce_min3A_614 = arith.constant dense<0x7F800000> : vector<128xf32>
    %reduce_min3A_615 = vector.multi_reduction <minimumf>, %select_n3A_613, %reduce_min3A_614 [1] : vector<128x256xf32> to vector<128xf32>
    %broadcast_in_dim3A_616 = vector.shape_cast %reduce_min3A_615 : vector<128xf32> to vector<128x1xf32>
    %bitcast_convert_type3A_617 = tpu.bitcast %broadcast_in_dim3A_608 : vector<128x1xf32> -> vector<128x1xi32>
    %and3A_618 = arith.constant 15 : i32
    %and3A_619 = vector.broadcast %and3A_618 : i32 to vector<128x1xi32>
    %and3A_620 = arith.andi %bitcast_convert_type3A_617, %and3A_619 : vector<128x1xi32>
    %mul3A_621 = arith.constant 256 : i32
    %mul3A_622 = vector.broadcast %mul3A_621 : i32 to vector<128x1xi32>
    %mul3A_623 = arith.muli %and3A_620, %mul3A_622 : vector<128x1xi32>
    %convert_element_type3A_624 = arith.fptosi %broadcast_in_dim3A_616 : vector<128x1xf32> to vector<128x1xi32>
    %add3A_625 = arith.addi %mul3A_623, %convert_element_type3A_624 : vector<128x1xi32>
    %squeeze3A_626 = vector.shape_cast %add3A_625 : vector<128x1xi32> to vector<128xi32>
    %swap3A_627 = arith.constant 0 : index
    %swap3A_628 = arith.constant 7 : index
    %swap3A_629 = arith.constant 0 : index
    %swap3A_630 = vector.load %arg10[%swap3A_627, %swap3A_628, %swap3A_629] : memref<1x16x128xi32, #tpu.memory_space<vmem>>, vector<1x1x128xi32>
    %swap3A_631 = vector.shape_cast %swap3A_630 : vector<1x1x128xi32> to vector<128xi32>
    %swap3A_632 = vector.shape_cast %squeeze3A_626 : vector<128xi32> to vector<1x1x128xi32>
    tpu.vector_store %arg10[%swap3A_627, %swap3A_628, %swap3A_629], %swap3A_632 {strides = array<i32>} : memref<1x16x128xi32, #tpu.memory_space<vmem>>, vector<1x1x128xi32>,
    %eq3A_633 = vector.broadcast %broadcast_in_dim3A_616 : vector<128x1xf32> to vector<128x256xf32>
    %eq3A_634 = arith.cmpf oeq, %convert_element_type3A, %eq3A_633 : vector<128x256xf32>
    %select_n3A_635 = arith.select %eq3A_634, %select_n3A_602, %select_n3A_601 : vector<128x256xi1>, vector<128x256xf32>
    %select_n3A_636 = arith.select %eq3A_634, %select_n3A_605, %select_n3A_602 : vector<128x256xi1>, vector<128x256xf32>
    %jit3A_637 = arith.constant 0x7F800000 : f32
    %broadcast_in_dim3A_638 = vector.broadcast %jit3A_637 : f32 to vector<128x256xf32>
    %select_n3A_639 = arith.select %eq3A_634, %broadcast_in_dim3A_638, %select_n3A_605 : vector<128x256xi1>, vector<128x256xf32>
    %reduce_min3A_640 = arith.constant dense<0x7F800000> : vector<128xf32>
    %reduce_min3A_641 = vector.multi_reduction <minimumf>, %select_n3A_635, %reduce_min3A_640 [1] : vector<128x256xf32> to vector<128xf32>
    %broadcast_in_dim3A_642 = vector.shape_cast %reduce_min3A_641 : vector<128xf32> to vector<128x1xf32>
    %eq3A_643 = vector.broadcast %broadcast_in_dim3A_642 : vector<128x1xf32> to vector<128x256xf32>
    %eq3A_644 = arith.cmpf oeq, %select_n3A_635, %eq3A_643 : vector<128x256xf32>
    %jit3A_645 = arith.constant 1.000000e+09 : f32
    %broadcast_in_dim3A_646 = vector.broadcast %jit3A_645 : f32 to vector<128x256xf32>
    %select_n3A_647 = arith.select %eq3A_644, %convert_element_type3A, %broadcast_in_dim3A_646 : vector<128x256xi1>, vector<128x256xf32>
    %reduce_min3A_648 = arith.constant dense<0x7F800000> : vector<128xf32>
    %reduce_min3A_649 = vector.multi_reduction <minimumf>, %select_n3A_647, %reduce_min3A_648 [1] : vector<128x256xf32> to vector<128xf32>
    %broadcast_in_dim3A_650 = vector.shape_cast %reduce_min3A_649 : vector<128xf32> to vector<128x1xf32>
    %bitcast_convert_type3A_651 = tpu.bitcast %broadcast_in_dim3A_642 : vector<128x1xf32> -> vector<128x1xi32>
    %and3A_652 = arith.constant 15 : i32
    %and3A_653 = vector.broadcast %and3A_652 : i32 to vector<128x1xi32>
    %and3A_654 = arith.andi %bitcast_convert_type3A_651, %and3A_653 : vector<128x1xi32>
    %mul3A_655 = arith.constant 256 : i32
    %mul3A_656 = vector.broadcast %mul3A_655 : i32 to vector<128x1xi32>
    %mul3A_657 = arith.muli %and3A_654, %mul3A_656 : vector<128x1xi32>
    %convert_element_type3A_658 = arith.fptosi %broadcast_in_dim3A_650 : vector<128x1xf32> to vector<128x1xi32>
    %add3A_659 = arith.addi %mul3A_657, %convert_element_type3A_658 : vector<128x1xi32>
    %squeeze3A_660 = vector.shape_cast %add3A_659 : vector<128x1xi32> to vector<128xi32>
    %swap3A_661 = arith.constant 0 : index
    %swap3A_662 = arith.constant 8 : index
    %swap3A_663 = arith.constant 0 : index
    %swap3A_664 = vector.load %arg10[%swap3A_661, %swap3A_662, %swap3A_663] : memref<1x16x128xi32, #tpu.memory_space<vmem>>, vector<1x1x128xi32>
    %swap3A_665 = vector.shape_cast %swap3A_664 : vector<1x1x128xi32> to vector<128xi32>
    %swap3A_666 = vector.shape_cast %squeeze3A_660 : vector<128xi32> to vector<1x1x128xi32>
    tpu.vector_store %arg10[%swap3A_661, %swap3A_662, %swap3A_663], %swap3A_666 {strides = array<i32>} : memref<1x16x128xi32, #tpu.memory_space<vmem>>, vector<1x1x128xi32>,
    %eq3A_667 = vector.broadcast %broadcast_in_dim3A_650 : vector<128x1xf32> to vector<128x256xf32>
    %eq3A_668 = arith.cmpf oeq, %convert_element_type3A, %eq3A_667 : vector<128x256xf32>
    %select_n3A_669 = arith.select %eq3A_668, %select_n3A_636, %select_n3A_635 : vector<128x256xi1>, vector<128x256xf32>
    %select_n3A_670 = arith.select %eq3A_668, %select_n3A_639, %select_n3A_636 : vector<128x256xi1>, vector<128x256xf32>
    %jit3A_671 = arith.constant 0x7F800000 : f32
    %broadcast_in_dim3A_672 = vector.broadcast %jit3A_671 : f32 to vector<128x256xf32>
    %select_n3A_673 = arith.select %eq3A_668, %broadcast_in_dim3A_672, %select_n3A_639 : vector<128x256xi1>, vector<128x256xf32>
    %reduce_min3A_674 = arith.constant dense<0x7F800000> : vector<128xf32>
    %reduce_min3A_675 = vector.multi_reduction <minimumf>, %select_n3A_669, %reduce_min3A_674 [1] : vector<128x256xf32> to vector<128xf32>
    %broadcast_in_dim3A_676 = vector.shape_cast %reduce_min3A_675 : vector<128xf32> to vector<128x1xf32>
    %eq3A_677 = vector.broadcast %broadcast_in_dim3A_676 : vector<128x1xf32> to vector<128x256xf32>
    %eq3A_678 = arith.cmpf oeq, %select_n3A_669, %eq3A_677 : vector<128x256xf32>
    %jit3A_679 = arith.constant 1.000000e+09 : f32
    %broadcast_in_dim3A_680 = vector.broadcast %jit3A_679 : f32 to vector<128x256xf32>
    %select_n3A_681 = arith.select %eq3A_678, %convert_element_type3A, %broadcast_in_dim3A_680 : vector<128x256xi1>, vector<128x256xf32>
    %reduce_min3A_682 = arith.constant dense<0x7F800000> : vector<128xf32>
    %reduce_min3A_683 = vector.multi_reduction <minimumf>, %select_n3A_681, %reduce_min3A_682 [1] : vector<128x256xf32> to vector<128xf32>
    %broadcast_in_dim3A_684 = vector.shape_cast %reduce_min3A_683 : vector<128xf32> to vector<128x1xf32>
    %bitcast_convert_type3A_685 = tpu.bitcast %broadcast_in_dim3A_676 : vector<128x1xf32> -> vector<128x1xi32>
    %and3A_686 = arith.constant 15 : i32
    %and3A_687 = vector.broadcast %and3A_686 : i32 to vector<128x1xi32>
    %and3A_688 = arith.andi %bitcast_convert_type3A_685, %and3A_687 : vector<128x1xi32>
    %mul3A_689 = arith.constant 256 : i32
    %mul3A_690 = vector.broadcast %mul3A_689 : i32 to vector<128x1xi32>
    %mul3A_691 = arith.muli %and3A_688, %mul3A_690 : vector<128x1xi32>
    %convert_element_type3A_692 = arith.fptosi %broadcast_in_dim3A_684 : vector<128x1xf32> to vector<128x1xi32>
    %add3A_693 = arith.addi %mul3A_691, %convert_element_type3A_692 : vector<128x1xi32>
    %squeeze3A_694 = vector.shape_cast %add3A_693 : vector<128x1xi32> to vector<128xi32>
    %swap3A_695 = arith.constant 0 : index
    %swap3A_696 = arith.constant 9 : index
    %swap3A_697 = arith.constant 0 : index
    %swap3A_698 = vector.load %arg10[%swap3A_695, %swap3A_696, %swap3A_697] : memref<1x16x128xi32, #tpu.memory_space<vmem>>, vector<1x1x128xi32>
    %swap3A_699 = vector.shape_cast %swap3A_698 : vector<1x1x128xi32> to vector<128xi32>
    %swap3A_700 = vector.shape_cast %squeeze3A_694 : vector<128xi32> to vector<1x1x128xi32>
    tpu.vector_store %arg10[%swap3A_695, %swap3A_696, %swap3A_697], %swap3A_700 {strides = array<i32>} : memref<1x16x128xi32, #tpu.memory_space<vmem>>, vector<1x1x128xi32>,
    %eq3A_701 = vector.broadcast %broadcast_in_dim3A_684 : vector<128x1xf32> to vector<128x256xf32>
    %eq3A_702 = arith.cmpf oeq, %convert_element_type3A, %eq3A_701 : vector<128x256xf32>
    %select_n3A_703 = arith.select %eq3A_702, %select_n3A_670, %select_n3A_669 : vector<128x256xi1>, vector<128x256xf32>
    %select_n3A_704 = arith.select %eq3A_702, %select_n3A_673, %select_n3A_670 : vector<128x256xi1>, vector<128x256xf32>
    %jit3A_705 = arith.constant 0x7F800000 : f32
    %broadcast_in_dim3A_706 = vector.broadcast %jit3A_705 : f32 to vector<128x256xf32>
    %select_n3A_707 = arith.select %eq3A_702, %broadcast_in_dim3A_706, %select_n3A_673 : vector<128x256xi1>, vector<128x256xf32>
    %reduce_min3A_708 = arith.constant dense<0x7F800000> : vector<128xf32>
    %reduce_min3A_709 = vector.multi_reduction <minimumf>, %select_n3A_703, %reduce_min3A_708 [1] : vector<128x256xf32> to vector<128xf32>
    %broadcast_in_dim3A_710 = vector.shape_cast %reduce_min3A_709 : vector<128xf32> to vector<128x1xf32>
    %eq3A_711 = vector.broadcast %broadcast_in_dim3A_710 : vector<128x1xf32> to vector<128x256xf32>
    %eq3A_712 = arith.cmpf oeq, %select_n3A_703, %eq3A_711 : vector<128x256xf32>
    %jit3A_713 = arith.constant 1.000000e+09 : f32
    %broadcast_in_dim3A_714 = vector.broadcast %jit3A_713 : f32 to vector<128x256xf32>
    %select_n3A_715 = arith.select %eq3A_712, %convert_element_type3A, %broadcast_in_dim3A_714 : vector<128x256xi1>, vector<128x256xf32>
    %reduce_min3A_716 = arith.constant dense<0x7F800000> : vector<128xf32>
    %reduce_min3A_717 = vector.multi_reduction <minimumf>, %select_n3A_715, %reduce_min3A_716 [1] : vector<128x256xf32> to vector<128xf32>
    %broadcast_in_dim3A_718 = vector.shape_cast %reduce_min3A_717 : vector<128xf32> to vector<128x1xf32>
    %bitcast_convert_type3A_719 = tpu.bitcast %broadcast_in_dim3A_710 : vector<128x1xf32> -> vector<128x1xi32>
    %and3A_720 = arith.constant 15 : i32
    %and3A_721 = vector.broadcast %and3A_720 : i32 to vector<128x1xi32>
    %and3A_722 = arith.andi %bitcast_convert_type3A_719, %and3A_721 : vector<128x1xi32>
    %mul3A_723 = arith.constant 256 : i32
    %mul3A_724 = vector.broadcast %mul3A_723 : i32 to vector<128x1xi32>
    %mul3A_725 = arith.muli %and3A_722, %mul3A_724 : vector<128x1xi32>
    %convert_element_type3A_726 = arith.fptosi %broadcast_in_dim3A_718 : vector<128x1xf32> to vector<128x1xi32>
    %add3A_727 = arith.addi %mul3A_725, %convert_element_type3A_726 : vector<128x1xi32>
    %squeeze3A_728 = vector.shape_cast %add3A_727 : vector<128x1xi32> to vector<128xi32>
    %swap3A_729 = arith.constant 0 : index
    %swap3A_730 = arith.constant 10 : index
    %swap3A_731 = arith.constant 0 : index
    %swap3A_732 = vector.load %arg10[%swap3A_729, %swap3A_730, %swap3A_731] : memref<1x16x128xi32, #tpu.memory_space<vmem>>, vector<1x1x128xi32>
    %swap3A_733 = vector.shape_cast %swap3A_732 : vector<1x1x128xi32> to vector<128xi32>
    %swap3A_734 = vector.shape_cast %squeeze3A_728 : vector<128xi32> to vector<1x1x128xi32>
    tpu.vector_store %arg10[%swap3A_729, %swap3A_730, %swap3A_731], %swap3A_734 {strides = array<i32>} : memref<1x16x128xi32, #tpu.memory_space<vmem>>, vector<1x1x128xi32>,
    %eq3A_735 = vector.broadcast %broadcast_in_dim3A_718 : vector<128x1xf32> to vector<128x256xf32>
    %eq3A_736 = arith.cmpf oeq, %convert_element_type3A, %eq3A_735 : vector<128x256xf32>
    %select_n3A_737 = arith.select %eq3A_736, %select_n3A_704, %select_n3A_703 : vector<128x256xi1>, vector<128x256xf32>
    %select_n3A_738 = arith.select %eq3A_736, %select_n3A_707, %select_n3A_704 : vector<128x256xi1>, vector<128x256xf32>
    %jit3A_739 = arith.constant 0x7F800000 : f32
    %broadcast_in_dim3A_740 = vector.broadcast %jit3A_739 : f32 to vector<128x256xf32>
    %select_n3A_741 = arith.select %eq3A_736, %broadcast_in_dim3A_740, %select_n3A_707 : vector<128x256xi1>, vector<128x256xf32>
    %reduce_min3A_742 = arith.constant dense<0x7F800000> : vector<128xf32>
    %reduce_min3A_743 = vector.multi_reduction <minimumf>, %select_n3A_737, %reduce_min3A_742 [1] : vector<128x256xf32> to vector<128xf32>
    %broadcast_in_dim3A_744 = vector.shape_cast %reduce_min3A_743 : vector<128xf32> to vector<128x1xf32>
    %eq3A_745 = vector.broadcast %broadcast_in_dim3A_744 : vector<128x1xf32> to vector<128x256xf32>
    %eq3A_746 = arith.cmpf oeq, %select_n3A_737, %eq3A_745 : vector<128x256xf32>
    %jit3A_747 = arith.constant 1.000000e+09 : f32
    %broadcast_in_dim3A_748 = vector.broadcast %jit3A_747 : f32 to vector<128x256xf32>
    %select_n3A_749 = arith.select %eq3A_746, %convert_element_type3A, %broadcast_in_dim3A_748 : vector<128x256xi1>, vector<128x256xf32>
    %reduce_min3A_750 = arith.constant dense<0x7F800000> : vector<128xf32>
    %reduce_min3A_751 = vector.multi_reduction <minimumf>, %select_n3A_749, %reduce_min3A_750 [1] : vector<128x256xf32> to vector<128xf32>
    %broadcast_in_dim3A_752 = vector.shape_cast %reduce_min3A_751 : vector<128xf32> to vector<128x1xf32>
    %bitcast_convert_type3A_753 = tpu.bitcast %broadcast_in_dim3A_744 : vector<128x1xf32> -> vector<128x1xi32>
    %and3A_754 = arith.constant 15 : i32
    %and3A_755 = vector.broadcast %and3A_754 : i32 to vector<128x1xi32>
    %and3A_756 = arith.andi %bitcast_convert_type3A_753, %and3A_755 : vector<128x1xi32>
    %mul3A_757 = arith.constant 256 : i32
    %mul3A_758 = vector.broadcast %mul3A_757 : i32 to vector<128x1xi32>
    %mul3A_759 = arith.muli %and3A_756, %mul3A_758 : vector<128x1xi32>
    %convert_element_type3A_760 = arith.fptosi %broadcast_in_dim3A_752 : vector<128x1xf32> to vector<128x1xi32>
    %add3A_761 = arith.addi %mul3A_759, %convert_element_type3A_760 : vector<128x1xi32>
    %squeeze3A_762 = vector.shape_cast %add3A_761 : vector<128x1xi32> to vector<128xi32>
    %swap3A_763 = arith.constant 0 : index
    %swap3A_764 = arith.constant 11 : index
    %swap3A_765 = arith.constant 0 : index
    %swap3A_766 = vector.load %arg10[%swap3A_763, %swap3A_764, %swap3A_765] : memref<1x16x128xi32, #tpu.memory_space<vmem>>, vector<1x1x128xi32>
    %swap3A_767 = vector.shape_cast %swap3A_766 : vector<1x1x128xi32> to vector<128xi32>
    %swap3A_768 = vector.shape_cast %squeeze3A_762 : vector<128xi32> to vector<1x1x128xi32>
    tpu.vector_store %arg10[%swap3A_763, %swap3A_764, %swap3A_765], %swap3A_768 {strides = array<i32>} : memref<1x16x128xi32, #tpu.memory_space<vmem>>, vector<1x1x128xi32>,
    %eq3A_769 = vector.broadcast %broadcast_in_dim3A_752 : vector<128x1xf32> to vector<128x256xf32>
    %eq3A_770 = arith.cmpf oeq, %convert_element_type3A, %eq3A_769 : vector<128x256xf32>
    %select_n3A_771 = arith.select %eq3A_770, %select_n3A_738, %select_n3A_737 : vector<128x256xi1>, vector<128x256xf32>
    %select_n3A_772 = arith.select %eq3A_770, %select_n3A_741, %select_n3A_738 : vector<128x256xi1>, vector<128x256xf32>
    %jit3A_773 = arith.constant 0x7F800000 : f32
    %broadcast_in_dim3A_774 = vector.broadcast %jit3A_773 : f32 to vector<128x256xf32>
    %select_n3A_775 = arith.select %eq3A_770, %broadcast_in_dim3A_774, %select_n3A_741 : vector<128x256xi1>, vector<128x256xf32>
    %reduce_min3A_776 = arith.constant dense<0x7F800000> : vector<128xf32>
    %reduce_min3A_777 = vector.multi_reduction <minimumf>, %select_n3A_771, %reduce_min3A_776 [1] : vector<128x256xf32> to vector<128xf32>
    %broadcast_in_dim3A_778 = vector.shape_cast %reduce_min3A_777 : vector<128xf32> to vector<128x1xf32>
    %eq3A_779 = vector.broadcast %broadcast_in_dim3A_778 : vector<128x1xf32> to vector<128x256xf32>
    %eq3A_780 = arith.cmpf oeq, %select_n3A_771, %eq3A_779 : vector<128x256xf32>
    %jit3A_781 = arith.constant 1.000000e+09 : f32
    %broadcast_in_dim3A_782 = vector.broadcast %jit3A_781 : f32 to vector<128x256xf32>
    %select_n3A_783 = arith.select %eq3A_780, %convert_element_type3A, %broadcast_in_dim3A_782 : vector<128x256xi1>, vector<128x256xf32>
    %reduce_min3A_784 = arith.constant dense<0x7F800000> : vector<128xf32>
    %reduce_min3A_785 = vector.multi_reduction <minimumf>, %select_n3A_783, %reduce_min3A_784 [1] : vector<128x256xf32> to vector<128xf32>
    %broadcast_in_dim3A_786 = vector.shape_cast %reduce_min3A_785 : vector<128xf32> to vector<128x1xf32>
    %bitcast_convert_type3A_787 = tpu.bitcast %broadcast_in_dim3A_778 : vector<128x1xf32> -> vector<128x1xi32>
    %and3A_788 = arith.constant 15 : i32
    %and3A_789 = vector.broadcast %and3A_788 : i32 to vector<128x1xi32>
    %and3A_790 = arith.andi %bitcast_convert_type3A_787, %and3A_789 : vector<128x1xi32>
    %mul3A_791 = arith.constant 256 : i32
    %mul3A_792 = vector.broadcast %mul3A_791 : i32 to vector<128x1xi32>
    %mul3A_793 = arith.muli %and3A_790, %mul3A_792 : vector<128x1xi32>
    %convert_element_type3A_794 = arith.fptosi %broadcast_in_dim3A_786 : vector<128x1xf32> to vector<128x1xi32>
    %add3A_795 = arith.addi %mul3A_793, %convert_element_type3A_794 : vector<128x1xi32>
    %squeeze3A_796 = vector.shape_cast %add3A_795 : vector<128x1xi32> to vector<128xi32>
    %swap3A_797 = arith.constant 0 : index
    %swap3A_798 = arith.constant 12 : index
    %swap3A_799 = arith.constant 0 : index
    %swap3A_800 = vector.load %arg10[%swap3A_797, %swap3A_798, %swap3A_799] : memref<1x16x128xi32, #tpu.memory_space<vmem>>, vector<1x1x128xi32>
    %swap3A_801 = vector.shape_cast %swap3A_800 : vector<1x1x128xi32> to vector<128xi32>
    %swap3A_802 = vector.shape_cast %squeeze3A_796 : vector<128xi32> to vector<1x1x128xi32>
    tpu.vector_store %arg10[%swap3A_797, %swap3A_798, %swap3A_799], %swap3A_802 {strides = array<i32>} : memref<1x16x128xi32, #tpu.memory_space<vmem>>, vector<1x1x128xi32>,
    %eq3A_803 = vector.broadcast %broadcast_in_dim3A_786 : vector<128x1xf32> to vector<128x256xf32>
    %eq3A_804 = arith.cmpf oeq, %convert_element_type3A, %eq3A_803 : vector<128x256xf32>
    %select_n3A_805 = arith.select %eq3A_804, %select_n3A_772, %select_n3A_771 : vector<128x256xi1>, vector<128x256xf32>
    %select_n3A_806 = arith.select %eq3A_804, %select_n3A_775, %select_n3A_772 : vector<128x256xi1>, vector<128x256xf32>
    %jit3A_807 = arith.constant 0x7F800000 : f32
    %broadcast_in_dim3A_808 = vector.broadcast %jit3A_807 : f32 to vector<128x256xf32>
    %select_n3A_809 = arith.select %eq3A_804, %broadcast_in_dim3A_808, %select_n3A_775 : vector<128x256xi1>, vector<128x256xf32>
    %reduce_min3A_810 = arith.constant dense<0x7F800000> : vector<128xf32>
    %reduce_min3A_811 = vector.multi_reduction <minimumf>, %select_n3A_805, %reduce_min3A_810 [1] : vector<128x256xf32> to vector<128xf32>
    %broadcast_in_dim3A_812 = vector.shape_cast %reduce_min3A_811 : vector<128xf32> to vector<128x1xf32>
    %eq3A_813 = vector.broadcast %broadcast_in_dim3A_812 : vector<128x1xf32> to vector<128x256xf32>
    %eq3A_814 = arith.cmpf oeq, %select_n3A_805, %eq3A_813 : vector<128x256xf32>
    %jit3A_815 = arith.constant 1.000000e+09 : f32
    %broadcast_in_dim3A_816 = vector.broadcast %jit3A_815 : f32 to vector<128x256xf32>
    %select_n3A_817 = arith.select %eq3A_814, %convert_element_type3A, %broadcast_in_dim3A_816 : vector<128x256xi1>, vector<128x256xf32>
    %reduce_min3A_818 = arith.constant dense<0x7F800000> : vector<128xf32>
    %reduce_min3A_819 = vector.multi_reduction <minimumf>, %select_n3A_817, %reduce_min3A_818 [1] : vector<128x256xf32> to vector<128xf32>
    %broadcast_in_dim3A_820 = vector.shape_cast %reduce_min3A_819 : vector<128xf32> to vector<128x1xf32>
    %bitcast_convert_type3A_821 = tpu.bitcast %broadcast_in_dim3A_812 : vector<128x1xf32> -> vector<128x1xi32>
    %and3A_822 = arith.constant 15 : i32
    %and3A_823 = vector.broadcast %and3A_822 : i32 to vector<128x1xi32>
    %and3A_824 = arith.andi %bitcast_convert_type3A_821, %and3A_823 : vector<128x1xi32>
    %mul3A_825 = arith.constant 256 : i32
    %mul3A_826 = vector.broadcast %mul3A_825 : i32 to vector<128x1xi32>
    %mul3A_827 = arith.muli %and3A_824, %mul3A_826 : vector<128x1xi32>
    %convert_element_type3A_828 = arith.fptosi %broadcast_in_dim3A_820 : vector<128x1xf32> to vector<128x1xi32>
    %add3A_829 = arith.addi %mul3A_827, %convert_element_type3A_828 : vector<128x1xi32>
    %squeeze3A_830 = vector.shape_cast %add3A_829 : vector<128x1xi32> to vector<128xi32>
    %swap3A_831 = arith.constant 0 : index
    %swap3A_832 = arith.constant 13 : index
    %swap3A_833 = arith.constant 0 : index
    %swap3A_834 = vector.load %arg10[%swap3A_831, %swap3A_832, %swap3A_833] : memref<1x16x128xi32, #tpu.memory_space<vmem>>, vector<1x1x128xi32>
    %swap3A_835 = vector.shape_cast %swap3A_834 : vector<1x1x128xi32> to vector<128xi32>
    %swap3A_836 = vector.shape_cast %squeeze3A_830 : vector<128xi32> to vector<1x1x128xi32>
    tpu.vector_store %arg10[%swap3A_831, %swap3A_832, %swap3A_833], %swap3A_836 {strides = array<i32>} : memref<1x16x128xi32, #tpu.memory_space<vmem>>, vector<1x1x128xi32>,
    %eq3A_837 = vector.broadcast %broadcast_in_dim3A_820 : vector<128x1xf32> to vector<128x256xf32>
    %eq3A_838 = arith.cmpf oeq, %convert_element_type3A, %eq3A_837 : vector<128x256xf32>
    %select_n3A_839 = arith.select %eq3A_838, %select_n3A_806, %select_n3A_805 : vector<128x256xi1>, vector<128x256xf32>
    %select_n3A_840 = arith.select %eq3A_838, %select_n3A_809, %select_n3A_806 : vector<128x256xi1>, vector<128x256xf32>
    %reduce_min3A_841 = arith.constant dense<0x7F800000> : vector<128xf32>
    %reduce_min3A_842 = vector.multi_reduction <minimumf>, %select_n3A_839, %reduce_min3A_841 [1] : vector<128x256xf32> to vector<128xf32>
    %broadcast_in_dim3A_843 = vector.shape_cast %reduce_min3A_842 : vector<128xf32> to vector<128x1xf32>
    %eq3A_844 = vector.broadcast %broadcast_in_dim3A_843 : vector<128x1xf32> to vector<128x256xf32>
    %eq3A_845 = arith.cmpf oeq, %select_n3A_839, %eq3A_844 : vector<128x256xf32>
    %jit3A_846 = arith.constant 1.000000e+09 : f32
    %broadcast_in_dim3A_847 = vector.broadcast %jit3A_846 : f32 to vector<128x256xf32>
    %select_n3A_848 = arith.select %eq3A_845, %convert_element_type3A, %broadcast_in_dim3A_847 : vector<128x256xi1>, vector<128x256xf32>
    %reduce_min3A_849 = arith.constant dense<0x7F800000> : vector<128xf32>
    %reduce_min3A_850 = vector.multi_reduction <minimumf>, %select_n3A_848, %reduce_min3A_849 [1] : vector<128x256xf32> to vector<128xf32>
    %broadcast_in_dim3A_851 = vector.shape_cast %reduce_min3A_850 : vector<128xf32> to vector<128x1xf32>
    %bitcast_convert_type3A_852 = tpu.bitcast %broadcast_in_dim3A_843 : vector<128x1xf32> -> vector<128x1xi32>
    %and3A_853 = arith.constant 15 : i32
    %and3A_854 = vector.broadcast %and3A_853 : i32 to vector<128x1xi32>
    %and3A_855 = arith.andi %bitcast_convert_type3A_852, %and3A_854 : vector<128x1xi32>
    %mul3A_856 = arith.constant 256 : i32
    %mul3A_857 = vector.broadcast %mul3A_856 : i32 to vector<128x1xi32>
    %mul3A_858 = arith.muli %and3A_855, %mul3A_857 : vector<128x1xi32>
    %convert_element_type3A_859 = arith.fptosi %broadcast_in_dim3A_851 : vector<128x1xf32> to vector<128x1xi32>
    %add3A_860 = arith.addi %mul3A_858, %convert_element_type3A_859 : vector<128x1xi32>
    %squeeze3A_861 = vector.shape_cast %add3A_860 : vector<128x1xi32> to vector<128xi32>
    %swap3A_862 = arith.constant 0 : index
    %swap3A_863 = arith.constant 14 : index
    %swap3A_864 = arith.constant 0 : index
    %swap3A_865 = vector.load %arg10[%swap3A_862, %swap3A_863, %swap3A_864] : memref<1x16x128xi32, #tpu.memory_space<vmem>>, vector<1x1x128xi32>
    %swap3A_866 = vector.shape_cast %swap3A_865 : vector<1x1x128xi32> to vector<128xi32>
    %swap3A_867 = vector.shape_cast %squeeze3A_861 : vector<128xi32> to vector<1x1x128xi32>
    tpu.vector_store %arg10[%swap3A_862, %swap3A_863, %swap3A_864], %swap3A_867 {strides = array<i32>} : memref<1x16x128xi32, #tpu.memory_space<vmem>>, vector<1x1x128xi32>,
    %eq3A_868 = vector.broadcast %broadcast_in_dim3A_851 : vector<128x1xf32> to vector<128x256xf32>
    %eq3A_869 = arith.cmpf oeq, %convert_element_type3A, %eq3A_868 : vector<128x256xf32>
    %select_n3A_870 = arith.select %eq3A_869, %select_n3A_840, %select_n3A_839 : vector<128x256xi1>, vector<128x256xf32>
    %reduce_min3A_871 = arith.constant dense<0x7F800000> : vector<128xf32>
    %reduce_min3A_872 = vector.multi_reduction <minimumf>, %select_n3A_870, %reduce_min3A_871 [1] : vector<128x256xf32> to vector<128xf32>
    %broadcast_in_dim3A_873 = vector.shape_cast %reduce_min3A_872 : vector<128xf32> to vector<128x1xf32>
    %eq3A_874 = vector.broadcast %broadcast_in_dim3A_873 : vector<128x1xf32> to vector<128x256xf32>
    %eq3A_875 = arith.cmpf oeq, %select_n3A_870, %eq3A_874 : vector<128x256xf32>
    %jit3A_876 = arith.constant 1.000000e+09 : f32
    %broadcast_in_dim3A_877 = vector.broadcast %jit3A_876 : f32 to vector<128x256xf32>
    %select_n3A_878 = arith.select %eq3A_875, %convert_element_type3A, %broadcast_in_dim3A_877 : vector<128x256xi1>, vector<128x256xf32>
    %reduce_min3A_879 = arith.constant dense<0x7F800000> : vector<128xf32>
    %reduce_min3A_880 = vector.multi_reduction <minimumf>, %select_n3A_878, %reduce_min3A_879 [1] : vector<128x256xf32> to vector<128xf32>
    %broadcast_in_dim3A_881 = vector.shape_cast %reduce_min3A_880 : vector<128xf32> to vector<128x1xf32>
    %bitcast_convert_type3A_882 = tpu.bitcast %broadcast_in_dim3A_873 : vector<128x1xf32> -> vector<128x1xi32>
    %and3A_883 = arith.constant 15 : i32
    %and3A_884 = vector.broadcast %and3A_883 : i32 to vector<128x1xi32>
    %and3A_885 = arith.andi %bitcast_convert_type3A_882, %and3A_884 : vector<128x1xi32>
    %mul3A_886 = arith.constant 256 : i32
    %mul3A_887 = vector.broadcast %mul3A_886 : i32 to vector<128x1xi32>
    %mul3A_888 = arith.muli %and3A_885, %mul3A_887 : vector<128x1xi32>
    %convert_element_type3A_889 = arith.fptosi %broadcast_in_dim3A_881 : vector<128x1xf32> to vector<128x1xi32>
    %add3A_890 = arith.addi %mul3A_888, %convert_element_type3A_889 : vector<128x1xi32>
    %squeeze3A_891 = vector.shape_cast %add3A_890 : vector<128x1xi32> to vector<128xi32>
    %swap3A_892 = arith.constant 0 : index
    %swap3A_893 = arith.constant 15 : index
    %swap3A_894 = arith.constant 0 : index
    %swap3A_895 = vector.load %arg10[%swap3A_892, %swap3A_893, %swap3A_894] : memref<1x16x128xi32, #tpu.memory_space<vmem>>, vector<1x1x128xi32>
    %swap3A_896 = vector.shape_cast %swap3A_895 : vector<1x1x128xi32> to vector<128xi32>
    %swap3A_897 = vector.shape_cast %squeeze3A_891 : vector<128xi32> to vector<1x1x128xi32>
    tpu.vector_store %arg10[%swap3A_892, %swap3A_893, %swap3A_894], %swap3A_897 {strides = array<i32>} : memref<1x16x128xi32, #tpu.memory_space<vmem>>, vector<1x1x128xi32>,
    return
  }
  func.func @transform_0(%arg0: i32) -> (i32, i32, i32) {
    %c0_i32 = arith.constant 0 : i32
    %c0_i32_0 = arith.constant 0 : i32
    %c0_i32_1 = arith.constant 0 : i32
    return %c0_i32, %arg0, %c0_i32_0 : i32, i32, i32
  }
  func.func @transform_1(%arg0: i32) -> (i32, i32, i32) {
    %c0_i32 = arith.constant 0 : i32
    %c0_i32_0 = arith.constant 0 : i32
    %c0_i32_1 = arith.constant 0 : i32
    return %c0_i32, %arg0, %c0_i32_0 : i32, i32, i32
  }
  func.func @transform_2(%arg0: i32) -> (i32, i32, i32) {
    %c0_i32 = arith.constant 0 : i32
    %c0_i32_0 = arith.constant 0 : i32
    %c0_i32_1 = arith.constant 0 : i32
    %c0_i32_2 = arith.constant 0 : i32
    return %c0_i32, %c0_i32_0, %c0_i32_1 : i32, i32, i32
  }
  func.func @transform_3(%arg0: i32) -> (i32, i32) {
    %c0_i32 = arith.constant 0 : i32
    %c0_i32_0 = arith.constant 0 : i32
    %c0_i32_1 = arith.constant 0 : i32
    return %c0_i32, %c0_i32_0 : i32, i32
  }
  func.func @transform_4(%arg0: i32) -> (i32, i32) {
    %c0_i32 = arith.constant 0 : i32
    %c0_i32_0 = arith.constant 0 : i32
    %c0_i32_1 = arith.constant 0 : i32
    return %c0_i32, %c0_i32_0 : i32, i32
  }
  func.func @transform_5(%arg0: i32) -> (i32, i32) {
    %c0_i32 = arith.constant 0 : i32
    %c0_i32_0 = arith.constant 0 : i32
    %c0_i32_1 = arith.constant 0 : i32
    return %c0_i32, %c0_i32_0 : i32, i32
  }
  func.func @transform_6(%arg0: i32) -> (i32, i32) {
    %c0_i32 = arith.constant 0 : i32
    %c0_i32_0 = arith.constant 0 : i32
    %c0_i32_1 = arith.constant 0 : i32
    return %c0_i32, %c0_i32_0 : i32, i32
  }
  func.func @transform_7(%arg0: i32) -> (i32, i32, i32) {
    %c0_i32 = arith.constant 0 : i32
    %c0_i32_0 = arith.constant 0 : i32
    %c0_i32_1 = arith.constant 0 : i32
    return %c0_i32, %arg0, %c0_i32_0 : i32, i32, i32
  }
  func.func @transform_8(%arg0: i32) -> (i32, i32, i32) {
    %c0_i32 = arith.constant 0 : i32
    %c0_i32_0 = arith.constant 0 : i32
    %c0_i32_1 = arith.constant 0 : i32
    return %c0_i32, %arg0, %c0_i32_0 : i32, i32, i32
  }
  func.func @transform_9(%arg0: i32) -> (i32, i32, i32) {
    %c0_i32 = arith.constant 0 : i32
    %c0_i32_0 = arith.constant 0 : i32
    %c0_i32_1 = arith.constant 0 : i32
    return %c0_i32, %c0_i32_0, %arg0 : i32, i32, i32
  }
}

module attributes {stable_mosaic.version = 14 : i64} {
  func.func @_proj_topk_body(%arg0: i32, %arg1: memref<1x128x128xf32, #tpu.memory_space<vmem>>, %arg2: memref<1x128x8xf32, #tpu.memory_space<vmem>>, %arg3: memref<1x8x4096xf32, #tpu.memory_space<vmem>>, %arg4: memref<128x32xf32, #tpu.memory_space<vmem>>, %arg5: memref<1x32xf32, #tpu.memory_space<vmem>>, %arg6: memref<32x96xf32, #tpu.memory_space<vmem>>, %arg7: memref<1x96xf32, #tpu.memory_space<vmem>>, %arg8: memref<1x128x32xf32, #tpu.memory_space<vmem>>, %arg9: memref<1x128x128xf32, #tpu.memory_space<vmem>>, %arg10: memref<1x16x128xi32, #tpu.memory_space<vmem>>) attributes {dimension_semantics = [#tpu.dimension_semantics<arbitrary>], iteration_bounds = array<i64: 32>, scalar_prefetch = 0 : i64, scratch_operands = 0 : i64, tpu.core_type = #tpu.core_type<tc>, window_params = [{transform_indices = @transform_0, window_bounds = array<i64: 1, 128, 128>}, {transform_indices = @transform_1, window_bounds = array<i64: 1, 128, 8>}, {transform_indices = @transform_2, window_bounds = array<i64: 1, 8, 4096>}, {pipeline_mode = #tpu.pipeline_mode<synchronous>, transform_indices = @transform_3, window_bounds = array<i64: 128, 32>}, {pipeline_mode = #tpu.pipeline_mode<synchronous>, transform_indices = @transform_4, window_bounds = array<i64: 1, 32>}, {pipeline_mode = #tpu.pipeline_mode<synchronous>, transform_indices = @transform_5, window_bounds = array<i64: 32, 96>}, {pipeline_mode = #tpu.pipeline_mode<synchronous>, transform_indices = @transform_6, window_bounds = array<i64: 1, 96>}, {transform_indices = @transform_7, window_bounds = array<i64: 1, 128, 32>}, {transform_indices = @transform_8, window_bounds = array<i64: 1, 128, 128>}, {transform_indices = @transform_9, window_bounds = array<i64: 1, 16, 128>}]} {
    %get3A = arith.constant 0 : index
    %get3A_0 = arith.constant 0 : index
    %get3A_1 = arith.constant 0 : index
    %get3A_2 = vector.load %arg1[%get3A, %get3A_0, %get3A_1] : memref<1x128x128xf32, #tpu.memory_space<vmem>>, vector<1x128x128xf32>
    %get3A_3 = vector.shape_cast %get3A_2 : vector<1x128x128xf32> to vector<128x128xf32>
    %get3A_4 = arith.constant 0 : index
    %get3A_5 = arith.constant 0 : index
    %get3A_6 = arith.constant 0 : index
    %get3A_7 = vector.load %arg2[%get3A_4, %get3A_5, %get3A_6] : memref<1x128x8xf32, #tpu.memory_space<vmem>>, vector<1x128x8xf32>
    %get3A_8 = vector.shape_cast %get3A_7 : vector<1x128x8xf32> to vector<128x8xf32>
    %get3A_9 = arith.constant 0 : index
    %get3A_10 = arith.constant 0 : index
    %get3A_11 = arith.constant 0 : index
    %get3A_12 = vector.load %arg3[%get3A_9, %get3A_10, %get3A_11] : memref<1x8x4096xf32, #tpu.memory_space<vmem>>, vector<1x8x4096xf32>
    %get3A_13 = vector.shape_cast %get3A_12 : vector<1x8x4096xf32> to vector<8x4096xf32>
    %get3A_14 = arith.constant 0 : index
    %get3A_15 = arith.constant 0 : index
    %get3A_16 = vector.load %arg4[%get3A_14, %get3A_15] : memref<128x32xf32, #tpu.memory_space<vmem>>, vector<128x32xf32>
    %dot_general3A = arith.constant dense<0.000000e+00> : vector<128x32xf32>
    %dot_general3A_17 = tpu.matmul %get3A_3, %get3A_16, %dot_general3A {dimension_numbers = #tpu.dot_dimension_numbers<[1], [0], [0], [1], [0, 0, 1, 1], [], []>, transpose_lhs_hint = false} : vector<128x128xf32>, vector<128x32xf32>, vector<128x32xf32> -> vector<128x32xf32>
    %get3A_18 = arith.constant 0 : index
    %get3A_19 = arith.constant 0 : index
    %get3A_20 = vector.load %arg5[%get3A_18, %get3A_19] : memref<1x32xf32, #tpu.memory_space<vmem>>, vector<1x32xf32>
    %add3A = vector.broadcast %get3A_20 : vector<1x32xf32> to vector<128x32xf32>
    %add3A_21 = arith.addf %dot_general3A_17, %add3A : vector<128x32xf32>
    %get3A_22 = arith.constant 0 : index
    %get3A_23 = arith.constant 0 : index
    %get3A_24 = vector.load %arg6[%get3A_22, %get3A_23] : memref<32x96xf32, #tpu.memory_space<vmem>>, vector<32x96xf32>
    %dot_general3A_25 = arith.constant dense<0.000000e+00> : vector<128x96xf32>
    %dot_general3A_26 = tpu.matmul %add3A_21, %get3A_24, %dot_general3A_25 {dimension_numbers = #tpu.dot_dimension_numbers<[1], [0], [0], [1], [0, 0, 1, 1], [], []>, transpose_lhs_hint = false} : vector<128x32xf32>, vector<32x96xf32>, vector<128x96xf32> -> vector<128x96xf32>
    %get3A_27 = arith.constant 0 : index
    %get3A_28 = arith.constant 0 : index
    %get3A_29 = vector.load %arg7[%get3A_27, %get3A_28] : memref<1x96xf32, #tpu.memory_space<vmem>>, vector<1x96xf32>
    %add3A_30 = vector.broadcast %get3A_29 : vector<1x96xf32> to vector<128x96xf32>
    %add3A_31 = arith.addf %dot_general3A_26, %add3A_30 : vector<128x96xf32>
    %slice3A = vector.extract_strided_slice %add3A_31 {offsets = [0, 64], sizes = [128, 32], strides = [1, 1]} : vector<128x96xf32> to vector<128x32xf32>
    %swap3A = arith.constant 0 : index
    %swap3A_32 = arith.constant 0 : index
    %swap3A_33 = arith.constant 0 : index
    %swap3A_34 = vector.load %arg8[%swap3A, %swap3A_32, %swap3A_33] : memref<1x128x32xf32, #tpu.memory_space<vmem>>, vector<1x128x32xf32>
    %swap3A_35 = vector.shape_cast %swap3A_34 : vector<1x128x32xf32> to vector<128x32xf32>
    %swap3A_36 = vector.shape_cast %slice3A : vector<128x32xf32> to vector<1x128x32xf32>
    tpu.vector_store %arg8[%swap3A, %swap3A_32, %swap3A_33], %swap3A_36 {strides = array<i32>} : memref<1x128x32xf32, #tpu.memory_space<vmem>>, vector<1x128x32xf32>,
    %slice3A_37 = vector.extract_strided_slice %add3A_31 {offsets = [0, 0], sizes = [128, 64], strides = [1, 1]} : vector<128x96xf32> to vector<128x64xf32>
    %broadcast_in_dim3A = arith.constant 0.000000e+00 : f32
    %broadcast_in_dim3A_38 = vector.broadcast %broadcast_in_dim3A : f32 to vector<128x56xf32>
    %concatenate3A = tpu.concatenate %slice3A_37, %get3A_8, %broadcast_in_dim3A_38 in 1 : vector<128x64xf32>, vector<128x8xf32>, vector<128x56xf32> -> vector<128x128xf32>
    %swap3A_39 = arith.constant 0 : index
    %swap3A_40 = arith.constant 0 : index
    %swap3A_41 = arith.constant 0 : index
    %swap3A_42 = vector.load %arg9[%swap3A_39, %swap3A_40, %swap3A_41] : memref<1x128x128xf32, #tpu.memory_space<vmem>>, vector<1x128x128xf32>
    %swap3A_43 = vector.shape_cast %swap3A_42 : vector<1x128x128xf32> to vector<128x128xf32>
    %swap3A_44 = vector.shape_cast %concatenate3A : vector<128x128xf32> to vector<1x128x128xf32>
    tpu.vector_store %arg9[%swap3A_39, %swap3A_40, %swap3A_41], %swap3A_44 {strides = array<i32>} : memref<1x128x128xf32, #tpu.memory_space<vmem>>, vector<1x128x128xf32>,
    %mul3A = arith.mulf %get3A_13, %get3A_13 : vector<8x4096xf32>
    %reduce_sum3A = arith.constant dense<0.000000e+00> : vector<4096xf32>
    %reduce_sum3A_45 = vector.multi_reduction <add>, %mul3A, %reduce_sum3A [0] : vector<8x4096xf32> to vector<4096xf32>
    %broadcast_in_dim3A_46 = vector.shape_cast %reduce_sum3A_45 : vector<4096xf32> to vector<1x4096xf32>
    %mul3A_47 = arith.mulf %get3A_8, %get3A_8 : vector<128x8xf32>
    %reduce_sum3A_48 = arith.constant dense<0.000000e+00> : vector<128xf32>
    %reduce_sum3A_49 = vector.multi_reduction <add>, %mul3A_47, %reduce_sum3A_48 [1] : vector<128x8xf32> to vector<128xf32>
    %broadcast_in_dim3A_50 = vector.shape_cast %reduce_sum3A_49 : vector<128xf32> to vector<128x1xf32>
    %dot_general3A_51 = arith.constant dense<0.000000e+00> : vector<128x4096xf32>
    %dot_general3A_52 = tpu.matmul %get3A_8, %get3A_13, %dot_general3A_51 {dimension_numbers = #tpu.dot_dimension_numbers<[1], [0], [0], [1], [0, 0, 1, 1], [], []>, transpose_lhs_hint = false} : vector<128x8xf32>, vector<8x4096xf32>, vector<128x4096xf32> -> vector<128x4096xf32>
    %add3A_53 = vector.broadcast %broadcast_in_dim3A_50 : vector<128x1xf32> to vector<128x4096xf32>
    %add3A_54 = vector.broadcast %broadcast_in_dim3A_46 : vector<1x4096xf32> to vector<128x4096xf32>
    %add3A_55 = arith.addf %add3A_53, %add3A_54 : vector<128x4096xf32>
    %mul3A_56 = arith.constant 2.000000e+00 : f32
    %mul3A_57 = vector.broadcast %mul3A_56 : f32 to vector<128x4096xf32>
    %mul3A_58 = arith.mulf %mul3A_57, %dot_general3A_52 : vector<128x4096xf32>
    %sub3A = arith.subf %add3A_55, %mul3A_58 : vector<128x4096xf32>
    %slice3A_59 = vector.extract_strided_slice %sub3A {offsets = [0, 0], sizes = [128, 256], strides = [1, 1]} : vector<128x4096xf32> to vector<128x256xf32>
    %max3A = arith.constant 0.000000e+00 : f32
    %max3A_60 = vector.broadcast %max3A : f32 to vector<128x256xf32>
    %max3A_61 = arith.maximumf %slice3A_59, %max3A_60 : vector<128x256xf32>
    %bitcast_convert_type3A = tpu.bitcast %max3A_61 : vector<128x256xf32> -> vector<128x256xi32>
    %and3A = arith.constant -16 : i32
    %and3A_62 = vector.broadcast %and3A : i32 to vector<128x256xi32>
    %and3A_63 = arith.andi %bitcast_convert_type3A, %and3A_62 : vector<128x256xi32>
    %add3A_64 = arith.constant 8388608 : i32
    %add3A_65 = vector.broadcast %add3A_64 : i32 to vector<128x256xi32>
    %add3A_66 = arith.addi %and3A_63, %add3A_65 : vector<128x256xi32>
    %or3A = arith.constant 0 : i32
    %or3A_67 = vector.broadcast %or3A : i32 to vector<128x256xi32>
    %or3A_68 = arith.ori %add3A_66, %or3A_67 : vector<128x256xi32>
    %bitcast_convert_type3A_69 = tpu.bitcast %or3A_68 : vector<128x256xi32> -> vector<128x256xf32>
    %broadcast_in_dim3A_70 = arith.constant 0x7F800000 : f32
    %broadcast_in_dim3A_71 = vector.broadcast %broadcast_in_dim3A_70 : f32 to vector<128x256xf32>
    %broadcast_in_dim3A_72 = arith.constant 0x7F800000 : f32
    %broadcast_in_dim3A_73 = vector.broadcast %broadcast_in_dim3A_72 : f32 to vector<128x256xf32>
    %slice3A_74 = vector.extract_strided_slice %sub3A {offsets = [0, 256], sizes = [128, 256], strides = [1, 1]} : vector<128x4096xf32> to vector<128x256xf32>
    %max3A_75 = arith.constant 0.000000e+00 : f32
    %max3A_76 = vector.broadcast %max3A_75 : f32 to vector<128x256xf32>
    %max3A_77 = arith.maximumf %slice3A_74, %max3A_76 : vector<128x256xf32>
    %bitcast_convert_type3A_78 = tpu.bitcast %max3A_77 : vector<128x256xf32> -> vector<128x256xi32>
    %and3A_79 = arith.constant -16 : i32
    %and3A_80 = vector.broadcast %and3A_79 : i32 to vector<128x256xi32>
    %and3A_81 = arith.andi %bitcast_convert_type3A_78, %and3A_80 : vector<128x256xi32>
    %add3A_82 = arith.constant 8388608 : i32
    %add3A_83 = vector.broadcast %add3A_82 : i32 to vector<128x256xi32>
    %add3A_84 = arith.addi %and3A_81, %add3A_83 : vector<128x256xi32>
    %or3A_85 = arith.constant 1 : i32
    %or3A_86 = vector.broadcast %or3A_85 : i32 to vector<128x256xi32>
    %or3A_87 = arith.ori %add3A_84, %or3A_86 : vector<128x256xi32>
    %bitcast_convert_type3A_88 = tpu.bitcast %or3A_87 : vector<128x256xi32> -> vector<128x256xf32>
    %max3A_89 = arith.maximumf %bitcast_convert_type3A_69, %bitcast_convert_type3A_88 : vector<128x256xf32>
    %min3A = arith.minimumf %bitcast_convert_type3A_69, %bitcast_convert_type3A_88 : vector<128x256xf32>
    %max3A_90 = arith.maximumf %broadcast_in_dim3A_71, %max3A_89 : vector<128x256xf32>
    %min3A_91 = arith.minimumf %broadcast_in_dim3A_71, %max3A_89 : vector<128x256xf32>
    %min3A_92 = arith.minimumf %broadcast_in_dim3A_73, %max3A_90 : vector<128x256xf32>
    %slice3A_93 = vector.extract_strided_slice %sub3A {offsets = [0, 512], sizes = [128, 256], strides = [1, 1]} : vector<128x4096xf32> to vector<128x256xf32>
    %max3A_94 = arith.constant 0.000000e+00 : f32
    %max3A_95 = vector.broadcast %max3A_94 : f32 to vector<128x256xf32>
    %max3A_96 = arith.maximumf %slice3A_93, %max3A_95 : vector<128x256xf32>
    %bitcast_convert_type3A_97 = tpu.bitcast %max3A_96 : vector<128x256xf32> -> vector<128x256xi32>
    %and3A_98 = arith.constant -16 : i32
    %and3A_99 = vector.broadcast %and3A_98 : i32 to vector<128x256xi32>
    %and3A_100 = arith.andi %bitcast_convert_type3A_97, %and3A_99 : vector<128x256xi32>
    %add3A_101 = arith.constant 8388608 : i32
    %add3A_102 = vector.broadcast %add3A_101 : i32 to vector<128x256xi32>
    %add3A_103 = arith.addi %and3A_100, %add3A_102 : vector<128x256xi32>
    %or3A_104 = arith.constant 2 : i32
    %or3A_105 = vector.broadcast %or3A_104 : i32 to vector<128x256xi32>
    %or3A_106 = arith.ori %add3A_103, %or3A_105 : vector<128x256xi32>
    %bitcast_convert_type3A_107 = tpu.bitcast %or3A_106 : vector<128x256xi32> -> vector<128x256xf32>
    %max3A_108 = arith.maximumf %min3A, %bitcast_convert_type3A_107 : vector<128x256xf32>
    %min3A_109 = arith.minimumf %min3A, %bitcast_convert_type3A_107 : vector<128x256xf32>
    %max3A_110 = arith.maximumf %min3A_91, %max3A_108 : vector<128x256xf32>
    %min3A_111 = arith.minimumf %min3A_91, %max3A_108 : vector<128x256xf32>
    %min3A_112 = arith.minimumf %min3A_92, %max3A_110 : vector<128x256xf32>
    %slice3A_113 = vector.extract_strided_slice %sub3A {offsets = [0, 768], sizes = [128, 256], strides = [1, 1]} : vector<128x4096xf32> to vector<128x256xf32>
    %max3A_114 = arith.constant 0.000000e+00 : f32
    %max3A_115 = vector.broadcast %max3A_114 : f32 to vector<128x256xf32>
    %max3A_116 = arith.maximumf %slice3A_113, %max3A_115 : vector<128x256xf32>
    %bitcast_convert_type3A_117 = tpu.bitcast %max3A_116 : vector<128x256xf32> -> vector<128x256xi32>
    %and3A_118 = arith.constant -16 : i32
    %and3A_119 = vector.broadcast %and3A_118 : i32 to vector<128x256xi32>
    %and3A_120 = arith.andi %bitcast_convert_type3A_117, %and3A_119 : vector<128x256xi32>
    %add3A_121 = arith.constant 8388608 : i32
    %add3A_122 = vector.broadcast %add3A_121 : i32 to vector<128x256xi32>
    %add3A_123 = arith.addi %and3A_120, %add3A_122 : vector<128x256xi32>
    %or3A_124 = arith.constant 3 : i32
    %or3A_125 = vector.broadcast %or3A_124 : i32 to vector<128x256xi32>
    %or3A_126 = arith.ori %add3A_123, %or3A_125 : vector<128x256xi32>
    %bitcast_convert_type3A_127 = tpu.bitcast %or3A_126 : vector<128x256xi32> -> vector<128x256xf32>
    %max3A_128 = arith.maximumf %min3A_109, %bitcast_convert_type3A_127 : vector<128x256xf32>
    %min3A_129 = arith.minimumf %min3A_109, %bitcast_convert_type3A_127 : vector<128x256xf32>
    %max3A_130 = arith.maximumf %min3A_111, %max3A_128 : vector<128x256xf32>
    %min3A_131 = arith.minimumf %min3A_111, %max3A_128 : vector<128x256xf32>
    %min3A_132 = arith.minimumf %min3A_112, %max3A_130 : vector<128x256xf32>
    %slice3A_133 = vector.extract_strided_slice %sub3A {offsets = [0, 1024], sizes = [128, 256], strides = [1, 1]} : vector<128x4096xf32> to vector<128x256xf32>
    %max3A_134 = arith.constant 0.000000e+00 : f32
    %max3A_135 = vector.broadcast %max3A_134 : f32 to vector<128x256xf32>
    %max3A_136 = arith.maximumf %slice3A_133, %max3A_135 : vector<128x256xf32>
    %bitcast_convert_type3A_137 = tpu.bitcast %max3A_136 : vector<128x256xf32> -> vector<128x256xi32>
    %and3A_138 = arith.constant -16 : i32
    %and3A_139 = vector.broadcast %and3A_138 : i32 to vector<128x256xi32>
    %and3A_140 = arith.andi %bitcast_convert_type3A_137, %and3A_139 : vector<128x256xi32>
    %add3A_141 = arith.constant 8388608 : i32
    %add3A_142 = vector.broadcast %add3A_141 : i32 to vector<128x256xi32>
    %add3A_143 = arith.addi %and3A_140, %add3A_142 : vector<128x256xi32>
    %or3A_144 = arith.constant 4 : i32
    %or3A_145 = vector.broadcast %or3A_144 : i32 to vector<128x256xi32>
    %or3A_146 = arith.ori %add3A_143, %or3A_145 : vector<128x256xi32>
    %bitcast_convert_type3A_147 = tpu.bitcast %or3A_146 : vector<128x256xi32> -> vector<128x256xf32>
    %max3A_148 = arith.maximumf %min3A_129, %bitcast_convert_type3A_147 : vector<128x256xf32>
    %min3A_149 = arith.minimumf %min3A_129, %bitcast_convert_type3A_147 : vector<128x256xf32>
    %max3A_150 = arith.maximumf %min3A_131, %max3A_148 : vector<128x256xf32>
    %min3A_151 = arith.minimumf %min3A_131, %max3A_148 : vector<128x256xf32>
    %min3A_152 = arith.minimumf %min3A_132, %max3A_150 : vector<128x256xf32>
    %slice3A_153 = vector.extract_strided_slice %sub3A {offsets = [0, 1280], sizes = [128, 256], strides = [1, 1]} : vector<128x4096xf32> to vector<128x256xf32>
    %max3A_154 = arith.constant 0.000000e+00 : f32
    %max3A_155 = vector.broadcast %max3A_154 : f32 to vector<128x256xf32>
    %max3A_156 = arith.maximumf %slice3A_153, %max3A_155 : vector<128x256xf32>
    %bitcast_convert_type3A_157 = tpu.bitcast %max3A_156 : vector<128x256xf32> -> vector<128x256xi32>
    %and3A_158 = arith.constant -16 : i32
    %and3A_159 = vector.broadcast %and3A_158 : i32 to vector<128x256xi32>
    %and3A_160 = arith.andi %bitcast_convert_type3A_157, %and3A_159 : vector<128x256xi32>
    %add3A_161 = arith.constant 8388608 : i32
    %add3A_162 = vector.broadcast %add3A_161 : i32 to vector<128x256xi32>
    %add3A_163 = arith.addi %and3A_160, %add3A_162 : vector<128x256xi32>
    %or3A_164 = arith.constant 5 : i32
    %or3A_165 = vector.broadcast %or3A_164 : i32 to vector<128x256xi32>
    %or3A_166 = arith.ori %add3A_163, %or3A_165 : vector<128x256xi32>
    %bitcast_convert_type3A_167 = tpu.bitcast %or3A_166 : vector<128x256xi32> -> vector<128x256xf32>
    %max3A_168 = arith.maximumf %min3A_149, %bitcast_convert_type3A_167 : vector<128x256xf32>
    %min3A_169 = arith.minimumf %min3A_149, %bitcast_convert_type3A_167 : vector<128x256xf32>
    %max3A_170 = arith.maximumf %min3A_151, %max3A_168 : vector<128x256xf32>
    %min3A_171 = arith.minimumf %min3A_151, %max3A_168 : vector<128x256xf32>
    %min3A_172 = arith.minimumf %min3A_152, %max3A_170 : vector<128x256xf32>
    %slice3A_173 = vector.extract_strided_slice %sub3A {offsets = [0, 1536], sizes = [128, 256], strides = [1, 1]} : vector<128x4096xf32> to vector<128x256xf32>
    %max3A_174 = arith.constant 0.000000e+00 : f32
    %max3A_175 = vector.broadcast %max3A_174 : f32 to vector<128x256xf32>
    %max3A_176 = arith.maximumf %slice3A_173, %max3A_175 : vector<128x256xf32>
    %bitcast_convert_type3A_177 = tpu.bitcast %max3A_176 : vector<128x256xf32> -> vector<128x256xi32>
    %and3A_178 = arith.constant -16 : i32
    %and3A_179 = vector.broadcast %and3A_178 : i32 to vector<128x256xi32>
    %and3A_180 = arith.andi %bitcast_convert_type3A_177, %and3A_179 : vector<128x256xi32>
    %add3A_181 = arith.constant 8388608 : i32
    %add3A_182 = vector.broadcast %add3A_181 : i32 to vector<128x256xi32>
    %add3A_183 = arith.addi %and3A_180, %add3A_182 : vector<128x256xi32>
    %or3A_184 = arith.constant 6 : i32
    %or3A_185 = vector.broadcast %or3A_184 : i32 to vector<128x256xi32>
    %or3A_186 = arith.ori %add3A_183, %or3A_185 : vector<128x256xi32>
    %bitcast_convert_type3A_187 = tpu.bitcast %or3A_186 : vector<128x256xi32> -> vector<128x256xf32>
    %max3A_188 = arith.maximumf %min3A_169, %bitcast_convert_type3A_187 : vector<128x256xf32>
    %min3A_189 = arith.minimumf %min3A_169, %bitcast_convert_type3A_187 : vector<128x256xf32>
    %max3A_190 = arith.maximumf %min3A_171, %max3A_188 : vector<128x256xf32>
    %min3A_191 = arith.minimumf %min3A_171, %max3A_188 : vector<128x256xf32>
    %min3A_192 = arith.minimumf %min3A_172, %max3A_190 : vector<128x256xf32>
    %slice3A_193 = vector.extract_strided_slice %sub3A {offsets = [0, 1792], sizes = [128, 256], strides = [1, 1]} : vector<128x4096xf32> to vector<128x256xf32>
    %max3A_194 = arith.constant 0.000000e+00 : f32
    %max3A_195 = vector.broadcast %max3A_194 : f32 to vector<128x256xf32>
    %max3A_196 = arith.maximumf %slice3A_193, %max3A_195 : vector<128x256xf32>
    %bitcast_convert_type3A_197 = tpu.bitcast %max3A_196 : vector<128x256xf32> -> vector<128x256xi32>
    %and3A_198 = arith.constant -16 : i32
    %and3A_199 = vector.broadcast %and3A_198 : i32 to vector<128x256xi32>
    %and3A_200 = arith.andi %bitcast_convert_type3A_197, %and3A_199 : vector<128x256xi32>
    %add3A_201 = arith.constant 8388608 : i32
    %add3A_202 = vector.broadcast %add3A_201 : i32 to vector<128x256xi32>
    %add3A_203 = arith.addi %and3A_200, %add3A_202 : vector<128x256xi32>
    %or3A_204 = arith.constant 7 : i32
    %or3A_205 = vector.broadcast %or3A_204 : i32 to vector<128x256xi32>
    %or3A_206 = arith.ori %add3A_203, %or3A_205 : vector<128x256xi32>
    %bitcast_convert_type3A_207 = tpu.bitcast %or3A_206 : vector<128x256xi32> -> vector<128x256xf32>
    %max3A_208 = arith.maximumf %min3A_189, %bitcast_convert_type3A_207 : vector<128x256xf32>
    %min3A_209 = arith.minimumf %min3A_189, %bitcast_convert_type3A_207 : vector<128x256xf32>
    %max3A_210 = arith.maximumf %min3A_191, %max3A_208 : vector<128x256xf32>
    %min3A_211 = arith.minimumf %min3A_191, %max3A_208 : vector<128x256xf32>
    %min3A_212 = arith.minimumf %min3A_192, %max3A_210 : vector<128x256xf32>
    %slice3A_213 = vector.extract_strided_slice %sub3A {offsets = [0, 2048], sizes = [128, 256], strides = [1, 1]} : vector<128x4096xf32> to vector<128x256xf32>
    %max3A_214 = arith.constant 0.000000e+00 : f32
    %max3A_215 = vector.broadcast %max3A_214 : f32 to vector<128x256xf32>
    %max3A_216 = arith.maximumf %slice3A_213, %max3A_215 : vector<128x256xf32>
    %bitcast_convert_type3A_217 = tpu.bitcast %max3A_216 : vector<128x256xf32> -> vector<128x256xi32>
    %and3A_218 = arith.constant -16 : i32
    %and3A_219 = vector.broadcast %and3A_218 : i32 to vector<128x256xi32>
    %and3A_220 = arith.andi %bitcast_convert_type3A_217, %and3A_219 : vector<128x256xi32>
    %add3A_221 = arith.constant 8388608 : i32
    %add3A_222 = vector.broadcast %add3A_221 : i32 to vector<128x256xi32>
    %add3A_223 = arith.addi %and3A_220, %add3A_222 : vector<128x256xi32>
    %or3A_224 = arith.constant 8 : i32
    %or3A_225 = vector.broadcast %or3A_224 : i32 to vector<128x256xi32>
    %or3A_226 = arith.ori %add3A_223, %or3A_225 : vector<128x256xi32>
    %bitcast_convert_type3A_227 = tpu.bitcast %or3A_226 : vector<128x256xi32> -> vector<128x256xf32>
    %max3A_228 = arith.maximumf %min3A_209, %bitcast_convert_type3A_227 : vector<128x256xf32>
    %min3A_229 = arith.minimumf %min3A_209, %bitcast_convert_type3A_227 : vector<128x256xf32>
    %max3A_230 = arith.maximumf %min3A_211, %max3A_228 : vector<128x256xf32>
    %min3A_231 = arith.minimumf %min3A_211, %max3A_228 : vector<128x256xf32>
    %min3A_232 = arith.minimumf %min3A_212, %max3A_230 : vector<128x256xf32>
    %slice3A_233 = vector.extract_strided_slice %sub3A {offsets = [0, 2304], sizes = [128, 256], strides = [1, 1]} : vector<128x4096xf32> to vector<128x256xf32>
    %max3A_234 = arith.constant 0.000000e+00 : f32
    %max3A_235 = vector.broadcast %max3A_234 : f32 to vector<128x256xf32>
    %max3A_236 = arith.maximumf %slice3A_233, %max3A_235 : vector<128x256xf32>
    %bitcast_convert_type3A_237 = tpu.bitcast %max3A_236 : vector<128x256xf32> -> vector<128x256xi32>
    %and3A_238 = arith.constant -16 : i32
    %and3A_239 = vector.broadcast %and3A_238 : i32 to vector<128x256xi32>
    %and3A_240 = arith.andi %bitcast_convert_type3A_237, %and3A_239 : vector<128x256xi32>
    %add3A_241 = arith.constant 8388608 : i32
    %add3A_242 = vector.broadcast %add3A_241 : i32 to vector<128x256xi32>
    %add3A_243 = arith.addi %and3A_240, %add3A_242 : vector<128x256xi32>
    %or3A_244 = arith.constant 9 : i32
    %or3A_245 = vector.broadcast %or3A_244 : i32 to vector<128x256xi32>
    %or3A_246 = arith.ori %add3A_243, %or3A_245 : vector<128x256xi32>
    %bitcast_convert_type3A_247 = tpu.bitcast %or3A_246 : vector<128x256xi32> -> vector<128x256xf32>
    %max3A_248 = arith.maximumf %min3A_229, %bitcast_convert_type3A_247 : vector<128x256xf32>
    %min3A_249 = arith.minimumf %min3A_229, %bitcast_convert_type3A_247 : vector<128x256xf32>
    %max3A_250 = arith.maximumf %min3A_231, %max3A_248 : vector<128x256xf32>
    %min3A_251 = arith.minimumf %min3A_231, %max3A_248 : vector<128x256xf32>
    %min3A_252 = arith.minimumf %min3A_232, %max3A_250 : vector<128x256xf32>
    %slice3A_253 = vector.extract_strided_slice %sub3A {offsets = [0, 2560], sizes = [128, 256], strides = [1, 1]} : vector<128x4096xf32> to vector<128x256xf32>
    %max3A_254 = arith.constant 0.000000e+00 : f32
    %max3A_255 = vector.broadcast %max3A_254 : f32 to vector<128x256xf32>
    %max3A_256 = arith.maximumf %slice3A_253, %max3A_255 : vector<128x256xf32>
    %bitcast_convert_type3A_257 = tpu.bitcast %max3A_256 : vector<128x256xf32> -> vector<128x256xi32>
    %and3A_258 = arith.constant -16 : i32
    %and3A_259 = vector.broadcast %and3A_258 : i32 to vector<128x256xi32>
    %and3A_260 = arith.andi %bitcast_convert_type3A_257, %and3A_259 : vector<128x256xi32>
    %add3A_261 = arith.constant 8388608 : i32
    %add3A_262 = vector.broadcast %add3A_261 : i32 to vector<128x256xi32>
    %add3A_263 = arith.addi %and3A_260, %add3A_262 : vector<128x256xi32>
    %or3A_264 = arith.constant 10 : i32
    %or3A_265 = vector.broadcast %or3A_264 : i32 to vector<128x256xi32>
    %or3A_266 = arith.ori %add3A_263, %or3A_265 : vector<128x256xi32>
    %bitcast_convert_type3A_267 = tpu.bitcast %or3A_266 : vector<128x256xi32> -> vector<128x256xf32>
    %max3A_268 = arith.maximumf %min3A_249, %bitcast_convert_type3A_267 : vector<128x256xf32>
    %min3A_269 = arith.minimumf %min3A_249, %bitcast_convert_type3A_267 : vector<128x256xf32>
    %max3A_270 = arith.maximumf %min3A_251, %max3A_268 : vector<128x256xf32>
    %min3A_271 = arith.minimumf %min3A_251, %max3A_268 : vector<128x256xf32>
    %min3A_272 = arith.minimumf %min3A_252, %max3A_270 : vector<128x256xf32>
    %slice3A_273 = vector.extract_strided_slice %sub3A {offsets = [0, 2816], sizes = [128, 256], strides = [1, 1]} : vector<128x4096xf32> to vector<128x256xf32>
    %max3A_274 = arith.constant 0.000000e+00 : f32
    %max3A_275 = vector.broadcast %max3A_274 : f32 to vector<128x256xf32>
    %max3A_276 = arith.maximumf %slice3A_273, %max3A_275 : vector<128x256xf32>
    %bitcast_convert_type3A_277 = tpu.bitcast %max3A_276 : vector<128x256xf32> -> vector<128x256xi32>
    %and3A_278 = arith.constant -16 : i32
    %and3A_279 = vector.broadcast %and3A_278 : i32 to vector<128x256xi32>
    %and3A_280 = arith.andi %bitcast_convert_type3A_277, %and3A_279 : vector<128x256xi32>
    %add3A_281 = arith.constant 8388608 : i32
    %add3A_282 = vector.broadcast %add3A_281 : i32 to vector<128x256xi32>
    %add3A_283 = arith.addi %and3A_280, %add3A_282 : vector<128x256xi32>
    %or3A_284 = arith.constant 11 : i32
    %or3A_285 = vector.broadcast %or3A_284 : i32 to vector<128x256xi32>
    %or3A_286 = arith.ori %add3A_283, %or3A_285 : vector<128x256xi32>
    %bitcast_convert_type3A_287 = tpu.bitcast %or3A_286 : vector<128x256xi32> -> vector<128x256xf32>
    %max3A_288 = arith.maximumf %min3A_269, %bitcast_convert_type3A_287 : vector<128x256xf32>
    %min3A_289 = arith.minimumf %min3A_269, %bitcast_convert_type3A_287 : vector<128x256xf32>
    %max3A_290 = arith.maximumf %min3A_271, %max3A_288 : vector<128x256xf32>
    %min3A_291 = arith.minimumf %min3A_271, %max3A_288 : vector<128x256xf32>
    %min3A_292 = arith.minimumf %min3A_272, %max3A_290 : vector<128x256xf32>
    %slice3A_293 = vector.extract_strided_slice %sub3A {offsets = [0, 3072], sizes = [128, 256], strides = [1, 1]} : vector<128x4096xf32> to vector<128x256xf32>
    %max3A_294 = arith.constant 0.000000e+00 : f32
    %max3A_295 = vector.broadcast %max3A_294 : f32 to vector<128x256xf32>
    %max3A_296 = arith.maximumf %slice3A_293, %max3A_295 : vector<128x256xf32>
    %bitcast_convert_type3A_297 = tpu.bitcast %max3A_296 : vector<128x256xf32> -> vector<128x256xi32>
    %and3A_298 = arith.constant -16 : i32
    %and3A_299 = vector.broadcast %and3A_298 : i32 to vector<128x256xi32>
    %and3A_300 = arith.andi %bitcast_convert_type3A_297, %and3A_299 : vector<128x256xi32>
    %add3A_301 = arith.constant 8388608 : i32
    %add3A_302 = vector.broadcast %add3A_301 : i32 to vector<128x256xi32>
    %add3A_303 = arith.addi %and3A_300, %add3A_302 : vector<128x256xi32>
    %or3A_304 = arith.constant 12 : i32
    %or3A_305 = vector.broadcast %or3A_304 : i32 to vector<128x256xi32>
    %or3A_306 = arith.ori %add3A_303, %or3A_305 : vector<128x256xi32>
    %bitcast_convert_type3A_307 = tpu.bitcast %or3A_306 : vector<128x256xi32> -> vector<128x256xf32>
    %max3A_308 = arith.maximumf %min3A_289, %bitcast_convert_type3A_307 : vector<128x256xf32>
    %min3A_309 = arith.minimumf %min3A_289, %bitcast_convert_type3A_307 : vector<128x256xf32>
    %max3A_310 = arith.maximumf %min3A_291, %max3A_308 : vector<128x256xf32>
    %min3A_311 = arith.minimumf %min3A_291, %max3A_308 : vector<128x256xf32>
    %min3A_312 = arith.minimumf %min3A_292, %max3A_310 : vector<128x256xf32>
    %slice3A_313 = vector.extract_strided_slice %sub3A {offsets = [0, 3328], sizes = [128, 256], strides = [1, 1]} : vector<128x4096xf32> to vector<128x256xf32>
    %max3A_314 = arith.constant 0.000000e+00 : f32
    %max3A_315 = vector.broadcast %max3A_314 : f32 to vector<128x256xf32>
    %max3A_316 = arith.maximumf %slice3A_313, %max3A_315 : vector<128x256xf32>
    %bitcast_convert_type3A_317 = tpu.bitcast %max3A_316 : vector<128x256xf32> -> vector<128x256xi32>
    %and3A_318 = arith.constant -16 : i32
    %and3A_319 = vector.broadcast %and3A_318 : i32 to vector<128x256xi32>
    %and3A_320 = arith.andi %bitcast_convert_type3A_317, %and3A_319 : vector<128x256xi32>
    %add3A_321 = arith.constant 8388608 : i32
    %add3A_322 = vector.broadcast %add3A_321 : i32 to vector<128x256xi32>
    %add3A_323 = arith.addi %and3A_320, %add3A_322 : vector<128x256xi32>
    %or3A_324 = arith.constant 13 : i32
    %or3A_325 = vector.broadcast %or3A_324 : i32 to vector<128x256xi32>
    %or3A_326 = arith.ori %add3A_323, %or3A_325 : vector<128x256xi32>
    %bitcast_convert_type3A_327 = tpu.bitcast %or3A_326 : vector<128x256xi32> -> vector<128x256xf32>
    %max3A_328 = arith.maximumf %min3A_309, %bitcast_convert_type3A_327 : vector<128x256xf32>
    %min3A_329 = arith.minimumf %min3A_309, %bitcast_convert_type3A_327 : vector<128x256xf32>
    %max3A_330 = arith.maximumf %min3A_311, %max3A_328 : vector<128x256xf32>
    %min3A_331 = arith.minimumf %min3A_311, %max3A_328 : vector<128x256xf32>
    %min3A_332 = arith.minimumf %min3A_312, %max3A_330 : vector<128x256xf32>
    %slice3A_333 = vector.extract_strided_slice %sub3A {offsets = [0, 3584], sizes = [128, 256], strides = [1, 1]} : vector<128x4096xf32> to vector<128x256xf32>
    %max3A_334 = arith.constant 0.000000e+00 : f32
    %max3A_335 = vector.broadcast %max3A_334 : f32 to vector<128x256xf32>
    %max3A_336 = arith.maximumf %slice3A_333, %max3A_335 : vector<128x256xf32>
    %bitcast_convert_type3A_337 = tpu.bitcast %max3A_336 : vector<128x256xf32> -> vector<128x256xi32>
    %and3A_338 = arith.constant -16 : i32
    %and3A_339 = vector.broadcast %and3A_338 : i32 to vector<128x256xi32>
    %and3A_340 = arith.andi %bitcast_convert_type3A_337, %and3A_339 : vector<128x256xi32>
    %add3A_341 = arith.constant 8388608 : i32
    %add3A_342 = vector.broadcast %add3A_341 : i32 to vector<128x256xi32>
    %add3A_343 = arith.addi %and3A_340, %add3A_342 : vector<128x256xi32>
    %or3A_344 = arith.constant 14 : i32
    %or3A_345 = vector.broadcast %or3A_344 : i32 to vector<128x256xi32>
    %or3A_346 = arith.ori %add3A_343, %or3A_345 : vector<128x256xi32>
    %bitcast_convert_type3A_347 = tpu.bitcast %or3A_346 : vector<128x256xi32> -> vector<128x256xf32>
    %max3A_348 = arith.maximumf %min3A_329, %bitcast_convert_type3A_347 : vector<128x256xf32>
    %min3A_349 = arith.minimumf %min3A_329, %bitcast_convert_type3A_347 : vector<128x256xf32>
    %max3A_350 = arith.maximumf %min3A_331, %max3A_348 : vector<128x256xf32>
    %min3A_351 = arith.minimumf %min3A_331, %max3A_348 : vector<128x256xf32>
    %min3A_352 = arith.minimumf %min3A_332, %max3A_350 : vector<128x256xf32>
    %slice3A_353 = vector.extract_strided_slice %sub3A {offsets = [0, 3840], sizes = [128, 256], strides = [1, 1]} : vector<128x4096xf32> to vector<128x256xf32>
    %max3A_354 = arith.constant 0.000000e+00 : f32
    %max3A_355 = vector.broadcast %max3A_354 : f32 to vector<128x256xf32>
    %max3A_356 = arith.maximumf %slice3A_353, %max3A_355 : vector<128x256xf32>
    %bitcast_convert_type3A_357 = tpu.bitcast %max3A_356 : vector<128x256xf32> -> vector<128x256xi32>
    %and3A_358 = arith.constant -16 : i32
    %and3A_359 = vector.broadcast %and3A_358 : i32 to vector<128x256xi32>
    %and3A_360 = arith.andi %bitcast_convert_type3A_357, %and3A_359 : vector<128x256xi32>
    %add3A_361 = arith.constant 8388608 : i32
    %add3A_362 = vector.broadcast %add3A_361 : i32 to vector<128x256xi32>
    %add3A_363 = arith.addi %and3A_360, %add3A_362 : vector<128x256xi32>
    %or3A_364 = arith.constant 15 : i32
    %or3A_365 = vector.broadcast %or3A_364 : i32 to vector<128x256xi32>
    %or3A_366 = arith.ori %add3A_363, %or3A_365 : vector<128x256xi32>
    %bitcast_convert_type3A_367 = tpu.bitcast %or3A_366 : vector<128x256xi32> -> vector<128x256xf32>
    %max3A_368 = arith.maximumf %min3A_349, %bitcast_convert_type3A_367 : vector<128x256xf32>
    %min3A_369 = arith.minimumf %min3A_349, %bitcast_convert_type3A_367 : vector<128x256xf32>
    %max3A_370 = arith.maximumf %min3A_351, %max3A_368 : vector<128x256xf32>
    %min3A_371 = arith.minimumf %min3A_351, %max3A_368 : vector<128x256xf32>
    %min3A_372 = arith.minimumf %min3A_352, %max3A_370 : vector<128x256xf32>
    %iota3A = tpu.iota {dimensions = array<i32: 1>} : vector<128x256xi32>
    %convert_element_type3A = arith.sitofp %iota3A : vector<128x256xi32> to vector<128x256xf32>
    %reduce_min3A = arith.constant dense<0x7F800000> : vector<128xf32>
    %reduce_min3A_373 = vector.multi_reduction <minimumf>, %min3A_369, %reduce_min3A [1] : vector<128x256xf32> to vector<128xf32>
    %broadcast_in_dim3A_374 = vector.shape_cast %reduce_min3A_373 : vector<128xf32> to vector<128x1xf32>
    %eq3A = vector.broadcast %broadcast_in_dim3A_374 : vector<128x1xf32> to vector<128x256xf32>
    %eq3A_375 = arith.cmpf oeq, %min3A_369, %eq3A : vector<128x256xf32>
    %jit3A = arith.constant 1.000000e+09 : f32
    %broadcast_in_dim3A_376 = vector.broadcast %jit3A : f32 to vector<128x256xf32>
    %select_n3A = arith.select %eq3A_375, %convert_element_type3A, %broadcast_in_dim3A_376 : vector<128x256xi1>, vector<128x256xf32>
    %reduce_min3A_377 = arith.constant dense<0x7F800000> : vector<128xf32>
    %reduce_min3A_378 = vector.multi_reduction <minimumf>, %select_n3A, %reduce_min3A_377 [1] : vector<128x256xf32> to vector<128xf32>
    %broadcast_in_dim3A_379 = vector.shape_cast %reduce_min3A_378 : vector<128xf32> to vector<128x1xf32>
    %bitcast_convert_type3A_380 = tpu.bitcast %broadcast_in_dim3A_374 : vector<128x1xf32> -> vector<128x1xi32>
    %and3A_381 = arith.constant 15 : i32
    %and3A_382 = vector.broadcast %and3A_381 : i32 to vector<128x1xi32>
    %and3A_383 = arith.andi %bitcast_convert_type3A_380, %and3A_382 : vector<128x1xi32>
    %mul3A_384 = arith.constant 256 : i32
    %mul3A_385 = vector.broadcast %mul3A_384 : i32 to vector<128x1xi32>
    %mul3A_386 = arith.muli %and3A_383, %mul3A_385 : vector<128x1xi32>
    %convert_element_type3A_387 = arith.fptosi %broadcast_in_dim3A_379 : vector<128x1xf32> to vector<128x1xi32>
    %add3A_388 = arith.addi %mul3A_386, %convert_element_type3A_387 : vector<128x1xi32>
    %squeeze3A = vector.shape_cast %add3A_388 : vector<128x1xi32> to vector<128xi32>
    %swap3A_389 = arith.constant 0 : index
    %swap3A_390 = arith.constant 0 : index
    %swap3A_391 = arith.constant 0 : index
    %swap3A_392 = vector.load %arg10[%swap3A_389, %swap3A_390, %swap3A_391] : memref<1x16x128xi32, #tpu.memory_space<vmem>>, vector<1x1x128xi32>
    %swap3A_393 = vector.shape_cast %swap3A_392 : vector<1x1x128xi32> to vector<128xi32>
    %swap3A_394 = vector.shape_cast %squeeze3A : vector<128xi32> to vector<1x1x128xi32>
    tpu.vector_store %arg10[%swap3A_389, %swap3A_390, %swap3A_391], %swap3A_394 {strides = array<i32>} : memref<1x16x128xi32, #tpu.memory_space<vmem>>, vector<1x1x128xi32>,
    %eq3A_395 = vector.broadcast %broadcast_in_dim3A_379 : vector<128x1xf32> to vector<128x256xf32>
    %eq3A_396 = arith.cmpf oeq, %convert_element_type3A, %eq3A_395 : vector<128x256xf32>
    %select_n3A_397 = arith.select %eq3A_396, %min3A_371, %min3A_369 : vector<128x256xi1>, vector<128x256xf32>
    %select_n3A_398 = arith.select %eq3A_396, %min3A_372, %min3A_371 : vector<128x256xi1>, vector<128x256xf32>
    %jit3A_399 = arith.constant 0x7F800000 : f32
    %broadcast_in_dim3A_400 = vector.broadcast %jit3A_399 : f32 to vector<128x256xf32>
    %select_n3A_401 = arith.select %eq3A_396, %broadcast_in_dim3A_400, %min3A_372 : vector<128x256xi1>, vector<128x256xf32>
    %reduce_min3A_402 = arith.constant dense<0x7F800000> : vector<128xf32>
    %reduce_min3A_403 = vector.multi_reduction <minimumf>, %select_n3A_397, %reduce_min3A_402 [1] : vector<128x256xf32> to vector<128xf32>
    %broadcast_in_dim3A_404 = vector.shape_cast %reduce_min3A_403 : vector<128xf32> to vector<128x1xf32>
    %eq3A_405 = vector.broadcast %broadcast_in_dim3A_404 : vector<128x1xf32> to vector<128x256xf32>
    %eq3A_406 = arith.cmpf oeq, %select_n3A_397, %eq3A_405 : vector<128x256xf32>
    %jit3A_407 = arith.constant 1.000000e+09 : f32
    %broadcast_in_dim3A_408 = vector.broadcast %jit3A_407 : f32 to vector<128x256xf32>
    %select_n3A_409 = arith.select %eq3A_406, %convert_element_type3A, %broadcast_in_dim3A_408 : vector<128x256xi1>, vector<128x256xf32>
    %reduce_min3A_410 = arith.constant dense<0x7F800000> : vector<128xf32>
    %reduce_min3A_411 = vector.multi_reduction <minimumf>, %select_n3A_409, %reduce_min3A_410 [1] : vector<128x256xf32> to vector<128xf32>
    %broadcast_in_dim3A_412 = vector.shape_cast %reduce_min3A_411 : vector<128xf32> to vector<128x1xf32>
    %bitcast_convert_type3A_413 = tpu.bitcast %broadcast_in_dim3A_404 : vector<128x1xf32> -> vector<128x1xi32>
    %and3A_414 = arith.constant 15 : i32
    %and3A_415 = vector.broadcast %and3A_414 : i32 to vector<128x1xi32>
    %and3A_416 = arith.andi %bitcast_convert_type3A_413, %and3A_415 : vector<128x1xi32>
    %mul3A_417 = arith.constant 256 : i32
    %mul3A_418 = vector.broadcast %mul3A_417 : i32 to vector<128x1xi32>
    %mul3A_419 = arith.muli %and3A_416, %mul3A_418 : vector<128x1xi32>
    %convert_element_type3A_420 = arith.fptosi %broadcast_in_dim3A_412 : vector<128x1xf32> to vector<128x1xi32>
    %add3A_421 = arith.addi %mul3A_419, %convert_element_type3A_420 : vector<128x1xi32>
    %squeeze3A_422 = vector.shape_cast %add3A_421 : vector<128x1xi32> to vector<128xi32>
    %swap3A_423 = arith.constant 0 : index
    %swap3A_424 = arith.constant 1 : index
    %swap3A_425 = arith.constant 0 : index
    %swap3A_426 = vector.load %arg10[%swap3A_423, %swap3A_424, %swap3A_425] : memref<1x16x128xi32, #tpu.memory_space<vmem>>, vector<1x1x128xi32>
    %swap3A_427 = vector.shape_cast %swap3A_426 : vector<1x1x128xi32> to vector<128xi32>
    %swap3A_428 = vector.shape_cast %squeeze3A_422 : vector<128xi32> to vector<1x1x128xi32>
    tpu.vector_store %arg10[%swap3A_423, %swap3A_424, %swap3A_425], %swap3A_428 {strides = array<i32>} : memref<1x16x128xi32, #tpu.memory_space<vmem>>, vector<1x1x128xi32>,
    %eq3A_429 = vector.broadcast %broadcast_in_dim3A_412 : vector<128x1xf32> to vector<128x256xf32>
    %eq3A_430 = arith.cmpf oeq, %convert_element_type3A, %eq3A_429 : vector<128x256xf32>
    %select_n3A_431 = arith.select %eq3A_430, %select_n3A_398, %select_n3A_397 : vector<128x256xi1>, vector<128x256xf32>
    %select_n3A_432 = arith.select %eq3A_430, %select_n3A_401, %select_n3A_398 : vector<128x256xi1>, vector<128x256xf32>
    %jit3A_433 = arith.constant 0x7F800000 : f32
    %broadcast_in_dim3A_434 = vector.broadcast %jit3A_433 : f32 to vector<128x256xf32>
    %select_n3A_435 = arith.select %eq3A_430, %broadcast_in_dim3A_434, %select_n3A_401 : vector<128x256xi1>, vector<128x256xf32>
    %reduce_min3A_436 = arith.constant dense<0x7F800000> : vector<128xf32>
    %reduce_min3A_437 = vector.multi_reduction <minimumf>, %select_n3A_431, %reduce_min3A_436 [1] : vector<128x256xf32> to vector<128xf32>
    %broadcast_in_dim3A_438 = vector.shape_cast %reduce_min3A_437 : vector<128xf32> to vector<128x1xf32>
    %eq3A_439 = vector.broadcast %broadcast_in_dim3A_438 : vector<128x1xf32> to vector<128x256xf32>
    %eq3A_440 = arith.cmpf oeq, %select_n3A_431, %eq3A_439 : vector<128x256xf32>
    %jit3A_441 = arith.constant 1.000000e+09 : f32
    %broadcast_in_dim3A_442 = vector.broadcast %jit3A_441 : f32 to vector<128x256xf32>
    %select_n3A_443 = arith.select %eq3A_440, %convert_element_type3A, %broadcast_in_dim3A_442 : vector<128x256xi1>, vector<128x256xf32>
    %reduce_min3A_444 = arith.constant dense<0x7F800000> : vector<128xf32>
    %reduce_min3A_445 = vector.multi_reduction <minimumf>, %select_n3A_443, %reduce_min3A_444 [1] : vector<128x256xf32> to vector<128xf32>
    %broadcast_in_dim3A_446 = vector.shape_cast %reduce_min3A_445 : vector<128xf32> to vector<128x1xf32>
    %bitcast_convert_type3A_447 = tpu.bitcast %broadcast_in_dim3A_438 : vector<128x1xf32> -> vector<128x1xi32>
    %and3A_448 = arith.constant 15 : i32
    %and3A_449 = vector.broadcast %and3A_448 : i32 to vector<128x1xi32>
    %and3A_450 = arith.andi %bitcast_convert_type3A_447, %and3A_449 : vector<128x1xi32>
    %mul3A_451 = arith.constant 256 : i32
    %mul3A_452 = vector.broadcast %mul3A_451 : i32 to vector<128x1xi32>
    %mul3A_453 = arith.muli %and3A_450, %mul3A_452 : vector<128x1xi32>
    %convert_element_type3A_454 = arith.fptosi %broadcast_in_dim3A_446 : vector<128x1xf32> to vector<128x1xi32>
    %add3A_455 = arith.addi %mul3A_453, %convert_element_type3A_454 : vector<128x1xi32>
    %squeeze3A_456 = vector.shape_cast %add3A_455 : vector<128x1xi32> to vector<128xi32>
    %swap3A_457 = arith.constant 0 : index
    %swap3A_458 = arith.constant 2 : index
    %swap3A_459 = arith.constant 0 : index
    %swap3A_460 = vector.load %arg10[%swap3A_457, %swap3A_458, %swap3A_459] : memref<1x16x128xi32, #tpu.memory_space<vmem>>, vector<1x1x128xi32>
    %swap3A_461 = vector.shape_cast %swap3A_460 : vector<1x1x128xi32> to vector<128xi32>
    %swap3A_462 = vector.shape_cast %squeeze3A_456 : vector<128xi32> to vector<1x1x128xi32>
    tpu.vector_store %arg10[%swap3A_457, %swap3A_458, %swap3A_459], %swap3A_462 {strides = array<i32>} : memref<1x16x128xi32, #tpu.memory_space<vmem>>, vector<1x1x128xi32>,
    %eq3A_463 = vector.broadcast %broadcast_in_dim3A_446 : vector<128x1xf32> to vector<128x256xf32>
    %eq3A_464 = arith.cmpf oeq, %convert_element_type3A, %eq3A_463 : vector<128x256xf32>
    %select_n3A_465 = arith.select %eq3A_464, %select_n3A_432, %select_n3A_431 : vector<128x256xi1>, vector<128x256xf32>
    %select_n3A_466 = arith.select %eq3A_464, %select_n3A_435, %select_n3A_432 : vector<128x256xi1>, vector<128x256xf32>
    %jit3A_467 = arith.constant 0x7F800000 : f32
    %broadcast_in_dim3A_468 = vector.broadcast %jit3A_467 : f32 to vector<128x256xf32>
    %select_n3A_469 = arith.select %eq3A_464, %broadcast_in_dim3A_468, %select_n3A_435 : vector<128x256xi1>, vector<128x256xf32>
    %reduce_min3A_470 = arith.constant dense<0x7F800000> : vector<128xf32>
    %reduce_min3A_471 = vector.multi_reduction <minimumf>, %select_n3A_465, %reduce_min3A_470 [1] : vector<128x256xf32> to vector<128xf32>
    %broadcast_in_dim3A_472 = vector.shape_cast %reduce_min3A_471 : vector<128xf32> to vector<128x1xf32>
    %eq3A_473 = vector.broadcast %broadcast_in_dim3A_472 : vector<128x1xf32> to vector<128x256xf32>
    %eq3A_474 = arith.cmpf oeq, %select_n3A_465, %eq3A_473 : vector<128x256xf32>
    %jit3A_475 = arith.constant 1.000000e+09 : f32
    %broadcast_in_dim3A_476 = vector.broadcast %jit3A_475 : f32 to vector<128x256xf32>
    %select_n3A_477 = arith.select %eq3A_474, %convert_element_type3A, %broadcast_in_dim3A_476 : vector<128x256xi1>, vector<128x256xf32>
    %reduce_min3A_478 = arith.constant dense<0x7F800000> : vector<128xf32>
    %reduce_min3A_479 = vector.multi_reduction <minimumf>, %select_n3A_477, %reduce_min3A_478 [1] : vector<128x256xf32> to vector<128xf32>
    %broadcast_in_dim3A_480 = vector.shape_cast %reduce_min3A_479 : vector<128xf32> to vector<128x1xf32>
    %bitcast_convert_type3A_481 = tpu.bitcast %broadcast_in_dim3A_472 : vector<128x1xf32> -> vector<128x1xi32>
    %and3A_482 = arith.constant 15 : i32
    %and3A_483 = vector.broadcast %and3A_482 : i32 to vector<128x1xi32>
    %and3A_484 = arith.andi %bitcast_convert_type3A_481, %and3A_483 : vector<128x1xi32>
    %mul3A_485 = arith.constant 256 : i32
    %mul3A_486 = vector.broadcast %mul3A_485 : i32 to vector<128x1xi32>
    %mul3A_487 = arith.muli %and3A_484, %mul3A_486 : vector<128x1xi32>
    %convert_element_type3A_488 = arith.fptosi %broadcast_in_dim3A_480 : vector<128x1xf32> to vector<128x1xi32>
    %add3A_489 = arith.addi %mul3A_487, %convert_element_type3A_488 : vector<128x1xi32>
    %squeeze3A_490 = vector.shape_cast %add3A_489 : vector<128x1xi32> to vector<128xi32>
    %swap3A_491 = arith.constant 0 : index
    %swap3A_492 = arith.constant 3 : index
    %swap3A_493 = arith.constant 0 : index
    %swap3A_494 = vector.load %arg10[%swap3A_491, %swap3A_492, %swap3A_493] : memref<1x16x128xi32, #tpu.memory_space<vmem>>, vector<1x1x128xi32>
    %swap3A_495 = vector.shape_cast %swap3A_494 : vector<1x1x128xi32> to vector<128xi32>
    %swap3A_496 = vector.shape_cast %squeeze3A_490 : vector<128xi32> to vector<1x1x128xi32>
    tpu.vector_store %arg10[%swap3A_491, %swap3A_492, %swap3A_493], %swap3A_496 {strides = array<i32>} : memref<1x16x128xi32, #tpu.memory_space<vmem>>, vector<1x1x128xi32>,
    %eq3A_497 = vector.broadcast %broadcast_in_dim3A_480 : vector<128x1xf32> to vector<128x256xf32>
    %eq3A_498 = arith.cmpf oeq, %convert_element_type3A, %eq3A_497 : vector<128x256xf32>
    %select_n3A_499 = arith.select %eq3A_498, %select_n3A_466, %select_n3A_465 : vector<128x256xi1>, vector<128x256xf32>
    %select_n3A_500 = arith.select %eq3A_498, %select_n3A_469, %select_n3A_466 : vector<128x256xi1>, vector<128x256xf32>
    %jit3A_501 = arith.constant 0x7F800000 : f32
    %broadcast_in_dim3A_502 = vector.broadcast %jit3A_501 : f32 to vector<128x256xf32>
    %select_n3A_503 = arith.select %eq3A_498, %broadcast_in_dim3A_502, %select_n3A_469 : vector<128x256xi1>, vector<128x256xf32>
    %reduce_min3A_504 = arith.constant dense<0x7F800000> : vector<128xf32>
    %reduce_min3A_505 = vector.multi_reduction <minimumf>, %select_n3A_499, %reduce_min3A_504 [1] : vector<128x256xf32> to vector<128xf32>
    %broadcast_in_dim3A_506 = vector.shape_cast %reduce_min3A_505 : vector<128xf32> to vector<128x1xf32>
    %eq3A_507 = vector.broadcast %broadcast_in_dim3A_506 : vector<128x1xf32> to vector<128x256xf32>
    %eq3A_508 = arith.cmpf oeq, %select_n3A_499, %eq3A_507 : vector<128x256xf32>
    %jit3A_509 = arith.constant 1.000000e+09 : f32
    %broadcast_in_dim3A_510 = vector.broadcast %jit3A_509 : f32 to vector<128x256xf32>
    %select_n3A_511 = arith.select %eq3A_508, %convert_element_type3A, %broadcast_in_dim3A_510 : vector<128x256xi1>, vector<128x256xf32>
    %reduce_min3A_512 = arith.constant dense<0x7F800000> : vector<128xf32>
    %reduce_min3A_513 = vector.multi_reduction <minimumf>, %select_n3A_511, %reduce_min3A_512 [1] : vector<128x256xf32> to vector<128xf32>
    %broadcast_in_dim3A_514 = vector.shape_cast %reduce_min3A_513 : vector<128xf32> to vector<128x1xf32>
    %bitcast_convert_type3A_515 = tpu.bitcast %broadcast_in_dim3A_506 : vector<128x1xf32> -> vector<128x1xi32>
    %and3A_516 = arith.constant 15 : i32
    %and3A_517 = vector.broadcast %and3A_516 : i32 to vector<128x1xi32>
    %and3A_518 = arith.andi %bitcast_convert_type3A_515, %and3A_517 : vector<128x1xi32>
    %mul3A_519 = arith.constant 256 : i32
    %mul3A_520 = vector.broadcast %mul3A_519 : i32 to vector<128x1xi32>
    %mul3A_521 = arith.muli %and3A_518, %mul3A_520 : vector<128x1xi32>
    %convert_element_type3A_522 = arith.fptosi %broadcast_in_dim3A_514 : vector<128x1xf32> to vector<128x1xi32>
    %add3A_523 = arith.addi %mul3A_521, %convert_element_type3A_522 : vector<128x1xi32>
    %squeeze3A_524 = vector.shape_cast %add3A_523 : vector<128x1xi32> to vector<128xi32>
    %swap3A_525 = arith.constant 0 : index
    %swap3A_526 = arith.constant 4 : index
    %swap3A_527 = arith.constant 0 : index
    %swap3A_528 = vector.load %arg10[%swap3A_525, %swap3A_526, %swap3A_527] : memref<1x16x128xi32, #tpu.memory_space<vmem>>, vector<1x1x128xi32>
    %swap3A_529 = vector.shape_cast %swap3A_528 : vector<1x1x128xi32> to vector<128xi32>
    %swap3A_530 = vector.shape_cast %squeeze3A_524 : vector<128xi32> to vector<1x1x128xi32>
    tpu.vector_store %arg10[%swap3A_525, %swap3A_526, %swap3A_527], %swap3A_530 {strides = array<i32>} : memref<1x16x128xi32, #tpu.memory_space<vmem>>, vector<1x1x128xi32>,
    %eq3A_531 = vector.broadcast %broadcast_in_dim3A_514 : vector<128x1xf32> to vector<128x256xf32>
    %eq3A_532 = arith.cmpf oeq, %convert_element_type3A, %eq3A_531 : vector<128x256xf32>
    %select_n3A_533 = arith.select %eq3A_532, %select_n3A_500, %select_n3A_499 : vector<128x256xi1>, vector<128x256xf32>
    %select_n3A_534 = arith.select %eq3A_532, %select_n3A_503, %select_n3A_500 : vector<128x256xi1>, vector<128x256xf32>
    %jit3A_535 = arith.constant 0x7F800000 : f32
    %broadcast_in_dim3A_536 = vector.broadcast %jit3A_535 : f32 to vector<128x256xf32>
    %select_n3A_537 = arith.select %eq3A_532, %broadcast_in_dim3A_536, %select_n3A_503 : vector<128x256xi1>, vector<128x256xf32>
    %reduce_min3A_538 = arith.constant dense<0x7F800000> : vector<128xf32>
    %reduce_min3A_539 = vector.multi_reduction <minimumf>, %select_n3A_533, %reduce_min3A_538 [1] : vector<128x256xf32> to vector<128xf32>
    %broadcast_in_dim3A_540 = vector.shape_cast %reduce_min3A_539 : vector<128xf32> to vector<128x1xf32>
    %eq3A_541 = vector.broadcast %broadcast_in_dim3A_540 : vector<128x1xf32> to vector<128x256xf32>
    %eq3A_542 = arith.cmpf oeq, %select_n3A_533, %eq3A_541 : vector<128x256xf32>
    %jit3A_543 = arith.constant 1.000000e+09 : f32
    %broadcast_in_dim3A_544 = vector.broadcast %jit3A_543 : f32 to vector<128x256xf32>
    %select_n3A_545 = arith.select %eq3A_542, %convert_element_type3A, %broadcast_in_dim3A_544 : vector<128x256xi1>, vector<128x256xf32>
    %reduce_min3A_546 = arith.constant dense<0x7F800000> : vector<128xf32>
    %reduce_min3A_547 = vector.multi_reduction <minimumf>, %select_n3A_545, %reduce_min3A_546 [1] : vector<128x256xf32> to vector<128xf32>
    %broadcast_in_dim3A_548 = vector.shape_cast %reduce_min3A_547 : vector<128xf32> to vector<128x1xf32>
    %bitcast_convert_type3A_549 = tpu.bitcast %broadcast_in_dim3A_540 : vector<128x1xf32> -> vector<128x1xi32>
    %and3A_550 = arith.constant 15 : i32
    %and3A_551 = vector.broadcast %and3A_550 : i32 to vector<128x1xi32>
    %and3A_552 = arith.andi %bitcast_convert_type3A_549, %and3A_551 : vector<128x1xi32>
    %mul3A_553 = arith.constant 256 : i32
    %mul3A_554 = vector.broadcast %mul3A_553 : i32 to vector<128x1xi32>
    %mul3A_555 = arith.muli %and3A_552, %mul3A_554 : vector<128x1xi32>
    %convert_element_type3A_556 = arith.fptosi %broadcast_in_dim3A_548 : vector<128x1xf32> to vector<128x1xi32>
    %add3A_557 = arith.addi %mul3A_555, %convert_element_type3A_556 : vector<128x1xi32>
    %squeeze3A_558 = vector.shape_cast %add3A_557 : vector<128x1xi32> to vector<128xi32>
    %swap3A_559 = arith.constant 0 : index
    %swap3A_560 = arith.constant 5 : index
    %swap3A_561 = arith.constant 0 : index
    %swap3A_562 = vector.load %arg10[%swap3A_559, %swap3A_560, %swap3A_561] : memref<1x16x128xi32, #tpu.memory_space<vmem>>, vector<1x1x128xi32>
    %swap3A_563 = vector.shape_cast %swap3A_562 : vector<1x1x128xi32> to vector<128xi32>
    %swap3A_564 = vector.shape_cast %squeeze3A_558 : vector<128xi32> to vector<1x1x128xi32>
    tpu.vector_store %arg10[%swap3A_559, %swap3A_560, %swap3A_561], %swap3A_564 {strides = array<i32>} : memref<1x16x128xi32, #tpu.memory_space<vmem>>, vector<1x1x128xi32>,
    %eq3A_565 = vector.broadcast %broadcast_in_dim3A_548 : vector<128x1xf32> to vector<128x256xf32>
    %eq3A_566 = arith.cmpf oeq, %convert_element_type3A, %eq3A_565 : vector<128x256xf32>
    %select_n3A_567 = arith.select %eq3A_566, %select_n3A_534, %select_n3A_533 : vector<128x256xi1>, vector<128x256xf32>
    %select_n3A_568 = arith.select %eq3A_566, %select_n3A_537, %select_n3A_534 : vector<128x256xi1>, vector<128x256xf32>
    %jit3A_569 = arith.constant 0x7F800000 : f32
    %broadcast_in_dim3A_570 = vector.broadcast %jit3A_569 : f32 to vector<128x256xf32>
    %select_n3A_571 = arith.select %eq3A_566, %broadcast_in_dim3A_570, %select_n3A_537 : vector<128x256xi1>, vector<128x256xf32>
    %reduce_min3A_572 = arith.constant dense<0x7F800000> : vector<128xf32>
    %reduce_min3A_573 = vector.multi_reduction <minimumf>, %select_n3A_567, %reduce_min3A_572 [1] : vector<128x256xf32> to vector<128xf32>
    %broadcast_in_dim3A_574 = vector.shape_cast %reduce_min3A_573 : vector<128xf32> to vector<128x1xf32>
    %eq3A_575 = vector.broadcast %broadcast_in_dim3A_574 : vector<128x1xf32> to vector<128x256xf32>
    %eq3A_576 = arith.cmpf oeq, %select_n3A_567, %eq3A_575 : vector<128x256xf32>
    %jit3A_577 = arith.constant 1.000000e+09 : f32
    %broadcast_in_dim3A_578 = vector.broadcast %jit3A_577 : f32 to vector<128x256xf32>
    %select_n3A_579 = arith.select %eq3A_576, %convert_element_type3A, %broadcast_in_dim3A_578 : vector<128x256xi1>, vector<128x256xf32>
    %reduce_min3A_580 = arith.constant dense<0x7F800000> : vector<128xf32>
    %reduce_min3A_581 = vector.multi_reduction <minimumf>, %select_n3A_579, %reduce_min3A_580 [1] : vector<128x256xf32> to vector<128xf32>
    %broadcast_in_dim3A_582 = vector.shape_cast %reduce_min3A_581 : vector<128xf32> to vector<128x1xf32>
    %bitcast_convert_type3A_583 = tpu.bitcast %broadcast_in_dim3A_574 : vector<128x1xf32> -> vector<128x1xi32>
    %and3A_584 = arith.constant 15 : i32
    %and3A_585 = vector.broadcast %and3A_584 : i32 to vector<128x1xi32>
    %and3A_586 = arith.andi %bitcast_convert_type3A_583, %and3A_585 : vector<128x1xi32>
    %mul3A_587 = arith.constant 256 : i32
    %mul3A_588 = vector.broadcast %mul3A_587 : i32 to vector<128x1xi32>
    %mul3A_589 = arith.muli %and3A_586, %mul3A_588 : vector<128x1xi32>
    %convert_element_type3A_590 = arith.fptosi %broadcast_in_dim3A_582 : vector<128x1xf32> to vector<128x1xi32>
    %add3A_591 = arith.addi %mul3A_589, %convert_element_type3A_590 : vector<128x1xi32>
    %squeeze3A_592 = vector.shape_cast %add3A_591 : vector<128x1xi32> to vector<128xi32>
    %swap3A_593 = arith.constant 0 : index
    %swap3A_594 = arith.constant 6 : index
    %swap3A_595 = arith.constant 0 : index
    %swap3A_596 = vector.load %arg10[%swap3A_593, %swap3A_594, %swap3A_595] : memref<1x16x128xi32, #tpu.memory_space<vmem>>, vector<1x1x128xi32>
    %swap3A_597 = vector.shape_cast %swap3A_596 : vector<1x1x128xi32> to vector<128xi32>
    %swap3A_598 = vector.shape_cast %squeeze3A_592 : vector<128xi32> to vector<1x1x128xi32>
    tpu.vector_store %arg10[%swap3A_593, %swap3A_594, %swap3A_595], %swap3A_598 {strides = array<i32>} : memref<1x16x128xi32, #tpu.memory_space<vmem>>, vector<1x1x128xi32>,
    %eq3A_599 = vector.broadcast %broadcast_in_dim3A_582 : vector<128x1xf32> to vector<128x256xf32>
    %eq3A_600 = arith.cmpf oeq, %convert_element_type3A, %eq3A_599 : vector<128x256xf32>
    %select_n3A_601 = arith.select %eq3A_600, %select_n3A_568, %select_n3A_567 : vector<128x256xi1>, vector<128x256xf32>
    %select_n3A_602 = arith.select %eq3A_600, %select_n3A_571, %select_n3A_568 : vector<128x256xi1>, vector<128x256xf32>
    %jit3A_603 = arith.constant 0x7F800000 : f32
    %broadcast_in_dim3A_604 = vector.broadcast %jit3A_603 : f32 to vector<128x256xf32>
    %select_n3A_605 = arith.select %eq3A_600, %broadcast_in_dim3A_604, %select_n3A_571 : vector<128x256xi1>, vector<128x256xf32>
    %reduce_min3A_606 = arith.constant dense<0x7F800000> : vector<128xf32>
    %reduce_min3A_607 = vector.multi_reduction <minimumf>, %select_n3A_601, %reduce_min3A_606 [1] : vector<128x256xf32> to vector<128xf32>
    %broadcast_in_dim3A_608 = vector.shape_cast %reduce_min3A_607 : vector<128xf32> to vector<128x1xf32>
    %eq3A_609 = vector.broadcast %broadcast_in_dim3A_608 : vector<128x1xf32> to vector<128x256xf32>
    %eq3A_610 = arith.cmpf oeq, %select_n3A_601, %eq3A_609 : vector<128x256xf32>
    %jit3A_611 = arith.constant 1.000000e+09 : f32
    %broadcast_in_dim3A_612 = vector.broadcast %jit3A_611 : f32 to vector<128x256xf32>
    %select_n3A_613 = arith.select %eq3A_610, %convert_element_type3A, %broadcast_in_dim3A_612 : vector<128x256xi1>, vector<128x256xf32>
    %reduce_min3A_614 = arith.constant dense<0x7F800000> : vector<128xf32>
    %reduce_min3A_615 = vector.multi_reduction <minimumf>, %select_n3A_613, %reduce_min3A_614 [1] : vector<128x256xf32> to vector<128xf32>
    %broadcast_in_dim3A_616 = vector.shape_cast %reduce_min3A_615 : vector<128xf32> to vector<128x1xf32>
    %bitcast_convert_type3A_617 = tpu.bitcast %broadcast_in_dim3A_608 : vector<128x1xf32> -> vector<128x1xi32>
    %and3A_618 = arith.constant 15 : i32
    %and3A_619 = vector.broadcast %and3A_618 : i32 to vector<128x1xi32>
    %and3A_620 = arith.andi %bitcast_convert_type3A_617, %and3A_619 : vector<128x1xi32>
    %mul3A_621 = arith.constant 256 : i32
    %mul3A_622 = vector.broadcast %mul3A_621 : i32 to vector<128x1xi32>
    %mul3A_623 = arith.muli %and3A_620, %mul3A_622 : vector<128x1xi32>
    %convert_element_type3A_624 = arith.fptosi %broadcast_in_dim3A_616 : vector<128x1xf32> to vector<128x1xi32>
    %add3A_625 = arith.addi %mul3A_623, %convert_element_type3A_624 : vector<128x1xi32>
    %squeeze3A_626 = vector.shape_cast %add3A_625 : vector<128x1xi32> to vector<128xi32>
    %swap3A_627 = arith.constant 0 : index
    %swap3A_628 = arith.constant 7 : index
    %swap3A_629 = arith.constant 0 : index
    %swap3A_630 = vector.load %arg10[%swap3A_627, %swap3A_628, %swap3A_629] : memref<1x16x128xi32, #tpu.memory_space<vmem>>, vector<1x1x128xi32>
    %swap3A_631 = vector.shape_cast %swap3A_630 : vector<1x1x128xi32> to vector<128xi32>
    %swap3A_632 = vector.shape_cast %squeeze3A_626 : vector<128xi32> to vector<1x1x128xi32>
    tpu.vector_store %arg10[%swap3A_627, %swap3A_628, %swap3A_629], %swap3A_632 {strides = array<i32>} : memref<1x16x128xi32, #tpu.memory_space<vmem>>, vector<1x1x128xi32>,
    %eq3A_633 = vector.broadcast %broadcast_in_dim3A_616 : vector<128x1xf32> to vector<128x256xf32>
    %eq3A_634 = arith.cmpf oeq, %convert_element_type3A, %eq3A_633 : vector<128x256xf32>
    %select_n3A_635 = arith.select %eq3A_634, %select_n3A_602, %select_n3A_601 : vector<128x256xi1>, vector<128x256xf32>
    %select_n3A_636 = arith.select %eq3A_634, %select_n3A_605, %select_n3A_602 : vector<128x256xi1>, vector<128x256xf32>
    %jit3A_637 = arith.constant 0x7F800000 : f32
    %broadcast_in_dim3A_638 = vector.broadcast %jit3A_637 : f32 to vector<128x256xf32>
    %select_n3A_639 = arith.select %eq3A_634, %broadcast_in_dim3A_638, %select_n3A_605 : vector<128x256xi1>, vector<128x256xf32>
    %reduce_min3A_640 = arith.constant dense<0x7F800000> : vector<128xf32>
    %reduce_min3A_641 = vector.multi_reduction <minimumf>, %select_n3A_635, %reduce_min3A_640 [1] : vector<128x256xf32> to vector<128xf32>
    %broadcast_in_dim3A_642 = vector.shape_cast %reduce_min3A_641 : vector<128xf32> to vector<128x1xf32>
    %eq3A_643 = vector.broadcast %broadcast_in_dim3A_642 : vector<128x1xf32> to vector<128x256xf32>
    %eq3A_644 = arith.cmpf oeq, %select_n3A_635, %eq3A_643 : vector<128x256xf32>
    %jit3A_645 = arith.constant 1.000000e+09 : f32
    %broadcast_in_dim3A_646 = vector.broadcast %jit3A_645 : f32 to vector<128x256xf32>
    %select_n3A_647 = arith.select %eq3A_644, %convert_element_type3A, %broadcast_in_dim3A_646 : vector<128x256xi1>, vector<128x256xf32>
    %reduce_min3A_648 = arith.constant dense<0x7F800000> : vector<128xf32>
    %reduce_min3A_649 = vector.multi_reduction <minimumf>, %select_n3A_647, %reduce_min3A_648 [1] : vector<128x256xf32> to vector<128xf32>
    %broadcast_in_dim3A_650 = vector.shape_cast %reduce_min3A_649 : vector<128xf32> to vector<128x1xf32>
    %bitcast_convert_type3A_651 = tpu.bitcast %broadcast_in_dim3A_642 : vector<128x1xf32> -> vector<128x1xi32>
    %and3A_652 = arith.constant 15 : i32
    %and3A_653 = vector.broadcast %and3A_652 : i32 to vector<128x1xi32>
    %and3A_654 = arith.andi %bitcast_convert_type3A_651, %and3A_653 : vector<128x1xi32>
    %mul3A_655 = arith.constant 256 : i32
    %mul3A_656 = vector.broadcast %mul3A_655 : i32 to vector<128x1xi32>
    %mul3A_657 = arith.muli %and3A_654, %mul3A_656 : vector<128x1xi32>
    %convert_element_type3A_658 = arith.fptosi %broadcast_in_dim3A_650 : vector<128x1xf32> to vector<128x1xi32>
    %add3A_659 = arith.addi %mul3A_657, %convert_element_type3A_658 : vector<128x1xi32>
    %squeeze3A_660 = vector.shape_cast %add3A_659 : vector<128x1xi32> to vector<128xi32>
    %swap3A_661 = arith.constant 0 : index
    %swap3A_662 = arith.constant 8 : index
    %swap3A_663 = arith.constant 0 : index
    %swap3A_664 = vector.load %arg10[%swap3A_661, %swap3A_662, %swap3A_663] : memref<1x16x128xi32, #tpu.memory_space<vmem>>, vector<1x1x128xi32>
    %swap3A_665 = vector.shape_cast %swap3A_664 : vector<1x1x128xi32> to vector<128xi32>
    %swap3A_666 = vector.shape_cast %squeeze3A_660 : vector<128xi32> to vector<1x1x128xi32>
    tpu.vector_store %arg10[%swap3A_661, %swap3A_662, %swap3A_663], %swap3A_666 {strides = array<i32>} : memref<1x16x128xi32, #tpu.memory_space<vmem>>, vector<1x1x128xi32>,
    %eq3A_667 = vector.broadcast %broadcast_in_dim3A_650 : vector<128x1xf32> to vector<128x256xf32>
    %eq3A_668 = arith.cmpf oeq, %convert_element_type3A, %eq3A_667 : vector<128x256xf32>
    %select_n3A_669 = arith.select %eq3A_668, %select_n3A_636, %select_n3A_635 : vector<128x256xi1>, vector<128x256xf32>
    %select_n3A_670 = arith.select %eq3A_668, %select_n3A_639, %select_n3A_636 : vector<128x256xi1>, vector<128x256xf32>
    %jit3A_671 = arith.constant 0x7F800000 : f32
    %broadcast_in_dim3A_672 = vector.broadcast %jit3A_671 : f32 to vector<128x256xf32>
    %select_n3A_673 = arith.select %eq3A_668, %broadcast_in_dim3A_672, %select_n3A_639 : vector<128x256xi1>, vector<128x256xf32>
    %reduce_min3A_674 = arith.constant dense<0x7F800000> : vector<128xf32>
    %reduce_min3A_675 = vector.multi_reduction <minimumf>, %select_n3A_669, %reduce_min3A_674 [1] : vector<128x256xf32> to vector<128xf32>
    %broadcast_in_dim3A_676 = vector.shape_cast %reduce_min3A_675 : vector<128xf32> to vector<128x1xf32>
    %eq3A_677 = vector.broadcast %broadcast_in_dim3A_676 : vector<128x1xf32> to vector<128x256xf32>
    %eq3A_678 = arith.cmpf oeq, %select_n3A_669, %eq3A_677 : vector<128x256xf32>
    %jit3A_679 = arith.constant 1.000000e+09 : f32
    %broadcast_in_dim3A_680 = vector.broadcast %jit3A_679 : f32 to vector<128x256xf32>
    %select_n3A_681 = arith.select %eq3A_678, %convert_element_type3A, %broadcast_in_dim3A_680 : vector<128x256xi1>, vector<128x256xf32>
    %reduce_min3A_682 = arith.constant dense<0x7F800000> : vector<128xf32>
    %reduce_min3A_683 = vector.multi_reduction <minimumf>, %select_n3A_681, %reduce_min3A_682 [1] : vector<128x256xf32> to vector<128xf32>
    %broadcast_in_dim3A_684 = vector.shape_cast %reduce_min3A_683 : vector<128xf32> to vector<128x1xf32>
    %bitcast_convert_type3A_685 = tpu.bitcast %broadcast_in_dim3A_676 : vector<128x1xf32> -> vector<128x1xi32>
    %and3A_686 = arith.constant 15 : i32
    %and3A_687 = vector.broadcast %and3A_686 : i32 to vector<128x1xi32>
    %and3A_688 = arith.andi %bitcast_convert_type3A_685, %and3A_687 : vector<128x1xi32>
    %mul3A_689 = arith.constant 256 : i32
    %mul3A_690 = vector.broadcast %mul3A_689 : i32 to vector<128x1xi32>
    %mul3A_691 = arith.muli %and3A_688, %mul3A_690 : vector<128x1xi32>
    %convert_element_type3A_692 = arith.fptosi %broadcast_in_dim3A_684 : vector<128x1xf32> to vector<128x1xi32>
    %add3A_693 = arith.addi %mul3A_691, %convert_element_type3A_692 : vector<128x1xi32>
    %squeeze3A_694 = vector.shape_cast %add3A_693 : vector<128x1xi32> to vector<128xi32>
    %swap3A_695 = arith.constant 0 : index
    %swap3A_696 = arith.constant 9 : index
    %swap3A_697 = arith.constant 0 : index
    %swap3A_698 = vector.load %arg10[%swap3A_695, %swap3A_696, %swap3A_697] : memref<1x16x128xi32, #tpu.memory_space<vmem>>, vector<1x1x128xi32>
    %swap3A_699 = vector.shape_cast %swap3A_698 : vector<1x1x128xi32> to vector<128xi32>
    %swap3A_700 = vector.shape_cast %squeeze3A_694 : vector<128xi32> to vector<1x1x128xi32>
    tpu.vector_store %arg10[%swap3A_695, %swap3A_696, %swap3A_697], %swap3A_700 {strides = array<i32>} : memref<1x16x128xi32, #tpu.memory_space<vmem>>, vector<1x1x128xi32>,
    %eq3A_701 = vector.broadcast %broadcast_in_dim3A_684 : vector<128x1xf32> to vector<128x256xf32>
    %eq3A_702 = arith.cmpf oeq, %convert_element_type3A, %eq3A_701 : vector<128x256xf32>
    %select_n3A_703 = arith.select %eq3A_702, %select_n3A_670, %select_n3A_669 : vector<128x256xi1>, vector<128x256xf32>
    %select_n3A_704 = arith.select %eq3A_702, %select_n3A_673, %select_n3A_670 : vector<128x256xi1>, vector<128x256xf32>
    %jit3A_705 = arith.constant 0x7F800000 : f32
    %broadcast_in_dim3A_706 = vector.broadcast %jit3A_705 : f32 to vector<128x256xf32>
    %select_n3A_707 = arith.select %eq3A_702, %broadcast_in_dim3A_706, %select_n3A_673 : vector<128x256xi1>, vector<128x256xf32>
    %reduce_min3A_708 = arith.constant dense<0x7F800000> : vector<128xf32>
    %reduce_min3A_709 = vector.multi_reduction <minimumf>, %select_n3A_703, %reduce_min3A_708 [1] : vector<128x256xf32> to vector<128xf32>
    %broadcast_in_dim3A_710 = vector.shape_cast %reduce_min3A_709 : vector<128xf32> to vector<128x1xf32>
    %eq3A_711 = vector.broadcast %broadcast_in_dim3A_710 : vector<128x1xf32> to vector<128x256xf32>
    %eq3A_712 = arith.cmpf oeq, %select_n3A_703, %eq3A_711 : vector<128x256xf32>
    %jit3A_713 = arith.constant 1.000000e+09 : f32
    %broadcast_in_dim3A_714 = vector.broadcast %jit3A_713 : f32 to vector<128x256xf32>
    %select_n3A_715 = arith.select %eq3A_712, %convert_element_type3A, %broadcast_in_dim3A_714 : vector<128x256xi1>, vector<128x256xf32>
    %reduce_min3A_716 = arith.constant dense<0x7F800000> : vector<128xf32>
    %reduce_min3A_717 = vector.multi_reduction <minimumf>, %select_n3A_715, %reduce_min3A_716 [1] : vector<128x256xf32> to vector<128xf32>
    %broadcast_in_dim3A_718 = vector.shape_cast %reduce_min3A_717 : vector<128xf32> to vector<128x1xf32>
    %bitcast_convert_type3A_719 = tpu.bitcast %broadcast_in_dim3A_710 : vector<128x1xf32> -> vector<128x1xi32>
    %and3A_720 = arith.constant 15 : i32
    %and3A_721 = vector.broadcast %and3A_720 : i32 to vector<128x1xi32>
    %and3A_722 = arith.andi %bitcast_convert_type3A_719, %and3A_721 : vector<128x1xi32>
    %mul3A_723 = arith.constant 256 : i32
    %mul3A_724 = vector.broadcast %mul3A_723 : i32 to vector<128x1xi32>
    %mul3A_725 = arith.muli %and3A_722, %mul3A_724 : vector<128x1xi32>
    %convert_element_type3A_726 = arith.fptosi %broadcast_in_dim3A_718 : vector<128x1xf32> to vector<128x1xi32>
    %add3A_727 = arith.addi %mul3A_725, %convert_element_type3A_726 : vector<128x1xi32>
    %squeeze3A_728 = vector.shape_cast %add3A_727 : vector<128x1xi32> to vector<128xi32>
    %swap3A_729 = arith.constant 0 : index
    %swap3A_730 = arith.constant 10 : index
    %swap3A_731 = arith.constant 0 : index
    %swap3A_732 = vector.load %arg10[%swap3A_729, %swap3A_730, %swap3A_731] : memref<1x16x128xi32, #tpu.memory_space<vmem>>, vector<1x1x128xi32>
    %swap3A_733 = vector.shape_cast %swap3A_732 : vector<1x1x128xi32> to vector<128xi32>
    %swap3A_734 = vector.shape_cast %squeeze3A_728 : vector<128xi32> to vector<1x1x128xi32>
    tpu.vector_store %arg10[%swap3A_729, %swap3A_730, %swap3A_731], %swap3A_734 {strides = array<i32>} : memref<1x16x128xi32, #tpu.memory_space<vmem>>, vector<1x1x128xi32>,
    %eq3A_735 = vector.broadcast %broadcast_in_dim3A_718 : vector<128x1xf32> to vector<128x256xf32>
    %eq3A_736 = arith.cmpf oeq, %convert_element_type3A, %eq3A_735 : vector<128x256xf32>
    %select_n3A_737 = arith.select %eq3A_736, %select_n3A_704, %select_n3A_703 : vector<128x256xi1>, vector<128x256xf32>
    %select_n3A_738 = arith.select %eq3A_736, %select_n3A_707, %select_n3A_704 : vector<128x256xi1>, vector<128x256xf32>
    %jit3A_739 = arith.constant 0x7F800000 : f32
    %broadcast_in_dim3A_740 = vector.broadcast %jit3A_739 : f32 to vector<128x256xf32>
    %select_n3A_741 = arith.select %eq3A_736, %broadcast_in_dim3A_740, %select_n3A_707 : vector<128x256xi1>, vector<128x256xf32>
    %reduce_min3A_742 = arith.constant dense<0x7F800000> : vector<128xf32>
    %reduce_min3A_743 = vector.multi_reduction <minimumf>, %select_n3A_737, %reduce_min3A_742 [1] : vector<128x256xf32> to vector<128xf32>
    %broadcast_in_dim3A_744 = vector.shape_cast %reduce_min3A_743 : vector<128xf32> to vector<128x1xf32>
    %eq3A_745 = vector.broadcast %broadcast_in_dim3A_744 : vector<128x1xf32> to vector<128x256xf32>
    %eq3A_746 = arith.cmpf oeq, %select_n3A_737, %eq3A_745 : vector<128x256xf32>
    %jit3A_747 = arith.constant 1.000000e+09 : f32
    %broadcast_in_dim3A_748 = vector.broadcast %jit3A_747 : f32 to vector<128x256xf32>
    %select_n3A_749 = arith.select %eq3A_746, %convert_element_type3A, %broadcast_in_dim3A_748 : vector<128x256xi1>, vector<128x256xf32>
    %reduce_min3A_750 = arith.constant dense<0x7F800000> : vector<128xf32>
    %reduce_min3A_751 = vector.multi_reduction <minimumf>, %select_n3A_749, %reduce_min3A_750 [1] : vector<128x256xf32> to vector<128xf32>
    %broadcast_in_dim3A_752 = vector.shape_cast %reduce_min3A_751 : vector<128xf32> to vector<128x1xf32>
    %bitcast_convert_type3A_753 = tpu.bitcast %broadcast_in_dim3A_744 : vector<128x1xf32> -> vector<128x1xi32>
    %and3A_754 = arith.constant 15 : i32
    %and3A_755 = vector.broadcast %and3A_754 : i32 to vector<128x1xi32>
    %and3A_756 = arith.andi %bitcast_convert_type3A_753, %and3A_755 : vector<128x1xi32>
    %mul3A_757 = arith.constant 256 : i32
    %mul3A_758 = vector.broadcast %mul3A_757 : i32 to vector<128x1xi32>
    %mul3A_759 = arith.muli %and3A_756, %mul3A_758 : vector<128x1xi32>
    %convert_element_type3A_760 = arith.fptosi %broadcast_in_dim3A_752 : vector<128x1xf32> to vector<128x1xi32>
    %add3A_761 = arith.addi %mul3A_759, %convert_element_type3A_760 : vector<128x1xi32>
    %squeeze3A_762 = vector.shape_cast %add3A_761 : vector<128x1xi32> to vector<128xi32>
    %swap3A_763 = arith.constant 0 : index
    %swap3A_764 = arith.constant 11 : index
    %swap3A_765 = arith.constant 0 : index
    %swap3A_766 = vector.load %arg10[%swap3A_763, %swap3A_764, %swap3A_765] : memref<1x16x128xi32, #tpu.memory_space<vmem>>, vector<1x1x128xi32>
    %swap3A_767 = vector.shape_cast %swap3A_766 : vector<1x1x128xi32> to vector<128xi32>
    %swap3A_768 = vector.shape_cast %squeeze3A_762 : vector<128xi32> to vector<1x1x128xi32>
    tpu.vector_store %arg10[%swap3A_763, %swap3A_764, %swap3A_765], %swap3A_768 {strides = array<i32>} : memref<1x16x128xi32, #tpu.memory_space<vmem>>, vector<1x1x128xi32>,
    %eq3A_769 = vector.broadcast %broadcast_in_dim3A_752 : vector<128x1xf32> to vector<128x256xf32>
    %eq3A_770 = arith.cmpf oeq, %convert_element_type3A, %eq3A_769 : vector<128x256xf32>
    %select_n3A_771 = arith.select %eq3A_770, %select_n3A_738, %select_n3A_737 : vector<128x256xi1>, vector<128x256xf32>
    %select_n3A_772 = arith.select %eq3A_770, %select_n3A_741, %select_n3A_738 : vector<128x256xi1>, vector<128x256xf32>
    %jit3A_773 = arith.constant 0x7F800000 : f32
    %broadcast_in_dim3A_774 = vector.broadcast %jit3A_773 : f32 to vector<128x256xf32>
    %select_n3A_775 = arith.select %eq3A_770, %broadcast_in_dim3A_774, %select_n3A_741 : vector<128x256xi1>, vector<128x256xf32>
    %reduce_min3A_776 = arith.constant dense<0x7F800000> : vector<128xf32>
    %reduce_min3A_777 = vector.multi_reduction <minimumf>, %select_n3A_771, %reduce_min3A_776 [1] : vector<128x256xf32> to vector<128xf32>
    %broadcast_in_dim3A_778 = vector.shape_cast %reduce_min3A_777 : vector<128xf32> to vector<128x1xf32>
    %eq3A_779 = vector.broadcast %broadcast_in_dim3A_778 : vector<128x1xf32> to vector<128x256xf32>
    %eq3A_780 = arith.cmpf oeq, %select_n3A_771, %eq3A_779 : vector<128x256xf32>
    %jit3A_781 = arith.constant 1.000000e+09 : f32
    %broadcast_in_dim3A_782 = vector.broadcast %jit3A_781 : f32 to vector<128x256xf32>
    %select_n3A_783 = arith.select %eq3A_780, %convert_element_type3A, %broadcast_in_dim3A_782 : vector<128x256xi1>, vector<128x256xf32>
    %reduce_min3A_784 = arith.constant dense<0x7F800000> : vector<128xf32>
    %reduce_min3A_785 = vector.multi_reduction <minimumf>, %select_n3A_783, %reduce_min3A_784 [1] : vector<128x256xf32> to vector<128xf32>
    %broadcast_in_dim3A_786 = vector.shape_cast %reduce_min3A_785 : vector<128xf32> to vector<128x1xf32>
    %bitcast_convert_type3A_787 = tpu.bitcast %broadcast_in_dim3A_778 : vector<128x1xf32> -> vector<128x1xi32>
    %and3A_788 = arith.constant 15 : i32
    %and3A_789 = vector.broadcast %and3A_788 : i32 to vector<128x1xi32>
    %and3A_790 = arith.andi %bitcast_convert_type3A_787, %and3A_789 : vector<128x1xi32>
    %mul3A_791 = arith.constant 256 : i32
    %mul3A_792 = vector.broadcast %mul3A_791 : i32 to vector<128x1xi32>
    %mul3A_793 = arith.muli %and3A_790, %mul3A_792 : vector<128x1xi32>
    %convert_element_type3A_794 = arith.fptosi %broadcast_in_dim3A_786 : vector<128x1xf32> to vector<128x1xi32>
    %add3A_795 = arith.addi %mul3A_793, %convert_element_type3A_794 : vector<128x1xi32>
    %squeeze3A_796 = vector.shape_cast %add3A_795 : vector<128x1xi32> to vector<128xi32>
    %swap3A_797 = arith.constant 0 : index
    %swap3A_798 = arith.constant 12 : index
    %swap3A_799 = arith.constant 0 : index
    %swap3A_800 = vector.load %arg10[%swap3A_797, %swap3A_798, %swap3A_799] : memref<1x16x128xi32, #tpu.memory_space<vmem>>, vector<1x1x128xi32>
    %swap3A_801 = vector.shape_cast %swap3A_800 : vector<1x1x128xi32> to vector<128xi32>
    %swap3A_802 = vector.shape_cast %squeeze3A_796 : vector<128xi32> to vector<1x1x128xi32>
    tpu.vector_store %arg10[%swap3A_797, %swap3A_798, %swap3A_799], %swap3A_802 {strides = array<i32>} : memref<1x16x128xi32, #tpu.memory_space<vmem>>, vector<1x1x128xi32>,
    %eq3A_803 = vector.broadcast %broadcast_in_dim3A_786 : vector<128x1xf32> to vector<128x256xf32>
    %eq3A_804 = arith.cmpf oeq, %convert_element_type3A, %eq3A_803 : vector<128x256xf32>
    %select_n3A_805 = arith.select %eq3A_804, %select_n3A_772, %select_n3A_771 : vector<128x256xi1>, vector<128x256xf32>
    %select_n3A_806 = arith.select %eq3A_804, %select_n3A_775, %select_n3A_772 : vector<128x256xi1>, vector<128x256xf32>
    %jit3A_807 = arith.constant 0x7F800000 : f32
    %broadcast_in_dim3A_808 = vector.broadcast %jit3A_807 : f32 to vector<128x256xf32>
    %select_n3A_809 = arith.select %eq3A_804, %broadcast_in_dim3A_808, %select_n3A_775 : vector<128x256xi1>, vector<128x256xf32>
    %reduce_min3A_810 = arith.constant dense<0x7F800000> : vector<128xf32>
    %reduce_min3A_811 = vector.multi_reduction <minimumf>, %select_n3A_805, %reduce_min3A_810 [1] : vector<128x256xf32> to vector<128xf32>
    %broadcast_in_dim3A_812 = vector.shape_cast %reduce_min3A_811 : vector<128xf32> to vector<128x1xf32>
    %eq3A_813 = vector.broadcast %broadcast_in_dim3A_812 : vector<128x1xf32> to vector<128x256xf32>
    %eq3A_814 = arith.cmpf oeq, %select_n3A_805, %eq3A_813 : vector<128x256xf32>
    %jit3A_815 = arith.constant 1.000000e+09 : f32
    %broadcast_in_dim3A_816 = vector.broadcast %jit3A_815 : f32 to vector<128x256xf32>
    %select_n3A_817 = arith.select %eq3A_814, %convert_element_type3A, %broadcast_in_dim3A_816 : vector<128x256xi1>, vector<128x256xf32>
    %reduce_min3A_818 = arith.constant dense<0x7F800000> : vector<128xf32>
    %reduce_min3A_819 = vector.multi_reduction <minimumf>, %select_n3A_817, %reduce_min3A_818 [1] : vector<128x256xf32> to vector<128xf32>
    %broadcast_in_dim3A_820 = vector.shape_cast %reduce_min3A_819 : vector<128xf32> to vector<128x1xf32>
    %bitcast_convert_type3A_821 = tpu.bitcast %broadcast_in_dim3A_812 : vector<128x1xf32> -> vector<128x1xi32>
    %and3A_822 = arith.constant 15 : i32
    %and3A_823 = vector.broadcast %and3A_822 : i32 to vector<128x1xi32>
    %and3A_824 = arith.andi %bitcast_convert_type3A_821, %and3A_823 : vector<128x1xi32>
    %mul3A_825 = arith.constant 256 : i32
    %mul3A_826 = vector.broadcast %mul3A_825 : i32 to vector<128x1xi32>
    %mul3A_827 = arith.muli %and3A_824, %mul3A_826 : vector<128x1xi32>
    %convert_element_type3A_828 = arith.fptosi %broadcast_in_dim3A_820 : vector<128x1xf32> to vector<128x1xi32>
    %add3A_829 = arith.addi %mul3A_827, %convert_element_type3A_828 : vector<128x1xi32>
    %squeeze3A_830 = vector.shape_cast %add3A_829 : vector<128x1xi32> to vector<128xi32>
    %swap3A_831 = arith.constant 0 : index
    %swap3A_832 = arith.constant 13 : index
    %swap3A_833 = arith.constant 0 : index
    %swap3A_834 = vector.load %arg10[%swap3A_831, %swap3A_832, %swap3A_833] : memref<1x16x128xi32, #tpu.memory_space<vmem>>, vector<1x1x128xi32>
    %swap3A_835 = vector.shape_cast %swap3A_834 : vector<1x1x128xi32> to vector<128xi32>
    %swap3A_836 = vector.shape_cast %squeeze3A_830 : vector<128xi32> to vector<1x1x128xi32>
    tpu.vector_store %arg10[%swap3A_831, %swap3A_832, %swap3A_833], %swap3A_836 {strides = array<i32>} : memref<1x16x128xi32, #tpu.memory_space<vmem>>, vector<1x1x128xi32>,
    %eq3A_837 = vector.broadcast %broadcast_in_dim3A_820 : vector<128x1xf32> to vector<128x256xf32>
    %eq3A_838 = arith.cmpf oeq, %convert_element_type3A, %eq3A_837 : vector<128x256xf32>
    %select_n3A_839 = arith.select %eq3A_838, %select_n3A_806, %select_n3A_805 : vector<128x256xi1>, vector<128x256xf32>
    %select_n3A_840 = arith.select %eq3A_838, %select_n3A_809, %select_n3A_806 : vector<128x256xi1>, vector<128x256xf32>
    %reduce_min3A_841 = arith.constant dense<0x7F800000> : vector<128xf32>
    %reduce_min3A_842 = vector.multi_reduction <minimumf>, %select_n3A_839, %reduce_min3A_841 [1] : vector<128x256xf32> to vector<128xf32>
    %broadcast_in_dim3A_843 = vector.shape_cast %reduce_min3A_842 : vector<128xf32> to vector<128x1xf32>
    %eq3A_844 = vector.broadcast %broadcast_in_dim3A_843 : vector<128x1xf32> to vector<128x256xf32>
    %eq3A_845 = arith.cmpf oeq, %select_n3A_839, %eq3A_844 : vector<128x256xf32>
    %jit3A_846 = arith.constant 1.000000e+09 : f32
    %broadcast_in_dim3A_847 = vector.broadcast %jit3A_846 : f32 to vector<128x256xf32>
    %select_n3A_848 = arith.select %eq3A_845, %convert_element_type3A, %broadcast_in_dim3A_847 : vector<128x256xi1>, vector<128x256xf32>
    %reduce_min3A_849 = arith.constant dense<0x7F800000> : vector<128xf32>
    %reduce_min3A_850 = vector.multi_reduction <minimumf>, %select_n3A_848, %reduce_min3A_849 [1] : vector<128x256xf32> to vector<128xf32>
    %broadcast_in_dim3A_851 = vector.shape_cast %reduce_min3A_850 : vector<128xf32> to vector<128x1xf32>
    %bitcast_convert_type3A_852 = tpu.bitcast %broadcast_in_dim3A_843 : vector<128x1xf32> -> vector<128x1xi32>
    %and3A_853 = arith.constant 15 : i32
    %and3A_854 = vector.broadcast %and3A_853 : i32 to vector<128x1xi32>
    %and3A_855 = arith.andi %bitcast_convert_type3A_852, %and3A_854 : vector<128x1xi32>
    %mul3A_856 = arith.constant 256 : i32
    %mul3A_857 = vector.broadcast %mul3A_856 : i32 to vector<128x1xi32>
    %mul3A_858 = arith.muli %and3A_855, %mul3A_857 : vector<128x1xi32>
    %convert_element_type3A_859 = arith.fptosi %broadcast_in_dim3A_851 : vector<128x1xf32> to vector<128x1xi32>
    %add3A_860 = arith.addi %mul3A_858, %convert_element_type3A_859 : vector<128x1xi32>
    %squeeze3A_861 = vector.shape_cast %add3A_860 : vector<128x1xi32> to vector<128xi32>
    %swap3A_862 = arith.constant 0 : index
    %swap3A_863 = arith.constant 14 : index
    %swap3A_864 = arith.constant 0 : index
    %swap3A_865 = vector.load %arg10[%swap3A_862, %swap3A_863, %swap3A_864] : memref<1x16x128xi32, #tpu.memory_space<vmem>>, vector<1x1x128xi32>
    %swap3A_866 = vector.shape_cast %swap3A_865 : vector<1x1x128xi32> to vector<128xi32>
    %swap3A_867 = vector.shape_cast %squeeze3A_861 : vector<128xi32> to vector<1x1x128xi32>
    tpu.vector_store %arg10[%swap3A_862, %swap3A_863, %swap3A_864], %swap3A_867 {strides = array<i32>} : memref<1x16x128xi32, #tpu.memory_space<vmem>>, vector<1x1x128xi32>,
    %eq3A_868 = vector.broadcast %broadcast_in_dim3A_851 : vector<128x1xf32> to vector<128x256xf32>
    %eq3A_869 = arith.cmpf oeq, %convert_element_type3A, %eq3A_868 : vector<128x256xf32>
    %select_n3A_870 = arith.select %eq3A_869, %select_n3A_840, %select_n3A_839 : vector<128x256xi1>, vector<128x256xf32>
    %reduce_min3A_871 = arith.constant dense<0x7F800000> : vector<128xf32>
    %reduce_min3A_872 = vector.multi_reduction <minimumf>, %select_n3A_870, %reduce_min3A_871 [1] : vector<128x256xf32> to vector<128xf32>
    %broadcast_in_dim3A_873 = vector.shape_cast %reduce_min3A_872 : vector<128xf32> to vector<128x1xf32>
    %eq3A_874 = vector.broadcast %broadcast_in_dim3A_873 : vector<128x1xf32> to vector<128x256xf32>
    %eq3A_875 = arith.cmpf oeq, %select_n3A_870, %eq3A_874 : vector<128x256xf32>
    %jit3A_876 = arith.constant 1.000000e+09 : f32
    %broadcast_in_dim3A_877 = vector.broadcast %jit3A_876 : f32 to vector<128x256xf32>
    %select_n3A_878 = arith.select %eq3A_875, %convert_element_type3A, %broadcast_in_dim3A_877 : vector<128x256xi1>, vector<128x256xf32>
    %reduce_min3A_879 = arith.constant dense<0x7F800000> : vector<128xf32>
    %reduce_min3A_880 = vector.multi_reduction <minimumf>, %select_n3A_878, %reduce_min3A_879 [1] : vector<128x256xf32> to vector<128xf32>
    %broadcast_in_dim3A_881 = vector.shape_cast %reduce_min3A_880 : vector<128xf32> to vector<128x1xf32>
    %bitcast_convert_type3A_882 = tpu.bitcast %broadcast_in_dim3A_873 : vector<128x1xf32> -> vector<128x1xi32>
    %and3A_883 = arith.constant 15 : i32
    %and3A_884 = vector.broadcast %and3A_883 : i32 to vector<128x1xi32>
    %and3A_885 = arith.andi %bitcast_convert_type3A_882, %and3A_884 : vector<128x1xi32>
    %mul3A_886 = arith.constant 256 : i32
    %mul3A_887 = vector.broadcast %mul3A_886 : i32 to vector<128x1xi32>
    %mul3A_888 = arith.muli %and3A_885, %mul3A_887 : vector<128x1xi32>
    %convert_element_type3A_889 = arith.fptosi %broadcast_in_dim3A_881 : vector<128x1xf32> to vector<128x1xi32>
    %add3A_890 = arith.addi %mul3A_888, %convert_element_type3A_889 : vector<128x1xi32>
    %squeeze3A_891 = vector.shape_cast %add3A_890 : vector<128x1xi32> to vector<128xi32>
    %swap3A_892 = arith.constant 0 : index
    %swap3A_893 = arith.constant 15 : index
    %swap3A_894 = arith.constant 0 : index
    %swap3A_895 = vector.load %arg10[%swap3A_892, %swap3A_893, %swap3A_894] : memref<1x16x128xi32, #tpu.memory_space<vmem>>, vector<1x1x128xi32>
    %swap3A_896 = vector.shape_cast %swap3A_895 : vector<1x1x128xi32> to vector<128xi32>
    %swap3A_897 = vector.shape_cast %squeeze3A_891 : vector<128xi32> to vector<1x1x128xi32>
    tpu.vector_store %arg10[%swap3A_892, %swap3A_893, %swap3A_894], %swap3A_897 {strides = array<i32>} : memref<1x16x128xi32, #tpu.memory_space<vmem>>, vector<1x1x128xi32>,
    return
  }
  func.func @transform_0(%arg0: i32) -> (i32, i32, i32) {
    %c1_i32 = arith.constant 1 : i32
    %c0_i32 = arith.constant 0 : i32
    %c0_i32_0 = arith.constant 0 : i32
    return %c1_i32, %arg0, %c0_i32 : i32, i32, i32
  }
  func.func @transform_1(%arg0: i32) -> (i32, i32, i32) {
    %c1_i32 = arith.constant 1 : i32
    %c0_i32 = arith.constant 0 : i32
    %c0_i32_0 = arith.constant 0 : i32
    return %c1_i32, %arg0, %c0_i32 : i32, i32, i32
  }
  func.func @transform_2(%arg0: i32) -> (i32, i32, i32) {
    %c1_i32 = arith.constant 1 : i32
    %c0_i32 = arith.constant 0 : i32
    %c0_i32_0 = arith.constant 0 : i32
    %c0_i32_1 = arith.constant 0 : i32
    return %c1_i32, %c0_i32, %c0_i32_0 : i32, i32, i32
  }
  func.func @transform_3(%arg0: i32) -> (i32, i32) {
    %c0_i32 = arith.constant 0 : i32
    %c0_i32_0 = arith.constant 0 : i32
    %c0_i32_1 = arith.constant 0 : i32
    return %c0_i32, %c0_i32_0 : i32, i32
  }
  func.func @transform_4(%arg0: i32) -> (i32, i32) {
    %c0_i32 = arith.constant 0 : i32
    %c0_i32_0 = arith.constant 0 : i32
    %c0_i32_1 = arith.constant 0 : i32
    return %c0_i32, %c0_i32_0 : i32, i32
  }
  func.func @transform_5(%arg0: i32) -> (i32, i32) {
    %c0_i32 = arith.constant 0 : i32
    %c0_i32_0 = arith.constant 0 : i32
    %c0_i32_1 = arith.constant 0 : i32
    return %c0_i32, %c0_i32_0 : i32, i32
  }
  func.func @transform_6(%arg0: i32) -> (i32, i32) {
    %c0_i32 = arith.constant 0 : i32
    %c0_i32_0 = arith.constant 0 : i32
    %c0_i32_1 = arith.constant 0 : i32
    return %c0_i32, %c0_i32_0 : i32, i32
  }
  func.func @transform_7(%arg0: i32) -> (i32, i32, i32) {
    %c0_i32 = arith.constant 0 : i32
    %c0_i32_0 = arith.constant 0 : i32
    %c0_i32_1 = arith.constant 0 : i32
    return %c0_i32, %arg0, %c0_i32_0 : i32, i32, i32
  }
  func.func @transform_8(%arg0: i32) -> (i32, i32, i32) {
    %c0_i32 = arith.constant 0 : i32
    %c0_i32_0 = arith.constant 0 : i32
    %c0_i32_1 = arith.constant 0 : i32
    return %c0_i32, %arg0, %c0_i32_0 : i32, i32, i32
  }
  func.func @transform_9(%arg0: i32) -> (i32, i32, i32) {
    %c0_i32 = arith.constant 0 : i32
    %c0_i32_0 = arith.constant 0 : i32
    %c0_i32_1 = arith.constant 0 : i32
    return %c0_i32, %c0_i32_0, %arg0 : i32, i32, i32
  }
}

module attributes {stable_mosaic.version = 14 : i64} {
  func.func @_attn_body(%arg0: i32, %arg1: memref<16x512x128xf32, #tpu.memory_space<vmem>>, %arg2: memref<1x512x128xf32, #tpu.memory_space<vmem>>, %arg3: memref<1x512x32xf32, #tpu.memory_space<vmem>>, %arg4: memref<1x512x8xf32, #tpu.memory_space<vmem>>, %arg5: memref<16x32xf32, #tpu.memory_space<vmem>>, %arg6: memref<1x32xf32, #tpu.memory_space<vmem>>, %arg7: memref<32x32xf32, #tpu.memory_space<vmem>>, %arg8: memref<1x32xf32, #tpu.memory_space<vmem>>, %arg9: memref<32x32xf32, #tpu.memory_space<vmem>>, %arg10: memref<1x32xf32, #tpu.memory_space<vmem>>, %arg11: memref<32x32xf32, #tpu.memory_space<vmem>>, %arg12: memref<1x32xf32, #tpu.memory_space<vmem>>, %arg13: memref<32x128xf32, #tpu.memory_space<vmem>>, %arg14: memref<1x128xf32, #tpu.memory_space<vmem>>, %arg15: memref<1x512x128xf32, #tpu.memory_space<vmem>>) attributes {dimension_semantics = [#tpu.dimension_semantics<arbitrary>], iteration_bounds = array<i64: 8>, scalar_prefetch = 0 : i64, scratch_operands = 0 : i64, tpu.core_type = #tpu.core_type<tc>, window_params = [{transform_indices = @transform_0, window_bounds = array<i64: 16, 512, 128>}, {transform_indices = @transform_1, window_bounds = array<i64: 1, 512, 128>}, {transform_indices = @transform_2, window_bounds = array<i64: 1, 512, 32>}, {transform_indices = @transform_3, window_bounds = array<i64: 1, 512, 8>}, {pipeline_mode = #tpu.pipeline_mode<synchronous>, transform_indices = @transform_4, window_bounds = array<i64: 16, 32>}, {pipeline_mode = #tpu.pipeline_mode<synchronous>, transform_indices = @transform_5, window_bounds = array<i64: 1, 32>}, {pipeline_mode = #tpu.pipeline_mode<synchronous>, transform_indices = @transform_6, window_bounds = array<i64: 32, 32>}, {pipeline_mode = #tpu.pipeline_mode<synchronous>, transform_indices = @transform_7, window_bounds = array<i64: 1, 32>}, {pipeline_mode = #tpu.pipeline_mode<synchronous>, transform_indices = @transform_8, window_bounds = array<i64: 32, 32>}, {pipeline_mode = #tpu.pipeline_mode<synchronous>, transform_indices = @transform_9, window_bounds = array<i64: 1, 32>}, {pipeline_mode = #tpu.pipeline_mode<synchronous>, transform_indices = @transform_10, window_bounds = array<i64: 32, 32>}, {pipeline_mode = #tpu.pipeline_mode<synchronous>, transform_indices = @transform_11, window_bounds = array<i64: 1, 32>}, {pipeline_mode = #tpu.pipeline_mode<synchronous>, transform_indices = @transform_12, window_bounds = array<i64: 32, 128>}, {pipeline_mode = #tpu.pipeline_mode<synchronous>, transform_indices = @transform_13, window_bounds = array<i64: 1, 128>}, {transform_indices = @transform_14, window_bounds = array<i64: 1, 512, 128>}]} {
    %get3A = arith.constant 0 : index
    %get3A_0 = arith.constant 0 : index
    %get3A_1 = arith.constant 0 : index
    %get3A_2 = vector.load %arg1[%get3A, %get3A_0, %get3A_1] : memref<16x512x128xf32, #tpu.memory_space<vmem>>, vector<16x512x128xf32>
    %slice3A = vector.extract_strided_slice %get3A_2 {offsets = [0, 0, 0], sizes = [16, 512, 32], strides = [1, 1, 1]} : vector<16x512x128xf32> to vector<16x512x32xf32>
    %reshape3A = vector.shape_cast %slice3A : vector<16x512x32xf32> to vector<8192x32xf32>
    %slice3A_3 = vector.extract_strided_slice %get3A_2 {offsets = [0, 0, 32], sizes = [16, 512, 32], strides = [1, 1, 1]} : vector<16x512x128xf32> to vector<16x512x32xf32>
    %slice3A_4 = vector.extract_strided_slice %get3A_2 {offsets = [0, 0, 64], sizes = [16, 512, 16], strides = [1, 1, 1]} : vector<16x512x128xf32> to vector<16x512x16xf32>
    %reshape3A_5 = vector.shape_cast %slice3A_4 : vector<16x512x16xf32> to vector<8192x16xf32>
    %get3A_6 = arith.constant 0 : index
    %get3A_7 = arith.constant 0 : index
    %get3A_8 = arith.constant 0 : index
    %get3A_9 = vector.load %arg4[%get3A_6, %get3A_7, %get3A_8] : memref<1x512x8xf32, #tpu.memory_space<vmem>>, vector<1x512x8xf32>
    %get3A_10 = vector.shape_cast %get3A_9 : vector<1x512x8xf32> to vector<512x8xf32>
    %broadcast_in_dim3A = arith.constant 0.000000e+00 : f32
    %broadcast_in_dim3A_11 = vector.broadcast %broadcast_in_dim3A : f32 to vector<512x8xf32>
    %concatenate3A = tpu.concatenate %get3A_10, %broadcast_in_dim3A_11 in 1 : vector<512x8xf32>, vector<512x8xf32> -> vector<512x16xf32>
    %broadcast_in_dim3A_12 = vector.shape_cast %concatenate3A : vector<512x16xf32> to vector<1x512x16xf32>
    %broadcast_in_dim3A_13 = vector.shape_cast %broadcast_in_dim3A_12 : vector<1x512x16xf32> to vector<1x512x16xf32>
    %broadcast_in_dim3A_14 = vector.broadcast %broadcast_in_dim3A_13 : vector<1x512x16xf32> to vector<16x512x16xf32>
    %reshape3A_15 = vector.shape_cast %broadcast_in_dim3A_14 : vector<16x512x16xf32> to vector<8192x16xf32>
    %sub3A = arith.subf %reshape3A_15, %reshape3A_5 : vector<8192x16xf32>
    %get3A_16 = arith.constant 0 : index
    %get3A_17 = arith.constant 0 : index
    %get3A_18 = vector.load %arg5[%get3A_16, %get3A_17] : memref<16x32xf32, #tpu.memory_space<vmem>>, vector<16x32xf32>
    %dot_general3A = arith.constant dense<0.000000e+00> : vector<8192x32xf32>
    %dot_general3A_19 = tpu.matmul %sub3A, %get3A_18, %dot_general3A {dimension_numbers = #tpu.dot_dimension_numbers<[1], [0], [0], [1], [0, 0, 1, 1], [], []>, transpose_lhs_hint = false} : vector<8192x16xf32>, vector<16x32xf32>, vector<8192x32xf32> -> vector<8192x32xf32>
    %get3A_20 = arith.constant 0 : index
    %get3A_21 = arith.constant 0 : index
    %get3A_22 = vector.load %arg6[%get3A_20, %get3A_21] : memref<1x32xf32, #tpu.memory_space<vmem>>, vector<1x32xf32>
    %add3A = vector.broadcast %get3A_22 : vector<1x32xf32> to vector<8192x32xf32>
    %add3A_23 = arith.addf %dot_general3A_19, %add3A : vector<8192x32xf32>
    %max3A = arith.constant 0.000000e+00 : f32
    %max3A_24 = vector.broadcast %max3A : f32 to vector<8192x32xf32>
    %max3A_25 = arith.maximumf %add3A_23, %max3A_24 : vector<8192x32xf32>
    %get3A_26 = arith.constant 0 : index
    %get3A_27 = arith.constant 0 : index
    %get3A_28 = vector.load %arg7[%get3A_26, %get3A_27] : memref<32x32xf32, #tpu.memory_space<vmem>>, vector<32x32xf32>
    %dot_general3A_29 = arith.constant dense<0.000000e+00> : vector<8192x32xf32>
    %dot_general3A_30 = tpu.matmul %max3A_25, %get3A_28, %dot_general3A_29 {dimension_numbers = #tpu.dot_dimension_numbers<[1], [0], [0], [1], [0, 0, 1, 1], [], []>, transpose_lhs_hint = false} : vector<8192x32xf32>, vector<32x32xf32>, vector<8192x32xf32> -> vector<8192x32xf32>
    %get3A_31 = arith.constant 0 : index
    %get3A_32 = arith.constant 0 : index
    %get3A_33 = vector.load %arg8[%get3A_31, %get3A_32] : memref<1x32xf32, #tpu.memory_space<vmem>>, vector<1x32xf32>
    %add3A_34 = vector.broadcast %get3A_33 : vector<1x32xf32> to vector<8192x32xf32>
    %add3A_35 = arith.addf %dot_general3A_30, %add3A_34 : vector<8192x32xf32>
    %get3A_36 = arith.constant 0 : index
    %get3A_37 = arith.constant 0 : index
    %get3A_38 = arith.constant 0 : index
    %get3A_39 = vector.load %arg3[%get3A_36, %get3A_37, %get3A_38] : memref<1x512x32xf32, #tpu.memory_space<vmem>>, vector<1x512x32xf32>
    %get3A_40 = vector.shape_cast %get3A_39 : vector<1x512x32xf32> to vector<512x32xf32>
    %broadcast_in_dim3A_41 = vector.shape_cast %get3A_40 : vector<512x32xf32> to vector<1x512x32xf32>
    %broadcast_in_dim3A_42 = vector.shape_cast %broadcast_in_dim3A_41 : vector<1x512x32xf32> to vector<1x512x32xf32>
    %broadcast_in_dim3A_43 = vector.broadcast %broadcast_in_dim3A_42 : vector<1x512x32xf32> to vector<16x512x32xf32>
    %reshape3A_44 = vector.shape_cast %broadcast_in_dim3A_43 : vector<16x512x32xf32> to vector<8192x32xf32>
    %sub3A_45 = arith.subf %reshape3A_44, %reshape3A : vector<8192x32xf32>
    %add3A_46 = arith.addf %sub3A_45, %add3A_35 : vector<8192x32xf32>
    %get3A_47 = arith.constant 0 : index
    %get3A_48 = arith.constant 0 : index
    %get3A_49 = vector.load %arg9[%get3A_47, %get3A_48] : memref<32x32xf32, #tpu.memory_space<vmem>>, vector<32x32xf32>
    %dot_general3A_50 = arith.constant dense<0.000000e+00> : vector<8192x32xf32>
    %dot_general3A_51 = tpu.matmul %add3A_46, %get3A_49, %dot_general3A_50 {dimension_numbers = #tpu.dot_dimension_numbers<[1], [0], [0], [1], [0, 0, 1, 1], [], []>, transpose_lhs_hint = false} : vector<8192x32xf32>, vector<32x32xf32>, vector<8192x32xf32> -> vector<8192x32xf32>
    %get3A_52 = arith.constant 0 : index
    %get3A_53 = arith.constant 0 : index
    %get3A_54 = vector.load %arg10[%get3A_52, %get3A_53] : memref<1x32xf32, #tpu.memory_space<vmem>>, vector<1x32xf32>
    %add3A_55 = vector.broadcast %get3A_54 : vector<1x32xf32> to vector<8192x32xf32>
    %add3A_56 = arith.addf %dot_general3A_51, %add3A_55 : vector<8192x32xf32>
    %max3A_57 = arith.constant 0.000000e+00 : f32
    %max3A_58 = vector.broadcast %max3A_57 : f32 to vector<8192x32xf32>
    %max3A_59 = arith.maximumf %add3A_56, %max3A_58 : vector<8192x32xf32>
    %get3A_60 = arith.constant 0 : index
    %get3A_61 = arith.constant 0 : index
    %get3A_62 = vector.load %arg11[%get3A_60, %get3A_61] : memref<32x32xf32, #tpu.memory_space<vmem>>, vector<32x32xf32>
    %dot_general3A_63 = arith.constant dense<0.000000e+00> : vector<8192x32xf32>
    %dot_general3A_64 = tpu.matmul %max3A_59, %get3A_62, %dot_general3A_63 {dimension_numbers = #tpu.dot_dimension_numbers<[1], [0], [0], [1], [0, 0, 1, 1], [], []>, transpose_lhs_hint = false} : vector<8192x32xf32>, vector<32x32xf32>, vector<8192x32xf32> -> vector<8192x32xf32>
    %get3A_65 = arith.constant 0 : index
    %get3A_66 = arith.constant 0 : index
    %get3A_67 = vector.load %arg12[%get3A_65, %get3A_66] : memref<1x32xf32, #tpu.memory_space<vmem>>, vector<1x32xf32>
    %add3A_68 = vector.broadcast %get3A_67 : vector<1x32xf32> to vector<8192x32xf32>
    %add3A_69 = arith.addf %dot_general3A_64, %add3A_68 : vector<8192x32xf32>
    %reshape3A_70 = vector.shape_cast %add3A_69 : vector<8192x32xf32> to vector<16x512x32xf32>
    %reshape3A_71 = vector.shape_cast %add3A_35 : vector<8192x32xf32> to vector<16x512x32xf32>
    %slice3A_72 = vector.extract_strided_slice %reshape3A_70 {offsets = [0, 0, 0], sizes = [1, 512, 32], strides = [1, 1, 1]} : vector<16x512x32xf32> to vector<1x512x32xf32>
    %squeeze3A = vector.shape_cast %slice3A_72 : vector<1x512x32xf32> to vector<512x32xf32>
    %slice3A_73 = vector.extract_strided_slice %reshape3A_70 {offsets = [1, 0, 0], sizes = [1, 512, 32], strides = [1, 1, 1]} : vector<16x512x32xf32> to vector<1x512x32xf32>
    %squeeze3A_74 = vector.shape_cast %slice3A_73 : vector<1x512x32xf32> to vector<512x32xf32>
    %max3A_75 = arith.maximumf %squeeze3A, %squeeze3A_74 : vector<512x32xf32>
    %slice3A_76 = vector.extract_strided_slice %reshape3A_70 {offsets = [2, 0, 0], sizes = [1, 512, 32], strides = [1, 1, 1]} : vector<16x512x32xf32> to vector<1x512x32xf32>
    %squeeze3A_77 = vector.shape_cast %slice3A_76 : vector<1x512x32xf32> to vector<512x32xf32>
    %max3A_78 = arith.maximumf %max3A_75, %squeeze3A_77 : vector<512x32xf32>
    %slice3A_79 = vector.extract_strided_slice %reshape3A_70 {offsets = [3, 0, 0], sizes = [1, 512, 32], strides = [1, 1, 1]} : vector<16x512x32xf32> to vector<1x512x32xf32>
    %squeeze3A_80 = vector.shape_cast %slice3A_79 : vector<1x512x32xf32> to vector<512x32xf32>
    %max3A_81 = arith.maximumf %max3A_78, %squeeze3A_80 : vector<512x32xf32>
    %slice3A_82 = vector.extract_strided_slice %reshape3A_70 {offsets = [4, 0, 0], sizes = [1, 512, 32], strides = [1, 1, 1]} : vector<16x512x32xf32> to vector<1x512x32xf32>
    %squeeze3A_83 = vector.shape_cast %slice3A_82 : vector<1x512x32xf32> to vector<512x32xf32>
    %max3A_84 = arith.maximumf %max3A_81, %squeeze3A_83 : vector<512x32xf32>
    %slice3A_85 = vector.extract_strided_slice %reshape3A_70 {offsets = [5, 0, 0], sizes = [1, 512, 32], strides = [1, 1, 1]} : vector<16x512x32xf32> to vector<1x512x32xf32>
    %squeeze3A_86 = vector.shape_cast %slice3A_85 : vector<1x512x32xf32> to vector<512x32xf32>
    %max3A_87 = arith.maximumf %max3A_84, %squeeze3A_86 : vector<512x32xf32>
    %slice3A_88 = vector.extract_strided_slice %reshape3A_70 {offsets = [6, 0, 0], sizes = [1, 512, 32], strides = [1, 1, 1]} : vector<16x512x32xf32> to vector<1x512x32xf32>
    %squeeze3A_89 = vector.shape_cast %slice3A_88 : vector<1x512x32xf32> to vector<512x32xf32>
    %max3A_90 = arith.maximumf %max3A_87, %squeeze3A_89 : vector<512x32xf32>
    %slice3A_91 = vector.extract_strided_slice %reshape3A_70 {offsets = [7, 0, 0], sizes = [1, 512, 32], strides = [1, 1, 1]} : vector<16x512x32xf32> to vector<1x512x32xf32>
    %squeeze3A_92 = vector.shape_cast %slice3A_91 : vector<1x512x32xf32> to vector<512x32xf32>
    %max3A_93 = arith.maximumf %max3A_90, %squeeze3A_92 : vector<512x32xf32>
    %slice3A_94 = vector.extract_strided_slice %reshape3A_70 {offsets = [8, 0, 0], sizes = [1, 512, 32], strides = [1, 1, 1]} : vector<16x512x32xf32> to vector<1x512x32xf32>
    %squeeze3A_95 = vector.shape_cast %slice3A_94 : vector<1x512x32xf32> to vector<512x32xf32>
    %max3A_96 = arith.maximumf %max3A_93, %squeeze3A_95 : vector<512x32xf32>
    %slice3A_97 = vector.extract_strided_slice %reshape3A_70 {offsets = [9, 0, 0], sizes = [1, 512, 32], strides = [1, 1, 1]} : vector<16x512x32xf32> to vector<1x512x32xf32>
    %squeeze3A_98 = vector.shape_cast %slice3A_97 : vector<1x512x32xf32> to vector<512x32xf32>
    %max3A_99 = arith.maximumf %max3A_96, %squeeze3A_98 : vector<512x32xf32>
    %slice3A_100 = vector.extract_strided_slice %reshape3A_70 {offsets = [10, 0, 0], sizes = [1, 512, 32], strides = [1, 1, 1]} : vector<16x512x32xf32> to vector<1x512x32xf32>
    %squeeze3A_101 = vector.shape_cast %slice3A_100 : vector<1x512x32xf32> to vector<512x32xf32>
    %max3A_102 = arith.maximumf %max3A_99, %squeeze3A_101 : vector<512x32xf32>
    %slice3A_103 = vector.extract_strided_slice %reshape3A_70 {offsets = [11, 0, 0], sizes = [1, 512, 32], strides = [1, 1, 1]} : vector<16x512x32xf32> to vector<1x512x32xf32>
    %squeeze3A_104 = vector.shape_cast %slice3A_103 : vector<1x512x32xf32> to vector<512x32xf32>
    %max3A_105 = arith.maximumf %max3A_102, %squeeze3A_104 : vector<512x32xf32>
    %slice3A_106 = vector.extract_strided_slice %reshape3A_70 {offsets = [12, 0, 0], sizes = [1, 512, 32], strides = [1, 1, 1]} : vector<16x512x32xf32> to vector<1x512x32xf32>
    %squeeze3A_107 = vector.shape_cast %slice3A_106 : vector<1x512x32xf32> to vector<512x32xf32>
    %max3A_108 = arith.maximumf %max3A_105, %squeeze3A_107 : vector<512x32xf32>
    %slice3A_109 = vector.extract_strided_slice %reshape3A_70 {offsets = [13, 0, 0], sizes = [1, 512, 32], strides = [1, 1, 1]} : vector<16x512x32xf32> to vector<1x512x32xf32>
    %squeeze3A_110 = vector.shape_cast %slice3A_109 : vector<1x512x32xf32> to vector<512x32xf32>
    %max3A_111 = arith.maximumf %max3A_108, %squeeze3A_110 : vector<512x32xf32>
    %slice3A_112 = vector.extract_strided_slice %reshape3A_70 {offsets = [14, 0, 0], sizes = [1, 512, 32], strides = [1, 1, 1]} : vector<16x512x32xf32> to vector<1x512x32xf32>
    %squeeze3A_113 = vector.shape_cast %slice3A_112 : vector<1x512x32xf32> to vector<512x32xf32>
    %max3A_114 = arith.maximumf %max3A_111, %squeeze3A_113 : vector<512x32xf32>
    %slice3A_115 = vector.extract_strided_slice %reshape3A_70 {offsets = [15, 0, 0], sizes = [1, 512, 32], strides = [1, 1, 1]} : vector<16x512x32xf32> to vector<1x512x32xf32>
    %squeeze3A_116 = vector.shape_cast %slice3A_115 : vector<1x512x32xf32> to vector<512x32xf32>
    %max3A_117 = arith.maximumf %max3A_114, %squeeze3A_116 : vector<512x32xf32>
    %broadcast_in_dim3A_118 = arith.constant 0.000000e+00 : f32
    %broadcast_in_dim3A_119 = vector.broadcast %broadcast_in_dim3A_118 : f32 to vector<512x32xf32>
    %broadcast_in_dim3A_120 = arith.constant 0.000000e+00 : f32
    %broadcast_in_dim3A_121 = vector.broadcast %broadcast_in_dim3A_120 : f32 to vector<512x32xf32>
    %slice3A_122 = vector.extract_strided_slice %reshape3A_70 {offsets = [0, 0, 0], sizes = [1, 512, 32], strides = [1, 1, 1]} : vector<16x512x32xf32> to vector<1x512x32xf32>
    %squeeze3A_123 = vector.shape_cast %slice3A_122 : vector<1x512x32xf32> to vector<512x32xf32>
    %sub3A_124 = arith.subf %squeeze3A_123, %max3A_117 : vector<512x32xf32>
    %exp3A = math.exp %sub3A_124 : vector<512x32xf32>
    %add3A_125 = arith.addf %broadcast_in_dim3A_119, %exp3A : vector<512x32xf32>
    %slice3A_126 = vector.extract_strided_slice %slice3A_3 {offsets = [0, 0, 0], sizes = [1, 512, 32], strides = [1, 1, 1]} : vector<16x512x32xf32> to vector<1x512x32xf32>
    %squeeze3A_127 = vector.shape_cast %slice3A_126 : vector<1x512x32xf32> to vector<512x32xf32>
    %slice3A_128 = vector.extract_strided_slice %reshape3A_71 {offsets = [0, 0, 0], sizes = [1, 512, 32], strides = [1, 1, 1]} : vector<16x512x32xf32> to vector<1x512x32xf32>
    %squeeze3A_129 = vector.shape_cast %slice3A_128 : vector<1x512x32xf32> to vector<512x32xf32>
    %add3A_130 = arith.addf %squeeze3A_127, %squeeze3A_129 : vector<512x32xf32>
    %mul3A = arith.mulf %exp3A, %add3A_130 : vector<512x32xf32>
    %add3A_131 = arith.addf %broadcast_in_dim3A_121, %mul3A : vector<512x32xf32>
    %slice3A_132 = vector.extract_strided_slice %reshape3A_70 {offsets = [1, 0, 0], sizes = [1, 512, 32], strides = [1, 1, 1]} : vector<16x512x32xf32> to vector<1x512x32xf32>
    %squeeze3A_133 = vector.shape_cast %slice3A_132 : vector<1x512x32xf32> to vector<512x32xf32>
    %sub3A_134 = arith.subf %squeeze3A_133, %max3A_117 : vector<512x32xf32>
    %exp3A_135 = math.exp %sub3A_134 : vector<512x32xf32>
    %add3A_136 = arith.addf %add3A_125, %exp3A_135 : vector<512x32xf32>
    %slice3A_137 = vector.extract_strided_slice %slice3A_3 {offsets = [1, 0, 0], sizes = [1, 512, 32], strides = [1, 1, 1]} : vector<16x512x32xf32> to vector<1x512x32xf32>
    %squeeze3A_138 = vector.shape_cast %slice3A_137 : vector<1x512x32xf32> to vector<512x32xf32>
    %slice3A_139 = vector.extract_strided_slice %reshape3A_71 {offsets = [1, 0, 0], sizes = [1, 512, 32], strides = [1, 1, 1]} : vector<16x512x32xf32> to vector<1x512x32xf32>
    %squeeze3A_140 = vector.shape_cast %slice3A_139 : vector<1x512x32xf32> to vector<512x32xf32>
    %add3A_141 = arith.addf %squeeze3A_138, %squeeze3A_140 : vector<512x32xf32>
    %mul3A_142 = arith.mulf %exp3A_135, %add3A_141 : vector<512x32xf32>
    %add3A_143 = arith.addf %add3A_131, %mul3A_142 : vector<512x32xf32>
    %slice3A_144 = vector.extract_strided_slice %reshape3A_70 {offsets = [2, 0, 0], sizes = [1, 512, 32], strides = [1, 1, 1]} : vector<16x512x32xf32> to vector<1x512x32xf32>
    %squeeze3A_145 = vector.shape_cast %slice3A_144 : vector<1x512x32xf32> to vector<512x32xf32>
    %sub3A_146 = arith.subf %squeeze3A_145, %max3A_117 : vector<512x32xf32>
    %exp3A_147 = math.exp %sub3A_146 : vector<512x32xf32>
    %add3A_148 = arith.addf %add3A_136, %exp3A_147 : vector<512x32xf32>
    %slice3A_149 = vector.extract_strided_slice %slice3A_3 {offsets = [2, 0, 0], sizes = [1, 512, 32], strides = [1, 1, 1]} : vector<16x512x32xf32> to vector<1x512x32xf32>
    %squeeze3A_150 = vector.shape_cast %slice3A_149 : vector<1x512x32xf32> to vector<512x32xf32>
    %slice3A_151 = vector.extract_strided_slice %reshape3A_71 {offsets = [2, 0, 0], sizes = [1, 512, 32], strides = [1, 1, 1]} : vector<16x512x32xf32> to vector<1x512x32xf32>
    %squeeze3A_152 = vector.shape_cast %slice3A_151 : vector<1x512x32xf32> to vector<512x32xf32>
    %add3A_153 = arith.addf %squeeze3A_150, %squeeze3A_152 : vector<512x32xf32>
    %mul3A_154 = arith.mulf %exp3A_147, %add3A_153 : vector<512x32xf32>
    %add3A_155 = arith.addf %add3A_143, %mul3A_154 : vector<512x32xf32>
    %slice3A_156 = vector.extract_strided_slice %reshape3A_70 {offsets = [3, 0, 0], sizes = [1, 512, 32], strides = [1, 1, 1]} : vector<16x512x32xf32> to vector<1x512x32xf32>
    %squeeze3A_157 = vector.shape_cast %slice3A_156 : vector<1x512x32xf32> to vector<512x32xf32>
    %sub3A_158 = arith.subf %squeeze3A_157, %max3A_117 : vector<512x32xf32>
    %exp3A_159 = math.exp %sub3A_158 : vector<512x32xf32>
    %add3A_160 = arith.addf %add3A_148, %exp3A_159 : vector<512x32xf32>
    %slice3A_161 = vector.extract_strided_slice %slice3A_3 {offsets = [3, 0, 0], sizes = [1, 512, 32], strides = [1, 1, 1]} : vector<16x512x32xf32> to vector<1x512x32xf32>
    %squeeze3A_162 = vector.shape_cast %slice3A_161 : vector<1x512x32xf32> to vector<512x32xf32>
    %slice3A_163 = vector.extract_strided_slice %reshape3A_71 {offsets = [3, 0, 0], sizes = [1, 512, 32], strides = [1, 1, 1]} : vector<16x512x32xf32> to vector<1x512x32xf32>
    %squeeze3A_164 = vector.shape_cast %slice3A_163 : vector<1x512x32xf32> to vector<512x32xf32>
    %add3A_165 = arith.addf %squeeze3A_162, %squeeze3A_164 : vector<512x32xf32>
    %mul3A_166 = arith.mulf %exp3A_159, %add3A_165 : vector<512x32xf32>
    %add3A_167 = arith.addf %add3A_155, %mul3A_166 : vector<512x32xf32>
    %slice3A_168 = vector.extract_strided_slice %reshape3A_70 {offsets = [4, 0, 0], sizes = [1, 512, 32], strides = [1, 1, 1]} : vector<16x512x32xf32> to vector<1x512x32xf32>
    %squeeze3A_169 = vector.shape_cast %slice3A_168 : vector<1x512x32xf32> to vector<512x32xf32>
    %sub3A_170 = arith.subf %squeeze3A_169, %max3A_117 : vector<512x32xf32>
    %exp3A_171 = math.exp %sub3A_170 : vector<512x32xf32>
    %add3A_172 = arith.addf %add3A_160, %exp3A_171 : vector<512x32xf32>
    %slice3A_173 = vector.extract_strided_slice %slice3A_3 {offsets = [4, 0, 0], sizes = [1, 512, 32], strides = [1, 1, 1]} : vector<16x512x32xf32> to vector<1x512x32xf32>
    %squeeze3A_174 = vector.shape_cast %slice3A_173 : vector<1x512x32xf32> to vector<512x32xf32>
    %slice3A_175 = vector.extract_strided_slice %reshape3A_71 {offsets = [4, 0, 0], sizes = [1, 512, 32], strides = [1, 1, 1]} : vector<16x512x32xf32> to vector<1x512x32xf32>
    %squeeze3A_176 = vector.shape_cast %slice3A_175 : vector<1x512x32xf32> to vector<512x32xf32>
    %add3A_177 = arith.addf %squeeze3A_174, %squeeze3A_176 : vector<512x32xf32>
    %mul3A_178 = arith.mulf %exp3A_171, %add3A_177 : vector<512x32xf32>
    %add3A_179 = arith.addf %add3A_167, %mul3A_178 : vector<512x32xf32>
    %slice3A_180 = vector.extract_strided_slice %reshape3A_70 {offsets = [5, 0, 0], sizes = [1, 512, 32], strides = [1, 1, 1]} : vector<16x512x32xf32> to vector<1x512x32xf32>
    %squeeze3A_181 = vector.shape_cast %slice3A_180 : vector<1x512x32xf32> to vector<512x32xf32>
    %sub3A_182 = arith.subf %squeeze3A_181, %max3A_117 : vector<512x32xf32>
    %exp3A_183 = math.exp %sub3A_182 : vector<512x32xf32>
    %add3A_184 = arith.addf %add3A_172, %exp3A_183 : vector<512x32xf32>
    %slice3A_185 = vector.extract_strided_slice %slice3A_3 {offsets = [5, 0, 0], sizes = [1, 512, 32], strides = [1, 1, 1]} : vector<16x512x32xf32> to vector<1x512x32xf32>
    %squeeze3A_186 = vector.shape_cast %slice3A_185 : vector<1x512x32xf32> to vector<512x32xf32>
    %slice3A_187 = vector.extract_strided_slice %reshape3A_71 {offsets = [5, 0, 0], sizes = [1, 512, 32], strides = [1, 1, 1]} : vector<16x512x32xf32> to vector<1x512x32xf32>
    %squeeze3A_188 = vector.shape_cast %slice3A_187 : vector<1x512x32xf32> to vector<512x32xf32>
    %add3A_189 = arith.addf %squeeze3A_186, %squeeze3A_188 : vector<512x32xf32>
    %mul3A_190 = arith.mulf %exp3A_183, %add3A_189 : vector<512x32xf32>
    %add3A_191 = arith.addf %add3A_179, %mul3A_190 : vector<512x32xf32>
    %slice3A_192 = vector.extract_strided_slice %reshape3A_70 {offsets = [6, 0, 0], sizes = [1, 512, 32], strides = [1, 1, 1]} : vector<16x512x32xf32> to vector<1x512x32xf32>
    %squeeze3A_193 = vector.shape_cast %slice3A_192 : vector<1x512x32xf32> to vector<512x32xf32>
    %sub3A_194 = arith.subf %squeeze3A_193, %max3A_117 : vector<512x32xf32>
    %exp3A_195 = math.exp %sub3A_194 : vector<512x32xf32>
    %add3A_196 = arith.addf %add3A_184, %exp3A_195 : vector<512x32xf32>
    %slice3A_197 = vector.extract_strided_slice %slice3A_3 {offsets = [6, 0, 0], sizes = [1, 512, 32], strides = [1, 1, 1]} : vector<16x512x32xf32> to vector<1x512x32xf32>
    %squeeze3A_198 = vector.shape_cast %slice3A_197 : vector<1x512x32xf32> to vector<512x32xf32>
    %slice3A_199 = vector.extract_strided_slice %reshape3A_71 {offsets = [6, 0, 0], sizes = [1, 512, 32], strides = [1, 1, 1]} : vector<16x512x32xf32> to vector<1x512x32xf32>
    %squeeze3A_200 = vector.shape_cast %slice3A_199 : vector<1x512x32xf32> to vector<512x32xf32>
    %add3A_201 = arith.addf %squeeze3A_198, %squeeze3A_200 : vector<512x32xf32>
    %mul3A_202 = arith.mulf %exp3A_195, %add3A_201 : vector<512x32xf32>
    %add3A_203 = arith.addf %add3A_191, %mul3A_202 : vector<512x32xf32>
    %slice3A_204 = vector.extract_strided_slice %reshape3A_70 {offsets = [7, 0, 0], sizes = [1, 512, 32], strides = [1, 1, 1]} : vector<16x512x32xf32> to vector<1x512x32xf32>
    %squeeze3A_205 = vector.shape_cast %slice3A_204 : vector<1x512x32xf32> to vector<512x32xf32>
    %sub3A_206 = arith.subf %squeeze3A_205, %max3A_117 : vector<512x32xf32>
    %exp3A_207 = math.exp %sub3A_206 : vector<512x32xf32>
    %add3A_208 = arith.addf %add3A_196, %exp3A_207 : vector<512x32xf32>
    %slice3A_209 = vector.extract_strided_slice %slice3A_3 {offsets = [7, 0, 0], sizes = [1, 512, 32], strides = [1, 1, 1]} : vector<16x512x32xf32> to vector<1x512x32xf32>
    %squeeze3A_210 = vector.shape_cast %slice3A_209 : vector<1x512x32xf32> to vector<512x32xf32>
    %slice3A_211 = vector.extract_strided_slice %reshape3A_71 {offsets = [7, 0, 0], sizes = [1, 512, 32], strides = [1, 1, 1]} : vector<16x512x32xf32> to vector<1x512x32xf32>
    %squeeze3A_212 = vector.shape_cast %slice3A_211 : vector<1x512x32xf32> to vector<512x32xf32>
    %add3A_213 = arith.addf %squeeze3A_210, %squeeze3A_212 : vector<512x32xf32>
    %mul3A_214 = arith.mulf %exp3A_207, %add3A_213 : vector<512x32xf32>
    %add3A_215 = arith.addf %add3A_203, %mul3A_214 : vector<512x32xf32>
    %slice3A_216 = vector.extract_strided_slice %reshape3A_70 {offsets = [8, 0, 0], sizes = [1, 512, 32], strides = [1, 1, 1]} : vector<16x512x32xf32> to vector<1x512x32xf32>
    %squeeze3A_217 = vector.shape_cast %slice3A_216 : vector<1x512x32xf32> to vector<512x32xf32>
    %sub3A_218 = arith.subf %squeeze3A_217, %max3A_117 : vector<512x32xf32>
    %exp3A_219 = math.exp %sub3A_218 : vector<512x32xf32>
    %add3A_220 = arith.addf %add3A_208, %exp3A_219 : vector<512x32xf32>
    %slice3A_221 = vector.extract_strided_slice %slice3A_3 {offsets = [8, 0, 0], sizes = [1, 512, 32], strides = [1, 1, 1]} : vector<16x512x32xf32> to vector<1x512x32xf32>
    %squeeze3A_222 = vector.shape_cast %slice3A_221 : vector<1x512x32xf32> to vector<512x32xf32>
    %slice3A_223 = vector.extract_strided_slice %reshape3A_71 {offsets = [8, 0, 0], sizes = [1, 512, 32], strides = [1, 1, 1]} : vector<16x512x32xf32> to vector<1x512x32xf32>
    %squeeze3A_224 = vector.shape_cast %slice3A_223 : vector<1x512x32xf32> to vector<512x32xf32>
    %add3A_225 = arith.addf %squeeze3A_222, %squeeze3A_224 : vector<512x32xf32>
    %mul3A_226 = arith.mulf %exp3A_219, %add3A_225 : vector<512x32xf32>
    %add3A_227 = arith.addf %add3A_215, %mul3A_226 : vector<512x32xf32>
    %slice3A_228 = vector.extract_strided_slice %reshape3A_70 {offsets = [9, 0, 0], sizes = [1, 512, 32], strides = [1, 1, 1]} : vector<16x512x32xf32> to vector<1x512x32xf32>
    %squeeze3A_229 = vector.shape_cast %slice3A_228 : vector<1x512x32xf32> to vector<512x32xf32>
    %sub3A_230 = arith.subf %squeeze3A_229, %max3A_117 : vector<512x32xf32>
    %exp3A_231 = math.exp %sub3A_230 : vector<512x32xf32>
    %add3A_232 = arith.addf %add3A_220, %exp3A_231 : vector<512x32xf32>
    %slice3A_233 = vector.extract_strided_slice %slice3A_3 {offsets = [9, 0, 0], sizes = [1, 512, 32], strides = [1, 1, 1]} : vector<16x512x32xf32> to vector<1x512x32xf32>
    %squeeze3A_234 = vector.shape_cast %slice3A_233 : vector<1x512x32xf32> to vector<512x32xf32>
    %slice3A_235 = vector.extract_strided_slice %reshape3A_71 {offsets = [9, 0, 0], sizes = [1, 512, 32], strides = [1, 1, 1]} : vector<16x512x32xf32> to vector<1x512x32xf32>
    %squeeze3A_236 = vector.shape_cast %slice3A_235 : vector<1x512x32xf32> to vector<512x32xf32>
    %add3A_237 = arith.addf %squeeze3A_234, %squeeze3A_236 : vector<512x32xf32>
    %mul3A_238 = arith.mulf %exp3A_231, %add3A_237 : vector<512x32xf32>
    %add3A_239 = arith.addf %add3A_227, %mul3A_238 : vector<512x32xf32>
    %slice3A_240 = vector.extract_strided_slice %reshape3A_70 {offsets = [10, 0, 0], sizes = [1, 512, 32], strides = [1, 1, 1]} : vector<16x512x32xf32> to vector<1x512x32xf32>
    %squeeze3A_241 = vector.shape_cast %slice3A_240 : vector<1x512x32xf32> to vector<512x32xf32>
    %sub3A_242 = arith.subf %squeeze3A_241, %max3A_117 : vector<512x32xf32>
    %exp3A_243 = math.exp %sub3A_242 : vector<512x32xf32>
    %add3A_244 = arith.addf %add3A_232, %exp3A_243 : vector<512x32xf32>
    %slice3A_245 = vector.extract_strided_slice %slice3A_3 {offsets = [10, 0, 0], sizes = [1, 512, 32], strides = [1, 1, 1]} : vector<16x512x32xf32> to vector<1x512x32xf32>
    %squeeze3A_246 = vector.shape_cast %slice3A_245 : vector<1x512x32xf32> to vector<512x32xf32>
    %slice3A_247 = vector.extract_strided_slice %reshape3A_71 {offsets = [10, 0, 0], sizes = [1, 512, 32], strides = [1, 1, 1]} : vector<16x512x32xf32> to vector<1x512x32xf32>
    %squeeze3A_248 = vector.shape_cast %slice3A_247 : vector<1x512x32xf32> to vector<512x32xf32>
    %add3A_249 = arith.addf %squeeze3A_246, %squeeze3A_248 : vector<512x32xf32>
    %mul3A_250 = arith.mulf %exp3A_243, %add3A_249 : vector<512x32xf32>
    %add3A_251 = arith.addf %add3A_239, %mul3A_250 : vector<512x32xf32>
    %slice3A_252 = vector.extract_strided_slice %reshape3A_70 {offsets = [11, 0, 0], sizes = [1, 512, 32], strides = [1, 1, 1]} : vector<16x512x32xf32> to vector<1x512x32xf32>
    %squeeze3A_253 = vector.shape_cast %slice3A_252 : vector<1x512x32xf32> to vector<512x32xf32>
    %sub3A_254 = arith.subf %squeeze3A_253, %max3A_117 : vector<512x32xf32>
    %exp3A_255 = math.exp %sub3A_254 : vector<512x32xf32>
    %add3A_256 = arith.addf %add3A_244, %exp3A_255 : vector<512x32xf32>
    %slice3A_257 = vector.extract_strided_slice %slice3A_3 {offsets = [11, 0, 0], sizes = [1, 512, 32], strides = [1, 1, 1]} : vector<16x512x32xf32> to vector<1x512x32xf32>
    %squeeze3A_258 = vector.shape_cast %slice3A_257 : vector<1x512x32xf32> to vector<512x32xf32>
    %slice3A_259 = vector.extract_strided_slice %reshape3A_71 {offsets = [11, 0, 0], sizes = [1, 512, 32], strides = [1, 1, 1]} : vector<16x512x32xf32> to vector<1x512x32xf32>
    %squeeze3A_260 = vector.shape_cast %slice3A_259 : vector<1x512x32xf32> to vector<512x32xf32>
    %add3A_261 = arith.addf %squeeze3A_258, %squeeze3A_260 : vector<512x32xf32>
    %mul3A_262 = arith.mulf %exp3A_255, %add3A_261 : vector<512x32xf32>
    %add3A_263 = arith.addf %add3A_251, %mul3A_262 : vector<512x32xf32>
    %slice3A_264 = vector.extract_strided_slice %reshape3A_70 {offsets = [12, 0, 0], sizes = [1, 512, 32], strides = [1, 1, 1]} : vector<16x512x32xf32> to vector<1x512x32xf32>
    %squeeze3A_265 = vector.shape_cast %slice3A_264 : vector<1x512x32xf32> to vector<512x32xf32>
    %sub3A_266 = arith.subf %squeeze3A_265, %max3A_117 : vector<512x32xf32>
    %exp3A_267 = math.exp %sub3A_266 : vector<512x32xf32>
    %add3A_268 = arith.addf %add3A_256, %exp3A_267 : vector<512x32xf32>
    %slice3A_269 = vector.extract_strided_slice %slice3A_3 {offsets = [12, 0, 0], sizes = [1, 512, 32], strides = [1, 1, 1]} : vector<16x512x32xf32> to vector<1x512x32xf32>
    %squeeze3A_270 = vector.shape_cast %slice3A_269 : vector<1x512x32xf32> to vector<512x32xf32>
    %slice3A_271 = vector.extract_strided_slice %reshape3A_71 {offsets = [12, 0, 0], sizes = [1, 512, 32], strides = [1, 1, 1]} : vector<16x512x32xf32> to vector<1x512x32xf32>
    %squeeze3A_272 = vector.shape_cast %slice3A_271 : vector<1x512x32xf32> to vector<512x32xf32>
    %add3A_273 = arith.addf %squeeze3A_270, %squeeze3A_272 : vector<512x32xf32>
    %mul3A_274 = arith.mulf %exp3A_267, %add3A_273 : vector<512x32xf32>
    %add3A_275 = arith.addf %add3A_263, %mul3A_274 : vector<512x32xf32>
    %slice3A_276 = vector.extract_strided_slice %reshape3A_70 {offsets = [13, 0, 0], sizes = [1, 512, 32], strides = [1, 1, 1]} : vector<16x512x32xf32> to vector<1x512x32xf32>
    %squeeze3A_277 = vector.shape_cast %slice3A_276 : vector<1x512x32xf32> to vector<512x32xf32>
    %sub3A_278 = arith.subf %squeeze3A_277, %max3A_117 : vector<512x32xf32>
    %exp3A_279 = math.exp %sub3A_278 : vector<512x32xf32>
    %add3A_280 = arith.addf %add3A_268, %exp3A_279 : vector<512x32xf32>
    %slice3A_281 = vector.extract_strided_slice %slice3A_3 {offsets = [13, 0, 0], sizes = [1, 512, 32], strides = [1, 1, 1]} : vector<16x512x32xf32> to vector<1x512x32xf32>
    %squeeze3A_282 = vector.shape_cast %slice3A_281 : vector<1x512x32xf32> to vector<512x32xf32>
    %slice3A_283 = vector.extract_strided_slice %reshape3A_71 {offsets = [13, 0, 0], sizes = [1, 512, 32], strides = [1, 1, 1]} : vector<16x512x32xf32> to vector<1x512x32xf32>
    %squeeze3A_284 = vector.shape_cast %slice3A_283 : vector<1x512x32xf32> to vector<512x32xf32>
    %add3A_285 = arith.addf %squeeze3A_282, %squeeze3A_284 : vector<512x32xf32>
    %mul3A_286 = arith.mulf %exp3A_279, %add3A_285 : vector<512x32xf32>
    %add3A_287 = arith.addf %add3A_275, %mul3A_286 : vector<512x32xf32>
    %slice3A_288 = vector.extract_strided_slice %reshape3A_70 {offsets = [14, 0, 0], sizes = [1, 512, 32], strides = [1, 1, 1]} : vector<16x512x32xf32> to vector<1x512x32xf32>
    %squeeze3A_289 = vector.shape_cast %slice3A_288 : vector<1x512x32xf32> to vector<512x32xf32>
    %sub3A_290 = arith.subf %squeeze3A_289, %max3A_117 : vector<512x32xf32>
    %exp3A_291 = math.exp %sub3A_290 : vector<512x32xf32>
    %add3A_292 = arith.addf %add3A_280, %exp3A_291 : vector<512x32xf32>
    %slice3A_293 = vector.extract_strided_slice %slice3A_3 {offsets = [14, 0, 0], sizes = [1, 512, 32], strides = [1, 1, 1]} : vector<16x512x32xf32> to vector<1x512x32xf32>
    %squeeze3A_294 = vector.shape_cast %slice3A_293 : vector<1x512x32xf32> to vector<512x32xf32>
    %slice3A_295 = vector.extract_strided_slice %reshape3A_71 {offsets = [14, 0, 0], sizes = [1, 512, 32], strides = [1, 1, 1]} : vector<16x512x32xf32> to vector<1x512x32xf32>
    %squeeze3A_296 = vector.shape_cast %slice3A_295 : vector<1x512x32xf32> to vector<512x32xf32>
    %add3A_297 = arith.addf %squeeze3A_294, %squeeze3A_296 : vector<512x32xf32>
    %mul3A_298 = arith.mulf %exp3A_291, %add3A_297 : vector<512x32xf32>
    %add3A_299 = arith.addf %add3A_287, %mul3A_298 : vector<512x32xf32>
    %slice3A_300 = vector.extract_strided_slice %reshape3A_70 {offsets = [15, 0, 0], sizes = [1, 512, 32], strides = [1, 1, 1]} : vector<16x512x32xf32> to vector<1x512x32xf32>
    %squeeze3A_301 = vector.shape_cast %slice3A_300 : vector<1x512x32xf32> to vector<512x32xf32>
    %sub3A_302 = arith.subf %squeeze3A_301, %max3A_117 : vector<512x32xf32>
    %exp3A_303 = math.exp %sub3A_302 : vector<512x32xf32>
    %add3A_304 = arith.addf %add3A_292, %exp3A_303 : vector<512x32xf32>
    %slice3A_305 = vector.extract_strided_slice %slice3A_3 {offsets = [15, 0, 0], sizes = [1, 512, 32], strides = [1, 1, 1]} : vector<16x512x32xf32> to vector<1x512x32xf32>
    %squeeze3A_306 = vector.shape_cast %slice3A_305 : vector<1x512x32xf32> to vector<512x32xf32>
    %slice3A_307 = vector.extract_strided_slice %reshape3A_71 {offsets = [15, 0, 0], sizes = [1, 512, 32], strides = [1, 1, 1]} : vector<16x512x32xf32> to vector<1x512x32xf32>
    %squeeze3A_308 = vector.shape_cast %slice3A_307 : vector<1x512x32xf32> to vector<512x32xf32>
    %add3A_309 = arith.addf %squeeze3A_306, %squeeze3A_308 : vector<512x32xf32>
    %mul3A_310 = arith.mulf %exp3A_303, %add3A_309 : vector<512x32xf32>
    %add3A_311 = arith.addf %add3A_299, %mul3A_310 : vector<512x32xf32>
    %div3A = arith.divf %add3A_311, %add3A_304 : vector<512x32xf32>
    %get3A_312 = arith.constant 0 : index
    %get3A_313 = arith.constant 0 : index
    %get3A_314 = arith.constant 0 : index
    %get3A_315 = vector.load %arg2[%get3A_312, %get3A_313, %get3A_314] : memref<1x512x128xf32, #tpu.memory_space<vmem>>, vector<1x512x128xf32>
    %get3A_316 = vector.shape_cast %get3A_315 : vector<1x512x128xf32> to vector<512x128xf32>
    %get3A_317 = arith.constant 0 : index
    %get3A_318 = arith.constant 0 : index
    %get3A_319 = vector.load %arg13[%get3A_317, %get3A_318] : memref<32x128xf32, #tpu.memory_space<vmem>>, vector<32x128xf32>
    %dot_general3A_320 = arith.constant dense<0.000000e+00> : vector<512x128xf32>
    %dot_general3A_321 = tpu.matmul %div3A, %get3A_319, %dot_general3A_320 {dimension_numbers = #tpu.dot_dimension_numbers<[1], [0], [0], [1], [0, 0, 1, 1], [], []>, transpose_lhs_hint = false} : vector<512x32xf32>, vector<32x128xf32>, vector<512x128xf32> -> vector<512x128xf32>
    %get3A_322 = arith.constant 0 : index
    %get3A_323 = arith.constant 0 : index
    %get3A_324 = vector.load %arg14[%get3A_322, %get3A_323] : memref<1x128xf32, #tpu.memory_space<vmem>>, vector<1x128xf32>
    %add3A_325 = vector.broadcast %get3A_324 : vector<1x128xf32> to vector<512x128xf32>
    %add3A_326 = arith.addf %dot_general3A_321, %add3A_325 : vector<512x128xf32>
    %add3A_327 = arith.addf %get3A_316, %add3A_326 : vector<512x128xf32>
    %swap3A = arith.constant 0 : index
    %swap3A_328 = arith.constant 0 : index
    %swap3A_329 = arith.constant 0 : index
    %swap3A_330 = vector.load %arg15[%swap3A, %swap3A_328, %swap3A_329] : memref<1x512x128xf32, #tpu.memory_space<vmem>>, vector<1x512x128xf32>
    %swap3A_331 = vector.shape_cast %swap3A_330 : vector<1x512x128xf32> to vector<512x128xf32>
    %swap3A_332 = vector.shape_cast %add3A_327 : vector<512x128xf32> to vector<1x512x128xf32>
    tpu.vector_store %arg15[%swap3A, %swap3A_328, %swap3A_329], %swap3A_332 {strides = array<i32>} : memref<1x512x128xf32, #tpu.memory_space<vmem>>, vector<1x512x128xf32>,
    return
  }
  func.func @transform_0(%arg0: i32) -> (i32, i32, i32) {
    %c0_i32 = arith.constant 0 : i32
    %c0_i32_0 = arith.constant 0 : i32
    %c0_i32_1 = arith.constant 0 : i32
    return %c0_i32, %arg0, %c0_i32_0 : i32, i32, i32
  }
  func.func @transform_1(%arg0: i32) -> (i32, i32, i32) {
    %c0_i32 = arith.constant 0 : i32
    %c0_i32_0 = arith.constant 0 : i32
    %c0_i32_1 = arith.constant 0 : i32
    return %c0_i32, %arg0, %c0_i32_0 : i32, i32, i32
  }
  func.func @transform_2(%arg0: i32) -> (i32, i32, i32) {
    %c0_i32 = arith.constant 0 : i32
    %c0_i32_0 = arith.constant 0 : i32
    %c0_i32_1 = arith.constant 0 : i32
    return %c0_i32, %arg0, %c0_i32_0 : i32, i32, i32
  }
  func.func @transform_3(%arg0: i32) -> (i32, i32, i32) {
    %c0_i32 = arith.constant 0 : i32
    %c0_i32_0 = arith.constant 0 : i32
    %c0_i32_1 = arith.constant 0 : i32
    return %c0_i32, %arg0, %c0_i32_0 : i32, i32, i32
  }
  func.func @transform_4(%arg0: i32) -> (i32, i32) {
    %c0_i32 = arith.constant 0 : i32
    %c0_i32_0 = arith.constant 0 : i32
    %c0_i32_1 = arith.constant 0 : i32
    return %c0_i32, %c0_i32_0 : i32, i32
  }
  func.func @transform_5(%arg0: i32) -> (i32, i32) {
    %c0_i32 = arith.constant 0 : i32
    %c0_i32_0 = arith.constant 0 : i32
    %c0_i32_1 = arith.constant 0 : i32
    return %c0_i32, %c0_i32_0 : i32, i32
  }
  func.func @transform_6(%arg0: i32) -> (i32, i32) {
    %c0_i32 = arith.constant 0 : i32
    %c0_i32_0 = arith.constant 0 : i32
    %c0_i32_1 = arith.constant 0 : i32
    return %c0_i32, %c0_i32_0 : i32, i32
  }
  func.func @transform_7(%arg0: i32) -> (i32, i32) {
    %c0_i32 = arith.constant 0 : i32
    %c0_i32_0 = arith.constant 0 : i32
    %c0_i32_1 = arith.constant 0 : i32
    return %c0_i32, %c0_i32_0 : i32, i32
  }
  func.func @transform_8(%arg0: i32) -> (i32, i32) {
    %c0_i32 = arith.constant 0 : i32
    %c0_i32_0 = arith.constant 0 : i32
    %c0_i32_1 = arith.constant 0 : i32
    return %c0_i32, %c0_i32_0 : i32, i32
  }
  func.func @transform_9(%arg0: i32) -> (i32, i32) {
    %c0_i32 = arith.constant 0 : i32
    %c0_i32_0 = arith.constant 0 : i32
    %c0_i32_1 = arith.constant 0 : i32
    return %c0_i32, %c0_i32_0 : i32, i32
  }
  func.func @transform_10(%arg0: i32) -> (i32, i32) {
    %c0_i32 = arith.constant 0 : i32
    %c0_i32_0 = arith.constant 0 : i32
    %c0_i32_1 = arith.constant 0 : i32
    return %c0_i32, %c0_i32_0 : i32, i32
  }
  func.func @transform_11(%arg0: i32) -> (i32, i32) {
    %c0_i32 = arith.constant 0 : i32
    %c0_i32_0 = arith.constant 0 : i32
    %c0_i32_1 = arith.constant 0 : i32
    return %c0_i32, %c0_i32_0 : i32, i32
  }
  func.func @transform_12(%arg0: i32) -> (i32, i32) {
    %c0_i32 = arith.constant 0 : i32
    %c0_i32_0 = arith.constant 0 : i32
    %c0_i32_1 = arith.constant 0 : i32
    return %c0_i32, %c0_i32_0 : i32, i32
  }
  func.func @transform_13(%arg0: i32) -> (i32, i32) {
    %c0_i32 = arith.constant 0 : i32
    %c0_i32_0 = arith.constant 0 : i32
    %c0_i32_1 = arith.constant 0 : i32
    return %c0_i32, %c0_i32_0 : i32, i32
  }
  func.func @transform_14(%arg0: i32) -> (i32, i32, i32) {
    %c0_i32 = arith.constant 0 : i32
    %c0_i32_0 = arith.constant 0 : i32
    %c0_i32_1 = arith.constant 0 : i32
    return %c0_i32, %arg0, %c0_i32_0 : i32, i32, i32
  }
}

module attributes {stable_mosaic.version = 14 : i64} {
  func.func @_attn_body(%arg0: i32, %arg1: memref<16x512x128xf32, #tpu.memory_space<vmem>>, %arg2: memref<1x512x128xf32, #tpu.memory_space<vmem>>, %arg3: memref<1x512x32xf32, #tpu.memory_space<vmem>>, %arg4: memref<1x512x8xf32, #tpu.memory_space<vmem>>, %arg5: memref<16x32xf32, #tpu.memory_space<vmem>>, %arg6: memref<1x32xf32, #tpu.memory_space<vmem>>, %arg7: memref<32x32xf32, #tpu.memory_space<vmem>>, %arg8: memref<1x32xf32, #tpu.memory_space<vmem>>, %arg9: memref<32x32xf32, #tpu.memory_space<vmem>>, %arg10: memref<1x32xf32, #tpu.memory_space<vmem>>, %arg11: memref<32x32xf32, #tpu.memory_space<vmem>>, %arg12: memref<1x32xf32, #tpu.memory_space<vmem>>, %arg13: memref<32x128xf32, #tpu.memory_space<vmem>>, %arg14: memref<1x128xf32, #tpu.memory_space<vmem>>, %arg15: memref<1x512x128xf32, #tpu.memory_space<vmem>>) attributes {dimension_semantics = [#tpu.dimension_semantics<arbitrary>], iteration_bounds = array<i64: 8>, scalar_prefetch = 0 : i64, scratch_operands = 0 : i64, tpu.core_type = #tpu.core_type<tc>, window_params = [{transform_indices = @transform_0, window_bounds = array<i64: 16, 512, 128>}, {transform_indices = @transform_1, window_bounds = array<i64: 1, 512, 128>}, {transform_indices = @transform_2, window_bounds = array<i64: 1, 512, 32>}, {transform_indices = @transform_3, window_bounds = array<i64: 1, 512, 8>}, {pipeline_mode = #tpu.pipeline_mode<synchronous>, transform_indices = @transform_4, window_bounds = array<i64: 16, 32>}, {pipeline_mode = #tpu.pipeline_mode<synchronous>, transform_indices = @transform_5, window_bounds = array<i64: 1, 32>}, {pipeline_mode = #tpu.pipeline_mode<synchronous>, transform_indices = @transform_6, window_bounds = array<i64: 32, 32>}, {pipeline_mode = #tpu.pipeline_mode<synchronous>, transform_indices = @transform_7, window_bounds = array<i64: 1, 32>}, {pipeline_mode = #tpu.pipeline_mode<synchronous>, transform_indices = @transform_8, window_bounds = array<i64: 32, 32>}, {pipeline_mode = #tpu.pipeline_mode<synchronous>, transform_indices = @transform_9, window_bounds = array<i64: 1, 32>}, {pipeline_mode = #tpu.pipeline_mode<synchronous>, transform_indices = @transform_10, window_bounds = array<i64: 32, 32>}, {pipeline_mode = #tpu.pipeline_mode<synchronous>, transform_indices = @transform_11, window_bounds = array<i64: 1, 32>}, {pipeline_mode = #tpu.pipeline_mode<synchronous>, transform_indices = @transform_12, window_bounds = array<i64: 32, 128>}, {pipeline_mode = #tpu.pipeline_mode<synchronous>, transform_indices = @transform_13, window_bounds = array<i64: 1, 128>}, {transform_indices = @transform_14, window_bounds = array<i64: 1, 512, 128>}]} {
    %get3A = arith.constant 0 : index
    %get3A_0 = arith.constant 0 : index
    %get3A_1 = arith.constant 0 : index
    %get3A_2 = vector.load %arg1[%get3A, %get3A_0, %get3A_1] : memref<16x512x128xf32, #tpu.memory_space<vmem>>, vector<16x512x128xf32>
    %slice3A = vector.extract_strided_slice %get3A_2 {offsets = [0, 0, 0], sizes = [16, 512, 32], strides = [1, 1, 1]} : vector<16x512x128xf32> to vector<16x512x32xf32>
    %reshape3A = vector.shape_cast %slice3A : vector<16x512x32xf32> to vector<8192x32xf32>
    %slice3A_3 = vector.extract_strided_slice %get3A_2 {offsets = [0, 0, 32], sizes = [16, 512, 32], strides = [1, 1, 1]} : vector<16x512x128xf32> to vector<16x512x32xf32>
    %slice3A_4 = vector.extract_strided_slice %get3A_2 {offsets = [0, 0, 64], sizes = [16, 512, 16], strides = [1, 1, 1]} : vector<16x512x128xf32> to vector<16x512x16xf32>
    %reshape3A_5 = vector.shape_cast %slice3A_4 : vector<16x512x16xf32> to vector<8192x16xf32>
    %get3A_6 = arith.constant 0 : index
    %get3A_7 = arith.constant 0 : index
    %get3A_8 = arith.constant 0 : index
    %get3A_9 = vector.load %arg4[%get3A_6, %get3A_7, %get3A_8] : memref<1x512x8xf32, #tpu.memory_space<vmem>>, vector<1x512x8xf32>
    %get3A_10 = vector.shape_cast %get3A_9 : vector<1x512x8xf32> to vector<512x8xf32>
    %broadcast_in_dim3A = arith.constant 0.000000e+00 : f32
    %broadcast_in_dim3A_11 = vector.broadcast %broadcast_in_dim3A : f32 to vector<512x8xf32>
    %concatenate3A = tpu.concatenate %get3A_10, %broadcast_in_dim3A_11 in 1 : vector<512x8xf32>, vector<512x8xf32> -> vector<512x16xf32>
    %broadcast_in_dim3A_12 = vector.shape_cast %concatenate3A : vector<512x16xf32> to vector<1x512x16xf32>
    %broadcast_in_dim3A_13 = vector.shape_cast %broadcast_in_dim3A_12 : vector<1x512x16xf32> to vector<1x512x16xf32>
    %broadcast_in_dim3A_14 = vector.broadcast %broadcast_in_dim3A_13 : vector<1x512x16xf32> to vector<16x512x16xf32>
    %reshape3A_15 = vector.shape_cast %broadcast_in_dim3A_14 : vector<16x512x16xf32> to vector<8192x16xf32>
    %sub3A = arith.subf %reshape3A_15, %reshape3A_5 : vector<8192x16xf32>
    %get3A_16 = arith.constant 0 : index
    %get3A_17 = arith.constant 0 : index
    %get3A_18 = vector.load %arg5[%get3A_16, %get3A_17] : memref<16x32xf32, #tpu.memory_space<vmem>>, vector<16x32xf32>
    %dot_general3A = arith.constant dense<0.000000e+00> : vector<8192x32xf32>
    %dot_general3A_19 = tpu.matmul %sub3A, %get3A_18, %dot_general3A {dimension_numbers = #tpu.dot_dimension_numbers<[1], [0], [0], [1], [0, 0, 1, 1], [], []>, transpose_lhs_hint = false} : vector<8192x16xf32>, vector<16x32xf32>, vector<8192x32xf32> -> vector<8192x32xf32>
    %get3A_20 = arith.constant 0 : index
    %get3A_21 = arith.constant 0 : index
    %get3A_22 = vector.load %arg6[%get3A_20, %get3A_21] : memref<1x32xf32, #tpu.memory_space<vmem>>, vector<1x32xf32>
    %add3A = vector.broadcast %get3A_22 : vector<1x32xf32> to vector<8192x32xf32>
    %add3A_23 = arith.addf %dot_general3A_19, %add3A : vector<8192x32xf32>
    %max3A = arith.constant 0.000000e+00 : f32
    %max3A_24 = vector.broadcast %max3A : f32 to vector<8192x32xf32>
    %max3A_25 = arith.maximumf %add3A_23, %max3A_24 : vector<8192x32xf32>
    %get3A_26 = arith.constant 0 : index
    %get3A_27 = arith.constant 0 : index
    %get3A_28 = vector.load %arg7[%get3A_26, %get3A_27] : memref<32x32xf32, #tpu.memory_space<vmem>>, vector<32x32xf32>
    %dot_general3A_29 = arith.constant dense<0.000000e+00> : vector<8192x32xf32>
    %dot_general3A_30 = tpu.matmul %max3A_25, %get3A_28, %dot_general3A_29 {dimension_numbers = #tpu.dot_dimension_numbers<[1], [0], [0], [1], [0, 0, 1, 1], [], []>, transpose_lhs_hint = false} : vector<8192x32xf32>, vector<32x32xf32>, vector<8192x32xf32> -> vector<8192x32xf32>
    %get3A_31 = arith.constant 0 : index
    %get3A_32 = arith.constant 0 : index
    %get3A_33 = vector.load %arg8[%get3A_31, %get3A_32] : memref<1x32xf32, #tpu.memory_space<vmem>>, vector<1x32xf32>
    %add3A_34 = vector.broadcast %get3A_33 : vector<1x32xf32> to vector<8192x32xf32>
    %add3A_35 = arith.addf %dot_general3A_30, %add3A_34 : vector<8192x32xf32>
    %get3A_36 = arith.constant 0 : index
    %get3A_37 = arith.constant 0 : index
    %get3A_38 = arith.constant 0 : index
    %get3A_39 = vector.load %arg3[%get3A_36, %get3A_37, %get3A_38] : memref<1x512x32xf32, #tpu.memory_space<vmem>>, vector<1x512x32xf32>
    %get3A_40 = vector.shape_cast %get3A_39 : vector<1x512x32xf32> to vector<512x32xf32>
    %broadcast_in_dim3A_41 = vector.shape_cast %get3A_40 : vector<512x32xf32> to vector<1x512x32xf32>
    %broadcast_in_dim3A_42 = vector.shape_cast %broadcast_in_dim3A_41 : vector<1x512x32xf32> to vector<1x512x32xf32>
    %broadcast_in_dim3A_43 = vector.broadcast %broadcast_in_dim3A_42 : vector<1x512x32xf32> to vector<16x512x32xf32>
    %reshape3A_44 = vector.shape_cast %broadcast_in_dim3A_43 : vector<16x512x32xf32> to vector<8192x32xf32>
    %sub3A_45 = arith.subf %reshape3A_44, %reshape3A : vector<8192x32xf32>
    %add3A_46 = arith.addf %sub3A_45, %add3A_35 : vector<8192x32xf32>
    %get3A_47 = arith.constant 0 : index
    %get3A_48 = arith.constant 0 : index
    %get3A_49 = vector.load %arg9[%get3A_47, %get3A_48] : memref<32x32xf32, #tpu.memory_space<vmem>>, vector<32x32xf32>
    %dot_general3A_50 = arith.constant dense<0.000000e+00> : vector<8192x32xf32>
    %dot_general3A_51 = tpu.matmul %add3A_46, %get3A_49, %dot_general3A_50 {dimension_numbers = #tpu.dot_dimension_numbers<[1], [0], [0], [1], [0, 0, 1, 1], [], []>, transpose_lhs_hint = false} : vector<8192x32xf32>, vector<32x32xf32>, vector<8192x32xf32> -> vector<8192x32xf32>
    %get3A_52 = arith.constant 0 : index
    %get3A_53 = arith.constant 0 : index
    %get3A_54 = vector.load %arg10[%get3A_52, %get3A_53] : memref<1x32xf32, #tpu.memory_space<vmem>>, vector<1x32xf32>
    %add3A_55 = vector.broadcast %get3A_54 : vector<1x32xf32> to vector<8192x32xf32>
    %add3A_56 = arith.addf %dot_general3A_51, %add3A_55 : vector<8192x32xf32>
    %max3A_57 = arith.constant 0.000000e+00 : f32
    %max3A_58 = vector.broadcast %max3A_57 : f32 to vector<8192x32xf32>
    %max3A_59 = arith.maximumf %add3A_56, %max3A_58 : vector<8192x32xf32>
    %get3A_60 = arith.constant 0 : index
    %get3A_61 = arith.constant 0 : index
    %get3A_62 = vector.load %arg11[%get3A_60, %get3A_61] : memref<32x32xf32, #tpu.memory_space<vmem>>, vector<32x32xf32>
    %dot_general3A_63 = arith.constant dense<0.000000e+00> : vector<8192x32xf32>
    %dot_general3A_64 = tpu.matmul %max3A_59, %get3A_62, %dot_general3A_63 {dimension_numbers = #tpu.dot_dimension_numbers<[1], [0], [0], [1], [0, 0, 1, 1], [], []>, transpose_lhs_hint = false} : vector<8192x32xf32>, vector<32x32xf32>, vector<8192x32xf32> -> vector<8192x32xf32>
    %get3A_65 = arith.constant 0 : index
    %get3A_66 = arith.constant 0 : index
    %get3A_67 = vector.load %arg12[%get3A_65, %get3A_66] : memref<1x32xf32, #tpu.memory_space<vmem>>, vector<1x32xf32>
    %add3A_68 = vector.broadcast %get3A_67 : vector<1x32xf32> to vector<8192x32xf32>
    %add3A_69 = arith.addf %dot_general3A_64, %add3A_68 : vector<8192x32xf32>
    %reshape3A_70 = vector.shape_cast %add3A_69 : vector<8192x32xf32> to vector<16x512x32xf32>
    %reshape3A_71 = vector.shape_cast %add3A_35 : vector<8192x32xf32> to vector<16x512x32xf32>
    %slice3A_72 = vector.extract_strided_slice %reshape3A_70 {offsets = [0, 0, 0], sizes = [1, 512, 32], strides = [1, 1, 1]} : vector<16x512x32xf32> to vector<1x512x32xf32>
    %squeeze3A = vector.shape_cast %slice3A_72 : vector<1x512x32xf32> to vector<512x32xf32>
    %slice3A_73 = vector.extract_strided_slice %reshape3A_70 {offsets = [1, 0, 0], sizes = [1, 512, 32], strides = [1, 1, 1]} : vector<16x512x32xf32> to vector<1x512x32xf32>
    %squeeze3A_74 = vector.shape_cast %slice3A_73 : vector<1x512x32xf32> to vector<512x32xf32>
    %max3A_75 = arith.maximumf %squeeze3A, %squeeze3A_74 : vector<512x32xf32>
    %slice3A_76 = vector.extract_strided_slice %reshape3A_70 {offsets = [2, 0, 0], sizes = [1, 512, 32], strides = [1, 1, 1]} : vector<16x512x32xf32> to vector<1x512x32xf32>
    %squeeze3A_77 = vector.shape_cast %slice3A_76 : vector<1x512x32xf32> to vector<512x32xf32>
    %max3A_78 = arith.maximumf %max3A_75, %squeeze3A_77 : vector<512x32xf32>
    %slice3A_79 = vector.extract_strided_slice %reshape3A_70 {offsets = [3, 0, 0], sizes = [1, 512, 32], strides = [1, 1, 1]} : vector<16x512x32xf32> to vector<1x512x32xf32>
    %squeeze3A_80 = vector.shape_cast %slice3A_79 : vector<1x512x32xf32> to vector<512x32xf32>
    %max3A_81 = arith.maximumf %max3A_78, %squeeze3A_80 : vector<512x32xf32>
    %slice3A_82 = vector.extract_strided_slice %reshape3A_70 {offsets = [4, 0, 0], sizes = [1, 512, 32], strides = [1, 1, 1]} : vector<16x512x32xf32> to vector<1x512x32xf32>
    %squeeze3A_83 = vector.shape_cast %slice3A_82 : vector<1x512x32xf32> to vector<512x32xf32>
    %max3A_84 = arith.maximumf %max3A_81, %squeeze3A_83 : vector<512x32xf32>
    %slice3A_85 = vector.extract_strided_slice %reshape3A_70 {offsets = [5, 0, 0], sizes = [1, 512, 32], strides = [1, 1, 1]} : vector<16x512x32xf32> to vector<1x512x32xf32>
    %squeeze3A_86 = vector.shape_cast %slice3A_85 : vector<1x512x32xf32> to vector<512x32xf32>
    %max3A_87 = arith.maximumf %max3A_84, %squeeze3A_86 : vector<512x32xf32>
    %slice3A_88 = vector.extract_strided_slice %reshape3A_70 {offsets = [6, 0, 0], sizes = [1, 512, 32], strides = [1, 1, 1]} : vector<16x512x32xf32> to vector<1x512x32xf32>
    %squeeze3A_89 = vector.shape_cast %slice3A_88 : vector<1x512x32xf32> to vector<512x32xf32>
    %max3A_90 = arith.maximumf %max3A_87, %squeeze3A_89 : vector<512x32xf32>
    %slice3A_91 = vector.extract_strided_slice %reshape3A_70 {offsets = [7, 0, 0], sizes = [1, 512, 32], strides = [1, 1, 1]} : vector<16x512x32xf32> to vector<1x512x32xf32>
    %squeeze3A_92 = vector.shape_cast %slice3A_91 : vector<1x512x32xf32> to vector<512x32xf32>
    %max3A_93 = arith.maximumf %max3A_90, %squeeze3A_92 : vector<512x32xf32>
    %slice3A_94 = vector.extract_strided_slice %reshape3A_70 {offsets = [8, 0, 0], sizes = [1, 512, 32], strides = [1, 1, 1]} : vector<16x512x32xf32> to vector<1x512x32xf32>
    %squeeze3A_95 = vector.shape_cast %slice3A_94 : vector<1x512x32xf32> to vector<512x32xf32>
    %max3A_96 = arith.maximumf %max3A_93, %squeeze3A_95 : vector<512x32xf32>
    %slice3A_97 = vector.extract_strided_slice %reshape3A_70 {offsets = [9, 0, 0], sizes = [1, 512, 32], strides = [1, 1, 1]} : vector<16x512x32xf32> to vector<1x512x32xf32>
    %squeeze3A_98 = vector.shape_cast %slice3A_97 : vector<1x512x32xf32> to vector<512x32xf32>
    %max3A_99 = arith.maximumf %max3A_96, %squeeze3A_98 : vector<512x32xf32>
    %slice3A_100 = vector.extract_strided_slice %reshape3A_70 {offsets = [10, 0, 0], sizes = [1, 512, 32], strides = [1, 1, 1]} : vector<16x512x32xf32> to vector<1x512x32xf32>
    %squeeze3A_101 = vector.shape_cast %slice3A_100 : vector<1x512x32xf32> to vector<512x32xf32>
    %max3A_102 = arith.maximumf %max3A_99, %squeeze3A_101 : vector<512x32xf32>
    %slice3A_103 = vector.extract_strided_slice %reshape3A_70 {offsets = [11, 0, 0], sizes = [1, 512, 32], strides = [1, 1, 1]} : vector<16x512x32xf32> to vector<1x512x32xf32>
    %squeeze3A_104 = vector.shape_cast %slice3A_103 : vector<1x512x32xf32> to vector<512x32xf32>
    %max3A_105 = arith.maximumf %max3A_102, %squeeze3A_104 : vector<512x32xf32>
    %slice3A_106 = vector.extract_strided_slice %reshape3A_70 {offsets = [12, 0, 0], sizes = [1, 512, 32], strides = [1, 1, 1]} : vector<16x512x32xf32> to vector<1x512x32xf32>
    %squeeze3A_107 = vector.shape_cast %slice3A_106 : vector<1x512x32xf32> to vector<512x32xf32>
    %max3A_108 = arith.maximumf %max3A_105, %squeeze3A_107 : vector<512x32xf32>
    %slice3A_109 = vector.extract_strided_slice %reshape3A_70 {offsets = [13, 0, 0], sizes = [1, 512, 32], strides = [1, 1, 1]} : vector<16x512x32xf32> to vector<1x512x32xf32>
    %squeeze3A_110 = vector.shape_cast %slice3A_109 : vector<1x512x32xf32> to vector<512x32xf32>
    %max3A_111 = arith.maximumf %max3A_108, %squeeze3A_110 : vector<512x32xf32>
    %slice3A_112 = vector.extract_strided_slice %reshape3A_70 {offsets = [14, 0, 0], sizes = [1, 512, 32], strides = [1, 1, 1]} : vector<16x512x32xf32> to vector<1x512x32xf32>
    %squeeze3A_113 = vector.shape_cast %slice3A_112 : vector<1x512x32xf32> to vector<512x32xf32>
    %max3A_114 = arith.maximumf %max3A_111, %squeeze3A_113 : vector<512x32xf32>
    %slice3A_115 = vector.extract_strided_slice %reshape3A_70 {offsets = [15, 0, 0], sizes = [1, 512, 32], strides = [1, 1, 1]} : vector<16x512x32xf32> to vector<1x512x32xf32>
    %squeeze3A_116 = vector.shape_cast %slice3A_115 : vector<1x512x32xf32> to vector<512x32xf32>
    %max3A_117 = arith.maximumf %max3A_114, %squeeze3A_116 : vector<512x32xf32>
    %broadcast_in_dim3A_118 = arith.constant 0.000000e+00 : f32
    %broadcast_in_dim3A_119 = vector.broadcast %broadcast_in_dim3A_118 : f32 to vector<512x32xf32>
    %broadcast_in_dim3A_120 = arith.constant 0.000000e+00 : f32
    %broadcast_in_dim3A_121 = vector.broadcast %broadcast_in_dim3A_120 : f32 to vector<512x32xf32>
    %slice3A_122 = vector.extract_strided_slice %reshape3A_70 {offsets = [0, 0, 0], sizes = [1, 512, 32], strides = [1, 1, 1]} : vector<16x512x32xf32> to vector<1x512x32xf32>
    %squeeze3A_123 = vector.shape_cast %slice3A_122 : vector<1x512x32xf32> to vector<512x32xf32>
    %sub3A_124 = arith.subf %squeeze3A_123, %max3A_117 : vector<512x32xf32>
    %exp3A = math.exp %sub3A_124 : vector<512x32xf32>
    %add3A_125 = arith.addf %broadcast_in_dim3A_119, %exp3A : vector<512x32xf32>
    %slice3A_126 = vector.extract_strided_slice %slice3A_3 {offsets = [0, 0, 0], sizes = [1, 512, 32], strides = [1, 1, 1]} : vector<16x512x32xf32> to vector<1x512x32xf32>
    %squeeze3A_127 = vector.shape_cast %slice3A_126 : vector<1x512x32xf32> to vector<512x32xf32>
    %slice3A_128 = vector.extract_strided_slice %reshape3A_71 {offsets = [0, 0, 0], sizes = [1, 512, 32], strides = [1, 1, 1]} : vector<16x512x32xf32> to vector<1x512x32xf32>
    %squeeze3A_129 = vector.shape_cast %slice3A_128 : vector<1x512x32xf32> to vector<512x32xf32>
    %add3A_130 = arith.addf %squeeze3A_127, %squeeze3A_129 : vector<512x32xf32>
    %mul3A = arith.mulf %exp3A, %add3A_130 : vector<512x32xf32>
    %add3A_131 = arith.addf %broadcast_in_dim3A_121, %mul3A : vector<512x32xf32>
    %slice3A_132 = vector.extract_strided_slice %reshape3A_70 {offsets = [1, 0, 0], sizes = [1, 512, 32], strides = [1, 1, 1]} : vector<16x512x32xf32> to vector<1x512x32xf32>
    %squeeze3A_133 = vector.shape_cast %slice3A_132 : vector<1x512x32xf32> to vector<512x32xf32>
    %sub3A_134 = arith.subf %squeeze3A_133, %max3A_117 : vector<512x32xf32>
    %exp3A_135 = math.exp %sub3A_134 : vector<512x32xf32>
    %add3A_136 = arith.addf %add3A_125, %exp3A_135 : vector<512x32xf32>
    %slice3A_137 = vector.extract_strided_slice %slice3A_3 {offsets = [1, 0, 0], sizes = [1, 512, 32], strides = [1, 1, 1]} : vector<16x512x32xf32> to vector<1x512x32xf32>
    %squeeze3A_138 = vector.shape_cast %slice3A_137 : vector<1x512x32xf32> to vector<512x32xf32>
    %slice3A_139 = vector.extract_strided_slice %reshape3A_71 {offsets = [1, 0, 0], sizes = [1, 512, 32], strides = [1, 1, 1]} : vector<16x512x32xf32> to vector<1x512x32xf32>
    %squeeze3A_140 = vector.shape_cast %slice3A_139 : vector<1x512x32xf32> to vector<512x32xf32>
    %add3A_141 = arith.addf %squeeze3A_138, %squeeze3A_140 : vector<512x32xf32>
    %mul3A_142 = arith.mulf %exp3A_135, %add3A_141 : vector<512x32xf32>
    %add3A_143 = arith.addf %add3A_131, %mul3A_142 : vector<512x32xf32>
    %slice3A_144 = vector.extract_strided_slice %reshape3A_70 {offsets = [2, 0, 0], sizes = [1, 512, 32], strides = [1, 1, 1]} : vector<16x512x32xf32> to vector<1x512x32xf32>
    %squeeze3A_145 = vector.shape_cast %slice3A_144 : vector<1x512x32xf32> to vector<512x32xf32>
    %sub3A_146 = arith.subf %squeeze3A_145, %max3A_117 : vector<512x32xf32>
    %exp3A_147 = math.exp %sub3A_146 : vector<512x32xf32>
    %add3A_148 = arith.addf %add3A_136, %exp3A_147 : vector<512x32xf32>
    %slice3A_149 = vector.extract_strided_slice %slice3A_3 {offsets = [2, 0, 0], sizes = [1, 512, 32], strides = [1, 1, 1]} : vector<16x512x32xf32> to vector<1x512x32xf32>
    %squeeze3A_150 = vector.shape_cast %slice3A_149 : vector<1x512x32xf32> to vector<512x32xf32>
    %slice3A_151 = vector.extract_strided_slice %reshape3A_71 {offsets = [2, 0, 0], sizes = [1, 512, 32], strides = [1, 1, 1]} : vector<16x512x32xf32> to vector<1x512x32xf32>
    %squeeze3A_152 = vector.shape_cast %slice3A_151 : vector<1x512x32xf32> to vector<512x32xf32>
    %add3A_153 = arith.addf %squeeze3A_150, %squeeze3A_152 : vector<512x32xf32>
    %mul3A_154 = arith.mulf %exp3A_147, %add3A_153 : vector<512x32xf32>
    %add3A_155 = arith.addf %add3A_143, %mul3A_154 : vector<512x32xf32>
    %slice3A_156 = vector.extract_strided_slice %reshape3A_70 {offsets = [3, 0, 0], sizes = [1, 512, 32], strides = [1, 1, 1]} : vector<16x512x32xf32> to vector<1x512x32xf32>
    %squeeze3A_157 = vector.shape_cast %slice3A_156 : vector<1x512x32xf32> to vector<512x32xf32>
    %sub3A_158 = arith.subf %squeeze3A_157, %max3A_117 : vector<512x32xf32>
    %exp3A_159 = math.exp %sub3A_158 : vector<512x32xf32>
    %add3A_160 = arith.addf %add3A_148, %exp3A_159 : vector<512x32xf32>
    %slice3A_161 = vector.extract_strided_slice %slice3A_3 {offsets = [3, 0, 0], sizes = [1, 512, 32], strides = [1, 1, 1]} : vector<16x512x32xf32> to vector<1x512x32xf32>
    %squeeze3A_162 = vector.shape_cast %slice3A_161 : vector<1x512x32xf32> to vector<512x32xf32>
    %slice3A_163 = vector.extract_strided_slice %reshape3A_71 {offsets = [3, 0, 0], sizes = [1, 512, 32], strides = [1, 1, 1]} : vector<16x512x32xf32> to vector<1x512x32xf32>
    %squeeze3A_164 = vector.shape_cast %slice3A_163 : vector<1x512x32xf32> to vector<512x32xf32>
    %add3A_165 = arith.addf %squeeze3A_162, %squeeze3A_164 : vector<512x32xf32>
    %mul3A_166 = arith.mulf %exp3A_159, %add3A_165 : vector<512x32xf32>
    %add3A_167 = arith.addf %add3A_155, %mul3A_166 : vector<512x32xf32>
    %slice3A_168 = vector.extract_strided_slice %reshape3A_70 {offsets = [4, 0, 0], sizes = [1, 512, 32], strides = [1, 1, 1]} : vector<16x512x32xf32> to vector<1x512x32xf32>
    %squeeze3A_169 = vector.shape_cast %slice3A_168 : vector<1x512x32xf32> to vector<512x32xf32>
    %sub3A_170 = arith.subf %squeeze3A_169, %max3A_117 : vector<512x32xf32>
    %exp3A_171 = math.exp %sub3A_170 : vector<512x32xf32>
    %add3A_172 = arith.addf %add3A_160, %exp3A_171 : vector<512x32xf32>
    %slice3A_173 = vector.extract_strided_slice %slice3A_3 {offsets = [4, 0, 0], sizes = [1, 512, 32], strides = [1, 1, 1]} : vector<16x512x32xf32> to vector<1x512x32xf32>
    %squeeze3A_174 = vector.shape_cast %slice3A_173 : vector<1x512x32xf32> to vector<512x32xf32>
    %slice3A_175 = vector.extract_strided_slice %reshape3A_71 {offsets = [4, 0, 0], sizes = [1, 512, 32], strides = [1, 1, 1]} : vector<16x512x32xf32> to vector<1x512x32xf32>
    %squeeze3A_176 = vector.shape_cast %slice3A_175 : vector<1x512x32xf32> to vector<512x32xf32>
    %add3A_177 = arith.addf %squeeze3A_174, %squeeze3A_176 : vector<512x32xf32>
    %mul3A_178 = arith.mulf %exp3A_171, %add3A_177 : vector<512x32xf32>
    %add3A_179 = arith.addf %add3A_167, %mul3A_178 : vector<512x32xf32>
    %slice3A_180 = vector.extract_strided_slice %reshape3A_70 {offsets = [5, 0, 0], sizes = [1, 512, 32], strides = [1, 1, 1]} : vector<16x512x32xf32> to vector<1x512x32xf32>
    %squeeze3A_181 = vector.shape_cast %slice3A_180 : vector<1x512x32xf32> to vector<512x32xf32>
    %sub3A_182 = arith.subf %squeeze3A_181, %max3A_117 : vector<512x32xf32>
    %exp3A_183 = math.exp %sub3A_182 : vector<512x32xf32>
    %add3A_184 = arith.addf %add3A_172, %exp3A_183 : vector<512x32xf32>
    %slice3A_185 = vector.extract_strided_slice %slice3A_3 {offsets = [5, 0, 0], sizes = [1, 512, 32], strides = [1, 1, 1]} : vector<16x512x32xf32> to vector<1x512x32xf32>
    %squeeze3A_186 = vector.shape_cast %slice3A_185 : vector<1x512x32xf32> to vector<512x32xf32>
    %slice3A_187 = vector.extract_strided_slice %reshape3A_71 {offsets = [5, 0, 0], sizes = [1, 512, 32], strides = [1, 1, 1]} : vector<16x512x32xf32> to vector<1x512x32xf32>
    %squeeze3A_188 = vector.shape_cast %slice3A_187 : vector<1x512x32xf32> to vector<512x32xf32>
    %add3A_189 = arith.addf %squeeze3A_186, %squeeze3A_188 : vector<512x32xf32>
    %mul3A_190 = arith.mulf %exp3A_183, %add3A_189 : vector<512x32xf32>
    %add3A_191 = arith.addf %add3A_179, %mul3A_190 : vector<512x32xf32>
    %slice3A_192 = vector.extract_strided_slice %reshape3A_70 {offsets = [6, 0, 0], sizes = [1, 512, 32], strides = [1, 1, 1]} : vector<16x512x32xf32> to vector<1x512x32xf32>
    %squeeze3A_193 = vector.shape_cast %slice3A_192 : vector<1x512x32xf32> to vector<512x32xf32>
    %sub3A_194 = arith.subf %squeeze3A_193, %max3A_117 : vector<512x32xf32>
    %exp3A_195 = math.exp %sub3A_194 : vector<512x32xf32>
    %add3A_196 = arith.addf %add3A_184, %exp3A_195 : vector<512x32xf32>
    %slice3A_197 = vector.extract_strided_slice %slice3A_3 {offsets = [6, 0, 0], sizes = [1, 512, 32], strides = [1, 1, 1]} : vector<16x512x32xf32> to vector<1x512x32xf32>
    %squeeze3A_198 = vector.shape_cast %slice3A_197 : vector<1x512x32xf32> to vector<512x32xf32>
    %slice3A_199 = vector.extract_strided_slice %reshape3A_71 {offsets = [6, 0, 0], sizes = [1, 512, 32], strides = [1, 1, 1]} : vector<16x512x32xf32> to vector<1x512x32xf32>
    %squeeze3A_200 = vector.shape_cast %slice3A_199 : vector<1x512x32xf32> to vector<512x32xf32>
    %add3A_201 = arith.addf %squeeze3A_198, %squeeze3A_200 : vector<512x32xf32>
    %mul3A_202 = arith.mulf %exp3A_195, %add3A_201 : vector<512x32xf32>
    %add3A_203 = arith.addf %add3A_191, %mul3A_202 : vector<512x32xf32>
    %slice3A_204 = vector.extract_strided_slice %reshape3A_70 {offsets = [7, 0, 0], sizes = [1, 512, 32], strides = [1, 1, 1]} : vector<16x512x32xf32> to vector<1x512x32xf32>
    %squeeze3A_205 = vector.shape_cast %slice3A_204 : vector<1x512x32xf32> to vector<512x32xf32>
    %sub3A_206 = arith.subf %squeeze3A_205, %max3A_117 : vector<512x32xf32>
    %exp3A_207 = math.exp %sub3A_206 : vector<512x32xf32>
    %add3A_208 = arith.addf %add3A_196, %exp3A_207 : vector<512x32xf32>
    %slice3A_209 = vector.extract_strided_slice %slice3A_3 {offsets = [7, 0, 0], sizes = [1, 512, 32], strides = [1, 1, 1]} : vector<16x512x32xf32> to vector<1x512x32xf32>
    %squeeze3A_210 = vector.shape_cast %slice3A_209 : vector<1x512x32xf32> to vector<512x32xf32>
    %slice3A_211 = vector.extract_strided_slice %reshape3A_71 {offsets = [7, 0, 0], sizes = [1, 512, 32], strides = [1, 1, 1]} : vector<16x512x32xf32> to vector<1x512x32xf32>
    %squeeze3A_212 = vector.shape_cast %slice3A_211 : vector<1x512x32xf32> to vector<512x32xf32>
    %add3A_213 = arith.addf %squeeze3A_210, %squeeze3A_212 : vector<512x32xf32>
    %mul3A_214 = arith.mulf %exp3A_207, %add3A_213 : vector<512x32xf32>
    %add3A_215 = arith.addf %add3A_203, %mul3A_214 : vector<512x32xf32>
    %slice3A_216 = vector.extract_strided_slice %reshape3A_70 {offsets = [8, 0, 0], sizes = [1, 512, 32], strides = [1, 1, 1]} : vector<16x512x32xf32> to vector<1x512x32xf32>
    %squeeze3A_217 = vector.shape_cast %slice3A_216 : vector<1x512x32xf32> to vector<512x32xf32>
    %sub3A_218 = arith.subf %squeeze3A_217, %max3A_117 : vector<512x32xf32>
    %exp3A_219 = math.exp %sub3A_218 : vector<512x32xf32>
    %add3A_220 = arith.addf %add3A_208, %exp3A_219 : vector<512x32xf32>
    %slice3A_221 = vector.extract_strided_slice %slice3A_3 {offsets = [8, 0, 0], sizes = [1, 512, 32], strides = [1, 1, 1]} : vector<16x512x32xf32> to vector<1x512x32xf32>
    %squeeze3A_222 = vector.shape_cast %slice3A_221 : vector<1x512x32xf32> to vector<512x32xf32>
    %slice3A_223 = vector.extract_strided_slice %reshape3A_71 {offsets = [8, 0, 0], sizes = [1, 512, 32], strides = [1, 1, 1]} : vector<16x512x32xf32> to vector<1x512x32xf32>
    %squeeze3A_224 = vector.shape_cast %slice3A_223 : vector<1x512x32xf32> to vector<512x32xf32>
    %add3A_225 = arith.addf %squeeze3A_222, %squeeze3A_224 : vector<512x32xf32>
    %mul3A_226 = arith.mulf %exp3A_219, %add3A_225 : vector<512x32xf32>
    %add3A_227 = arith.addf %add3A_215, %mul3A_226 : vector<512x32xf32>
    %slice3A_228 = vector.extract_strided_slice %reshape3A_70 {offsets = [9, 0, 0], sizes = [1, 512, 32], strides = [1, 1, 1]} : vector<16x512x32xf32> to vector<1x512x32xf32>
    %squeeze3A_229 = vector.shape_cast %slice3A_228 : vector<1x512x32xf32> to vector<512x32xf32>
    %sub3A_230 = arith.subf %squeeze3A_229, %max3A_117 : vector<512x32xf32>
    %exp3A_231 = math.exp %sub3A_230 : vector<512x32xf32>
    %add3A_232 = arith.addf %add3A_220, %exp3A_231 : vector<512x32xf32>
    %slice3A_233 = vector.extract_strided_slice %slice3A_3 {offsets = [9, 0, 0], sizes = [1, 512, 32], strides = [1, 1, 1]} : vector<16x512x32xf32> to vector<1x512x32xf32>
    %squeeze3A_234 = vector.shape_cast %slice3A_233 : vector<1x512x32xf32> to vector<512x32xf32>
    %slice3A_235 = vector.extract_strided_slice %reshape3A_71 {offsets = [9, 0, 0], sizes = [1, 512, 32], strides = [1, 1, 1]} : vector<16x512x32xf32> to vector<1x512x32xf32>
    %squeeze3A_236 = vector.shape_cast %slice3A_235 : vector<1x512x32xf32> to vector<512x32xf32>
    %add3A_237 = arith.addf %squeeze3A_234, %squeeze3A_236 : vector<512x32xf32>
    %mul3A_238 = arith.mulf %exp3A_231, %add3A_237 : vector<512x32xf32>
    %add3A_239 = arith.addf %add3A_227, %mul3A_238 : vector<512x32xf32>
    %slice3A_240 = vector.extract_strided_slice %reshape3A_70 {offsets = [10, 0, 0], sizes = [1, 512, 32], strides = [1, 1, 1]} : vector<16x512x32xf32> to vector<1x512x32xf32>
    %squeeze3A_241 = vector.shape_cast %slice3A_240 : vector<1x512x32xf32> to vector<512x32xf32>
    %sub3A_242 = arith.subf %squeeze3A_241, %max3A_117 : vector<512x32xf32>
    %exp3A_243 = math.exp %sub3A_242 : vector<512x32xf32>
    %add3A_244 = arith.addf %add3A_232, %exp3A_243 : vector<512x32xf32>
    %slice3A_245 = vector.extract_strided_slice %slice3A_3 {offsets = [10, 0, 0], sizes = [1, 512, 32], strides = [1, 1, 1]} : vector<16x512x32xf32> to vector<1x512x32xf32>
    %squeeze3A_246 = vector.shape_cast %slice3A_245 : vector<1x512x32xf32> to vector<512x32xf32>
    %slice3A_247 = vector.extract_strided_slice %reshape3A_71 {offsets = [10, 0, 0], sizes = [1, 512, 32], strides = [1, 1, 1]} : vector<16x512x32xf32> to vector<1x512x32xf32>
    %squeeze3A_248 = vector.shape_cast %slice3A_247 : vector<1x512x32xf32> to vector<512x32xf32>
    %add3A_249 = arith.addf %squeeze3A_246, %squeeze3A_248 : vector<512x32xf32>
    %mul3A_250 = arith.mulf %exp3A_243, %add3A_249 : vector<512x32xf32>
    %add3A_251 = arith.addf %add3A_239, %mul3A_250 : vector<512x32xf32>
    %slice3A_252 = vector.extract_strided_slice %reshape3A_70 {offsets = [11, 0, 0], sizes = [1, 512, 32], strides = [1, 1, 1]} : vector<16x512x32xf32> to vector<1x512x32xf32>
    %squeeze3A_253 = vector.shape_cast %slice3A_252 : vector<1x512x32xf32> to vector<512x32xf32>
    %sub3A_254 = arith.subf %squeeze3A_253, %max3A_117 : vector<512x32xf32>
    %exp3A_255 = math.exp %sub3A_254 : vector<512x32xf32>
    %add3A_256 = arith.addf %add3A_244, %exp3A_255 : vector<512x32xf32>
    %slice3A_257 = vector.extract_strided_slice %slice3A_3 {offsets = [11, 0, 0], sizes = [1, 512, 32], strides = [1, 1, 1]} : vector<16x512x32xf32> to vector<1x512x32xf32>
    %squeeze3A_258 = vector.shape_cast %slice3A_257 : vector<1x512x32xf32> to vector<512x32xf32>
    %slice3A_259 = vector.extract_strided_slice %reshape3A_71 {offsets = [11, 0, 0], sizes = [1, 512, 32], strides = [1, 1, 1]} : vector<16x512x32xf32> to vector<1x512x32xf32>
    %squeeze3A_260 = vector.shape_cast %slice3A_259 : vector<1x512x32xf32> to vector<512x32xf32>
    %add3A_261 = arith.addf %squeeze3A_258, %squeeze3A_260 : vector<512x32xf32>
    %mul3A_262 = arith.mulf %exp3A_255, %add3A_261 : vector<512x32xf32>
    %add3A_263 = arith.addf %add3A_251, %mul3A_262 : vector<512x32xf32>
    %slice3A_264 = vector.extract_strided_slice %reshape3A_70 {offsets = [12, 0, 0], sizes = [1, 512, 32], strides = [1, 1, 1]} : vector<16x512x32xf32> to vector<1x512x32xf32>
    %squeeze3A_265 = vector.shape_cast %slice3A_264 : vector<1x512x32xf32> to vector<512x32xf32>
    %sub3A_266 = arith.subf %squeeze3A_265, %max3A_117 : vector<512x32xf32>
    %exp3A_267 = math.exp %sub3A_266 : vector<512x32xf32>
    %add3A_268 = arith.addf %add3A_256, %exp3A_267 : vector<512x32xf32>
    %slice3A_269 = vector.extract_strided_slice %slice3A_3 {offsets = [12, 0, 0], sizes = [1, 512, 32], strides = [1, 1, 1]} : vector<16x512x32xf32> to vector<1x512x32xf32>
    %squeeze3A_270 = vector.shape_cast %slice3A_269 : vector<1x512x32xf32> to vector<512x32xf32>
    %slice3A_271 = vector.extract_strided_slice %reshape3A_71 {offsets = [12, 0, 0], sizes = [1, 512, 32], strides = [1, 1, 1]} : vector<16x512x32xf32> to vector<1x512x32xf32>
    %squeeze3A_272 = vector.shape_cast %slice3A_271 : vector<1x512x32xf32> to vector<512x32xf32>
    %add3A_273 = arith.addf %squeeze3A_270, %squeeze3A_272 : vector<512x32xf32>
    %mul3A_274 = arith.mulf %exp3A_267, %add3A_273 : vector<512x32xf32>
    %add3A_275 = arith.addf %add3A_263, %mul3A_274 : vector<512x32xf32>
    %slice3A_276 = vector.extract_strided_slice %reshape3A_70 {offsets = [13, 0, 0], sizes = [1, 512, 32], strides = [1, 1, 1]} : vector<16x512x32xf32> to vector<1x512x32xf32>
    %squeeze3A_277 = vector.shape_cast %slice3A_276 : vector<1x512x32xf32> to vector<512x32xf32>
    %sub3A_278 = arith.subf %squeeze3A_277, %max3A_117 : vector<512x32xf32>
    %exp3A_279 = math.exp %sub3A_278 : vector<512x32xf32>
    %add3A_280 = arith.addf %add3A_268, %exp3A_279 : vector<512x32xf32>
    %slice3A_281 = vector.extract_strided_slice %slice3A_3 {offsets = [13, 0, 0], sizes = [1, 512, 32], strides = [1, 1, 1]} : vector<16x512x32xf32> to vector<1x512x32xf32>
    %squeeze3A_282 = vector.shape_cast %slice3A_281 : vector<1x512x32xf32> to vector<512x32xf32>
    %slice3A_283 = vector.extract_strided_slice %reshape3A_71 {offsets = [13, 0, 0], sizes = [1, 512, 32], strides = [1, 1, 1]} : vector<16x512x32xf32> to vector<1x512x32xf32>
    %squeeze3A_284 = vector.shape_cast %slice3A_283 : vector<1x512x32xf32> to vector<512x32xf32>
    %add3A_285 = arith.addf %squeeze3A_282, %squeeze3A_284 : vector<512x32xf32>
    %mul3A_286 = arith.mulf %exp3A_279, %add3A_285 : vector<512x32xf32>
    %add3A_287 = arith.addf %add3A_275, %mul3A_286 : vector<512x32xf32>
    %slice3A_288 = vector.extract_strided_slice %reshape3A_70 {offsets = [14, 0, 0], sizes = [1, 512, 32], strides = [1, 1, 1]} : vector<16x512x32xf32> to vector<1x512x32xf32>
    %squeeze3A_289 = vector.shape_cast %slice3A_288 : vector<1x512x32xf32> to vector<512x32xf32>
    %sub3A_290 = arith.subf %squeeze3A_289, %max3A_117 : vector<512x32xf32>
    %exp3A_291 = math.exp %sub3A_290 : vector<512x32xf32>
    %add3A_292 = arith.addf %add3A_280, %exp3A_291 : vector<512x32xf32>
    %slice3A_293 = vector.extract_strided_slice %slice3A_3 {offsets = [14, 0, 0], sizes = [1, 512, 32], strides = [1, 1, 1]} : vector<16x512x32xf32> to vector<1x512x32xf32>
    %squeeze3A_294 = vector.shape_cast %slice3A_293 : vector<1x512x32xf32> to vector<512x32xf32>
    %slice3A_295 = vector.extract_strided_slice %reshape3A_71 {offsets = [14, 0, 0], sizes = [1, 512, 32], strides = [1, 1, 1]} : vector<16x512x32xf32> to vector<1x512x32xf32>
    %squeeze3A_296 = vector.shape_cast %slice3A_295 : vector<1x512x32xf32> to vector<512x32xf32>
    %add3A_297 = arith.addf %squeeze3A_294, %squeeze3A_296 : vector<512x32xf32>
    %mul3A_298 = arith.mulf %exp3A_291, %add3A_297 : vector<512x32xf32>
    %add3A_299 = arith.addf %add3A_287, %mul3A_298 : vector<512x32xf32>
    %slice3A_300 = vector.extract_strided_slice %reshape3A_70 {offsets = [15, 0, 0], sizes = [1, 512, 32], strides = [1, 1, 1]} : vector<16x512x32xf32> to vector<1x512x32xf32>
    %squeeze3A_301 = vector.shape_cast %slice3A_300 : vector<1x512x32xf32> to vector<512x32xf32>
    %sub3A_302 = arith.subf %squeeze3A_301, %max3A_117 : vector<512x32xf32>
    %exp3A_303 = math.exp %sub3A_302 : vector<512x32xf32>
    %add3A_304 = arith.addf %add3A_292, %exp3A_303 : vector<512x32xf32>
    %slice3A_305 = vector.extract_strided_slice %slice3A_3 {offsets = [15, 0, 0], sizes = [1, 512, 32], strides = [1, 1, 1]} : vector<16x512x32xf32> to vector<1x512x32xf32>
    %squeeze3A_306 = vector.shape_cast %slice3A_305 : vector<1x512x32xf32> to vector<512x32xf32>
    %slice3A_307 = vector.extract_strided_slice %reshape3A_71 {offsets = [15, 0, 0], sizes = [1, 512, 32], strides = [1, 1, 1]} : vector<16x512x32xf32> to vector<1x512x32xf32>
    %squeeze3A_308 = vector.shape_cast %slice3A_307 : vector<1x512x32xf32> to vector<512x32xf32>
    %add3A_309 = arith.addf %squeeze3A_306, %squeeze3A_308 : vector<512x32xf32>
    %mul3A_310 = arith.mulf %exp3A_303, %add3A_309 : vector<512x32xf32>
    %add3A_311 = arith.addf %add3A_299, %mul3A_310 : vector<512x32xf32>
    %div3A = arith.divf %add3A_311, %add3A_304 : vector<512x32xf32>
    %get3A_312 = arith.constant 0 : index
    %get3A_313 = arith.constant 0 : index
    %get3A_314 = arith.constant 0 : index
    %get3A_315 = vector.load %arg2[%get3A_312, %get3A_313, %get3A_314] : memref<1x512x128xf32, #tpu.memory_space<vmem>>, vector<1x512x128xf32>
    %get3A_316 = vector.shape_cast %get3A_315 : vector<1x512x128xf32> to vector<512x128xf32>
    %get3A_317 = arith.constant 0 : index
    %get3A_318 = arith.constant 0 : index
    %get3A_319 = vector.load %arg13[%get3A_317, %get3A_318] : memref<32x128xf32, #tpu.memory_space<vmem>>, vector<32x128xf32>
    %dot_general3A_320 = arith.constant dense<0.000000e+00> : vector<512x128xf32>
    %dot_general3A_321 = tpu.matmul %div3A, %get3A_319, %dot_general3A_320 {dimension_numbers = #tpu.dot_dimension_numbers<[1], [0], [0], [1], [0, 0, 1, 1], [], []>, transpose_lhs_hint = false} : vector<512x32xf32>, vector<32x128xf32>, vector<512x128xf32> -> vector<512x128xf32>
    %get3A_322 = arith.constant 0 : index
    %get3A_323 = arith.constant 0 : index
    %get3A_324 = vector.load %arg14[%get3A_322, %get3A_323] : memref<1x128xf32, #tpu.memory_space<vmem>>, vector<1x128xf32>
    %add3A_325 = vector.broadcast %get3A_324 : vector<1x128xf32> to vector<512x128xf32>
    %add3A_326 = arith.addf %dot_general3A_321, %add3A_325 : vector<512x128xf32>
    %add3A_327 = arith.addf %get3A_316, %add3A_326 : vector<512x128xf32>
    %swap3A = arith.constant 0 : index
    %swap3A_328 = arith.constant 0 : index
    %swap3A_329 = arith.constant 0 : index
    %swap3A_330 = vector.load %arg15[%swap3A, %swap3A_328, %swap3A_329] : memref<1x512x128xf32, #tpu.memory_space<vmem>>, vector<1x512x128xf32>
    %swap3A_331 = vector.shape_cast %swap3A_330 : vector<1x512x128xf32> to vector<512x128xf32>
    %swap3A_332 = vector.shape_cast %add3A_327 : vector<512x128xf32> to vector<1x512x128xf32>
    tpu.vector_store %arg15[%swap3A, %swap3A_328, %swap3A_329], %swap3A_332 {strides = array<i32>} : memref<1x512x128xf32, #tpu.memory_space<vmem>>, vector<1x512x128xf32>,
    return
  }
  func.func @transform_0(%arg0: i32) -> (i32, i32, i32) {
    %c0_i32 = arith.constant 0 : i32
    %c0_i32_0 = arith.constant 0 : i32
    %c0_i32_1 = arith.constant 0 : i32
    return %c0_i32, %arg0, %c0_i32_0 : i32, i32, i32
  }
  func.func @transform_1(%arg0: i32) -> (i32, i32, i32) {
    %c1_i32 = arith.constant 1 : i32
    %c0_i32 = arith.constant 0 : i32
    %c0_i32_0 = arith.constant 0 : i32
    return %c1_i32, %arg0, %c0_i32 : i32, i32, i32
  }
  func.func @transform_2(%arg0: i32) -> (i32, i32, i32) {
    %c0_i32 = arith.constant 0 : i32
    %c0_i32_0 = arith.constant 0 : i32
    %c0_i32_1 = arith.constant 0 : i32
    return %c0_i32, %arg0, %c0_i32_0 : i32, i32, i32
  }
  func.func @transform_3(%arg0: i32) -> (i32, i32, i32) {
    %c1_i32 = arith.constant 1 : i32
    %c0_i32 = arith.constant 0 : i32
    %c0_i32_0 = arith.constant 0 : i32
    return %c1_i32, %arg0, %c0_i32 : i32, i32, i32
  }
  func.func @transform_4(%arg0: i32) -> (i32, i32) {
    %c0_i32 = arith.constant 0 : i32
    %c0_i32_0 = arith.constant 0 : i32
    %c0_i32_1 = arith.constant 0 : i32
    return %c0_i32, %c0_i32_0 : i32, i32
  }
  func.func @transform_5(%arg0: i32) -> (i32, i32) {
    %c0_i32 = arith.constant 0 : i32
    %c0_i32_0 = arith.constant 0 : i32
    %c0_i32_1 = arith.constant 0 : i32
    return %c0_i32, %c0_i32_0 : i32, i32
  }
  func.func @transform_6(%arg0: i32) -> (i32, i32) {
    %c0_i32 = arith.constant 0 : i32
    %c0_i32_0 = arith.constant 0 : i32
    %c0_i32_1 = arith.constant 0 : i32
    return %c0_i32, %c0_i32_0 : i32, i32
  }
  func.func @transform_7(%arg0: i32) -> (i32, i32) {
    %c0_i32 = arith.constant 0 : i32
    %c0_i32_0 = arith.constant 0 : i32
    %c0_i32_1 = arith.constant 0 : i32
    return %c0_i32, %c0_i32_0 : i32, i32
  }
  func.func @transform_8(%arg0: i32) -> (i32, i32) {
    %c0_i32 = arith.constant 0 : i32
    %c0_i32_0 = arith.constant 0 : i32
    %c0_i32_1 = arith.constant 0 : i32
    return %c0_i32, %c0_i32_0 : i32, i32
  }
  func.func @transform_9(%arg0: i32) -> (i32, i32) {
    %c0_i32 = arith.constant 0 : i32
    %c0_i32_0 = arith.constant 0 : i32
    %c0_i32_1 = arith.constant 0 : i32
    return %c0_i32, %c0_i32_0 : i32, i32
  }
  func.func @transform_10(%arg0: i32) -> (i32, i32) {
    %c0_i32 = arith.constant 0 : i32
    %c0_i32_0 = arith.constant 0 : i32
    %c0_i32_1 = arith.constant 0 : i32
    return %c0_i32, %c0_i32_0 : i32, i32
  }
  func.func @transform_11(%arg0: i32) -> (i32, i32) {
    %c0_i32 = arith.constant 0 : i32
    %c0_i32_0 = arith.constant 0 : i32
    %c0_i32_1 = arith.constant 0 : i32
    return %c0_i32, %c0_i32_0 : i32, i32
  }
  func.func @transform_12(%arg0: i32) -> (i32, i32) {
    %c0_i32 = arith.constant 0 : i32
    %c0_i32_0 = arith.constant 0 : i32
    %c0_i32_1 = arith.constant 0 : i32
    return %c0_i32, %c0_i32_0 : i32, i32
  }
  func.func @transform_13(%arg0: i32) -> (i32, i32) {
    %c0_i32 = arith.constant 0 : i32
    %c0_i32_0 = arith.constant 0 : i32
    %c0_i32_1 = arith.constant 0 : i32
    return %c0_i32, %c0_i32_0 : i32, i32
  }
  func.func @transform_14(%arg0: i32) -> (i32, i32, i32) {
    %c0_i32 = arith.constant 0 : i32
    %c0_i32_0 = arith.constant 0 : i32
    %c0_i32_1 = arith.constant 0 : i32
    return %c0_i32, %arg0, %c0_i32_0 : i32, i32, i32
  }
}

</mosaic_0001>

<sc_bundles>
// kernel: kernel.11.cloned.1.call-start
scs
__scs_entry_jumppad:
0x0: {  	(pc) =	sbr.rel $0x88, $3  }
0x1: {  	(tag) =	ssettag $0x0;
	lr =	simm.s32 $0x1  }
0x2: {  	[smem:$0x3F8C] =	sst lr;
	_ =	strace $0xD0000000  }
0x3: {  	_ = 	snop  }
0x4: {  	_ = 	snop  }
0x5: {  	_ = 	snop  }
0x6: {  	_ = 	snop  }
0x7: {  	_ = 	snop  }
__scs_overlays_trampoline_lowered:
0x8: {  	[smem:$0x3F9B] =	sst s0  }
0x9: {  	[smem:$0x3F9C] =	sst s1  }
0xa: {  	[smem:$0x3F9D] =	sst s2  }
0xb: {  	[smem:$0x3F9E] =	sst s3  }
0xc: {  	[smem:$0x3F9F] =	sst s4  }
0xd: {  	[smem:$0x3FA0] =	sst s5  }
0xe: {  	[smem:$0x3FA1] =	sst s6  }
0xf: {  	[smem:$0x3FA2] =	sst s7  }
0x10: {  	[smem:$0x3FA3] =	sst s8  }
0x11: {  	[smem:$0x3FA4] =	sst s9;
	s0 =	simm.s32 @!p0 $0x0  }
0x12: {  	s1 =	sld [smem:$0x3F8A];
	s0 =	simm.s32 @p0 $0x1  }
0x13: {  	[smem:$0x3FA5] =	sst s0;
	s0 =	simm.s32 @!p1 $0x0  }
0x14: {  	s2 =	sld [smem:$0x3F89];
	s0 =	simm.s32 @p1 $0x1  }
0x15: {  	[smem:$0x3FA6] =	sst s0;
	s0 =	simm.s32 @!p2 $0x0  }
0x16: {  	s3 =	sld [smem:$0x3FDB];
	s0 =	simm.s32 @p2 $0x1  }
0x17: {  	s4 =	simm.s32 $0x1BF5;
	[smem:$0x3FA8] =	sst s0  }
0x18: {  	s0 =	sld [smem:$0x3F8B];
	_ =	swait.ge [sflag:s4], $0x0  }
0x19: {  	s7 =	sld [smem:$0x3F8C]  }
0x1a: {  	s8 =	sadd.s32 $0xFFFFE003, lr  }
0x1b: {  	s9 =	sadd.s32 $0xFFFFFEF7, lr;
	s5 =	simm.s32 $0xFFFFFFFF;
	p2 =	slt.u32 s8, $0xFFFFF086  }
0x1c: {  	p1 =	slt.u32 s9, $0xF7A;
	s5 =	simm.s32 @!p2 $0x0  }
0x1d: {  	s5 =	simm.s32 @p1 $0x1;
	p0 =	seq.s32 s7, s2  }
0x1e: {  	s7 =	smul.u32 @!p0 $0xF7A, s2;
	p2 =	seq.s32 @!p0 s5, $0x0  }
0x1f: {  	s9 =	smul.u32 $0xF7A, s1;
	s8 =	simm.s32 @!p0 $0x1BF5;
	p2 =	por !p2, p0  }
0x20: {  	[sflag:s8] =	ssyncset.s32 @!p0 $0xFFFFF086;
	s6 =	sadd.s32 @!p0 s3, s7;
	s7 =	simm.s32 @!p0 $0x108  }
0x21: {  	s3 =	sadd.s32 s3, s9;
	s6 =	sadd.s32 @!p0 $0x88, s6;
	s7 =	simm.s32 @p2 $0x1082  }
0x22: {  	[simem:s7], [sflag:s8] =	dma.local @!p0 [hbm:s6], $0xF7A  }
0x23: {  	s9 =	sor.u32 $0xD0000000, s2;
	s6 =	simm.s32 $0x108;
	_ =	swait.ge @!p0 [sflag:s8], $0x0  }
0x24: {  	s3 =	sadd.s32 $0x88, s3;
	s6 =	simm.s32 @!p1 $0x1082;
	[sflag:s4] =	ssyncset.s32 $0xFFFFF086  }
0x25: {  	[simem:s6], [sflag:s4] =	dma.local [hbm:s3], $0xF7A  }
0x26: {  	[smem:$0x3F8C] =	sst s1;
	(tag) =	ssettag s2;
	_ =	strace s9  }
0x27: {  	s1 =	sld [smem:$0x3F9C]  }
0x28: {  	s2 =	sld [smem:$0x3F9D]  }
0x29: {  	s4 =	sld [smem:$0x3F9F]  }
0x2a: {  	p0 =	seq.s32 s5, $0x0;
	s5 =	sld [smem:$0x3FA0]  }
0x2b: {  	s6 =	sld [smem:$0x3FA1]  }
0x2c: {  	s7 =	sld [smem:$0x3FA2]  }
0x2d: {  	s3 =	simm.s32 $0x108;
	s8 =	sld [smem:$0x3FA3]  }
0x2e: {  	s3 =	simm.s32 @!p0 $0x1082;
	s9 =	sld [smem:$0x3FA4]  }
0x2f: {  	lr =	sadd.s32 s0, s3;
	s0 =	sld [smem:$0x3F9B]  }
0x30: {  	s3 =	sld [smem:$0x3F9E]  }
0x31: {  	[smem:$0x3FA7] =	sst s10  }
0x32: {  	s10 =	sld [smem:$0x3FA5];
	_ =	sdelay $0x3  }
0x33: {  	p0 =	seq.s32 s10, $0x1;
	s10 =	sld [smem:$0x3FA7];
	_ =	sdelay $0x3  }
0x34: {  	[smem:$0x3FA7] =	sst s10  }
0x35: {  	s10 =	sld [smem:$0x3FA6];
	_ =	sdelay $0x3  }
0x36: {  	p1 =	seq.s32 s10, $0x1;
	s10 =	sld [smem:$0x3FA7];
	_ =	sdelay $0x3  }
0x37: {  	[smem:$0x3FA7] =	sst s10  }
0x38: {  	s10 =	sld [smem:$0x3FA8]  }
0x39: {  	_ = 	snop;
	(pc) =	sbr.ind lr, $3  }
0x3a: {  	_ = 	snop  }
0x3b: {  	_ = 	snop  }
0x3c: {  	p2 =	seq.s32 s10, $0x1;
	s10 =	sld [smem:$0x3FA7]  }
0x3d: {  	_ =	shalt  }
0x3e: {  	_ =	shalt  }
0x3f: {  	_ =	shalt  }
0x40: {  	_ =	shalt  }
0x41: {  	_ =	shalt  }
0x42: {  	_ =	shalt  }
0x43: {  	_ =	shalt  }
0x44: {  	_ =	shalt  }
0x45: {  	_ =	shalt  }
0x46: {  	_ =	shalt  }
0x47: {  	_ =	shalt  }
0x48: {  	_ =	shalt  }
0x49: {  	_ =	shalt  }
0x4a: {  	_ =	shalt  }
0x4b: {  	_ =	shalt  }
0x4c: {  	_ =	shalt  }
0x4d: {  	_ =	shalt  }
0x4e: {  	_ =	shalt  }
0x4f: {  	_ =	shalt  }
0x50: {  	_ =	shalt  }
0x51: {  	_ =	shalt  }
0x52: {  	_ =	shalt  }
0x53: {  	_ =	shalt  }
0x54: {  	_ =	shalt  }
0x55: {  	_ =	shalt  }
0x56: {  	_ =	shalt  }
0x57: {  	_ =	shalt  }
0x58: {  	_ =	shalt  }
0x59: {  	_ =	shalt  }
0x5a: {  	_ =	shalt  }
0x5b: {  	_ =	shalt  }
0x5c: {  	_ =	shalt  }
0x5d: {  	_ =	shalt  }
0x5e: {  	_ =	shalt  }
0x5f: {  	_ =	shalt  }
0x60: {  	_ =	shalt  }
0x61: {  	_ =	shalt  }
0x62: {  	_ =	shalt  }
0x63: {  	_ =	shalt  }
0x64: {  	_ =	shalt  }
0x65: {  	_ =	shalt  }
0x66: {  	_ =	shalt  }
0x67: {  	_ =	shalt  }
0x68: {  	_ =	shalt  }
0x69: {  	_ =	shalt  }
0x6a: {  	_ =	shalt  }
0x6b: {  	_ =	shalt  }
0x6c: {  	_ =	shalt  }
0x6d: {  	_ =	shalt  }
0x6e: {  	_ =	shalt  }
0x6f: {  	_ =	shalt  }
0x70: {  	_ =	shalt  }
0x71: {  	_ =	shalt  }
0x72: {  	_ =	shalt  }
0x73: {  	_ =	shalt  }
0x74: {  	_ =	shalt  }
0x75: {  	_ =	shalt  }
0x76: {  	_ =	shalt  }
0x77: {  	_ =	shalt  }
0x78: {  	_ =	shalt  }
0x79: {  	_ =	shalt  }
0x7a: {  	_ =	shalt  }
0x7b: {  	_ =	shalt  }
0x7c: {  	_ =	shalt  }
0x7d: {  	_ =	shalt  }
0x7e: {  	_ =	shalt  }
0x7f: {  	_ =	shalt  }
0x80: {  	_ =	shalt  }
0x81: {  	_ =	shalt  }
0x82: {  	_ =	shalt  }
0x83: {  	_ =	shalt  }
0x84: {  	_ =	shalt  }
0x85: {  	_ =	shalt  }
0x86: {  	_ =	shalt  }
0x87: {  	_ =	shalt  }
.Lfunc_end0:
.L_simem_size_0:
called_computation.1_lowered:
.L_overlay_start_0:
0x88: {  	s2 =	sld [smem:$0x3FD9]  }
0x89: {  	s3 =	sld [smem:$0x3FFE];
	_ =	sdelay $0x1  }
0x8a: {  	s1 =	srdreg.scid  }
0x8b: {  	s0 =	sand.u32 $0x1, s1  }
0x8c: {  	s15 =	sshll.u32 s0, $0xA;
	s2 =	sadd.s32 s3, s2  }
0x8d: {  	s2 =	sadd.s32 s2, s15  }
0x8e: {  	[smem:$0x3FB3] =	sst s2  }
0x8f: {  	_ = 	snop  }
0x90: {  	s2 =	sld [smem:$0x3FD0];
	_ =	sdelay $0x2  }
0x91: {  	s16 =	simm.s32 $0xB;
	s4 =	simm.s32 $0x10  }
0x92: {  	[smem:s4], [sflag:s16] =	dma.local [hbm:s2], $0x1  }
0x93: {  	_ =	swait.eq [sflag:s16], $0x1  }
0x94: {  	[sflag:s16] =	ssyncset.done $0x0  }
0x95: {  	[sflag:s16] =	ssyncadd.s32 $0xFFFFFFFF  }
0x96: {  	s17 =	sld [smem:$0x10];
	(tm) =	ssettm $0x1  }
0x97: {  	s18 =	sld [smem:$0x3FFB];
	_ =	sdelay $0x3  }
0x98: {  	_ =	strace s18  }
0x99: {  	s2 =	sld [smem:$0x3FFC];
	_ =	sdelay $0x3  }
0x9a: {  	_ =	strace s2  }
0x9b: {  	s2 =	sld [smem:$0x3FFD];
	_ =	sdelay $0x3  }
0x9c: {  	_ =	strace s2  }
0x9d: {  	_ =	strace $0x8FFFFFFF  }
0x9e: {  	s19 =	sld [smem:$0x3FDB];
	_ =	sdelay $0x1  }
0x9f: {  	s20 =	simm.s32 $_scs_section_size  }
0xa0: {  	s5 =	simm.s32 $_size__tile_overlayer_lowered;
	s6 =	simm.s32 $_tile_overlayer_lowered  }
0xa1: {  	s7 =	simm.s32 $0x1BFF;
	s21 =	sshll.u32 s6, $0x1;
	s4 =	sadd.s32 s20, s19  }
0xa2: {  	s22 =	simm.s32 $0x0;
	s5 =	sshll.u32 s5, $0x1;
	s6 =	sadd.s32 s21, s4  }
0xa3: {  	[timem:s22], [sflag:s7] =	dma.local [hbm:s6], s5  }
0xa4: {  	_ =	swait.ge [sflag:s7], s5  }
0xa5: {  	s5 =	ssub.s32 $0x0, s5;
	[sflag:s7] =	ssyncset.done $0x0  }
0xa6: {  	[sflag:s7] =	ssyncadd.s32 s5;
	_ =	sdelay $0x1  }
0xa7: {  	s23 =	simm.s32 $0x1B8B  }
0xa8: {  	_ =	swait.ge [sflag:s23], $0x1  }
0xa9: {  	[sflag:s23] =	ssyncset.done $0x0  }
0xaa: {  	[sflag:s23] =	ssyncadd.s32 $0xFFFFFFFF  }
0xab: {  	s5 =	sld [smem:$0x0]  }
0xac: {  	s6 =	sand.u32 $0xFFFFFFFE, s1  }
0xad: {  	p0 =	sne.s32 s1, s6  }
0xae: {  	s6 =	sshll.u32 @p0 s6, $0xE  }
0xaf: {  	s6 =	sadd.s32 @p0 $0x11B8D, s6;
	s7 =	sshll.u32 @p0 s5, $0x11  }
0xb0: {  	s6 =	sor.u32 @p0 s7, s6  }
0xb1: {  	[sflag:s6] =	ssyncadd.remote.s32 @p0 $0x1;
	_ =	sdelay $0x1  }
0xb2: {  	s6 =	simm.s32 @p0 $0x1B8D  }
0xb3: {  	_ =	swait.eq @p0 [sflag:s6], $0x1  }
0xb4: {  	[sflag:s6] =	ssyncadd.s32 @p0 $0xFFFFFFFF  }
0xb5: {  	s7 =	sshll.u32 @!p0 s1, $0xE  }
0xb6: {  	s7 =	sor.u32 @!p0 $0x4000, s7;
	s6 =	simm.s32 @!p0 $0x1B8D  }
0xb7: {  	s5 =	sshll.u32 @!p0 s5, $0x11;
	s7 =	sadd.s32 @!p0 $0x11B8D, s7;
	_ =	swait.eq @!p0 [sflag:s6], $0x1  }
0xb8: {  	s5 =	sor.u32 @!p0 s5, s7;
	[sflag:s6] =	ssyncadd.s32 @!p0 $0xFFFFFFFF  }
0xb9: {  	s25 =	simm.s32 $0x1B8E;
	s24 =	sld [smem:$0x3FFE];
	[sflag:s5] =	ssyncadd.remote.s32 @!p0 $0x1  }
0xba: {  	s26 =	simm.s32 $execute0_lowered;
	[smem:$0x3FD2] =	sst s25  }
0xbb: {  	s6 =	sshll.u32 s26, $0x1;
	_ =	strace $0x80000049;
	[dreg:$0x1] =	wrdreg $0xFFFFFFFF  }
0xbc: {  	s28 =	simm.s32 $_size_execute0_lowered;
	s4 =	sadd.s32 s4, s6;
	[dreg:$0x0] =	wrdreg $0x0  }
0xbd: {  	s6 =	sshll.u32 s28, $0x1;
	[dreg:$0x2] =	wrdreg s4  }
0xbe: {  	[dreg:$0x3] =	wrdreg s6  }
0xbf: {  	[dreg:$0x4] =	wrdreg $0xC0  }
0xc0: {  	_ =	task [dreg:s22], $0x5FFFF  }
0xc1: {  	[dreg:$0x1] =	wrdreg $0xFFFFFFFF  }
0xc2: {  	[dreg:$0x0] =	wrdreg $0x60  }
0xc3: {  	[dreg:$0x2] =	wrdreg s17  }
0xc4: {  	[dreg:$0x3] =	wrdreg s24  }
0xc5: {  	[dreg:$0x4] =	wrdreg $0xA  }
0xc6: {  	_ =	task.clear_ibuf [dreg:s22], $0x5FFFF;
	_ =	strace $0x90000049  }
0xc7: {  	s29 =	simm.s32 $0xA;
	_ =	strace $0x8000004B  }
0xc8: {  	_ =	swait.ge [sflag:s29], $0x1  }
0xc9: {  	[sflag:s29] =	ssyncadd.s32 $0xFFFFFFFF  }
0xca: {  	_ =	strace $0x9000004B  }
0xcb: {  	_ =	sfence  }
0xcc: {  	s30 =	sld [smem:$0x0];
	_ =	sdelay $0x2  }
0xcd: {  	s31 =	sshll.u32 s1, $0xD;
	s1 =	sshrl.u32 s1, $0x2  }
0xce: {  	s4 =	sand.u32 $0x4000, s31;
	s1 =	sadd.s32 s1, s30  }
0xcf: {  	s0 =	sor.u32 s4, s0;
	s1 =	sshll.u32 s1, $0x11  }
0xd0: {  	s0 =	sor.u32 s1, s0  }
0xd1: {  	s0 =	sadd.s32 $0x8F2B, s0  }
0xd2: {  	[sflag:s0] =	ssyncadd.remote.s32 $0x1  }
0xd3: {  	_ =	sfence.sel $0xFFFF  }
0xd4: {  	[dreg:$0x0] =	wrdreg $0xFFFFFFFF;
	(pc) =	sbr.abs _section_cstart, $3  }
0xd5: {  	[dreg:$0x1] =	wrdreg $0xFFFFFFFF  }
0xd6: {  	_ =	task.clear_ibuf [dreg:s22], $0x2FFFF;
	_ =	strace $0x9FFFFFFF  }
0xd7: {  	(tm) =	ssettm $0x7FFFFFFF  }
tec
execute0_lowered:
.L_overlay_start_1:
0x0: {  	(tag) =	ssettag $0x1  }
0x1: {  	s2 =	rddreg [dreg:$0x0]  }
0x2: {  	s4 =	rddreg [dreg:$0x1];
	s3 =	srdreg.scid  }
0x3: {  	s0 =	rddreg [dreg:$0x2];
	s1 =	stileid.u32;
	s11 =	simm.s32 $0x800  }
0x4: {  	s12 =	simm.s32 $0x4800;
	s13 =	simm.s32 $0x1;
	s14 =	simm.s32 $0x2  }
0x5: {  	s15 =	simm.s32 $0x3;
	s16 =	simm.s32 $0x4;
	s17 =	simm.s32 $0x0  }
0x6: {  	s6 =	sand.u32 $0x1, s3;
	s3 =	simm.s32 $0x0;
	s5 =	sshll.u32 s1, $0xC  }
0x7: {  	s10 =	sadd.s32 $0x117C00, s4;
	s30 =	sshll.u32 s1, $0x10;
	s7 =	sshll.u32 s6, $0xB  }
0x8: {  	[smem:$0x7FF] =	sst s3;
	s29 =	ssub.s32 $0x2, s6;
	s31 =	sshll.u32 s6, $0xF  }
0x9: {  	s5 =	sor.u32 s7, s5;
	_ =	strace $0x8000004A;
	s9 =	sshrl.u32 s29, $0x1  }
0xa: {  	s8 =	sshrl.u32 s5, $0x3;
	s7 =	ssub.s32 s29, s9;
	s5 =	sshll.u32 s5, $0x4  }
0xb: {  	s9 =	simm.s32 $0x5;
	s8 =	sadd.s32 s8, s4;
	s5 =	sadd.s32 s10, s5  }
0xc: {  	s6 =	smax.u32 s7, $0x1;
	s4 =	sadd.s32 $0x115C00, s8;
	s8 =	sadd.s32 s30, s10  }
0xd: {  	s7 =	sadd.s32 $0x800, s5;
	s10 =	simm.s32 $0x80;
	s8 =	sadd.s32 s31, s8  }
.LBB2_1:
0xe: {  	[tilespmem:s3], [sflag:$0x5] =	stream.linear.gather [hbm4b:s4+s3], $0x800, $0x38;
	[tilespmem:$0x8800] =	vst v63  }
0xf: {  	_ =	swait.ge [sflag:s9], $0x800  }
0x10: {  	[sflag:s9] =	ssyncset.done $0x0  }
0x11: {  	[sflag:s9] =	ssyncadd.s32 $0xFFFFF800  }
0x12: {  	[tilespmem:s11], [sflag:$0x1] =	stream.indirect.gather [hbm4b:s2+s10], $0x80, s3, s10, $0xb8;
	[tilespmem:$0x8800] =	vst v63  }
0x13: {  	_ = 	snop  }
0x14: {  	[tilespmem:s12], [sflag:$0x2] =	stream.indirect.gather [hbm4b:s2+s10], $0x80, s10, s10, $0xb8;
	[tilespmem:$0x8800] =	vst v63  }
0x15: {  	_ =	swait.ge [sflag:s13], $0x4000  }
0x16: {  	[sflag:s13] =	ssyncset.done $0x0  }
0x17: {  	[sflag:s13] =	ssyncadd.s32 $0xFFFFC000  }
0x18: {  	[hbm4b:s5+s3] =	stream.linear.scatter [tilespmem:s11], [sflag:$0x3], $0x4000, $0x38;
	[tilespmem:$0x8800] =	vst v63  }
0x19: {  	_ =	swait.ge [sflag:s14], $0x4000  }
0x1a: {  	[sflag:s14] =	ssyncset.done $0x0  }
0x1b: {  	[sflag:s14] =	ssyncadd.s32 $0xFFFFC000  }
0x1c: {  	[hbm4b:s7+s3] =	stream.linear.scatter [tilespmem:s12], [sflag:$0x4], $0x4000, $0x38;
	[tilespmem:$0x8800] =	vst v63  }
0x1d: {  	_ =	swait.ge [sflag:s15], $0x4000  }
0x1e: {  	[sflag:s15] =	ssyncset.done $0x0  }
0x1f: {  	[sflag:s15] =	ssyncadd.s32 $0xFFFFC000  }
0x20: {  	_ =	swait.ge [sflag:s16], $0x4000  }
0x21: {  	[sflag:s16] =	ssyncset.done $0x0  }
0x22: {  	s18 =	simm.s32 $0x100;
	[sflag:s16] =	ssyncadd.s32 $0xFFFFC000  }
0x23: {  	[tilespmem:s11], [sflag:$0x1] =	stream.indirect.gather [hbm4b:s2+s10], $0x80, s18, s10, $0xb8;
	[tilespmem:$0x8800] =	vst v63  }
0x24: {  	s30 =	simm.s32 $0x180  }
0x25: {  	[tilespmem:s12], [sflag:$0x2] =	stream.indirect.gather [hbm4b:s2+s10], $0x80, s30, s10, $0xb8;
	[tilespmem:$0x8800] =	vst v63  }
0x26: {  	_ =	swait.ge [sflag:s13], $0x4000  }
0x27: {  	s19 =	sadd.s32 $0x0, s8;
	[sflag:s13] =	ssyncset.done $0x0  }
0x28: {  	s31 =	sadd.s32 $0x1000, s19;
	[sflag:s13] =	ssyncadd.s32 $0xFFFFC000  }
0x29: {  	[hbm4b:s31+s3] =	stream.linear.scatter [tilespmem:s11], [sflag:$0x3], $0x4000, $0x38;
	[tilespmem:$0x8800] =	vst v63  }
0x2a: {  	_ =	swait.ge [sflag:s14], $0x4000  }
0x2b: {  	s20 =	sadd.s32 $0x1800, s19;
	[sflag:s14] =	ssyncset.done $0x0  }
0x2c: {  	s19 =	simm.s32 $0x280;
	s18 =	simm.s32 $0x1000;
	[sflag:s14] =	ssyncadd.s32 $0xFFFFC000  }
.LBB2_2:
0x2d: {  	[hbm4b:s20+s3] =	stream.linear.scatter [tilespmem:s12], [sflag:$0x4], $0x4000, $0x38;
	[tilespmem:$0x8800] =	vst v63  }
0x2e: {  	s20 =	smov.u32 s18  }
0x2f: {  	p0 =	sne.s32 s18, $0x6000;
	s18 =	sadd.s32 $0x1000, s18;
	_ =	swait.ge [sflag:s15], $0x4000  }
0x30: {  	[sflag:s15] =	ssyncset.done $0x0  }
0x31: {  	[sflag:s15] =	ssyncadd.s32 $0xFFFFC000  }
0x32: {  	_ =	swait.ge [sflag:s16], $0x4000  }
0x33: {  	[sflag:s16] =	ssyncset.done $0x0  }
0x34: {  	s21 =	sadd.s32 $0xFFFFFF80, s19;
	[sflag:s16] =	ssyncadd.s32 $0xFFFFC000  }
0x35: {  	[tilespmem:s11], [sflag:$0x1] =	stream.indirect.gather [hbm4b:s2+s10], $0x80, s21, s10, $0xb8;
	[tilespmem:$0x8800] =	vst v63  }
0x36: {  	_ = 	snop  }
0x37: {  	[tilespmem:s12], [sflag:$0x2] =	stream.indirect.gather [hbm4b:s2+s10], $0x80, s19, s10, $0xb8;
	[tilespmem:$0x8800] =	vst v63  }
0x38: {  	_ =	swait.ge [sflag:s13], $0x4000  }
0x39: {  	s20 =	sadd.s32 s20, s8;
	[sflag:s13] =	ssyncset.done $0x0  }
.Ltmp0:
0x3a: {  	s21 =	sadd.s32 $0x1000, s20;
	[sflag:s13] =	ssyncadd.s32 $0xFFFFC000;
	(pc) =	sbr.rel @p0 .LBB2_2-.Ltmp0, $4  }
0x3b: {  	[hbm4b:s21+s3] =	stream.linear.scatter [tilespmem:s11], [sflag:$0x3], $0x4000, $0x38;
	[tilespmem:$0x8800] =	vst v63  }
0x3c: {  	_ =	swait.ge [sflag:s14], $0x4000  }
0x3d: {  	[sflag:s14] =	ssyncset.done $0x0  }
0x3e: {  	s20 =	sadd.s32 $0x1800, s20;
	s19 =	sadd.s32 $0x100, s19;
	[sflag:s14] =	ssyncadd.s32 $0xFFFFC000  }
0x3f: {  	[hbm4b:s20+s3] =	stream.linear.scatter [tilespmem:s12], [sflag:$0x4], $0x4000, $0x38;
	[tilespmem:$0x8800] =	vst v63  }
0x40: {  	s17 =	sadd.s32 $0x1, s17  }
0x41: {  	_ =	swait.ge [sflag:s15], $0x4000;
	p0 =	sne.s32 s17, s6  }
.Ltmp1:
0x42: {  	[sflag:s15] =	ssyncset.done $0x0;
	(pc) =	sbr.rel @p0 .LBB2_1-.Ltmp1, $4  }
0x43: {  	[sflag:s15] =	ssyncadd.s32 $0xFFFFC000  }
0x44: {  	_ =	swait.ge [sflag:s16], $0x4000  }
0x45: {  	[sflag:s16] =	ssyncset.done $0x0  }
0x46: {  	[sflag:s16] =	ssyncadd.s32 $0xFFFFC000  }
0x47: {  	_ =	sfence.sel $0x180000  }
0x48: {  	[bflag:$0x0] =	sbarrier.arrive $0xFFFF  }
0x49: {  	p0 =	sne.s32 s1, $0x0;
	_ =	strace $0x9000004A  }
0x4a: {  	s0 =	sadd.s32 @!p0 $0x100000, s0;
	[bflag:$0x2] =	sbarrier.arrive $0xFFFF  }
0x4b: {  	[sflag:s0] =	ssyncadd.tile.s32 @!p0 $0x1;
	_ =	shalt  }
.Lfunc_end2:
_tile_overlayer_lowered:
.L_overlay_start_2:
0x4c: {  	(tag) =	ssettag $0x2  }
0x4d: {  	s0 =	rddreg [dreg:$0x0];
	s2 =	stileid.u32  }
0x4e: {  	s1 =	rddreg [dreg:$0x1];
	p0 =	sne.s32 s2, $0x0  }
0x4f: {  	s3 =	rddreg [dreg:$0x2];
	[bflag:$0x3] =	sbarrier.arrive $0xFFFF;
	s2 =	simm.s32 @!p0 $0x1C05  }
0x50: {  	[timem:s3], [sflag:s2] =	dma.local @!p0 [hbm:s0], s1  }
0x51: {  	s0 =	simm.s32 @!p0 $0x5  }
0x52: {  	_ =	swait.ge @!p0 [sflag:s0], s1  }
0x53: {  	s1 =	ssub.s32 @!p0 $0x0, s1;
	[sflag:s0] =	ssyncset.done @!p0 $0x0  }
0x54: {  	[sflag:s0] =	ssyncadd.s32 @!p0 s1  }
0x55: {  	[bflag:$0x3] =	sbarrier.arrive $0xFFFF  }
0x56: {  	_ =	shalt  }

// kernel: kernel.8.cloned.1.call-start
scs
__scs_entry_jumppad:
0x0: {  	(pc) =	sbr.rel $0x88, $3  }
0x1: {  	(tag) =	ssettag $0x0;
	lr =	simm.s32 $0x1  }
0x2: {  	[smem:$0x3F8C] =	sst lr;
	_ =	strace $0xD0000000  }
0x3: {  	_ = 	snop  }
0x4: {  	_ = 	snop  }
0x5: {  	_ = 	snop  }
0x6: {  	_ = 	snop  }
0x7: {  	_ = 	snop  }
__scs_overlays_trampoline_lowered:
0x8: {  	[smem:$0x3F9B] =	sst s0  }
0x9: {  	[smem:$0x3F9C] =	sst s1  }
0xa: {  	[smem:$0x3F9D] =	sst s2  }
0xb: {  	[smem:$0x3F9E] =	sst s3  }
0xc: {  	[smem:$0x3F9F] =	sst s4  }
0xd: {  	[smem:$0x3FA0] =	sst s5  }
0xe: {  	[smem:$0x3FA1] =	sst s6  }
0xf: {  	[smem:$0x3FA2] =	sst s7  }
0x10: {  	[smem:$0x3FA3] =	sst s8  }
0x11: {  	[smem:$0x3FA4] =	sst s9;
	s0 =	simm.s32 @!p0 $0x0  }
0x12: {  	s1 =	sld [smem:$0x3F8A];
	s0 =	simm.s32 @p0 $0x1  }
0x13: {  	[smem:$0x3FA5] =	sst s0;
	s0 =	simm.s32 @!p1 $0x0  }
0x14: {  	s2 =	sld [smem:$0x3F89];
	s0 =	simm.s32 @p1 $0x1  }
0x15: {  	[smem:$0x3FA6] =	sst s0;
	s0 =	simm.s32 @!p2 $0x0  }
0x16: {  	s3 =	sld [smem:$0x3FDB];
	s0 =	simm.s32 @p2 $0x1  }
0x17: {  	s4 =	simm.s32 $0x1BF5;
	[smem:$0x3FA8] =	sst s0  }
0x18: {  	s0 =	sld [smem:$0x3F8B];
	_ =	swait.ge [sflag:s4], $0x0  }
0x19: {  	s7 =	sld [smem:$0x3F8C]  }
0x1a: {  	s8 =	sadd.s32 $0xFFFFE003, lr  }
0x1b: {  	s9 =	sadd.s32 $0xFFFFFEF7, lr;
	s5 =	simm.s32 $0xFFFFFFFF;
	p2 =	slt.u32 s8, $0xFFFFF086  }
0x1c: {  	p1 =	slt.u32 s9, $0xF7A;
	s5 =	simm.s32 @!p2 $0x0  }
0x1d: {  	s5 =	simm.s32 @p1 $0x1;
	p0 =	seq.s32 s7, s2  }
0x1e: {  	s7 =	smul.u32 @!p0 $0xF7A, s2;
	p2 =	seq.s32 @!p0 s5, $0x0  }
0x1f: {  	s9 =	smul.u32 $0xF7A, s1;
	s8 =	simm.s32 @!p0 $0x1BF5;
	p2 =	por !p2, p0  }
0x20: {  	[sflag:s8] =	ssyncset.s32 @!p0 $0xFFFFF086;
	s6 =	sadd.s32 @!p0 s3, s7;
	s7 =	simm.s32 @!p0 $0x108  }
0x21: {  	s3 =	sadd.s32 s3, s9;
	s6 =	sadd.s32 @!p0 $0x88, s6;
	s7 =	simm.s32 @p2 $0x1082  }
0x22: {  	[simem:s7], [sflag:s8] =	dma.local @!p0 [hbm:s6], $0xF7A  }
0x23: {  	s9 =	sor.u32 $0xD0000000, s2;
	s6 =	simm.s32 $0x108;
	_ =	swait.ge @!p0 [sflag:s8], $0x0  }
0x24: {  	s3 =	sadd.s32 $0x88, s3;
	s6 =	simm.s32 @!p1 $0x1082;
	[sflag:s4] =	ssyncset.s32 $0xFFFFF086  }
0x25: {  	[simem:s6], [sflag:s4] =	dma.local [hbm:s3], $0xF7A  }
0x26: {  	[smem:$0x3F8C] =	sst s1;
	(tag) =	ssettag s2;
	_ =	strace s9  }
0x27: {  	s1 =	sld [smem:$0x3F9C]  }
0x28: {  	s2 =	sld [smem:$0x3F9D]  }
0x29: {  	s4 =	sld [smem:$0x3F9F]  }
0x2a: {  	p0 =	seq.s32 s5, $0x0;
	s5 =	sld [smem:$0x3FA0]  }
0x2b: {  	s6 =	sld [smem:$0x3FA1]  }
0x2c: {  	s7 =	sld [smem:$0x3FA2]  }
0x2d: {  	s3 =	simm.s32 $0x108;
	s8 =	sld [smem:$0x3FA3]  }
0x2e: {  	s3 =	simm.s32 @!p0 $0x1082;
	s9 =	sld [smem:$0x3FA4]  }
0x2f: {  	lr =	sadd.s32 s0, s3;
	s0 =	sld [smem:$0x3F9B]  }
0x30: {  	s3 =	sld [smem:$0x3F9E]  }
0x31: {  	[smem:$0x3FA7] =	sst s10  }
0x32: {  	s10 =	sld [smem:$0x3FA5];
	_ =	sdelay $0x3  }
0x33: {  	p0 =	seq.s32 s10, $0x1;
	s10 =	sld [smem:$0x3FA7];
	_ =	sdelay $0x3  }
0x34: {  	[smem:$0x3FA7] =	sst s10  }
0x35: {  	s10 =	sld [smem:$0x3FA6];
	_ =	sdelay $0x3  }
0x36: {  	p1 =	seq.s32 s10, $0x1;
	s10 =	sld [smem:$0x3FA7];
	_ =	sdelay $0x3  }
0x37: {  	[smem:$0x3FA7] =	sst s10  }
0x38: {  	s10 =	sld [smem:$0x3FA8]  }
0x39: {  	_ = 	snop;
	(pc) =	sbr.ind lr, $3  }
0x3a: {  	_ = 	snop  }
0x3b: {  	_ = 	snop  }
0x3c: {  	p2 =	seq.s32 s10, $0x1;
	s10 =	sld [smem:$0x3FA7]  }
0x3d: {  	_ =	shalt  }
0x3e: {  	_ =	shalt  }
0x3f: {  	_ =	shalt  }
0x40: {  	_ =	shalt  }
0x41: {  	_ =	shalt  }
0x42: {  	_ =	shalt  }
0x43: {  	_ =	shalt  }
0x44: {  	_ =	shalt  }
0x45: {  	_ =	shalt  }
0x46: {  	_ =	shalt  }
0x47: {  	_ =	shalt  }
0x48: {  	_ =	shalt  }
0x49: {  	_ =	shalt  }
0x4a: {  	_ =	shalt  }
0x4b: {  	_ =	shalt  }
0x4c: {  	_ =	shalt  }
0x4d: {  	_ =	shalt  }
0x4e: {  	_ =	shalt  }
0x4f: {  	_ =	shalt  }
0x50: {  	_ =	shalt  }
0x51: {  	_ =	shalt  }
0x52: {  	_ =	shalt  }
0x53: {  	_ =	shalt  }
0x54: {  	_ =	shalt  }
0x55: {  	_ =	shalt  }
0x56: {  	_ =	shalt  }
0x57: {  	_ =	shalt  }
0x58: {  	_ =	shalt  }
0x59: {  	_ =	shalt  }
0x5a: {  	_ =	shalt  }
0x5b: {  	_ =	shalt  }
0x5c: {  	_ =	shalt  }
0x5d: {  	_ =	shalt  }
0x5e: {  	_ =	shalt  }
0x5f: {  	_ =	shalt  }
0x60: {  	_ =	shalt  }
0x61: {  	_ =	shalt  }
0x62: {  	_ =	shalt  }
0x63: {  	_ =	shalt  }
0x64: {  	_ =	shalt  }
0x65: {  	_ =	shalt  }
0x66: {  	_ =	shalt  }
0x67: {  	_ =	shalt  }
0x68: {  	_ =	shalt  }
0x69: {  	_ =	shalt  }
0x6a: {  	_ =	shalt  }
0x6b: {  	_ =	shalt  }
0x6c: {  	_ =	shalt  }
0x6d: {  	_ =	shalt  }
0x6e: {  	_ =	shalt  }
0x6f: {  	_ =	shalt  }
0x70: {  	_ =	shalt  }
0x71: {  	_ =	shalt  }
0x72: {  	_ =	shalt  }
0x73: {  	_ =	shalt  }
0x74: {  	_ =	shalt  }
0x75: {  	_ =	shalt  }
0x76: {  	_ =	shalt  }
0x77: {  	_ =	shalt  }
0x78: {  	_ =	shalt  }
0x79: {  	_ =	shalt  }
0x7a: {  	_ =	shalt  }
0x7b: {  	_ =	shalt  }
0x7c: {  	_ =	shalt  }
0x7d: {  	_ =	shalt  }
0x7e: {  	_ =	shalt  }
0x7f: {  	_ =	shalt  }
0x80: {  	_ =	shalt  }
0x81: {  	_ =	shalt  }
0x82: {  	_ =	shalt  }
0x83: {  	_ =	shalt  }
0x84: {  	_ =	shalt  }
0x85: {  	_ =	shalt  }
0x86: {  	_ =	shalt  }
0x87: {  	_ =	shalt  }
.Lfunc_end0:
.L_simem_size_0:
called_computation_lowered:
.L_overlay_start_0:
0x88: {  	s2 =	sld [smem:$0x3FD9]  }
0x89: {  	s3 =	sld [smem:$0x3FFE];
	_ =	sdelay $0x1  }
0x8a: {  	s1 =	srdreg.scid  }
0x8b: {  	s0 =	sand.u32 $0x1, s1  }
0x8c: {  	s16 =	sshll.u32 s0, $0xA;
	s2 =	sadd.s32 s3, s2  }
0x8d: {  	s2 =	sadd.s32 s2, s16  }
0x8e: {  	[smem:$0x3FB3] =	sst s2  }
0x8f: {  	_ = 	snop  }
0x90: {  	(tm) =	ssettm $0x1  }
0x91: {  	s17 =	sld [smem:$0x3FFB];
	_ =	sdelay $0x3  }
0x92: {  	_ =	strace s17  }
0x93: {  	s2 =	sld [smem:$0x3FFC];
	_ =	sdelay $0x3  }
0x94: {  	_ =	strace s2  }
0x95: {  	s2 =	sld [smem:$0x3FFD];
	_ =	sdelay $0x3  }
0x96: {  	_ =	strace s2  }
0x97: {  	_ =	strace $0x8FFFFFFF  }
0x98: {  	s18 =	sld [smem:$0x3FDB];
	_ =	sdelay $0x1  }
0x99: {  	s19 =	simm.s32 $_scs_section_size  }
0x9a: {  	s4 =	simm.s32 $_size__tile_overlayer_lowered;
	s5 =	simm.s32 $_tile_overlayer_lowered  }
0x9b: {  	s22 =	simm.s32 $0x1BFF;
	s21 =	sshll.u32 s5, $0x1;
	s2 =	sadd.s32 s19, s18  }
0x9c: {  	s6 =	simm.s32 $0x0;
	s20 =	sshll.u32 s4, $0x1;
	s4 =	sadd.s32 s21, s2  }
0x9d: {  	[timem:s6], [sflag:s22] =	dma.local [hbm:s4], s20  }
0x9e: {  	_ =	swait.ge [sflag:s22], s20  }
0x9f: {  	s3 =	ssub.s32 $0x0, s20;
	[sflag:s22] =	ssyncset.done $0x0  }
0xa0: {  	[sflag:s22] =	ssyncadd.s32 s3;
	_ =	sdelay $0x1  }
0xa1: {  	s23 =	simm.s32 $0x1B8B  }
0xa2: {  	_ =	swait.ge [sflag:s23], $0x1  }
0xa3: {  	[sflag:s23] =	ssyncset.done $0x0  }
0xa4: {  	s25 =	simm.s32 $0x1B8E;
	s24 =	sld [smem:$0x3FFE];
	[sflag:s23] =	ssyncadd.s32 $0xFFFFFFFF  }
0xa5: {  	s26 =	simm.s32 $execute0_lowered;
	[smem:$0x3FD2] =	sst s25  }
0xa6: {  	s4 =	sshll.u32 s26, $0x1;
	_ =	strace $0x80000046;
	[dreg:$0x1] =	wrdreg $0xFFFFFFFF  }
0xa7: {  	s28 =	simm.s32 $_size_execute0_lowered;
	s2 =	sadd.s32 s2, s4;
	[dreg:$0x0] =	wrdreg $0x0  }
0xa8: {  	s4 =	sshll.u32 s28, $0x1;
	[dreg:$0x2] =	wrdreg s2  }
0xa9: {  	[dreg:$0x3] =	wrdreg s4  }
0xaa: {  	[dreg:$0x4] =	wrdreg $0xC0  }
0xab: {  	_ =	task [dreg:s6], $0x5FFFF  }
0xac: {  	[dreg:$0x1] =	wrdreg $0xFFFFFFFF  }
0xad: {  	[dreg:$0x0] =	wrdreg $0x60  }
0xae: {  	[dreg:$0x2] =	wrdreg s24  }
0xaf: {  	[dreg:$0x3] =	wrdreg $0x9  }
0xb0: {  	_ =	task.clear_ibuf [dreg:s6], $0x4FFFF;
	_ =	strace $0x90000046  }
0xb1: {  	s29 =	simm.s32 $0x9;
	_ =	strace $0x80000048  }
0xb2: {  	_ =	swait.ge [sflag:s29], $0x1  }
0xb3: {  	[sflag:s29] =	ssyncadd.s32 $0xFFFFFFFF  }
0xb4: {  	_ =	strace $0x90000048  }
0xb5: {  	_ =	sfence  }
0xb6: {  	s30 =	sld [smem:$0x0];
	_ =	sdelay $0x2  }
0xb7: {  	s31 =	sshll.u32 s1, $0xD;
	s1 =	sshrl.u32 s1, $0x2  }
0xb8: {  	s3 =	sand.u32 $0x4000, s31;
	s1 =	sadd.s32 s1, s30  }
0xb9: {  	s0 =	sor.u32 s3, s0;
	s1 =	sshll.u32 s1, $0x11  }
0xba: {  	s0 =	sor.u32 s1, s0  }
0xbb: {  	s0 =	sadd.s32 $0x8F2B, s0  }
0xbc: {  	[sflag:s0] =	ssyncadd.remote.s32 $0x1  }
0xbd: {  	_ =	sfence.sel $0xFFFF  }
0xbe: {  	[dreg:$0x0] =	wrdreg $0xFFFFFFFF;
	(pc) =	sbr.abs _section_cstart, $3  }
0xbf: {  	[dreg:$0x1] =	wrdreg $0xFFFFFFFF  }
0xc0: {  	_ =	task.clear_ibuf [dreg:s6], $0x2FFFF;
	_ =	strace $0x9FFFFFFF  }
0xc1: {  	(tm) =	ssettm $0x7FFFFFFF  }
tec
execute0_lowered:
.L_overlay_start_1:
0x0: {  	(tag) =	ssettag $0x1  }
0x1: {  	s4 =	rddreg [dreg:$0x0]  }
0x2: {  	s0 =	rddreg [dreg:$0x1];
	s3 =	srdreg.scid  }
0x3: {  	s2 =	simm.s32 $0x0;
	s1 =	stileid.u32;
	s11 =	simm.s32 $0x800  }
0x4: {  	s12 =	simm.s32 $0x4800;
	s13 =	simm.s32 $0x1;
	s14 =	simm.s32 $0x2  }
0x5: {  	s15 =	simm.s32 $0x3;
	s16 =	simm.s32 $0x4;
	s17 =	simm.s32 $0x0  }
0x6: {  	s6 =	sand.u32 $0x1, s3;
	[smem:$0x7FF] =	sst s2;
	s29 =	sshll.u32 s1, $0xC  }
0x7: {  	s3 =	sadd.s32 $0x3C00, s4;
	s10 =	sadd.s32 $0x15C00, s4;
	s30 =	sshll.u32 s1, $0x10  }
0x8: {  	s5 =	sshll.u32 s6, $0xB;
	_ =	strace $0x80000047;
	s7 =	ssub.s32 $0x2, s6  }
0x9: {  	s31 =	sshll.u32 s6, $0xF;
	s5 =	sor.u32 s5, s29;
	s9 =	sshrl.u32 s7, $0x1  }
0xa: {  	s8 =	sshrl.u32 s5, $0x3;
	s7 =	ssub.s32 s7, s9;
	s5 =	sshll.u32 s5, $0x4  }
0xb: {  	s9 =	simm.s32 $0x5;
	s8 =	sadd.s32 s8, s4;
	s5 =	sadd.s32 s10, s5  }
0xc: {  	s6 =	smax.u32 s7, $0x1;
	s4 =	sadd.s32 $0x13C00, s8;
	s8 =	sadd.s32 s30, s10  }
0xd: {  	s7 =	sadd.s32 $0x800, s5;
	s10 =	simm.s32 $0x80;
	s8 =	sadd.s32 s31, s8  }
.LBB2_1:
0xe: {  	[tilespmem:s2], [sflag:$0x5] =	stream.linear.gather [hbm4b:s4+s2], $0x800, $0x38;
	[tilespmem:$0x8800] =	vst v63  }
0xf: {  	_ =	swait.ge [sflag:s9], $0x800  }
0x10: {  	[sflag:s9] =	ssyncset.done $0x0  }
0x11: {  	[sflag:s9] =	ssyncadd.s32 $0xFFFFF800  }
0x12: {  	[tilespmem:s11], [sflag:$0x1] =	stream.indirect.gather [hbm4b:s3+s10], $0x80, s2, s10, $0xb8;
	[tilespmem:$0x8800] =	vst v63  }
0x13: {  	_ = 	snop  }
0x14: {  	[tilespmem:s12], [sflag:$0x2] =	stream.indirect.gather [hbm4b:s3+s10], $0x80, s10, s10, $0xb8;
	[tilespmem:$0x8800] =	vst v63  }
0x15: {  	_ =	swait.ge [sflag:s13], $0x4000  }
0x16: {  	[sflag:s13] =	ssyncset.done $0x0  }
0x17: {  	[sflag:s13] =	ssyncadd.s32 $0xFFFFC000  }
0x18: {  	[hbm4b:s5+s2] =	stream.linear.scatter [tilespmem:s11], [sflag:$0x3], $0x4000, $0x38;
	[tilespmem:$0x8800] =	vst v63  }
0x19: {  	_ =	swait.ge [sflag:s14], $0x4000  }
0x1a: {  	[sflag:s14] =	ssyncset.done $0x0  }
0x1b: {  	[sflag:s14] =	ssyncadd.s32 $0xFFFFC000  }
0x1c: {  	[hbm4b:s7+s2] =	stream.linear.scatter [tilespmem:s12], [sflag:$0x4], $0x4000, $0x38;
	[tilespmem:$0x8800] =	vst v63  }
0x1d: {  	_ =	swait.ge [sflag:s15], $0x4000  }
0x1e: {  	[sflag:s15] =	ssyncset.done $0x0  }
0x1f: {  	[sflag:s15] =	ssyncadd.s32 $0xFFFFC000  }
0x20: {  	_ =	swait.ge [sflag:s16], $0x4000  }
0x21: {  	[sflag:s16] =	ssyncset.done $0x0  }
0x22: {  	s18 =	simm.s32 $0x100;
	[sflag:s16] =	ssyncadd.s32 $0xFFFFC000  }
0x23: {  	[tilespmem:s11], [sflag:$0x1] =	stream.indirect.gather [hbm4b:s3+s10], $0x80, s18, s10, $0xb8;
	[tilespmem:$0x8800] =	vst v63  }
0x24: {  	s30 =	simm.s32 $0x180  }
0x25: {  	[tilespmem:s12], [sflag:$0x2] =	stream.indirect.gather [hbm4b:s3+s10], $0x80, s30, s10, $0xb8;
	[tilespmem:$0x8800] =	vst v63  }
0x26: {  	_ =	swait.ge [sflag:s13], $0x4000  }
0x27: {  	s19 =	sadd.s32 $0x0, s8;
	[sflag:s13] =	ssyncset.done $0x0  }
0x28: {  	s31 =	sadd.s32 $0x1000, s19;
	[sflag:s13] =	ssyncadd.s32 $0xFFFFC000  }
0x29: {  	[hbm4b:s31+s2] =	stream.linear.scatter [tilespmem:s11], [sflag:$0x3], $0x4000, $0x38;
	[tilespmem:$0x8800] =	vst v63  }
0x2a: {  	_ =	swait.ge [sflag:s14], $0x4000  }
0x2b: {  	s20 =	sadd.s32 $0x1800, s19;
	[sflag:s14] =	ssyncset.done $0x0  }
0x2c: {  	s19 =	simm.s32 $0x280;
	s18 =	simm.s32 $0x1000;
	[sflag:s14] =	ssyncadd.s32 $0xFFFFC000  }
.LBB2_2:
0x2d: {  	[hbm4b:s20+s2] =	stream.linear.scatter [tilespmem:s12], [sflag:$0x4], $0x4000, $0x38;
	[tilespmem:$0x8800] =	vst v63  }
0x2e: {  	s20 =	smov.u32 s18  }
0x2f: {  	p0 =	sne.s32 s18, $0x6000;
	s18 =	sadd.s32 $0x1000, s18;
	_ =	swait.ge [sflag:s15], $0x4000  }
0x30: {  	[sflag:s15] =	ssyncset.done $0x0  }
0x31: {  	[sflag:s15] =	ssyncadd.s32 $0xFFFFC000  }
0x32: {  	_ =	swait.ge [sflag:s16], $0x4000  }
0x33: {  	[sflag:s16] =	ssyncset.done $0x0  }
0x34: {  	s21 =	sadd.s32 $0xFFFFFF80, s19;
	[sflag:s16] =	ssyncadd.s32 $0xFFFFC000  }
0x35: {  	[tilespmem:s11], [sflag:$0x1] =	stream.indirect.gather [hbm4b:s3+s10], $0x80, s21, s10, $0xb8;
	[tilespmem:$0x8800] =	vst v63  }
0x36: {  	_ = 	snop  }
0x37: {  	[tilespmem:s12], [sflag:$0x2] =	stream.indirect.gather [hbm4b:s3+s10], $0x80, s19, s10, $0xb8;
	[tilespmem:$0x8800] =	vst v63  }
0x38: {  	_ =	swait.ge [sflag:s13], $0x4000  }
0x39: {  	s20 =	sadd.s32 s20, s8;
	[sflag:s13] =	ssyncset.done $0x0  }
.Ltmp0:
0x3a: {  	s21 =	sadd.s32 $0x1000, s20;
	[sflag:s13] =	ssyncadd.s32 $0xFFFFC000;
	(pc) =	sbr.rel @p0 .LBB2_2-.Ltmp0, $4  }
0x3b: {  	[hbm4b:s21+s2] =	stream.linear.scatter [tilespmem:s11], [sflag:$0x3], $0x4000, $0x38;
	[tilespmem:$0x8800] =	vst v63  }
0x3c: {  	_ =	swait.ge [sflag:s14], $0x4000  }
0x3d: {  	[sflag:s14] =	ssyncset.done $0x0  }
0x3e: {  	s20 =	sadd.s32 $0x1800, s20;
	s19 =	sadd.s32 $0x100, s19;
	[sflag:s14] =	ssyncadd.s32 $0xFFFFC000  }
0x3f: {  	[hbm4b:s20+s2] =	stream.linear.scatter [tilespmem:s12], [sflag:$0x4], $0x4000, $0x38;
	[tilespmem:$0x8800] =	vst v63  }
0x40: {  	s17 =	sadd.s32 $0x1, s17  }
0x41: {  	_ =	swait.ge [sflag:s15], $0x4000;
	p0 =	sne.s32 s17, s6  }
.Ltmp1:
0x42: {  	[sflag:s15] =	ssyncset.done $0x0;
	(pc) =	sbr.rel @p0 .LBB2_1-.Ltmp1, $4  }
0x43: {  	[sflag:s15] =	ssyncadd.s32 $0xFFFFC000  }
0x44: {  	_ =	swait.ge [sflag:s16], $0x4000  }
0x45: {  	[sflag:s16] =	ssyncset.done $0x0  }
0x46: {  	[sflag:s16] =	ssyncadd.s32 $0xFFFFC000  }
0x47: {  	_ =	sfence.sel $0x180000  }
0x48: {  	[bflag:$0x0] =	sbarrier.arrive $0xFFFF  }
0x49: {  	p0 =	sne.s32 s1, $0x0;
	_ =	strace $0x90000047  }
0x4a: {  	s0 =	sadd.s32 @!p0 $0x100000, s0;
	[bflag:$0x2] =	sbarrier.arrive $0xFFFF  }
0x4b: {  	[sflag:s0] =	ssyncadd.tile.s32 @!p0 $0x1;
	_ =	shalt  }
.Lfunc_end2:
_tile_overlayer_lowered:
.L_overlay_start_2:
0x4c: {  	(tag) =	ssettag $0x2  }
0x4d: {  	s0 =	rddreg [dreg:$0x0];
	s2 =	stileid.u32  }
0x4e: {  	s1 =	rddreg [dreg:$0x1];
	p0 =	sne.s32 s2, $0x0  }
0x4f: {  	s3 =	rddreg [dreg:$0x2];
	[bflag:$0x3] =	sbarrier.arrive $0xFFFF;
	s2 =	simm.s32 @!p0 $0x1C05  }
0x50: {  	[timem:s3], [sflag:s2] =	dma.local @!p0 [hbm:s0], s1  }
0x51: {  	s0 =	simm.s32 @!p0 $0x5  }
0x52: {  	_ =	swait.ge @!p0 [sflag:s0], s1  }
0x53: {  	s1 =	ssub.s32 @!p0 $0x0, s1;
	[sflag:s0] =	ssyncset.done @!p0 $0x0  }
0x54: {  	[sflag:s0] =	ssyncadd.s32 @!p0 s1  }
0x55: {  	[bflag:$0x3] =	sbarrier.arrive $0xFFFF  }
0x56: {  	_ =	shalt  }

</sc_bundles>
